<compile_context>
chip_gen: v7x
topology: tpu7x:2x2x1
jax: 0.10.2.dev20260603
libtpu: 0.0.44.dev20260713+nightly
codegen_flags: <defaults>
</compile_context>

<pallas_src>
import functools

import jax
import jax.numpy as jnp
from jax import lax
from jax.experimental import pallas as pl
from jax.experimental.pallas import tpu as pltpu
from jax.experimental.pallas import tpu_sc as plsc

VOCAB = 100000
D = 128
B = 4096
H = 50
N = B * H
NW = 32
PER_W = N // NW
CH = 128
NCH = PER_W // CH
NBUF = 7
MAX_NORM = 1.0
EPS = 1e-7


@functools.partial(
    pl.kernel,
    out_type=jax.ShapeDtypeStruct((N, D), jnp.float32),
    mesh=plsc.VectorSubcoreMesh(core_axis_name="c", subcore_axis_name="s"),
    scratch_types=[
        pltpu.VMEM((NCH, CH), jnp.int32),
        pltpu.VMEM((NBUF, CH, D), jnp.float32),
        pltpu.SemaphoreType.DMA((NBUF,)),
        pltpu.SemaphoreType.DMA((NBUF,)),
    ],
)
def _emb_lookup(x_hbm, table_hbm, out_hbm, idx_all, rows, gsem, osem):
    cid = lax.axis_index("c")
    sid = lax.axis_index("s")
    wid = sid * 2 + cid
    base = wid * PER_W

    pltpu.sync_copy(x_hbm.at[wid], idx_all)

    for g0 in range(NBUF - 1):
        pltpu.async_copy(table_hbm.at[idx_all.at[g0]], rows.at[g0],
                         gsem.at[g0])

    lanes = lax.iota(jnp.int32, 16)
    perms = [lanes ^ (1 << k) for k in range(4)]

    def block_body(g, carry):
        b = lax.rem(g, NBUF)

        pltpu.make_async_copy(
            table_hbm.at[idx_all.at[g]], rows.at[b], gsem.at[b]).wait()

        @pl.when(g + NBUF - 1 < NCH)
        def _refill():
            bn = lax.rem(g + NBUF - 1, NBUF)

            @pl.when(g >= 1)
            def _wait_store():
                pltpu.make_async_copy(
                    rows.at[bn], out_hbm.at[pl.ds(0, CH)],
                    osem.at[bn]).wait()

            pltpu.async_copy(table_hbm.at[idx_all.at[g + NBUF - 1]],
                             rows.at[bn], gsem.at[bn])

        rows_b = rows.at[b]

        def row_body(r, c2):
            vs = [rows_b[r, pl.ds(16 * j, 16)] for j in range(8)]
            a = [jnp.abs(v) for v in vs]
            s01 = a[0] + a[1]
            s23 = a[2] + a[3]
            s45 = a[4] + a[5]
            s67 = a[6] + a[7]
            acc = (s01 + s23) + (s45 + s67)
            for p in perms:
                acc = acc + acc.at[p].get(mode="promise_in_bounds",
                                          unique_indices=True)
            scale = jnp.minimum(MAX_NORM / (acc + EPS), jnp.float32(1.0))
            for j in range(8):
                rows_b[r, pl.ds(16 * j, 16)] = vs[j] * scale
            return c2

        lax.fori_loop(0, CH, row_body, 0, unroll=8)

        pltpu.async_copy(rows_b, out_hbm.at[pl.ds(base + g * CH, CH)],
                         osem.at[b])

        return carry

    lax.fori_loop(0, NCH, block_body, 0)

    for k in range(NCH - NBUF, NCH):
        pltpu.make_async_copy(
            rows.at[k % NBUF], out_hbm.at[pl.ds(0, CH)],
            osem.at[k % NBUF]).wait()


def kernel(x, table):
    xt = x.T.astype(jnp.int32).reshape(NW, NCH, CH)
    out = _emb_lookup(xt, table)
    return out.reshape(H, B, D).swapaxes(0, 1)

# --- scband reference (transcript-rebuilt; emitter-appended) ---
"""Pipeline reference for scband-linear-model-33500744908856 (READ-ONLY COPY).

The authoritative reference and input builder live on the scoring server;
editing this copy changes nothing except your own understanding.
"""

import jax, jax.numpy as jnp
import numpy as np

VOCAB = 100000
EMBED_DIM = 128
BATCH = 4096
HIST = 50
MAX_NORM = 1.0
EPS = 1e-7


def setup_inputs(seed: int = 0) -> dict:
    key = jax.random.key(seed)
    k_idx, k_tab = jax.random.split(key)
    x = jax.random.randint(k_idx, (BATCH, HIST), 0, VOCAB, dtype=jnp.int64) if jax.config.jax_enable_x64 else jax.random.randint(k_idx, (BATCH, HIST), 0, VOCAB, dtype=jnp.int32)
    table = jax.random.normal(k_tab, (VOCAB, EMBED_DIM), dtype=jnp.float32)
    return {"x": x, "table": table}


def reference(x, table):
    # nn.Embedding(input_dim, output_dim, max_norm=1, norm_type=1)
    # PyTorch renormalizes looked-up rows whose L1 norm exceeds max_norm.
    rows = jnp.take(table, x, axis=0)  # [B, L, D]
    l1 = jnp.sum(jnp.abs(rows), axis=-1, keepdims=True)
    scale = jnp.where(l1 > MAX_NORM, MAX_NORM / (l1 + EPS), 1.0)
    return rows * scale

if __name__ == "__main__":
    import jax
    _d = setup_inputs()
    print(jax.jit(kernel)(*tuple(_d.values())))

</pallas_src>

<mosaic_0001>
#map = affine_map<(d0, d1) -> (0, 0, 0)>
#map1 = affine_map<(d0, d1) -> (0, 0)>
module attributes {stable_mosaic.version = 14 : i64} {
  func.func @_emb_lookup(%arg0: i32, %arg1: i32, %arg2: memref<32x50x128xi32, #tpu.memory_space<hbm>>, %arg3: memref<100000x128xf32, #tpu.memory_space<hbm>>, %arg4: memref<204800x128xf32, #tpu.memory_space<hbm>>, %arg5: memref<50x128xi32, #tpu.memory_space<vmem>>, %arg6: memref<7x128x128xf32, #tpu.memory_space<vmem>>, %arg7: memref<7x!tpu.dma_semaphore, #tpu.memory_space<semaphore_mem>>, %arg8: memref<7x!tpu.dma_semaphore, #tpu.memory_space<semaphore_mem>>) attributes {dimension_semantics = [#tpu.dimension_semantics<core_parallel>, #tpu.dimension_semantics<subcore_parallel>], iteration_bounds = array<i64: 2, 16>, scalar_prefetch = 0 : i64, scratch_operands = 4 : i64, tpu.core_type = #tpu.core_type<sc_vector_subcore>, window_params = [{transform_indices = #map}, {transform_indices = #map1}, {transform_indices = #map1}]} {
    %mul3A = arith.constant 2 : i32
    %mul3A_0 = arith.muli %arg1, %mul3A : i32
    %add3A = arith.addi %mul3A_0, %arg0 : i32
    %mul3A_1 = arith.constant 6400 : i32
    %mul3A_2 = arith.muli %add3A, %mul3A_1 : i32
    "tpu.region"() ({
      %run_scoped3A = tpu.sem_alloc : memref<!tpu.dma_semaphore, #tpu.memory_space<semaphore_mem>>
      %dma_start3A_233 = arith.constant 0 : i32
      %dma_start3A_234 = arith.constant 0 : i32
      %dma_start3A_235 = tpu.memref_slice %arg2[%add3A, %dma_start3A_233, %dma_start3A_234] : memref<32x50x128xi32, #tpu.memory_space<hbm>> -> memref<1x50x128xi32, #tpu.memory_space<hbm>>
      %dma_start3A_236 = tpu.memref_squeeze %dma_start3A_235 : memref<1x50x128xi32, #tpu.memory_space<hbm>> -> memref<50x128xi32, #tpu.memory_space<hbm>>
      %dma_start3A_237 = arith.constant 0 : i32
      %dma_start3A_238 = arith.constant 0 : i32
      %dma_start3A_239 = tpu.memref_slice %arg2[%add3A, %dma_start3A_237, %dma_start3A_238] : memref<32x50x128xi32, #tpu.memory_space<hbm>> -> memref<1x50x128xi32, #tpu.memory_space<hbm>>
      %dma_start3A_240 = tpu.memref_squeeze %dma_start3A_239 : memref<1x50x128xi32, #tpu.memory_space<hbm>> -> memref<50x128xi32, #tpu.memory_space<hbm>>
      tpu.enqueue_dma source(%dma_start3A_240 : memref<50x128xi32, #tpu.memory_space<hbm>>) target(%arg5 : memref<50x128xi32, #tpu.memory_space<vmem>>) target_semaphore(%run_scoped3A : memref<!tpu.dma_semaphore, #tpu.memory_space<semaphore_mem>>)
      %dma_wait3A_241 = arith.constant 0 : i32
      %dma_wait3A_242 = arith.constant 0 : i32
      %dma_wait3A_243 = tpu.memref_slice %arg2[%add3A, %dma_wait3A_241, %dma_wait3A_242] : memref<32x50x128xi32, #tpu.memory_space<hbm>> -> memref<1x50x128xi32, #tpu.memory_space<hbm>>
      %dma_wait3A_244 = tpu.memref_squeeze %dma_wait3A_243 : memref<1x50x128xi32, #tpu.memory_space<hbm>> -> memref<50x128xi32, #tpu.memory_space<hbm>>
      %dma_wait3A_245 = arith.constant 0 : i32
      %dma_wait3A_246 = arith.constant 0 : i32
      %dma_wait3A_247 = tpu.memref_slice %arg2[%add3A, %dma_wait3A_245, %dma_wait3A_246] : memref<32x50x128xi32, #tpu.memory_space<hbm>> -> memref<1x50x128xi32, #tpu.memory_space<hbm>>
      %dma_wait3A_248 = tpu.memref_squeeze %dma_wait3A_247 : memref<1x50x128xi32, #tpu.memory_space<hbm>> -> memref<50x128xi32, #tpu.memory_space<hbm>>
      tpu.wait_dma2 semaphore(%run_scoped3A : memref<!tpu.dma_semaphore, #tpu.memory_space<semaphore_mem>>) src(%dma_wait3A_248 : memref<50x128xi32, #tpu.memory_space<hbm>>) dst(%arg5 : memref<50x128xi32, #tpu.memory_space<vmem>>)
      tpu.yield
    }) : () -> ()
    %dma_start3A = arith.constant 0 : i32
    %dma_start3A_3 = arith.constant 0 : i32
    %dma_start3A_4 = arith.constant 0 : i32
    %dma_start3A_5 = arith.constant 0 : i32
    %dma_start3A_6 = arith.constant 0 : i32
    %dma_start3A_7 = tpu.memref_slice %arg6[%dma_start3A_3, %dma_start3A_5, %dma_start3A_6] : memref<7x128x128xf32, #tpu.memory_space<vmem>> -> memref<1x128x128xf32, #tpu.memory_space<vmem>>
    %dma_start3A_8 = tpu.memref_squeeze %dma_start3A_7 : memref<1x128x128xf32, #tpu.memory_space<vmem>> -> memref<128x128xf32, #tpu.memory_space<vmem>>
    %dma_start3A_9 = arith.constant 0 : i32
    %dma_start3A_10 = tpu.memref_slice %arg5[%dma_start3A, %dma_start3A_9] : memref<50x128xi32, #tpu.memory_space<vmem>> -> memref<1x128xi32, #tpu.memory_space<vmem>>
    %dma_start3A_11 = tpu.memref_squeeze %dma_start3A_10 : memref<1x128xi32, #tpu.memory_space<vmem>> -> memref<128xi32, #tpu.memory_space<vmem>>
    %dma_start3A_12 = arith.constant 0 : i32
    %dma_start3A_13 = arith.constant 0 : i32
    %dma_start3A_14 = tpu.memref_slice %arg3[%dma_start3A_12, %dma_start3A_13] : memref<100000x128xf32, #tpu.memory_space<hbm>> -> memref<100000x128xf32, #tpu.memory_space<hbm>>
    %dma_start3A_15 = tpu.memref_slice %arg7[%dma_start3A_4] : memref<7x!tpu.dma_semaphore, #tpu.memory_space<semaphore_mem>> -> memref<1x!tpu.dma_semaphore, #tpu.memory_space<semaphore_mem>>
    %dma_start3A_16 = tpu.memref_squeeze %dma_start3A_15 : memref<1x!tpu.dma_semaphore, #tpu.memory_space<semaphore_mem>> -> memref<!tpu.dma_semaphore, #tpu.memory_space<semaphore_mem>>
    tpu.enqueue_indirect_dma source(%dma_start3A_14 : memref<100000x128xf32, #tpu.memory_space<hbm>>) target(%dma_start3A_8 : memref<128x128xf32, #tpu.memory_space<vmem>>) offsets(%dma_start3A_11 : memref<128xi32, #tpu.memory_space<vmem>>) semaphore(%dma_start3A_16 : memref<!tpu.dma_semaphore, #tpu.memory_space<semaphore_mem>>)
    %dma_start3A_17 = arith.constant 1 : i32
    %dma_start3A_18 = arith.constant 1 : i32
    %dma_start3A_19 = arith.constant 1 : i32
    %dma_start3A_20 = arith.constant 0 : i32
    %dma_start3A_21 = arith.constant 0 : i32
    %dma_start3A_22 = tpu.memref_slice %arg6[%dma_start3A_18, %dma_start3A_20, %dma_start3A_21] : memref<7x128x128xf32, #tpu.memory_space<vmem>> -> memref<1x128x128xf32, #tpu.memory_space<vmem>>
    %dma_start3A_23 = tpu.memref_squeeze %dma_start3A_22 : memref<1x128x128xf32, #tpu.memory_space<vmem>> -> memref<128x128xf32, #tpu.memory_space<vmem>>
    %dma_start3A_24 = arith.constant 0 : i32
    %dma_start3A_25 = tpu.memref_slice %arg5[%dma_start3A_17, %dma_start3A_24] : memref<50x128xi32, #tpu.memory_space<vmem>> -> memref<1x128xi32, #tpu.memory_space<vmem>>
    %dma_start3A_26 = tpu.memref_squeeze %dma_start3A_25 : memref<1x128xi32, #tpu.memory_space<vmem>> -> memref<128xi32, #tpu.memory_space<vmem>>
    %dma_start3A_27 = arith.constant 0 : i32
    %dma_start3A_28 = arith.constant 0 : i32
    %dma_start3A_29 = tpu.memref_slice %arg3[%dma_start3A_27, %dma_start3A_28] : memref<100000x128xf32, #tpu.memory_space<hbm>> -> memref<100000x128xf32, #tpu.memory_space<hbm>>
    %dma_start3A_30 = tpu.memref_slice %arg7[%dma_start3A_19] : memref<7x!tpu.dma_semaphore, #tpu.memory_space<semaphore_mem>> -> memref<1x!tpu.dma_semaphore, #tpu.memory_space<semaphore_mem>>
    %dma_start3A_31 = tpu.memref_squeeze %dma_start3A_30 : memref<1x!tpu.dma_semaphore, #tpu.memory_space<semaphore_mem>> -> memref<!tpu.dma_semaphore, #tpu.memory_space<semaphore_mem>>
    tpu.enqueue_indirect_dma source(%dma_start3A_29 : memref<100000x128xf32, #tpu.memory_space<hbm>>) target(%dma_start3A_23 : memref<128x128xf32, #tpu.memory_space<vmem>>) offsets(%dma_start3A_26 : memref<128xi32, #tpu.memory_space<vmem>>) semaphore(%dma_start3A_31 : memref<!tpu.dma_semaphore, #tpu.memory_space<semaphore_mem>>)
    %dma_start3A_32 = arith.constant 2 : i32
    %dma_start3A_33 = arith.constant 2 : i32
    %dma_start3A_34 = arith.constant 2 : i32
    %dma_start3A_35 = arith.constant 0 : i32
    %dma_start3A_36 = arith.constant 0 : i32
    %dma_start3A_37 = tpu.memref_slice %arg6[%dma_start3A_33, %dma_start3A_35, %dma_start3A_36] : memref<7x128x128xf32, #tpu.memory_space<vmem>> -> memref<1x128x128xf32, #tpu.memory_space<vmem>>
    %dma_start3A_38 = tpu.memref_squeeze %dma_start3A_37 : memref<1x128x128xf32, #tpu.memory_space<vmem>> -> memref<128x128xf32, #tpu.memory_space<vmem>>
    %dma_start3A_39 = arith.constant 0 : i32
    %dma_start3A_40 = tpu.memref_slice %arg5[%dma_start3A_32, %dma_start3A_39] : memref<50x128xi32, #tpu.memory_space<vmem>> -> memref<1x128xi32, #tpu.memory_space<vmem>>
    %dma_start3A_41 = tpu.memref_squeeze %dma_start3A_40 : memref<1x128xi32, #tpu.memory_space<vmem>> -> memref<128xi32, #tpu.memory_space<vmem>>
    %dma_start3A_42 = arith.constant 0 : i32
    %dma_start3A_43 = arith.constant 0 : i32
    %dma_start3A_44 = tpu.memref_slice %arg3[%dma_start3A_42, %dma_start3A_43] : memref<100000x128xf32, #tpu.memory_space<hbm>> -> memref<100000x128xf32, #tpu.memory_space<hbm>>
    %dma_start3A_45 = tpu.memref_slice %arg7[%dma_start3A_34] : memref<7x!tpu.dma_semaphore, #tpu.memory_space<semaphore_mem>> -> memref<1x!tpu.dma_semaphore, #tpu.memory_space<semaphore_mem>>
    %dma_start3A_46 = tpu.memref_squeeze %dma_start3A_45 : memref<1x!tpu.dma_semaphore, #tpu.memory_space<semaphore_mem>> -> memref<!tpu.dma_semaphore, #tpu.memory_space<semaphore_mem>>
    tpu.enqueue_indirect_dma source(%dma_start3A_44 : memref<100000x128xf32, #tpu.memory_space<hbm>>) target(%dma_start3A_38 : memref<128x128xf32, #tpu.memory_space<vmem>>) offsets(%dma_start3A_41 : memref<128xi32, #tpu.memory_space<vmem>>) semaphore(%dma_start3A_46 : memref<!tpu.dma_semaphore, #tpu.memory_space<semaphore_mem>>)
    %dma_start3A_47 = arith.constant 3 : i32
    %dma_start3A_48 = arith.constant 3 : i32
    %dma_start3A_49 = arith.constant 3 : i32
    %dma_start3A_50 = arith.constant 0 : i32
    %dma_start3A_51 = arith.constant 0 : i32
    %dma_start3A_52 = tpu.memref_slice %arg6[%dma_start3A_48, %dma_start3A_50, %dma_start3A_51] : memref<7x128x128xf32, #tpu.memory_space<vmem>> -> memref<1x128x128xf32, #tpu.memory_space<vmem>>
    %dma_start3A_53 = tpu.memref_squeeze %dma_start3A_52 : memref<1x128x128xf32, #tpu.memory_space<vmem>> -> memref<128x128xf32, #tpu.memory_space<vmem>>
    %dma_start3A_54 = arith.constant 0 : i32
    %dma_start3A_55 = tpu.memref_slice %arg5[%dma_start3A_47, %dma_start3A_54] : memref<50x128xi32, #tpu.memory_space<vmem>> -> memref<1x128xi32, #tpu.memory_space<vmem>>
    %dma_start3A_56 = tpu.memref_squeeze %dma_start3A_55 : memref<1x128xi32, #tpu.memory_space<vmem>> -> memref<128xi32, #tpu.memory_space<vmem>>
    %dma_start3A_57 = arith.constant 0 : i32
    %dma_start3A_58 = arith.constant 0 : i32
    %dma_start3A_59 = tpu.memref_slice %arg3[%dma_start3A_57, %dma_start3A_58] : memref<100000x128xf32, #tpu.memory_space<hbm>> -> memref<100000x128xf32, #tpu.memory_space<hbm>>
    %dma_start3A_60 = tpu.memref_slice %arg7[%dma_start3A_49] : memref<7x!tpu.dma_semaphore, #tpu.memory_space<semaphore_mem>> -> memref<1x!tpu.dma_semaphore, #tpu.memory_space<semaphore_mem>>
    %dma_start3A_61 = tpu.memref_squeeze %dma_start3A_60 : memref<1x!tpu.dma_semaphore, #tpu.memory_space<semaphore_mem>> -> memref<!tpu.dma_semaphore, #tpu.memory_space<semaphore_mem>>
    tpu.enqueue_indirect_dma source(%dma_start3A_59 : memref<100000x128xf32, #tpu.memory_space<hbm>>) target(%dma_start3A_53 : memref<128x128xf32, #tpu.memory_space<vmem>>) offsets(%dma_start3A_56 : memref<128xi32, #tpu.memory_space<vmem>>) semaphore(%dma_start3A_61 : memref<!tpu.dma_semaphore, #tpu.memory_space<semaphore_mem>>)
    %dma_start3A_62 = arith.constant 4 : i32
    %dma_start3A_63 = arith.constant 4 : i32
    %dma_start3A_64 = arith.constant 4 : i32
    %dma_start3A_65 = arith.constant 0 : i32
    %dma_start3A_66 = arith.constant 0 : i32
    %dma_start3A_67 = tpu.memref_slice %arg6[%dma_start3A_63, %dma_start3A_65, %dma_start3A_66] : memref<7x128x128xf32, #tpu.memory_space<vmem>> -> memref<1x128x128xf32, #tpu.memory_space<vmem>>
    %dma_start3A_68 = tpu.memref_squeeze %dma_start3A_67 : memref<1x128x128xf32, #tpu.memory_space<vmem>> -> memref<128x128xf32, #tpu.memory_space<vmem>>
    %dma_start3A_69 = arith.constant 0 : i32
    %dma_start3A_70 = tpu.memref_slice %arg5[%dma_start3A_62, %dma_start3A_69] : memref<50x128xi32, #tpu.memory_space<vmem>> -> memref<1x128xi32, #tpu.memory_space<vmem>>
    %dma_start3A_71 = tpu.memref_squeeze %dma_start3A_70 : memref<1x128xi32, #tpu.memory_space<vmem>> -> memref<128xi32, #tpu.memory_space<vmem>>
    %dma_start3A_72 = arith.constant 0 : i32
    %dma_start3A_73 = arith.constant 0 : i32
    %dma_start3A_74 = tpu.memref_slice %arg3[%dma_start3A_72, %dma_start3A_73] : memref<100000x128xf32, #tpu.memory_space<hbm>> -> memref<100000x128xf32, #tpu.memory_space<hbm>>
    %dma_start3A_75 = tpu.memref_slice %arg7[%dma_start3A_64] : memref<7x!tpu.dma_semaphore, #tpu.memory_space<semaphore_mem>> -> memref<1x!tpu.dma_semaphore, #tpu.memory_space<semaphore_mem>>
    %dma_start3A_76 = tpu.memref_squeeze %dma_start3A_75 : memref<1x!tpu.dma_semaphore, #tpu.memory_space<semaphore_mem>> -> memref<!tpu.dma_semaphore, #tpu.memory_space<semaphore_mem>>
    tpu.enqueue_indirect_dma source(%dma_start3A_74 : memref<100000x128xf32, #tpu.memory_space<hbm>>) target(%dma_start3A_68 : memref<128x128xf32, #tpu.memory_space<vmem>>) offsets(%dma_start3A_71 : memref<128xi32, #tpu.memory_space<vmem>>) semaphore(%dma_start3A_76 : memref<!tpu.dma_semaphore, #tpu.memory_space<semaphore_mem>>)
    %dma_start3A_77 = arith.constant 5 : i32
    %dma_start3A_78 = arith.constant 5 : i32
    %dma_start3A_79 = arith.constant 5 : i32
    %dma_start3A_80 = arith.constant 0 : i32
    %dma_start3A_81 = arith.constant 0 : i32
    %dma_start3A_82 = tpu.memref_slice %arg6[%dma_start3A_78, %dma_start3A_80, %dma_start3A_81] : memref<7x128x128xf32, #tpu.memory_space<vmem>> -> memref<1x128x128xf32, #tpu.memory_space<vmem>>
    %dma_start3A_83 = tpu.memref_squeeze %dma_start3A_82 : memref<1x128x128xf32, #tpu.memory_space<vmem>> -> memref<128x128xf32, #tpu.memory_space<vmem>>
    %dma_start3A_84 = arith.constant 0 : i32
    %dma_start3A_85 = tpu.memref_slice %arg5[%dma_start3A_77, %dma_start3A_84] : memref<50x128xi32, #tpu.memory_space<vmem>> -> memref<1x128xi32, #tpu.memory_space<vmem>>
    %dma_start3A_86 = tpu.memref_squeeze %dma_start3A_85 : memref<1x128xi32, #tpu.memory_space<vmem>> -> memref<128xi32, #tpu.memory_space<vmem>>
    %dma_start3A_87 = arith.constant 0 : i32
    %dma_start3A_88 = arith.constant 0 : i32
    %dma_start3A_89 = tpu.memref_slice %arg3[%dma_start3A_87, %dma_start3A_88] : memref<100000x128xf32, #tpu.memory_space<hbm>> -> memref<100000x128xf32, #tpu.memory_space<hbm>>
    %dma_start3A_90 = tpu.memref_slice %arg7[%dma_start3A_79] : memref<7x!tpu.dma_semaphore, #tpu.memory_space<semaphore_mem>> -> memref<1x!tpu.dma_semaphore, #tpu.memory_space<semaphore_mem>>
    %dma_start3A_91 = tpu.memref_squeeze %dma_start3A_90 : memref<1x!tpu.dma_semaphore, #tpu.memory_space<semaphore_mem>> -> memref<!tpu.dma_semaphore, #tpu.memory_space<semaphore_mem>>
    tpu.enqueue_indirect_dma source(%dma_start3A_89 : memref<100000x128xf32, #tpu.memory_space<hbm>>) target(%dma_start3A_83 : memref<128x128xf32, #tpu.memory_space<vmem>>) offsets(%dma_start3A_86 : memref<128xi32, #tpu.memory_space<vmem>>) semaphore(%dma_start3A_91 : memref<!tpu.dma_semaphore, #tpu.memory_space<semaphore_mem>>)
    %iota3A = tpu.iota {dimensions = array<i32: 0>} : vector<16xi32>
    %xor3A = arith.constant 1 : i32
    %xor3A_92 = vector.broadcast %xor3A : i32 to vector<16xi32>
    %xor3A_93 = arith.xori %iota3A, %xor3A_92 : vector<16xi32>
    %xor3A_94 = arith.constant 2 : i32
    %xor3A_95 = vector.broadcast %xor3A_94 : i32 to vector<16xi32>
    %xor3A_96 = arith.xori %iota3A, %xor3A_95 : vector<16xi32>
    %xor3A_97 = arith.constant 4 : i32
    %xor3A_98 = vector.broadcast %xor3A_97 : i32 to vector<16xi32>
    %xor3A_99 = arith.xori %iota3A, %xor3A_98 : vector<16xi32>
    %xor3A_100 = arith.constant 8 : i32
    %xor3A_101 = vector.broadcast %xor3A_100 : i32 to vector<16xi32>
    %xor3A_102 = arith.xori %iota3A, %xor3A_101 : vector<16xi32>
    %scan3A = arith.constant 0 : i32
    %scan3A_103 = arith.constant 0 : i32
    %scan3A_104 = arith.constant 50 : i32
    %scan3A_105 = arith.addi %scan3A_103, %scan3A_104 : i32
    %scan3A_106 = arith.constant 1 : i32
    scf.for %scan3A_233 = %scan3A_103 to %scan3A_105 step %scan3A_106  : i32 {
      %rem3A = arith.constant 7 : i32
      %rem3A_234 = arith.remsi %scan3A_233, %rem3A : i32
      %dma_wait3A_235 = arith.constant 0 : i32
      %dma_wait3A_236 = arith.constant 0 : i32
      %dma_wait3A_237 = tpu.memref_slice %arg6[%rem3A_234, %dma_wait3A_235, %dma_wait3A_236] : memref<7x128x128xf32, #tpu.memory_space<vmem>> -> memref<1x128x128xf32, #tpu.memory_space<vmem>>
      %dma_wait3A_238 = tpu.memref_squeeze %dma_wait3A_237 : memref<1x128x128xf32, #tpu.memory_space<vmem>> -> memref<128x128xf32, #tpu.memory_space<vmem>>
      %dma_wait3A_239 = arith.constant 0 : i32
      %dma_wait3A_240 = tpu.memref_slice %arg5[%scan3A_233, %dma_wait3A_239] : memref<50x128xi32, #tpu.memory_space<vmem>> -> memref<1x128xi32, #tpu.memory_space<vmem>>
      %dma_wait3A_241 = tpu.memref_squeeze %dma_wait3A_240 : memref<1x128xi32, #tpu.memory_space<vmem>> -> memref<128xi32, #tpu.memory_space<vmem>>
      %dma_wait3A_242 = arith.constant 0 : i32
      %dma_wait3A_243 = arith.constant 0 : i32
      %dma_wait3A_244 = tpu.memref_slice %arg3[%dma_wait3A_242, %dma_wait3A_243] : memref<100000x128xf32, #tpu.memory_space<hbm>> -> memref<100000x128xf32, #tpu.memory_space<hbm>>
      %dma_wait3A_245 = tpu.memref_slice %arg7[%rem3A_234] : memref<7x!tpu.dma_semaphore, #tpu.memory_space<semaphore_mem>> -> memref<1x!tpu.dma_semaphore, #tpu.memory_space<semaphore_mem>>
      %dma_wait3A_246 = tpu.memref_squeeze %dma_wait3A_245 : memref<1x!tpu.dma_semaphore, #tpu.memory_space<semaphore_mem>> -> memref<!tpu.dma_semaphore, #tpu.memory_space<semaphore_mem>>
      tpu.wait_indirect_dma semaphore(%dma_wait3A_246 : memref<!tpu.dma_semaphore, #tpu.memory_space<semaphore_mem>>) src(%dma_wait3A_244 : memref<100000x128xf32, #tpu.memory_space<hbm>>) dst(%dma_wait3A_238 : memref<128x128xf32, #tpu.memory_space<vmem>>)
      %add3A_247 = arith.constant 7 : i32
      %add3A_248 = arith.addi %scan3A_233, %add3A_247 : i32
      %sub3A = arith.constant 1 : i32
      %sub3A_249 = arith.subi %add3A_248, %sub3A : i32
      %lt3A = arith.constant 50 : i32
      %lt3A_250 = arith.cmpi slt, %sub3A_249, %lt3A : i32
      %convert_element_type3A = arith.extui %lt3A_250 : i1 to i32
      %cond3A = arith.constant 0 : i32
      %cond3A_251 = arith.cmpi ne, %convert_element_type3A, %cond3A : i32
      scf.if %cond3A_251 {
        %add3A_275 = arith.constant 7 : i32
        %add3A_276 = arith.addi %scan3A_233, %add3A_275 : i32
        %sub3A_277 = arith.constant 1 : i32
        %sub3A_278 = arith.subi %add3A_276, %sub3A_277 : i32
        %rem3A_279 = arith.constant 7 : i32
        %rem3A_280 = arith.remsi %sub3A_278, %rem3A_279 : i32
        %ge3A = arith.constant 1 : i32
        %ge3A_281 = arith.cmpi sge, %scan3A_233, %ge3A : i32
        %convert_element_type3A_282 = arith.extui %ge3A_281 : i1 to i32
        %cond3A_283 = arith.constant 0 : i32
        %cond3A_284 = arith.cmpi ne, %convert_element_type3A_282, %cond3A_283 : i32
        scf.if %cond3A_284 {
          %dma_wait3A_301 = arith.constant 0 : i32
          %dma_wait3A_302 = arith.constant 0 : i32
          %dma_wait3A_303 = tpu.memref_slice %arg6[%rem3A_280, %dma_wait3A_301, %dma_wait3A_302] : memref<7x128x128xf32, #tpu.memory_space<vmem>> -> memref<1x128x128xf32, #tpu.memory_space<vmem>>
          %dma_wait3A_304 = tpu.memref_squeeze %dma_wait3A_303 : memref<1x128x128xf32, #tpu.memory_space<vmem>> -> memref<128x128xf32, #tpu.memory_space<vmem>>
          %dma_wait3A_305 = arith.constant 0 : i32
          %dma_wait3A_306 = arith.constant 0 : i32
          %dma_wait3A_307 = tpu.memref_slice %arg4[%dma_wait3A_305, %dma_wait3A_306] : memref<204800x128xf32, #tpu.memory_space<hbm>> -> memref<128x128xf32, #tpu.memory_space<hbm>>
          %dma_wait3A_308 = tpu.memref_slice %arg8[%rem3A_280] : memref<7x!tpu.dma_semaphore, #tpu.memory_space<semaphore_mem>> -> memref<1x!tpu.dma_semaphore, #tpu.memory_space<semaphore_mem>>
          %dma_wait3A_309 = tpu.memref_squeeze %dma_wait3A_308 : memref<1x!tpu.dma_semaphore, #tpu.memory_space<semaphore_mem>> -> memref<!tpu.dma_semaphore, #tpu.memory_space<semaphore_mem>>
          %dma_wait3A_310 = arith.constant 0 : i32
          %dma_wait3A_311 = arith.constant 0 : i32
          %dma_wait3A_312 = tpu.memref_slice %arg4[%dma_wait3A_310, %dma_wait3A_311] : memref<204800x128xf32, #tpu.memory_space<hbm>> -> memref<128x128xf32, #tpu.memory_space<hbm>>
          %dma_wait3A_313 = arith.constant 0 : i32
          %dma_wait3A_314 = arith.constant 0 : i32
          %dma_wait3A_315 = tpu.memref_slice %arg6[%rem3A_280, %dma_wait3A_313, %dma_wait3A_314] : memref<7x128x128xf32, #tpu.memory_space<vmem>> -> memref<1x128x128xf32, #tpu.memory_space<vmem>>
          %dma_wait3A_316 = tpu.memref_squeeze %dma_wait3A_315 : memref<1x128x128xf32, #tpu.memory_space<vmem>> -> memref<128x128xf32, #tpu.memory_space<vmem>>
          tpu.wait_dma2 semaphore(%dma_wait3A_309 : memref<!tpu.dma_semaphore, #tpu.memory_space<semaphore_mem>>) src(%dma_wait3A_316 : memref<128x128xf32, #tpu.memory_space<vmem>>) dst(%dma_wait3A_312 : memref<128x128xf32, #tpu.memory_space<hbm>>)
        } else {
        }
        %add3A_285 = arith.constant 7 : i32
        %add3A_286 = arith.addi %scan3A_233, %add3A_285 : i32
        %sub3A_287 = arith.constant 1 : i32
        %sub3A_288 = arith.subi %add3A_286, %sub3A_287 : i32
        %dma_start3A_289 = arith.constant 0 : i32
        %dma_start3A_290 = arith.constant 0 : i32
        %dma_start3A_291 = tpu.memref_slice %arg6[%rem3A_280, %dma_start3A_289, %dma_start3A_290] : memref<7x128x128xf32, #tpu.memory_space<vmem>> -> memref<1x128x128xf32, #tpu.memory_space<vmem>>
        %dma_start3A_292 = tpu.memref_squeeze %dma_start3A_291 : memref<1x128x128xf32, #tpu.memory_space<vmem>> -> memref<128x128xf32, #tpu.memory_space<vmem>>
        %dma_start3A_293 = arith.constant 0 : i32
        %dma_start3A_294 = tpu.memref_slice %arg5[%sub3A_288, %dma_start3A_293] : memref<50x128xi32, #tpu.memory_space<vmem>> -> memref<1x128xi32, #tpu.memory_space<vmem>>
        %dma_start3A_295 = tpu.memref_squeeze %dma_start3A_294 : memref<1x128xi32, #tpu.memory_space<vmem>> -> memref<128xi32, #tpu.memory_space<vmem>>
        %dma_start3A_296 = arith.constant 0 : i32
        %dma_start3A_297 = arith.constant 0 : i32
        %dma_start3A_298 = tpu.memref_slice %arg3[%dma_start3A_296, %dma_start3A_297] : memref<100000x128xf32, #tpu.memory_space<hbm>> -> memref<100000x128xf32, #tpu.memory_space<hbm>>
        %dma_start3A_299 = tpu.memref_slice %arg7[%rem3A_280] : memref<7x!tpu.dma_semaphore, #tpu.memory_space<semaphore_mem>> -> memref<1x!tpu.dma_semaphore, #tpu.memory_space<semaphore_mem>>
        %dma_start3A_300 = tpu.memref_squeeze %dma_start3A_299 : memref<1x!tpu.dma_semaphore, #tpu.memory_space<semaphore_mem>> -> memref<!tpu.dma_semaphore, #tpu.memory_space<semaphore_mem>>
        tpu.enqueue_indirect_dma source(%dma_start3A_298 : memref<100000x128xf32, #tpu.memory_space<hbm>>) target(%dma_start3A_292 : memref<128x128xf32, #tpu.memory_space<vmem>>) offsets(%dma_start3A_295 : memref<128xi32, #tpu.memory_space<vmem>>) semaphore(%dma_start3A_300 : memref<!tpu.dma_semaphore, #tpu.memory_space<semaphore_mem>>)
      } else {
      }
      %scan3A_252 = arith.constant 0 : i32
      %scan3A_253 = arith.constant 0 : i32
      %scan3A_254 = arith.constant 128 : i32
      %scan3A_255 = arith.addi %scan3A_253, %scan3A_254 : i32
      %scan3A_256 = arith.constant 8 : i32
      scf.for %scan3A_275 = %scan3A_253 to %scan3A_255 step %scan3A_256  : i32 {
        %get3A = arith.constant 0 : i32
        %get3A_276 = arith.constant 0 : i32
        %get3A_277 = tpu.memref_slice %arg6[%rem3A_234, %get3A, %get3A_276] : memref<7x128x128xf32, #tpu.memory_space<vmem>> -> memref<1x128x128xf32, #tpu.memory_space<vmem>>
        %get3A_278 = tpu.memref_squeeze %get3A_277 : memref<1x128x128xf32, #tpu.memory_space<vmem>> -> memref<128x128xf32, #tpu.memory_space<vmem>>
        %get3A_279 = arith.index_cast %scan3A_275 : i32 to index
        %get3A_280 = arith.constant 0 : index
        %get3A_281 = tpu.vector_load %get3A_278[%get3A_279, %get3A_280] {strides = array<i32>} : memref<128x128xf32, #tpu.memory_space<vmem>>, vector<1x16xf32>,
        %get3A_282 = vector.shape_cast %get3A_281 : vector<1x16xf32> to vector<16xf32>
        %get3A_283 = arith.constant 0 : i32
        %get3A_284 = arith.constant 0 : i32
        %get3A_285 = tpu.memref_slice %arg6[%rem3A_234, %get3A_283, %get3A_284] : memref<7x128x128xf32, #tpu.memory_space<vmem>> -> memref<1x128x128xf32, #tpu.memory_space<vmem>>
        %get3A_286 = tpu.memref_squeeze %get3A_285 : memref<1x128x128xf32, #tpu.memory_space<vmem>> -> memref<128x128xf32, #tpu.memory_space<vmem>>
        %get3A_287 = arith.index_cast %scan3A_275 : i32 to index
        %get3A_288 = arith.constant 16 : index
        %get3A_289 = tpu.vector_load %get3A_286[%get3A_287, %get3A_288] {strides = array<i32>} : memref<128x128xf32, #tpu.memory_space<vmem>>, vector<1x16xf32>,
        %get3A_290 = vector.shape_cast %get3A_289 : vector<1x16xf32> to vector<16xf32>
        %get3A_291 = arith.constant 0 : i32
        %get3A_292 = arith.constant 0 : i32
        %get3A_293 = tpu.memref_slice %arg6[%rem3A_234, %get3A_291, %get3A_292] : memref<7x128x128xf32, #tpu.memory_space<vmem>> -> memref<1x128x128xf32, #tpu.memory_space<vmem>>
        %get3A_294 = tpu.memref_squeeze %get3A_293 : memref<1x128x128xf32, #tpu.memory_space<vmem>> -> memref<128x128xf32, #tpu.memory_space<vmem>>
        %get3A_295 = arith.index_cast %scan3A_275 : i32 to index
        %get3A_296 = arith.constant 32 : index
        %get3A_297 = tpu.vector_load %get3A_294[%get3A_295, %get3A_296] {strides = array<i32>} : memref<128x128xf32, #tpu.memory_space<vmem>>, vector<1x16xf32>,
        %get3A_298 = vector.shape_cast %get3A_297 : vector<1x16xf32> to vector<16xf32>
        %get3A_299 = arith.constant 0 : i32
        %get3A_300 = arith.constant 0 : i32
        %get3A_301 = tpu.memref_slice %arg6[%rem3A_234, %get3A_299, %get3A_300] : memref<7x128x128xf32, #tpu.memory_space<vmem>> -> memref<1x128x128xf32, #tpu.memory_space<vmem>>
        %get3A_302 = tpu.memref_squeeze %get3A_301 : memref<1x128x128xf32, #tpu.memory_space<vmem>> -> memref<128x128xf32, #tpu.memory_space<vmem>>
        %get3A_303 = arith.index_cast %scan3A_275 : i32 to index
        %get3A_304 = arith.constant 48 : index
        %get3A_305 = tpu.vector_load %get3A_302[%get3A_303, %get3A_304] {strides = array<i32>} : memref<128x128xf32, #tpu.memory_space<vmem>>, vector<1x16xf32>,
        %get3A_306 = vector.shape_cast %get3A_305 : vector<1x16xf32> to vector<16xf32>
        %get3A_307 = arith.constant 0 : i32
        %get3A_308 = arith.constant 0 : i32
        %get3A_309 = tpu.memref_slice %arg6[%rem3A_234, %get3A_307, %get3A_308] : memref<7x128x128xf32, #tpu.memory_space<vmem>> -> memref<1x128x128xf32, #tpu.memory_space<vmem>>
        %get3A_310 = tpu.memref_squeeze %get3A_309 : memref<1x128x128xf32, #tpu.memory_space<vmem>> -> memref<128x128xf32, #tpu.memory_space<vmem>>
        %get3A_311 = arith.index_cast %scan3A_275 : i32 to index
        %get3A_312 = arith.constant 64 : index
        %get3A_313 = tpu.vector_load %get3A_310[%get3A_311, %get3A_312] {strides = array<i32>} : memref<128x128xf32, #tpu.memory_space<vmem>>, vector<1x16xf32>,
        %get3A_314 = vector.shape_cast %get3A_313 : vector<1x16xf32> to vector<16xf32>
        %get3A_315 = arith.constant 0 : i32
        %get3A_316 = arith.constant 0 : i32
        %get3A_317 = tpu.memref_slice %arg6[%rem3A_234, %get3A_315, %get3A_316] : memref<7x128x128xf32, #tpu.memory_space<vmem>> -> memref<1x128x128xf32, #tpu.memory_space<vmem>>
        %get3A_318 = tpu.memref_squeeze %get3A_317 : memref<1x128x128xf32, #tpu.memory_space<vmem>> -> memref<128x128xf32, #tpu.memory_space<vmem>>
        %get3A_319 = arith.index_cast %scan3A_275 : i32 to index
        %get3A_320 = arith.constant 80 : index
        %get3A_321 = tpu.vector_load %get3A_318[%get3A_319, %get3A_320] {strides = array<i32>} : memref<128x128xf32, #tpu.memory_space<vmem>>, vector<1x16xf32>,
        %get3A_322 = vector.shape_cast %get3A_321 : vector<1x16xf32> to vector<16xf32>
        %get3A_323 = arith.constant 0 : i32
        %get3A_324 = arith.constant 0 : i32
        %get3A_325 = tpu.memref_slice %arg6[%rem3A_234, %get3A_323, %get3A_324] : memref<7x128x128xf32, #tpu.memory_space<vmem>> -> memref<1x128x128xf32, #tpu.memory_space<vmem>>
        %get3A_326 = tpu.memref_squeeze %get3A_325 : memref<1x128x128xf32, #tpu.memory_space<vmem>> -> memref<128x128xf32, #tpu.memory_space<vmem>>
        %get3A_327 = arith.index_cast %scan3A_275 : i32 to index
        %get3A_328 = arith.constant 96 : index
        %get3A_329 = tpu.vector_load %get3A_326[%get3A_327, %get3A_328] {strides = array<i32>} : memref<128x128xf32, #tpu.memory_space<vmem>>, vector<1x16xf32>,
        %get3A_330 = vector.shape_cast %get3A_329 : vector<1x16xf32> to vector<16xf32>
        %get3A_331 = arith.constant 0 : i32
        %get3A_332 = arith.constant 0 : i32
        %get3A_333 = tpu.memref_slice %arg6[%rem3A_234, %get3A_331, %get3A_332] : memref<7x128x128xf32, #tpu.memory_space<vmem>> -> memref<1x128x128xf32, #tpu.memory_space<vmem>>
        %get3A_334 = tpu.memref_squeeze %get3A_333 : memref<1x128x128xf32, #tpu.memory_space<vmem>> -> memref<128x128xf32, #tpu.memory_space<vmem>>
        %get3A_335 = arith.index_cast %scan3A_275 : i32 to index
        %get3A_336 = arith.constant 112 : index
        %get3A_337 = tpu.vector_load %get3A_334[%get3A_335, %get3A_336] {strides = array<i32>} : memref<128x128xf32, #tpu.memory_space<vmem>>, vector<1x16xf32>,
        %get3A_338 = vector.shape_cast %get3A_337 : vector<1x16xf32> to vector<16xf32>
        %abs3A = math.absf %get3A_282 : vector<16xf32>
        %abs3A_339 = math.absf %get3A_290 : vector<16xf32>
        %abs3A_340 = math.absf %get3A_298 : vector<16xf32>
        %abs3A_341 = math.absf %get3A_306 : vector<16xf32>
        %abs3A_342 = math.absf %get3A_314 : vector<16xf32>
        %abs3A_343 = math.absf %get3A_322 : vector<16xf32>
        %abs3A_344 = math.absf %get3A_330 : vector<16xf32>
        %abs3A_345 = math.absf %get3A_338 : vector<16xf32>
        %add3A_346 = arith.addf %abs3A, %abs3A_339 : vector<16xf32>
        %add3A_347 = arith.addf %abs3A_340, %abs3A_341 : vector<16xf32>
        %add3A_348 = arith.addf %abs3A_342, %abs3A_343 : vector<16xf32>
        %add3A_349 = arith.addf %abs3A_344, %abs3A_345 : vector<16xf32>
        %add3A_350 = arith.addf %add3A_346, %add3A_347 : vector<16xf32>
        %add3A_351 = arith.addf %add3A_348, %add3A_349 : vector<16xf32>
        %add3A_352 = arith.addf %add3A_350, %add3A_351 : vector<16xf32>
        %lt3A_353 = arith.constant 0 : i32
        %lt3A_354 = vector.broadcast %lt3A_353 : i32 to vector<16xi32>
        %lt3A_355 = arith.cmpi slt, %xor3A_93, %lt3A_354 : vector<16xi32>
        %add3A_356 = arith.constant 16 : i32
        %add3A_357 = vector.broadcast %add3A_356 : i32 to vector<16xi32>
        %add3A_358 = arith.addi %xor3A_93, %add3A_357 : vector<16xi32>
        %select_n3A = arith.select %lt3A_355, %add3A_358, %xor3A_93 : vector<16xi1>, vector<16xi32>
        %broadcast_in_dim3A = vector.shape_cast %select_n3A : vector<16xi32> to vector<16x1xi32>
        %gather3A = vector.shape_cast %broadcast_in_dim3A : vector<16x1xi32> to vector<16xi32>
        %gather3A_359 = tpu.dynamic_gather %add3A_352[%gather3A] in [0] : vector<16xf32>, vector<16xi32> -> vector<16xf32>
        %add3A_360 = arith.addf %add3A_352, %gather3A_359 : vector<16xf32>
        %lt3A_361 = arith.constant 0 : i32
        %lt3A_362 = vector.broadcast %lt3A_361 : i32 to vector<16xi32>
        %lt3A_363 = arith.cmpi slt, %xor3A_96, %lt3A_362 : vector<16xi32>
        %add3A_364 = arith.constant 16 : i32
        %add3A_365 = vector.broadcast %add3A_364 : i32 to vector<16xi32>
        %add3A_366 = arith.addi %xor3A_96, %add3A_365 : vector<16xi32>
        %select_n3A_367 = arith.select %lt3A_363, %add3A_366, %xor3A_96 : vector<16xi1>, vector<16xi32>
        %broadcast_in_dim3A_368 = vector.shape_cast %select_n3A_367 : vector<16xi32> to vector<16x1xi32>
        %gather3A_369 = vector.shape_cast %broadcast_in_dim3A_368 : vector<16x1xi32> to vector<16xi32>
        %gather3A_370 = tpu.dynamic_gather %add3A_360[%gather3A_369] in [0] : vector<16xf32>, vector<16xi32> -> vector<16xf32>
        %add3A_371 = arith.addf %add3A_360, %gather3A_370 : vector<16xf32>
        %lt3A_372 = arith.constant 0 : i32
        %lt3A_373 = vector.broadcast %lt3A_372 : i32 to vector<16xi32>
        %lt3A_374 = arith.cmpi slt, %xor3A_99, %lt3A_373 : vector<16xi32>
        %add3A_375 = arith.constant 16 : i32
        %add3A_376 = vector.broadcast %add3A_375 : i32 to vector<16xi32>
        %add3A_377 = arith.addi %xor3A_99, %add3A_376 : vector<16xi32>
        %select_n3A_378 = arith.select %lt3A_374, %add3A_377, %xor3A_99 : vector<16xi1>, vector<16xi32>
        %broadcast_in_dim3A_379 = vector.shape_cast %select_n3A_378 : vector<16xi32> to vector<16x1xi32>
        %gather3A_380 = vector.shape_cast %broadcast_in_dim3A_379 : vector<16x1xi32> to vector<16xi32>
        %gather3A_381 = tpu.dynamic_gather %add3A_371[%gather3A_380] in [0] : vector<16xf32>, vector<16xi32> -> vector<16xf32>
        %add3A_382 = arith.addf %add3A_371, %gather3A_381 : vector<16xf32>
        %lt3A_383 = arith.constant 0 : i32
        %lt3A_384 = vector.broadcast %lt3A_383 : i32 to vector<16xi32>
        %lt3A_385 = arith.cmpi slt, %xor3A_102, %lt3A_384 : vector<16xi32>
        %add3A_386 = arith.constant 16 : i32
        %add3A_387 = vector.broadcast %add3A_386 : i32 to vector<16xi32>
        %add3A_388 = arith.addi %xor3A_102, %add3A_387 : vector<16xi32>
        %select_n3A_389 = arith.select %lt3A_385, %add3A_388, %xor3A_102 : vector<16xi1>, vector<16xi32>
        %broadcast_in_dim3A_390 = vector.shape_cast %select_n3A_389 : vector<16xi32> to vector<16x1xi32>
        %gather3A_391 = vector.shape_cast %broadcast_in_dim3A_390 : vector<16x1xi32> to vector<16xi32>
        %gather3A_392 = tpu.dynamic_gather %add3A_382[%gather3A_391] in [0] : vector<16xf32>, vector<16xi32> -> vector<16xf32>
        %add3A_393 = arith.addf %add3A_382, %gather3A_392 : vector<16xf32>
        %add3A_394 = arith.constant 1.000000e-07 : f32
        %add3A_395 = vector.broadcast %add3A_394 : f32 to vector<16xf32>
        %add3A_396 = arith.addf %add3A_393, %add3A_395 : vector<16xf32>
        %div3A = arith.constant 1.000000e+00 : f32
        %div3A_397 = vector.broadcast %div3A : f32 to vector<16xf32>
        %div3A_398 = arith.divf %div3A_397, %add3A_396 : vector<16xf32>
        %min3A = arith.constant 1.000000e+00 : f32
        %min3A_399 = vector.broadcast %min3A : f32 to vector<16xf32>
        %min3A_400 = arith.minimumf %div3A_398, %min3A_399 : vector<16xf32>
        %mul3A_401 = arith.mulf %get3A_282, %min3A_400 : vector<16xf32>
        %swap3A = arith.constant 0 : i32
        %swap3A_402 = arith.constant 0 : i32
        %swap3A_403 = tpu.memref_slice %arg6[%rem3A_234, %swap3A, %swap3A_402] : memref<7x128x128xf32, #tpu.memory_space<vmem>> -> memref<1x128x128xf32, #tpu.memory_space<vmem>>
        %swap3A_404 = tpu.memref_squeeze %swap3A_403 : memref<1x128x128xf32, #tpu.memory_space<vmem>> -> memref<128x128xf32, #tpu.memory_space<vmem>>
        %swap3A_405 = arith.index_cast %scan3A_275 : i32 to index
        %swap3A_406 = arith.constant 0 : index
        %swap3A_407 = tpu.vector_load %swap3A_404[%swap3A_405, %swap3A_406] {strides = array<i32>} : memref<128x128xf32, #tpu.memory_space<vmem>>, vector<1x16xf32>,
        %swap3A_408 = vector.shape_cast %swap3A_407 : vector<1x16xf32> to vector<16xf32>
        %swap3A_409 = vector.shape_cast %mul3A_401 : vector<16xf32> to vector<1x16xf32>
        tpu.vector_store %swap3A_404[%swap3A_405, %swap3A_406], %swap3A_409 {strides = array<i32>} : memref<128x128xf32, #tpu.memory_space<vmem>>, vector<1x16xf32>,
        %mul3A_410 = arith.mulf %get3A_290, %min3A_400 : vector<16xf32>
        %swap3A_411 = arith.constant 0 : i32
        %swap3A_412 = arith.constant 0 : i32
        %swap3A_413 = tpu.memref_slice %arg6[%rem3A_234, %swap3A_411, %swap3A_412] : memref<7x128x128xf32, #tpu.memory_space<vmem>> -> memref<1x128x128xf32, #tpu.memory_space<vmem>>
        %swap3A_414 = tpu.memref_squeeze %swap3A_413 : memref<1x128x128xf32, #tpu.memory_space<vmem>> -> memref<128x128xf32, #tpu.memory_space<vmem>>
        %swap3A_415 = arith.index_cast %scan3A_275 : i32 to index
        %swap3A_416 = arith.constant 16 : index
        %swap3A_417 = tpu.vector_load %swap3A_414[%swap3A_415, %swap3A_416] {strides = array<i32>} : memref<128x128xf32, #tpu.memory_space<vmem>>, vector<1x16xf32>,
        %swap3A_418 = vector.shape_cast %swap3A_417 : vector<1x16xf32> to vector<16xf32>
        %swap3A_419 = vector.shape_cast %mul3A_410 : vector<16xf32> to vector<1x16xf32>
        tpu.vector_store %swap3A_414[%swap3A_415, %swap3A_416], %swap3A_419 {strides = array<i32>} : memref<128x128xf32, #tpu.memory_space<vmem>>, vector<1x16xf32>,
        %mul3A_420 = arith.mulf %get3A_298, %min3A_400 : vector<16xf32>
        %swap3A_421 = arith.constant 0 : i32
        %swap3A_422 = arith.constant 0 : i32
        %swap3A_423 = tpu.memref_slice %arg6[%rem3A_234, %swap3A_421, %swap3A_422] : memref<7x128x128xf32, #tpu.memory_space<vmem>> -> memref<1x128x128xf32, #tpu.memory_space<vmem>>
        %swap3A_424 = tpu.memref_squeeze %swap3A_423 : memref<1x128x128xf32, #tpu.memory_space<vmem>> -> memref<128x128xf32, #tpu.memory_space<vmem>>
        %swap3A_425 = arith.index_cast %scan3A_275 : i32 to index
        %swap3A_426 = arith.constant 32 : index
        %swap3A_427 = tpu.vector_load %swap3A_424[%swap3A_425, %swap3A_426] {strides = array<i32>} : memref<128x128xf32, #tpu.memory_space<vmem>>, vector<1x16xf32>,
        %swap3A_428 = vector.shape_cast %swap3A_427 : vector<1x16xf32> to vector<16xf32>
        %swap3A_429 = vector.shape_cast %mul3A_420 : vector<16xf32> to vector<1x16xf32>
        tpu.vector_store %swap3A_424[%swap3A_425, %swap3A_426], %swap3A_429 {strides = array<i32>} : memref<128x128xf32, #tpu.memory_space<vmem>>, vector<1x16xf32>,
        %mul3A_430 = arith.mulf %get3A_306, %min3A_400 : vector<16xf32>
        %swap3A_431 = arith.constant 0 : i32
        %swap3A_432 = arith.constant 0 : i32
        %swap3A_433 = tpu.memref_slice %arg6[%rem3A_234, %swap3A_431, %swap3A_432] : memref<7x128x128xf32, #tpu.memory_space<vmem>> -> memref<1x128x128xf32, #tpu.memory_space<vmem>>
        %swap3A_434 = tpu.memref_squeeze %swap3A_433 : memref<1x128x128xf32, #tpu.memory_space<vmem>> -> memref<128x128xf32, #tpu.memory_space<vmem>>
        %swap3A_435 = arith.index_cast %scan3A_275 : i32 to index
        %swap3A_436 = arith.constant 48 : index
        %swap3A_437 = tpu.vector_load %swap3A_434[%swap3A_435, %swap3A_436] {strides = array<i32>} : memref<128x128xf32, #tpu.memory_space<vmem>>, vector<1x16xf32>,
        %swap3A_438 = vector.shape_cast %swap3A_437 : vector<1x16xf32> to vector<16xf32>
        %swap3A_439 = vector.shape_cast %mul3A_430 : vector<16xf32> to vector<1x16xf32>
        tpu.vector_store %swap3A_434[%swap3A_435, %swap3A_436], %swap3A_439 {strides = array<i32>} : memref<128x128xf32, #tpu.memory_space<vmem>>, vector<1x16xf32>,
        %mul3A_440 = arith.mulf %get3A_314, %min3A_400 : vector<16xf32>
        %swap3A_441 = arith.constant 0 : i32
        %swap3A_442 = arith.constant 0 : i32
        %swap3A_443 = tpu.memref_slice %arg6[%rem3A_234, %swap3A_441, %swap3A_442] : memref<7x128x128xf32, #tpu.memory_space<vmem>> -> memref<1x128x128xf32, #tpu.memory_space<vmem>>
        %swap3A_444 = tpu.memref_squeeze %swap3A_443 : memref<1x128x128xf32, #tpu.memory_space<vmem>> -> memref<128x128xf32, #tpu.memory_space<vmem>>
        %swap3A_445 = arith.index_cast %scan3A_275 : i32 to index
        %swap3A_446 = arith.constant 64 : index
        %swap3A_447 = tpu.vector_load %swap3A_444[%swap3A_445, %swap3A_446] {strides = array<i32>} : memref<128x128xf32, #tpu.memory_space<vmem>>, vector<1x16xf32>,
        %swap3A_448 = vector.shape_cast %swap3A_447 : vector<1x16xf32> to vector<16xf32>
        %swap3A_449 = vector.shape_cast %mul3A_440 : vector<16xf32> to vector<1x16xf32>
        tpu.vector_store %swap3A_444[%swap3A_445, %swap3A_446], %swap3A_449 {strides = array<i32>} : memref<128x128xf32, #tpu.memory_space<vmem>>, vector<1x16xf32>,
        %mul3A_450 = arith.mulf %get3A_322, %min3A_400 : vector<16xf32>
        %swap3A_451 = arith.constant 0 : i32
        %swap3A_452 = arith.constant 0 : i32
        %swap3A_453 = tpu.memref_slice %arg6[%rem3A_234, %swap3A_451, %swap3A_452] : memref<7x128x128xf32, #tpu.memory_space<vmem>> -> memref<1x128x128xf32, #tpu.memory_space<vmem>>
        %swap3A_454 = tpu.memref_squeeze %swap3A_453 : memref<1x128x128xf32, #tpu.memory_space<vmem>> -> memref<128x128xf32, #tpu.memory_space<vmem>>
        %swap3A_455 = arith.index_cast %scan3A_275 : i32 to index
        %swap3A_456 = arith.constant 80 : index
        %swap3A_457 = tpu.vector_load %swap3A_454[%swap3A_455, %swap3A_456] {strides = array<i32>} : memref<128x128xf32, #tpu.memory_space<vmem>>, vector<1x16xf32>,
        %swap3A_458 = vector.shape_cast %swap3A_457 : vector<1x16xf32> to vector<16xf32>
        %swap3A_459 = vector.shape_cast %mul3A_450 : vector<16xf32> to vector<1x16xf32>
        tpu.vector_store %swap3A_454[%swap3A_455, %swap3A_456], %swap3A_459 {strides = array<i32>} : memref<128x128xf32, #tpu.memory_space<vmem>>, vector<1x16xf32>,
        %mul3A_460 = arith.mulf %get3A_330, %min3A_400 : vector<16xf32>
        %swap3A_461 = arith.constant 0 : i32
        %swap3A_462 = arith.constant 0 : i32
        %swap3A_463 = tpu.memref_slice %arg6[%rem3A_234, %swap3A_461, %swap3A_462] : memref<7x128x128xf32, #tpu.memory_space<vmem>> -> memref<1x128x128xf32, #tpu.memory_space<vmem>>
        %swap3A_464 = tpu.memref_squeeze %swap3A_463 : memref<1x128x128xf32, #tpu.memory_space<vmem>> -> memref<128x128xf32, #tpu.memory_space<vmem>>
        %swap3A_465 = arith.index_cast %scan3A_275 : i32 to index
        %swap3A_466 = arith.constant 96 : index
        %swap3A_467 = tpu.vector_load %swap3A_464[%swap3A_465, %swap3A_466] {strides = array<i32>} : memref<128x128xf32, #tpu.memory_space<vmem>>, vector<1x16xf32>,
        %swap3A_468 = vector.shape_cast %swap3A_467 : vector<1x16xf32> to vector<16xf32>
        %swap3A_469 = vector.shape_cast %mul3A_460 : vector<16xf32> to vector<1x16xf32>
        tpu.vector_store %swap3A_464[%swap3A_465, %swap3A_466], %swap3A_469 {strides = array<i32>} : memref<128x128xf32, #tpu.memory_space<vmem>>, vector<1x16xf32>,
        %mul3A_470 = arith.mulf %get3A_338, %min3A_400 : vector<16xf32>
        %swap3A_471 = arith.constant 0 : i32
        %swap3A_472 = arith.constant 0 : i32
        %swap3A_473 = tpu.memref_slice %arg6[%rem3A_234, %swap3A_471, %swap3A_472] : memref<7x128x128xf32, #tpu.memory_space<vmem>> -> memref<1x128x128xf32, #tpu.memory_space<vmem>>
        %swap3A_474 = tpu.memref_squeeze %swap3A_473 : memref<1x128x128xf32, #tpu.memory_space<vmem>> -> memref<128x128xf32, #tpu.memory_space<vmem>>
        %swap3A_475 = arith.index_cast %scan3A_275 : i32 to index
        %swap3A_476 = arith.constant 112 : index
        %swap3A_477 = tpu.vector_load %swap3A_474[%swap3A_475, %swap3A_476] {strides = array<i32>} : memref<128x128xf32, #tpu.memory_space<vmem>>, vector<1x16xf32>,
        %swap3A_478 = vector.shape_cast %swap3A_477 : vector<1x16xf32> to vector<16xf32>
        %swap3A_479 = vector.shape_cast %mul3A_470 : vector<16xf32> to vector<1x16xf32>
        tpu.vector_store %swap3A_474[%swap3A_475, %swap3A_476], %swap3A_479 {strides = array<i32>} : memref<128x128xf32, #tpu.memory_space<vmem>>, vector<1x16xf32>,
        %scan3A_480 = arith.constant 1 : i32
        %scan3A_481 = arith.addi %scan3A_275, %scan3A_480 : i32
        %get3A_482 = arith.constant 0 : i32
        %get3A_483 = arith.constant 0 : i32
        %get3A_484 = tpu.memref_slice %arg6[%rem3A_234, %get3A_482, %get3A_483] : memref<7x128x128xf32, #tpu.memory_space<vmem>> -> memref<1x128x128xf32, #tpu.memory_space<vmem>>
        %get3A_485 = tpu.memref_squeeze %get3A_484 : memref<1x128x128xf32, #tpu.memory_space<vmem>> -> memref<128x128xf32, #tpu.memory_space<vmem>>
        %get3A_486 = arith.index_cast %scan3A_481 : i32 to index
        %get3A_487 = arith.constant 0 : index
        %get3A_488 = tpu.vector_load %get3A_485[%get3A_486, %get3A_487] {strides = array<i32>} : memref<128x128xf32, #tpu.memory_space<vmem>>, vector<1x16xf32>,
        %get3A_489 = vector.shape_cast %get3A_488 : vector<1x16xf32> to vector<16xf32>
        %get3A_490 = arith.constant 0 : i32
        %get3A_491 = arith.constant 0 : i32
        %get3A_492 = tpu.memref_slice %arg6[%rem3A_234, %get3A_490, %get3A_491] : memref<7x128x128xf32, #tpu.memory_space<vmem>> -> memref<1x128x128xf32, #tpu.memory_space<vmem>>
        %get3A_493 = tpu.memref_squeeze %get3A_492 : memref<1x128x128xf32, #tpu.memory_space<vmem>> -> memref<128x128xf32, #tpu.memory_space<vmem>>
        %get3A_494 = arith.index_cast %scan3A_481 : i32 to index
        %get3A_495 = arith.constant 16 : index
        %get3A_496 = tpu.vector_load %get3A_493[%get3A_494, %get3A_495] {strides = array<i32>} : memref<128x128xf32, #tpu.memory_space<vmem>>, vector<1x16xf32>,
        %get3A_497 = vector.shape_cast %get3A_496 : vector<1x16xf32> to vector<16xf32>
        %get3A_498 = arith.constant 0 : i32
        %get3A_499 = arith.constant 0 : i32
        %get3A_500 = tpu.memref_slice %arg6[%rem3A_234, %get3A_498, %get3A_499] : memref<7x128x128xf32, #tpu.memory_space<vmem>> -> memref<1x128x128xf32, #tpu.memory_space<vmem>>
        %get3A_501 = tpu.memref_squeeze %get3A_500 : memref<1x128x128xf32, #tpu.memory_space<vmem>> -> memref<128x128xf32, #tpu.memory_space<vmem>>
        %get3A_502 = arith.index_cast %scan3A_481 : i32 to index
        %get3A_503 = arith.constant 32 : index
        %get3A_504 = tpu.vector_load %get3A_501[%get3A_502, %get3A_503] {strides = array<i32>} : memref<128x128xf32, #tpu.memory_space<vmem>>, vector<1x16xf32>,
        %get3A_505 = vector.shape_cast %get3A_504 : vector<1x16xf32> to vector<16xf32>
        %get3A_506 = arith.constant 0 : i32
        %get3A_507 = arith.constant 0 : i32
        %get3A_508 = tpu.memref_slice %arg6[%rem3A_234, %get3A_506, %get3A_507] : memref<7x128x128xf32, #tpu.memory_space<vmem>> -> memref<1x128x128xf32, #tpu.memory_space<vmem>>
        %get3A_509 = tpu.memref_squeeze %get3A_508 : memref<1x128x128xf32, #tpu.memory_space<vmem>> -> memref<128x128xf32, #tpu.memory_space<vmem>>
        %get3A_510 = arith.index_cast %scan3A_481 : i32 to index
        %get3A_511 = arith.constant 48 : index
        %get3A_512 = tpu.vector_load %get3A_509[%get3A_510, %get3A_511] {strides = array<i32>} : memref<128x128xf32, #tpu.memory_space<vmem>>, vector<1x16xf32>,
        %get3A_513 = vector.shape_cast %get3A_512 : vector<1x16xf32> to vector<16xf32>
        %get3A_514 = arith.constant 0 : i32
        %get3A_515 = arith.constant 0 : i32
        %get3A_516 = tpu.memref_slice %arg6[%rem3A_234, %get3A_514, %get3A_515] : memref<7x128x128xf32, #tpu.memory_space<vmem>> -> memref<1x128x128xf32, #tpu.memory_space<vmem>>
        %get3A_517 = tpu.memref_squeeze %get3A_516 : memref<1x128x128xf32, #tpu.memory_space<vmem>> -> memref<128x128xf32, #tpu.memory_space<vmem>>
        %get3A_518 = arith.index_cast %scan3A_481 : i32 to index
        %get3A_519 = arith.constant 64 : index
        %get3A_520 = tpu.vector_load %get3A_517[%get3A_518, %get3A_519] {strides = array<i32>} : memref<128x128xf32, #tpu.memory_space<vmem>>, vector<1x16xf32>,
        %get3A_521 = vector.shape_cast %get3A_520 : vector<1x16xf32> to vector<16xf32>
        %get3A_522 = arith.constant 0 : i32
        %get3A_523 = arith.constant 0 : i32
        %get3A_524 = tpu.memref_slice %arg6[%rem3A_234, %get3A_522, %get3A_523] : memref<7x128x128xf32, #tpu.memory_space<vmem>> -> memref<1x128x128xf32, #tpu.memory_space<vmem>>
        %get3A_525 = tpu.memref_squeeze %get3A_524 : memref<1x128x128xf32, #tpu.memory_space<vmem>> -> memref<128x128xf32, #tpu.memory_space<vmem>>
        %get3A_526 = arith.index_cast %scan3A_481 : i32 to index
        %get3A_527 = arith.constant 80 : index
        %get3A_528 = tpu.vector_load %get3A_525[%get3A_526, %get3A_527] {strides = array<i32>} : memref<128x128xf32, #tpu.memory_space<vmem>>, vector<1x16xf32>,
        %get3A_529 = vector.shape_cast %get3A_528 : vector<1x16xf32> to vector<16xf32>
        %get3A_530 = arith.constant 0 : i32
        %get3A_531 = arith.constant 0 : i32
        %get3A_532 = tpu.memref_slice %arg6[%rem3A_234, %get3A_530, %get3A_531] : memref<7x128x128xf32, #tpu.memory_space<vmem>> -> memref<1x128x128xf32, #tpu.memory_space<vmem>>
        %get3A_533 = tpu.memref_squeeze %get3A_532 : memref<1x128x128xf32, #tpu.memory_space<vmem>> -> memref<128x128xf32, #tpu.memory_space<vmem>>
        %get3A_534 = arith.index_cast %scan3A_481 : i32 to index
        %get3A_535 = arith.constant 96 : index
        %get3A_536 = tpu.vector_load %get3A_533[%get3A_534, %get3A_535] {strides = array<i32>} : memref<128x128xf32, #tpu.memory_space<vmem>>, vector<1x16xf32>,
        %get3A_537 = vector.shape_cast %get3A_536 : vector<1x16xf32> to vector<16xf32>
        %get3A_538 = arith.constant 0 : i32
        %get3A_539 = arith.constant 0 : i32
        %get3A_540 = tpu.memref_slice %arg6[%rem3A_234, %get3A_538, %get3A_539] : memref<7x128x128xf32, #tpu.memory_space<vmem>> -> memref<1x128x128xf32, #tpu.memory_space<vmem>>
        %get3A_541 = tpu.memref_squeeze %get3A_540 : memref<1x128x128xf32, #tpu.memory_space<vmem>> -> memref<128x128xf32, #tpu.memory_space<vmem>>
        %get3A_542 = arith.index_cast %scan3A_481 : i32 to index
        %get3A_543 = arith.constant 112 : index
        %get3A_544 = tpu.vector_load %get3A_541[%get3A_542, %get3A_543] {strides = array<i32>} : memref<128x128xf32, #tpu.memory_space<vmem>>, vector<1x16xf32>,
        %get3A_545 = vector.shape_cast %get3A_544 : vector<1x16xf32> to vector<16xf32>
        %abs3A_546 = math.absf %get3A_489 : vector<16xf32>
        %abs3A_547 = math.absf %get3A_497 : vector<16xf32>
        %abs3A_548 = math.absf %get3A_505 : vector<16xf32>
        %abs3A_549 = math.absf %get3A_513 : vector<16xf32>
        %abs3A_550 = math.absf %get3A_521 : vector<16xf32>
        %abs3A_551 = math.absf %get3A_529 : vector<16xf32>
        %abs3A_552 = math.absf %get3A_537 : vector<16xf32>
        %abs3A_553 = math.absf %get3A_545 : vector<16xf32>
        %add3A_554 = arith.addf %abs3A_546, %abs3A_547 : vector<16xf32>
        %add3A_555 = arith.addf %abs3A_548, %abs3A_549 : vector<16xf32>
        %add3A_556 = arith.addf %abs3A_550, %abs3A_551 : vector<16xf32>
        %add3A_557 = arith.addf %abs3A_552, %abs3A_553 : vector<16xf32>
        %add3A_558 = arith.addf %add3A_554, %add3A_555 : vector<16xf32>
        %add3A_559 = arith.addf %add3A_556, %add3A_557 : vector<16xf32>
        %add3A_560 = arith.addf %add3A_558, %add3A_559 : vector<16xf32>
        %lt3A_561 = arith.constant 0 : i32
        %lt3A_562 = vector.broadcast %lt3A_561 : i32 to vector<16xi32>
        %lt3A_563 = arith.cmpi slt, %xor3A_93, %lt3A_562 : vector<16xi32>
        %add3A_564 = arith.constant 16 : i32
        %add3A_565 = vector.broadcast %add3A_564 : i32 to vector<16xi32>
        %add3A_566 = arith.addi %xor3A_93, %add3A_565 : vector<16xi32>
        %select_n3A_567 = arith.select %lt3A_563, %add3A_566, %xor3A_93 : vector<16xi1>, vector<16xi32>
        %broadcast_in_dim3A_568 = vector.shape_cast %select_n3A_567 : vector<16xi32> to vector<16x1xi32>
        %gather3A_569 = vector.shape_cast %broadcast_in_dim3A_568 : vector<16x1xi32> to vector<16xi32>
        %gather3A_570 = tpu.dynamic_gather %add3A_560[%gather3A_569] in [0] : vector<16xf32>, vector<16xi32> -> vector<16xf32>
        %add3A_571 = arith.addf %add3A_560, %gather3A_570 : vector<16xf32>
        %lt3A_572 = arith.constant 0 : i32
        %lt3A_573 = vector.broadcast %lt3A_572 : i32 to vector<16xi32>
        %lt3A_574 = arith.cmpi slt, %xor3A_96, %lt3A_573 : vector<16xi32>
        %add3A_575 = arith.constant 16 : i32
        %add3A_576 = vector.broadcast %add3A_575 : i32 to vector<16xi32>
        %add3A_577 = arith.addi %xor3A_96, %add3A_576 : vector<16xi32>
        %select_n3A_578 = arith.select %lt3A_574, %add3A_577, %xor3A_96 : vector<16xi1>, vector<16xi32>
        %broadcast_in_dim3A_579 = vector.shape_cast %select_n3A_578 : vector<16xi32> to vector<16x1xi32>
        %gather3A_580 = vector.shape_cast %broadcast_in_dim3A_579 : vector<16x1xi32> to vector<16xi32>
        %gather3A_581 = tpu.dynamic_gather %add3A_571[%gather3A_580] in [0] : vector<16xf32>, vector<16xi32> -> vector<16xf32>
        %add3A_582 = arith.addf %add3A_571, %gather3A_581 : vector<16xf32>
        %lt3A_583 = arith.constant 0 : i32
        %lt3A_584 = vector.broadcast %lt3A_583 : i32 to vector<16xi32>
        %lt3A_585 = arith.cmpi slt, %xor3A_99, %lt3A_584 : vector<16xi32>
        %add3A_586 = arith.constant 16 : i32
        %add3A_587 = vector.broadcast %add3A_586 : i32 to vector<16xi32>
        %add3A_588 = arith.addi %xor3A_99, %add3A_587 : vector<16xi32>
        %select_n3A_589 = arith.select %lt3A_585, %add3A_588, %xor3A_99 : vector<16xi1>, vector<16xi32>
        %broadcast_in_dim3A_590 = vector.shape_cast %select_n3A_589 : vector<16xi32> to vector<16x1xi32>
        %gather3A_591 = vector.shape_cast %broadcast_in_dim3A_590 : vector<16x1xi32> to vector<16xi32>
        %gather3A_592 = tpu.dynamic_gather %add3A_582[%gather3A_591] in [0] : vector<16xf32>, vector<16xi32> -> vector<16xf32>
        %add3A_593 = arith.addf %add3A_582, %gather3A_592 : vector<16xf32>
        %lt3A_594 = arith.constant 0 : i32
        %lt3A_595 = vector.broadcast %lt3A_594 : i32 to vector<16xi32>
        %lt3A_596 = arith.cmpi slt, %xor3A_102, %lt3A_595 : vector<16xi32>
        %add3A_597 = arith.constant 16 : i32
        %add3A_598 = vector.broadcast %add3A_597 : i32 to vector<16xi32>
        %add3A_599 = arith.addi %xor3A_102, %add3A_598 : vector<16xi32>
        %select_n3A_600 = arith.select %lt3A_596, %add3A_599, %xor3A_102 : vector<16xi1>, vector<16xi32>
        %broadcast_in_dim3A_601 = vector.shape_cast %select_n3A_600 : vector<16xi32> to vector<16x1xi32>
        %gather3A_602 = vector.shape_cast %broadcast_in_dim3A_601 : vector<16x1xi32> to vector<16xi32>
        %gather3A_603 = tpu.dynamic_gather %add3A_593[%gather3A_602] in [0] : vector<16xf32>, vector<16xi32> -> vector<16xf32>
        %add3A_604 = arith.addf %add3A_593, %gather3A_603 : vector<16xf32>
        %add3A_605 = arith.constant 1.000000e-07 : f32
        %add3A_606 = vector.broadcast %add3A_605 : f32 to vector<16xf32>
        %add3A_607 = arith.addf %add3A_604, %add3A_606 : vector<16xf32>
        %div3A_608 = arith.constant 1.000000e+00 : f32
        %div3A_609 = vector.broadcast %div3A_608 : f32 to vector<16xf32>
        %div3A_610 = arith.divf %div3A_609, %add3A_607 : vector<16xf32>
        %min3A_611 = arith.constant 1.000000e+00 : f32
        %min3A_612 = vector.broadcast %min3A_611 : f32 to vector<16xf32>
        %min3A_613 = arith.minimumf %div3A_610, %min3A_612 : vector<16xf32>
        %mul3A_614 = arith.mulf %get3A_489, %min3A_613 : vector<16xf32>
        %swap3A_615 = arith.constant 0 : i32
        %swap3A_616 = arith.constant 0 : i32
        %swap3A_617 = tpu.memref_slice %arg6[%rem3A_234, %swap3A_615, %swap3A_616] : memref<7x128x128xf32, #tpu.memory_space<vmem>> -> memref<1x128x128xf32, #tpu.memory_space<vmem>>
        %swap3A_618 = tpu.memref_squeeze %swap3A_617 : memref<1x128x128xf32, #tpu.memory_space<vmem>> -> memref<128x128xf32, #tpu.memory_space<vmem>>
        %swap3A_619 = arith.index_cast %scan3A_481 : i32 to index
        %swap3A_620 = arith.constant 0 : index
        %swap3A_621 = tpu.vector_load %swap3A_618[%swap3A_619, %swap3A_620] {strides = array<i32>} : memref<128x128xf32, #tpu.memory_space<vmem>>, vector<1x16xf32>,
        %swap3A_622 = vector.shape_cast %swap3A_621 : vector<1x16xf32> to vector<16xf32>
        %swap3A_623 = vector.shape_cast %mul3A_614 : vector<16xf32> to vector<1x16xf32>
        tpu.vector_store %swap3A_618[%swap3A_619, %swap3A_620], %swap3A_623 {strides = array<i32>} : memref<128x128xf32, #tpu.memory_space<vmem>>, vector<1x16xf32>,
        %mul3A_624 = arith.mulf %get3A_497, %min3A_613 : vector<16xf32>
        %swap3A_625 = arith.constant 0 : i32
        %swap3A_626 = arith.constant 0 : i32
        %swap3A_627 = tpu.memref_slice %arg6[%rem3A_234, %swap3A_625, %swap3A_626] : memref<7x128x128xf32, #tpu.memory_space<vmem>> -> memref<1x128x128xf32, #tpu.memory_space<vmem>>
        %swap3A_628 = tpu.memref_squeeze %swap3A_627 : memref<1x128x128xf32, #tpu.memory_space<vmem>> -> memref<128x128xf32, #tpu.memory_space<vmem>>
        %swap3A_629 = arith.index_cast %scan3A_481 : i32 to index
        %swap3A_630 = arith.constant 16 : index
        %swap3A_631 = tpu.vector_load %swap3A_628[%swap3A_629, %swap3A_630] {strides = array<i32>} : memref<128x128xf32, #tpu.memory_space<vmem>>, vector<1x16xf32>,
        %swap3A_632 = vector.shape_cast %swap3A_631 : vector<1x16xf32> to vector<16xf32>
        %swap3A_633 = vector.shape_cast %mul3A_624 : vector<16xf32> to vector<1x16xf32>
        tpu.vector_store %swap3A_628[%swap3A_629, %swap3A_630], %swap3A_633 {strides = array<i32>} : memref<128x128xf32, #tpu.memory_space<vmem>>, vector<1x16xf32>,
        %mul3A_634 = arith.mulf %get3A_505, %min3A_613 : vector<16xf32>
        %swap3A_635 = arith.constant 0 : i32
        %swap3A_636 = arith.constant 0 : i32
        %swap3A_637 = tpu.memref_slice %arg6[%rem3A_234, %swap3A_635, %swap3A_636] : memref<7x128x128xf32, #tpu.memory_space<vmem>> -> memref<1x128x128xf32, #tpu.memory_space<vmem>>
        %swap3A_638 = tpu.memref_squeeze %swap3A_637 : memref<1x128x128xf32, #tpu.memory_space<vmem>> -> memref<128x128xf32, #tpu.memory_space<vmem>>
        %swap3A_639 = arith.index_cast %scan3A_481 : i32 to index
        %swap3A_640 = arith.constant 32 : index
        %swap3A_641 = tpu.vector_load %swap3A_638[%swap3A_639, %swap3A_640] {strides = array<i32>} : memref<128x128xf32, #tpu.memory_space<vmem>>, vector<1x16xf32>,
        %swap3A_642 = vector.shape_cast %swap3A_641 : vector<1x16xf32> to vector<16xf32>
        %swap3A_643 = vector.shape_cast %mul3A_634 : vector<16xf32> to vector<1x16xf32>
        tpu.vector_store %swap3A_638[%swap3A_639, %swap3A_640], %swap3A_643 {strides = array<i32>} : memref<128x128xf32, #tpu.memory_space<vmem>>, vector<1x16xf32>,
        %mul3A_644 = arith.mulf %get3A_513, %min3A_613 : vector<16xf32>
        %swap3A_645 = arith.constant 0 : i32
        %swap3A_646 = arith.constant 0 : i32
        %swap3A_647 = tpu.memref_slice %arg6[%rem3A_234, %swap3A_645, %swap3A_646] : memref<7x128x128xf32, #tpu.memory_space<vmem>> -> memref<1x128x128xf32, #tpu.memory_space<vmem>>
        %swap3A_648 = tpu.memref_squeeze %swap3A_647 : memref<1x128x128xf32, #tpu.memory_space<vmem>> -> memref<128x128xf32, #tpu.memory_space<vmem>>
        %swap3A_649 = arith.index_cast %scan3A_481 : i32 to index
        %swap3A_650 = arith.constant 48 : index
        %swap3A_651 = tpu.vector_load %swap3A_648[%swap3A_649, %swap3A_650] {strides = array<i32>} : memref<128x128xf32, #tpu.memory_space<vmem>>, vector<1x16xf32>,
        %swap3A_652 = vector.shape_cast %swap3A_651 : vector<1x16xf32> to vector<16xf32>
        %swap3A_653 = vector.shape_cast %mul3A_644 : vector<16xf32> to vector<1x16xf32>
        tpu.vector_store %swap3A_648[%swap3A_649, %swap3A_650], %swap3A_653 {strides = array<i32>} : memref<128x128xf32, #tpu.memory_space<vmem>>, vector<1x16xf32>,
        %mul3A_654 = arith.mulf %get3A_521, %min3A_613 : vector<16xf32>
        %swap3A_655 = arith.constant 0 : i32
        %swap3A_656 = arith.constant 0 : i32
        %swap3A_657 = tpu.memref_slice %arg6[%rem3A_234, %swap3A_655, %swap3A_656] : memref<7x128x128xf32, #tpu.memory_space<vmem>> -> memref<1x128x128xf32, #tpu.memory_space<vmem>>
        %swap3A_658 = tpu.memref_squeeze %swap3A_657 : memref<1x128x128xf32, #tpu.memory_space<vmem>> -> memref<128x128xf32, #tpu.memory_space<vmem>>
        %swap3A_659 = arith.index_cast %scan3A_481 : i32 to index
        %swap3A_660 = arith.constant 64 : index
        %swap3A_661 = tpu.vector_load %swap3A_658[%swap3A_659, %swap3A_660] {strides = array<i32>} : memref<128x128xf32, #tpu.memory_space<vmem>>, vector<1x16xf32>,
        %swap3A_662 = vector.shape_cast %swap3A_661 : vector<1x16xf32> to vector<16xf32>
        %swap3A_663 = vector.shape_cast %mul3A_654 : vector<16xf32> to vector<1x16xf32>
        tpu.vector_store %swap3A_658[%swap3A_659, %swap3A_660], %swap3A_663 {strides = array<i32>} : memref<128x128xf32, #tpu.memory_space<vmem>>, vector<1x16xf32>,
        %mul3A_664 = arith.mulf %get3A_529, %min3A_613 : vector<16xf32>
        %swap3A_665 = arith.constant 0 : i32
        %swap3A_666 = arith.constant 0 : i32
        %swap3A_667 = tpu.memref_slice %arg6[%rem3A_234, %swap3A_665, %swap3A_666] : memref<7x128x128xf32, #tpu.memory_space<vmem>> -> memref<1x128x128xf32, #tpu.memory_space<vmem>>
        %swap3A_668 = tpu.memref_squeeze %swap3A_667 : memref<1x128x128xf32, #tpu.memory_space<vmem>> -> memref<128x128xf32, #tpu.memory_space<vmem>>
        %swap3A_669 = arith.index_cast %scan3A_481 : i32 to index
        %swap3A_670 = arith.constant 80 : index
        %swap3A_671 = tpu.vector_load %swap3A_668[%swap3A_669, %swap3A_670] {strides = array<i32>} : memref<128x128xf32, #tpu.memory_space<vmem>>, vector<1x16xf32>,
        %swap3A_672 = vector.shape_cast %swap3A_671 : vector<1x16xf32> to vector<16xf32>
        %swap3A_673 = vector.shape_cast %mul3A_664 : vector<16xf32> to vector<1x16xf32>
        tpu.vector_store %swap3A_668[%swap3A_669, %swap3A_670], %swap3A_673 {strides = array<i32>} : memref<128x128xf32, #tpu.memory_space<vmem>>, vector<1x16xf32>,
        %mul3A_674 = arith.mulf %get3A_537, %min3A_613 : vector<16xf32>
        %swap3A_675 = arith.constant 0 : i32
        %swap3A_676 = arith.constant 0 : i32
        %swap3A_677 = tpu.memref_slice %arg6[%rem3A_234, %swap3A_675, %swap3A_676] : memref<7x128x128xf32, #tpu.memory_space<vmem>> -> memref<1x128x128xf32, #tpu.memory_space<vmem>>
        %swap3A_678 = tpu.memref_squeeze %swap3A_677 : memref<1x128x128xf32, #tpu.memory_space<vmem>> -> memref<128x128xf32, #tpu.memory_space<vmem>>
        %swap3A_679 = arith.index_cast %scan3A_481 : i32 to index
        %swap3A_680 = arith.constant 96 : index
        %swap3A_681 = tpu.vector_load %swap3A_678[%swap3A_679, %swap3A_680] {strides = array<i32>} : memref<128x128xf32, #tpu.memory_space<vmem>>, vector<1x16xf32>,
        %swap3A_682 = vector.shape_cast %swap3A_681 : vector<1x16xf32> to vector<16xf32>
        %swap3A_683 = vector.shape_cast %mul3A_674 : vector<16xf32> to vector<1x16xf32>
        tpu.vector_store %swap3A_678[%swap3A_679, %swap3A_680], %swap3A_683 {strides = array<i32>} : memref<128x128xf32, #tpu.memory_space<vmem>>, vector<1x16xf32>,
        %mul3A_684 = arith.mulf %get3A_545, %min3A_613 : vector<16xf32>
        %swap3A_685 = arith.constant 0 : i32
        %swap3A_686 = arith.constant 0 : i32
        %swap3A_687 = tpu.memref_slice %arg6[%rem3A_234, %swap3A_685, %swap3A_686] : memref<7x128x128xf32, #tpu.memory_space<vmem>> -> memref<1x128x128xf32, #tpu.memory_space<vmem>>
        %swap3A_688 = tpu.memref_squeeze %swap3A_687 : memref<1x128x128xf32, #tpu.memory_space<vmem>> -> memref<128x128xf32, #tpu.memory_space<vmem>>
        %swap3A_689 = arith.index_cast %scan3A_481 : i32 to index
        %swap3A_690 = arith.constant 112 : index
        %swap3A_691 = tpu.vector_load %swap3A_688[%swap3A_689, %swap3A_690] {strides = array<i32>} : memref<128x128xf32, #tpu.memory_space<vmem>>, vector<1x16xf32>,
        %swap3A_692 = vector.shape_cast %swap3A_691 : vector<1x16xf32> to vector<16xf32>
        %swap3A_693 = vector.shape_cast %mul3A_684 : vector<16xf32> to vector<1x16xf32>
        tpu.vector_store %swap3A_688[%swap3A_689, %swap3A_690], %swap3A_693 {strides = array<i32>} : memref<128x128xf32, #tpu.memory_space<vmem>>, vector<1x16xf32>,
        %scan3A_694 = arith.constant 2 : i32
        %scan3A_695 = arith.addi %scan3A_275, %scan3A_694 : i32
        %get3A_696 = arith.constant 0 : i32
        %get3A_697 = arith.constant 0 : i32
        %get3A_698 = tpu.memref_slice %arg6[%rem3A_234, %get3A_696, %get3A_697] : memref<7x128x128xf32, #tpu.memory_space<vmem>> -> memref<1x128x128xf32, #tpu.memory_space<vmem>>
        %get3A_699 = tpu.memref_squeeze %get3A_698 : memref<1x128x128xf32, #tpu.memory_space<vmem>> -> memref<128x128xf32, #tpu.memory_space<vmem>>
        %get3A_700 = arith.index_cast %scan3A_695 : i32 to index
        %get3A_701 = arith.constant 0 : index
        %get3A_702 = tpu.vector_load %get3A_699[%get3A_700, %get3A_701] {strides = array<i32>} : memref<128x128xf32, #tpu.memory_space<vmem>>, vector<1x16xf32>,
        %get3A_703 = vector.shape_cast %get3A_702 : vector<1x16xf32> to vector<16xf32>
        %get3A_704 = arith.constant 0 : i32
        %get3A_705 = arith.constant 0 : i32
        %get3A_706 = tpu.memref_slice %arg6[%rem3A_234, %get3A_704, %get3A_705] : memref<7x128x128xf32, #tpu.memory_space<vmem>> -> memref<1x128x128xf32, #tpu.memory_space<vmem>>
        %get3A_707 = tpu.memref_squeeze %get3A_706 : memref<1x128x128xf32, #tpu.memory_space<vmem>> -> memref<128x128xf32, #tpu.memory_space<vmem>>
        %get3A_708 = arith.index_cast %scan3A_695 : i32 to index
        %get3A_709 = arith.constant 16 : index
        %get3A_710 = tpu.vector_load %get3A_707[%get3A_708, %get3A_709] {strides = array<i32>} : memref<128x128xf32, #tpu.memory_space<vmem>>, vector<1x16xf32>,
        %get3A_711 = vector.shape_cast %get3A_710 : vector<1x16xf32> to vector<16xf32>
        %get3A_712 = arith.constant 0 : i32
        %get3A_713 = arith.constant 0 : i32
        %get3A_714 = tpu.memref_slice %arg6[%rem3A_234, %get3A_712, %get3A_713] : memref<7x128x128xf32, #tpu.memory_space<vmem>> -> memref<1x128x128xf32, #tpu.memory_space<vmem>>
        %get3A_715 = tpu.memref_squeeze %get3A_714 : memref<1x128x128xf32, #tpu.memory_space<vmem>> -> memref<128x128xf32, #tpu.memory_space<vmem>>
        %get3A_716 = arith.index_cast %scan3A_695 : i32 to index
        %get3A_717 = arith.constant 32 : index
        %get3A_718 = tpu.vector_load %get3A_715[%get3A_716, %get3A_717] {strides = array<i32>} : memref<128x128xf32, #tpu.memory_space<vmem>>, vector<1x16xf32>,
        %get3A_719 = vector.shape_cast %get3A_718 : vector<1x16xf32> to vector<16xf32>
        %get3A_720 = arith.constant 0 : i32
        %get3A_721 = arith.constant 0 : i32
        %get3A_722 = tpu.memref_slice %arg6[%rem3A_234, %get3A_720, %get3A_721] : memref<7x128x128xf32, #tpu.memory_space<vmem>> -> memref<1x128x128xf32, #tpu.memory_space<vmem>>
        %get3A_723 = tpu.memref_squeeze %get3A_722 : memref<1x128x128xf32, #tpu.memory_space<vmem>> -> memref<128x128xf32, #tpu.memory_space<vmem>>
        %get3A_724 = arith.index_cast %scan3A_695 : i32 to index
        %get3A_725 = arith.constant 48 : index
        %get3A_726 = tpu.vector_load %get3A_723[%get3A_724, %get3A_725] {strides = array<i32>} : memref<128x128xf32, #tpu.memory_space<vmem>>, vector<1x16xf32>,
        %get3A_727 = vector.shape_cast %get3A_726 : vector<1x16xf32> to vector<16xf32>
        %get3A_728 = arith.constant 0 : i32
        %get3A_729 = arith.constant 0 : i32
        %get3A_730 = tpu.memref_slice %arg6[%rem3A_234, %get3A_728, %get3A_729] : memref<7x128x128xf32, #tpu.memory_space<vmem>> -> memref<1x128x128xf32, #tpu.memory_space<vmem>>
        %get3A_731 = tpu.memref_squeeze %get3A_730 : memref<1x128x128xf32, #tpu.memory_space<vmem>> -> memref<128x128xf32, #tpu.memory_space<vmem>>
        %get3A_732 = arith.index_cast %scan3A_695 : i32 to index
        %get3A_733 = arith.constant 64 : index
        %get3A_734 = tpu.vector_load %get3A_731[%get3A_732, %get3A_733] {strides = array<i32>} : memref<128x128xf32, #tpu.memory_space<vmem>>, vector<1x16xf32>,
        %get3A_735 = vector.shape_cast %get3A_734 : vector<1x16xf32> to vector<16xf32>
        %get3A_736 = arith.constant 0 : i32
        %get3A_737 = arith.constant 0 : i32
        %get3A_738 = tpu.memref_slice %arg6[%rem3A_234, %get3A_736, %get3A_737] : memref<7x128x128xf32, #tpu.memory_space<vmem>> -> memref<1x128x128xf32, #tpu.memory_space<vmem>>
        %get3A_739 = tpu.memref_squeeze %get3A_738 : memref<1x128x128xf32, #tpu.memory_space<vmem>> -> memref<128x128xf32, #tpu.memory_space<vmem>>
        %get3A_740 = arith.index_cast %scan3A_695 : i32 to index
        %get3A_741 = arith.constant 80 : index
        %get3A_742 = tpu.vector_load %get3A_739[%get3A_740, %get3A_741] {strides = array<i32>} : memref<128x128xf32, #tpu.memory_space<vmem>>, vector<1x16xf32>,
        %get3A_743 = vector.shape_cast %get3A_742 : vector<1x16xf32> to vector<16xf32>
        %get3A_744 = arith.constant 0 : i32
        %get3A_745 = arith.constant 0 : i32
        %get3A_746 = tpu.memref_slice %arg6[%rem3A_234, %get3A_744, %get3A_745] : memref<7x128x128xf32, #tpu.memory_space<vmem>> -> memref<1x128x128xf32, #tpu.memory_space<vmem>>
        %get3A_747 = tpu.memref_squeeze %get3A_746 : memref<1x128x128xf32, #tpu.memory_space<vmem>> -> memref<128x128xf32, #tpu.memory_space<vmem>>
        %get3A_748 = arith.index_cast %scan3A_695 : i32 to index
        %get3A_749 = arith.constant 96 : index
        %get3A_750 = tpu.vector_load %get3A_747[%get3A_748, %get3A_749] {strides = array<i32>} : memref<128x128xf32, #tpu.memory_space<vmem>>, vector<1x16xf32>,
        %get3A_751 = vector.shape_cast %get3A_750 : vector<1x16xf32> to vector<16xf32>
        %get3A_752 = arith.constant 0 : i32
        %get3A_753 = arith.constant 0 : i32
        %get3A_754 = tpu.memref_slice %arg6[%rem3A_234, %get3A_752, %get3A_753] : memref<7x128x128xf32, #tpu.memory_space<vmem>> -> memref<1x128x128xf32, #tpu.memory_space<vmem>>
        %get3A_755 = tpu.memref_squeeze %get3A_754 : memref<1x128x128xf32, #tpu.memory_space<vmem>> -> memref<128x128xf32, #tpu.memory_space<vmem>>
        %get3A_756 = arith.index_cast %scan3A_695 : i32 to index
        %get3A_757 = arith.constant 112 : index
        %get3A_758 = tpu.vector_load %get3A_755[%get3A_756, %get3A_757] {strides = array<i32>} : memref<128x128xf32, #tpu.memory_space<vmem>>, vector<1x16xf32>,
        %get3A_759 = vector.shape_cast %get3A_758 : vector<1x16xf32> to vector<16xf32>
        %abs3A_760 = math.absf %get3A_703 : vector<16xf32>
        %abs3A_761 = math.absf %get3A_711 : vector<16xf32>
        %abs3A_762 = math.absf %get3A_719 : vector<16xf32>
        %abs3A_763 = math.absf %get3A_727 : vector<16xf32>
        %abs3A_764 = math.absf %get3A_735 : vector<16xf32>
        %abs3A_765 = math.absf %get3A_743 : vector<16xf32>
        %abs3A_766 = math.absf %get3A_751 : vector<16xf32>
        %abs3A_767 = math.absf %get3A_759 : vector<16xf32>
        %add3A_768 = arith.addf %abs3A_760, %abs3A_761 : vector<16xf32>
        %add3A_769 = arith.addf %abs3A_762, %abs3A_763 : vector<16xf32>
        %add3A_770 = arith.addf %abs3A_764, %abs3A_765 : vector<16xf32>
        %add3A_771 = arith.addf %abs3A_766, %abs3A_767 : vector<16xf32>
        %add3A_772 = arith.addf %add3A_768, %add3A_769 : vector<16xf32>
        %add3A_773 = arith.addf %add3A_770, %add3A_771 : vector<16xf32>
        %add3A_774 = arith.addf %add3A_772, %add3A_773 : vector<16xf32>
        %lt3A_775 = arith.constant 0 : i32
        %lt3A_776 = vector.broadcast %lt3A_775 : i32 to vector<16xi32>
        %lt3A_777 = arith.cmpi slt, %xor3A_93, %lt3A_776 : vector<16xi32>
        %add3A_778 = arith.constant 16 : i32
        %add3A_779 = vector.broadcast %add3A_778 : i32 to vector<16xi32>
        %add3A_780 = arith.addi %xor3A_93, %add3A_779 : vector<16xi32>
        %select_n3A_781 = arith.select %lt3A_777, %add3A_780, %xor3A_93 : vector<16xi1>, vector<16xi32>
        %broadcast_in_dim3A_782 = vector.shape_cast %select_n3A_781 : vector<16xi32> to vector<16x1xi32>
        %gather3A_783 = vector.shape_cast %broadcast_in_dim3A_782 : vector<16x1xi32> to vector<16xi32>
        %gather3A_784 = tpu.dynamic_gather %add3A_774[%gather3A_783] in [0] : vector<16xf32>, vector<16xi32> -> vector<16xf32>
        %add3A_785 = arith.addf %add3A_774, %gather3A_784 : vector<16xf32>
        %lt3A_786 = arith.constant 0 : i32
        %lt3A_787 = vector.broadcast %lt3A_786 : i32 to vector<16xi32>
        %lt3A_788 = arith.cmpi slt, %xor3A_96, %lt3A_787 : vector<16xi32>
        %add3A_789 = arith.constant 16 : i32
        %add3A_790 = vector.broadcast %add3A_789 : i32 to vector<16xi32>
        %add3A_791 = arith.addi %xor3A_96, %add3A_790 : vector<16xi32>
        %select_n3A_792 = arith.select %lt3A_788, %add3A_791, %xor3A_96 : vector<16xi1>, vector<16xi32>
        %broadcast_in_dim3A_793 = vector.shape_cast %select_n3A_792 : vector<16xi32> to vector<16x1xi32>
        %gather3A_794 = vector.shape_cast %broadcast_in_dim3A_793 : vector<16x1xi32> to vector<16xi32>
        %gather3A_795 = tpu.dynamic_gather %add3A_785[%gather3A_794] in [0] : vector<16xf32>, vector<16xi32> -> vector<16xf32>
        %add3A_796 = arith.addf %add3A_785, %gather3A_795 : vector<16xf32>
        %lt3A_797 = arith.constant 0 : i32
        %lt3A_798 = vector.broadcast %lt3A_797 : i32 to vector<16xi32>
        %lt3A_799 = arith.cmpi slt, %xor3A_99, %lt3A_798 : vector<16xi32>
        %add3A_800 = arith.constant 16 : i32
        %add3A_801 = vector.broadcast %add3A_800 : i32 to vector<16xi32>
        %add3A_802 = arith.addi %xor3A_99, %add3A_801 : vector<16xi32>
        %select_n3A_803 = arith.select %lt3A_799, %add3A_802, %xor3A_99 : vector<16xi1>, vector<16xi32>
        %broadcast_in_dim3A_804 = vector.shape_cast %select_n3A_803 : vector<16xi32> to vector<16x1xi32>
        %gather3A_805 = vector.shape_cast %broadcast_in_dim3A_804 : vector<16x1xi32> to vector<16xi32>
        %gather3A_806 = tpu.dynamic_gather %add3A_796[%gather3A_805] in [0] : vector<16xf32>, vector<16xi32> -> vector<16xf32>
        %add3A_807 = arith.addf %add3A_796, %gather3A_806 : vector<16xf32>
        %lt3A_808 = arith.constant 0 : i32
        %lt3A_809 = vector.broadcast %lt3A_808 : i32 to vector<16xi32>
        %lt3A_810 = arith.cmpi slt, %xor3A_102, %lt3A_809 : vector<16xi32>
        %add3A_811 = arith.constant 16 : i32
        %add3A_812 = vector.broadcast %add3A_811 : i32 to vector<16xi32>
        %add3A_813 = arith.addi %xor3A_102, %add3A_812 : vector<16xi32>
        %select_n3A_814 = arith.select %lt3A_810, %add3A_813, %xor3A_102 : vector<16xi1>, vector<16xi32>
        %broadcast_in_dim3A_815 = vector.shape_cast %select_n3A_814 : vector<16xi32> to vector<16x1xi32>
        %gather3A_816 = vector.shape_cast %broadcast_in_dim3A_815 : vector<16x1xi32> to vector<16xi32>
        %gather3A_817 = tpu.dynamic_gather %add3A_807[%gather3A_816] in [0] : vector<16xf32>, vector<16xi32> -> vector<16xf32>
        %add3A_818 = arith.addf %add3A_807, %gather3A_817 : vector<16xf32>
        %add3A_819 = arith.constant 1.000000e-07 : f32
        %add3A_820 = vector.broadcast %add3A_819 : f32 to vector<16xf32>
        %add3A_821 = arith.addf %add3A_818, %add3A_820 : vector<16xf32>
        %div3A_822 = arith.constant 1.000000e+00 : f32
        %div3A_823 = vector.broadcast %div3A_822 : f32 to vector<16xf32>
        %div3A_824 = arith.divf %div3A_823, %add3A_821 : vector<16xf32>
        %min3A_825 = arith.constant 1.000000e+00 : f32
        %min3A_826 = vector.broadcast %min3A_825 : f32 to vector<16xf32>
        %min3A_827 = arith.minimumf %div3A_824, %min3A_826 : vector<16xf32>
        %mul3A_828 = arith.mulf %get3A_703, %min3A_827 : vector<16xf32>
        %swap3A_829 = arith.constant 0 : i32
        %swap3A_830 = arith.constant 0 : i32
        %swap3A_831 = tpu.memref_slice %arg6[%rem3A_234, %swap3A_829, %swap3A_830] : memref<7x128x128xf32, #tpu.memory_space<vmem>> -> memref<1x128x128xf32, #tpu.memory_space<vmem>>
        %swap3A_832 = tpu.memref_squeeze %swap3A_831 : memref<1x128x128xf32, #tpu.memory_space<vmem>> -> memref<128x128xf32, #tpu.memory_space<vmem>>
        %swap3A_833 = arith.index_cast %scan3A_695 : i32 to index
        %swap3A_834 = arith.constant 0 : index
        %swap3A_835 = tpu.vector_load %swap3A_832[%swap3A_833, %swap3A_834] {strides = array<i32>} : memref<128x128xf32, #tpu.memory_space<vmem>>, vector<1x16xf32>,
        %swap3A_836 = vector.shape_cast %swap3A_835 : vector<1x16xf32> to vector<16xf32>
        %swap3A_837 = vector.shape_cast %mul3A_828 : vector<16xf32> to vector<1x16xf32>
        tpu.vector_store %swap3A_832[%swap3A_833, %swap3A_834], %swap3A_837 {strides = array<i32>} : memref<128x128xf32, #tpu.memory_space<vmem>>, vector<1x16xf32>,
        %mul3A_838 = arith.mulf %get3A_711, %min3A_827 : vector<16xf32>
        %swap3A_839 = arith.constant 0 : i32
        %swap3A_840 = arith.constant 0 : i32
        %swap3A_841 = tpu.memref_slice %arg6[%rem3A_234, %swap3A_839, %swap3A_840] : memref<7x128x128xf32, #tpu.memory_space<vmem>> -> memref<1x128x128xf32, #tpu.memory_space<vmem>>
        %swap3A_842 = tpu.memref_squeeze %swap3A_841 : memref<1x128x128xf32, #tpu.memory_space<vmem>> -> memref<128x128xf32, #tpu.memory_space<vmem>>
        %swap3A_843 = arith.index_cast %scan3A_695 : i32 to index
        %swap3A_844 = arith.constant 16 : index
        %swap3A_845 = tpu.vector_load %swap3A_842[%swap3A_843, %swap3A_844] {strides = array<i32>} : memref<128x128xf32, #tpu.memory_space<vmem>>, vector<1x16xf32>,
        %swap3A_846 = vector.shape_cast %swap3A_845 : vector<1x16xf32> to vector<16xf32>
        %swap3A_847 = vector.shape_cast %mul3A_838 : vector<16xf32> to vector<1x16xf32>
        tpu.vector_store %swap3A_842[%swap3A_843, %swap3A_844], %swap3A_847 {strides = array<i32>} : memref<128x128xf32, #tpu.memory_space<vmem>>, vector<1x16xf32>,
        %mul3A_848 = arith.mulf %get3A_719, %min3A_827 : vector<16xf32>
        %swap3A_849 = arith.constant 0 : i32
        %swap3A_850 = arith.constant 0 : i32
        %swap3A_851 = tpu.memref_slice %arg6[%rem3A_234, %swap3A_849, %swap3A_850] : memref<7x128x128xf32, #tpu.memory_space<vmem>> -> memref<1x128x128xf32, #tpu.memory_space<vmem>>
        %swap3A_852 = tpu.memref_squeeze %swap3A_851 : memref<1x128x128xf32, #tpu.memory_space<vmem>> -> memref<128x128xf32, #tpu.memory_space<vmem>>
        %swap3A_853 = arith.index_cast %scan3A_695 : i32 to index
        %swap3A_854 = arith.constant 32 : index
        %swap3A_855 = tpu.vector_load %swap3A_852[%swap3A_853, %swap3A_854] {strides = array<i32>} : memref<128x128xf32, #tpu.memory_space<vmem>>, vector<1x16xf32>,
        %swap3A_856 = vector.shape_cast %swap3A_855 : vector<1x16xf32> to vector<16xf32>
        %swap3A_857 = vector.shape_cast %mul3A_848 : vector<16xf32> to vector<1x16xf32>
        tpu.vector_store %swap3A_852[%swap3A_853, %swap3A_854], %swap3A_857 {strides = array<i32>} : memref<128x128xf32, #tpu.memory_space<vmem>>, vector<1x16xf32>,
        %mul3A_858 = arith.mulf %get3A_727, %min3A_827 : vector<16xf32>
        %swap3A_859 = arith.constant 0 : i32
        %swap3A_860 = arith.constant 0 : i32
        %swap3A_861 = tpu.memref_slice %arg6[%rem3A_234, %swap3A_859, %swap3A_860] : memref<7x128x128xf32, #tpu.memory_space<vmem>> -> memref<1x128x128xf32, #tpu.memory_space<vmem>>
        %swap3A_862 = tpu.memref_squeeze %swap3A_861 : memref<1x128x128xf32, #tpu.memory_space<vmem>> -> memref<128x128xf32, #tpu.memory_space<vmem>>
        %swap3A_863 = arith.index_cast %scan3A_695 : i32 to index
        %swap3A_864 = arith.constant 48 : index
        %swap3A_865 = tpu.vector_load %swap3A_862[%swap3A_863, %swap3A_864] {strides = array<i32>} : memref<128x128xf32, #tpu.memory_space<vmem>>, vector<1x16xf32>,
        %swap3A_866 = vector.shape_cast %swap3A_865 : vector<1x16xf32> to vector<16xf32>
        %swap3A_867 = vector.shape_cast %mul3A_858 : vector<16xf32> to vector<1x16xf32>
        tpu.vector_store %swap3A_862[%swap3A_863, %swap3A_864], %swap3A_867 {strides = array<i32>} : memref<128x128xf32, #tpu.memory_space<vmem>>, vector<1x16xf32>,
        %mul3A_868 = arith.mulf %get3A_735, %min3A_827 : vector<16xf32>
        %swap3A_869 = arith.constant 0 : i32
        %swap3A_870 = arith.constant 0 : i32
        %swap3A_871 = tpu.memref_slice %arg6[%rem3A_234, %swap3A_869, %swap3A_870] : memref<7x128x128xf32, #tpu.memory_space<vmem>> -> memref<1x128x128xf32, #tpu.memory_space<vmem>>
        %swap3A_872 = tpu.memref_squeeze %swap3A_871 : memref<1x128x128xf32, #tpu.memory_space<vmem>> -> memref<128x128xf32, #tpu.memory_space<vmem>>
        %swap3A_873 = arith.index_cast %scan3A_695 : i32 to index
        %swap3A_874 = arith.constant 64 : index
        %swap3A_875 = tpu.vector_load %swap3A_872[%swap3A_873, %swap3A_874] {strides = array<i32>} : memref<128x128xf32, #tpu.memory_space<vmem>>, vector<1x16xf32>,
        %swap3A_876 = vector.shape_cast %swap3A_875 : vector<1x16xf32> to vector<16xf32>
        %swap3A_877 = vector.shape_cast %mul3A_868 : vector<16xf32> to vector<1x16xf32>
        tpu.vector_store %swap3A_872[%swap3A_873, %swap3A_874], %swap3A_877 {strides = array<i32>} : memref<128x128xf32, #tpu.memory_space<vmem>>, vector<1x16xf32>,
        %mul3A_878 = arith.mulf %get3A_743, %min3A_827 : vector<16xf32>
        %swap3A_879 = arith.constant 0 : i32
        %swap3A_880 = arith.constant 0 : i32
        %swap3A_881 = tpu.memref_slice %arg6[%rem3A_234, %swap3A_879, %swap3A_880] : memref<7x128x128xf32, #tpu.memory_space<vmem>> -> memref<1x128x128xf32, #tpu.memory_space<vmem>>
        %swap3A_882 = tpu.memref_squeeze %swap3A_881 : memref<1x128x128xf32, #tpu.memory_space<vmem>> -> memref<128x128xf32, #tpu.memory_space<vmem>>
        %swap3A_883 = arith.index_cast %scan3A_695 : i32 to index
        %swap3A_884 = arith.constant 80 : index
        %swap3A_885 = tpu.vector_load %swap3A_882[%swap3A_883, %swap3A_884] {strides = array<i32>} : memref<128x128xf32, #tpu.memory_space<vmem>>, vector<1x16xf32>,
        %swap3A_886 = vector.shape_cast %swap3A_885 : vector<1x16xf32> to vector<16xf32>
        %swap3A_887 = vector.shape_cast %mul3A_878 : vector<16xf32> to vector<1x16xf32>
        tpu.vector_store %swap3A_882[%swap3A_883, %swap3A_884], %swap3A_887 {strides = array<i32>} : memref<128x128xf32, #tpu.memory_space<vmem>>, vector<1x16xf32>,
        %mul3A_888 = arith.mulf %get3A_751, %min3A_827 : vector<16xf32>
        %swap3A_889 = arith.constant 0 : i32
        %swap3A_890 = arith.constant 0 : i32
        %swap3A_891 = tpu.memref_slice %arg6[%rem3A_234, %swap3A_889, %swap3A_890] : memref<7x128x128xf32, #tpu.memory_space<vmem>> -> memref<1x128x128xf32, #tpu.memory_space<vmem>>
        %swap3A_892 = tpu.memref_squeeze %swap3A_891 : memref<1x128x128xf32, #tpu.memory_space<vmem>> -> memref<128x128xf32, #tpu.memory_space<vmem>>
        %swap3A_893 = arith.index_cast %scan3A_695 : i32 to index
        %swap3A_894 = arith.constant 96 : index
        %swap3A_895 = tpu.vector_load %swap3A_892[%swap3A_893, %swap3A_894] {strides = array<i32>} : memref<128x128xf32, #tpu.memory_space<vmem>>, vector<1x16xf32>,
        %swap3A_896 = vector.shape_cast %swap3A_895 : vector<1x16xf32> to vector<16xf32>
        %swap3A_897 = vector.shape_cast %mul3A_888 : vector<16xf32> to vector<1x16xf32>
        tpu.vector_store %swap3A_892[%swap3A_893, %swap3A_894], %swap3A_897 {strides = array<i32>} : memref<128x128xf32, #tpu.memory_space<vmem>>, vector<1x16xf32>,
        %mul3A_898 = arith.mulf %get3A_759, %min3A_827 : vector<16xf32>
        %swap3A_899 = arith.constant 0 : i32
        %swap3A_900 = arith.constant 0 : i32
        %swap3A_901 = tpu.memref_slice %arg6[%rem3A_234, %swap3A_899, %swap3A_900] : memref<7x128x128xf32, #tpu.memory_space<vmem>> -> memref<1x128x128xf32, #tpu.memory_space<vmem>>
        %swap3A_902 = tpu.memref_squeeze %swap3A_901 : memref<1x128x128xf32, #tpu.memory_space<vmem>> -> memref<128x128xf32, #tpu.memory_space<vmem>>
        %swap3A_903 = arith.index_cast %scan3A_695 : i32 to index
        %swap3A_904 = arith.constant 112 : index
        %swap3A_905 = tpu.vector_load %swap3A_902[%swap3A_903, %swap3A_904] {strides = array<i32>} : memref<128x128xf32, #tpu.memory_space<vmem>>, vector<1x16xf32>,
        %swap3A_906 = vector.shape_cast %swap3A_905 : vector<1x16xf32> to vector<16xf32>
        %swap3A_907 = vector.shape_cast %mul3A_898 : vector<16xf32> to vector<1x16xf32>
        tpu.vector_store %swap3A_902[%swap3A_903, %swap3A_904], %swap3A_907 {strides = array<i32>} : memref<128x128xf32, #tpu.memory_space<vmem>>, vector<1x16xf32>,
        %scan3A_908 = arith.constant 3 : i32
        %scan3A_909 = arith.addi %scan3A_275, %scan3A_908 : i32
        %get3A_910 = arith.constant 0 : i32
        %get3A_911 = arith.constant 0 : i32
        %get3A_912 = tpu.memref_slice %arg6[%rem3A_234, %get3A_910, %get3A_911] : memref<7x128x128xf32, #tpu.memory_space<vmem>> -> memref<1x128x128xf32, #tpu.memory_space<vmem>>
        %get3A_913 = tpu.memref_squeeze %get3A_912 : memref<1x128x128xf32, #tpu.memory_space<vmem>> -> memref<128x128xf32, #tpu.memory_space<vmem>>
        %get3A_914 = arith.index_cast %scan3A_909 : i32 to index
        %get3A_915 = arith.constant 0 : index
        %get3A_916 = tpu.vector_load %get3A_913[%get3A_914, %get3A_915] {strides = array<i32>} : memref<128x128xf32, #tpu.memory_space<vmem>>, vector<1x16xf32>,
        %get3A_917 = vector.shape_cast %get3A_916 : vector<1x16xf32> to vector<16xf32>
        %get3A_918 = arith.constant 0 : i32
        %get3A_919 = arith.constant 0 : i32
        %get3A_920 = tpu.memref_slice %arg6[%rem3A_234, %get3A_918, %get3A_919] : memref<7x128x128xf32, #tpu.memory_space<vmem>> -> memref<1x128x128xf32, #tpu.memory_space<vmem>>
        %get3A_921 = tpu.memref_squeeze %get3A_920 : memref<1x128x128xf32, #tpu.memory_space<vmem>> -> memref<128x128xf32, #tpu.memory_space<vmem>>
        %get3A_922 = arith.index_cast %scan3A_909 : i32 to index
        %get3A_923 = arith.constant 16 : index
        %get3A_924 = tpu.vector_load %get3A_921[%get3A_922, %get3A_923] {strides = array<i32>} : memref<128x128xf32, #tpu.memory_space<vmem>>, vector<1x16xf32>,
        %get3A_925 = vector.shape_cast %get3A_924 : vector<1x16xf32> to vector<16xf32>
        %get3A_926 = arith.constant 0 : i32
        %get3A_927 = arith.constant 0 : i32
        %get3A_928 = tpu.memref_slice %arg6[%rem3A_234, %get3A_926, %get3A_927] : memref<7x128x128xf32, #tpu.memory_space<vmem>> -> memref<1x128x128xf32, #tpu.memory_space<vmem>>
        %get3A_929 = tpu.memref_squeeze %get3A_928 : memref<1x128x128xf32, #tpu.memory_space<vmem>> -> memref<128x128xf32, #tpu.memory_space<vmem>>
        %get3A_930 = arith.index_cast %scan3A_909 : i32 to index
        %get3A_931 = arith.constant 32 : index
        %get3A_932 = tpu.vector_load %get3A_929[%get3A_930, %get3A_931] {strides = array<i32>} : memref<128x128xf32, #tpu.memory_space<vmem>>, vector<1x16xf32>,
        %get3A_933 = vector.shape_cast %get3A_932 : vector<1x16xf32> to vector<16xf32>
        %get3A_934 = arith.constant 0 : i32
        %get3A_935 = arith.constant 0 : i32
        %get3A_936 = tpu.memref_slice %arg6[%rem3A_234, %get3A_934, %get3A_935] : memref<7x128x128xf32, #tpu.memory_space<vmem>> -> memref<1x128x128xf32, #tpu.memory_space<vmem>>
        %get3A_937 = tpu.memref_squeeze %get3A_936 : memref<1x128x128xf32, #tpu.memory_space<vmem>> -> memref<128x128xf32, #tpu.memory_space<vmem>>
        %get3A_938 = arith.index_cast %scan3A_909 : i32 to index
        %get3A_939 = arith.constant 48 : index
        %get3A_940 = tpu.vector_load %get3A_937[%get3A_938, %get3A_939] {strides = array<i32>} : memref<128x128xf32, #tpu.memory_space<vmem>>, vector<1x16xf32>,
        %get3A_941 = vector.shape_cast %get3A_940 : vector<1x16xf32> to vector<16xf32>
        %get3A_942 = arith.constant 0 : i32
        %get3A_943 = arith.constant 0 : i32
        %get3A_944 = tpu.memref_slice %arg6[%rem3A_234, %get3A_942, %get3A_943] : memref<7x128x128xf32, #tpu.memory_space<vmem>> -> memref<1x128x128xf32, #tpu.memory_space<vmem>>
        %get3A_945 = tpu.memref_squeeze %get3A_944 : memref<1x128x128xf32, #tpu.memory_space<vmem>> -> memref<128x128xf32, #tpu.memory_space<vmem>>
        %get3A_946 = arith.index_cast %scan3A_909 : i32 to index
        %get3A_947 = arith.constant 64 : index
        %get3A_948 = tpu.vector_load %get3A_945[%get3A_946, %get3A_947] {strides = array<i32>} : memref<128x128xf32, #tpu.memory_space<vmem>>, vector<1x16xf32>,
        %get3A_949 = vector.shape_cast %get3A_948 : vector<1x16xf32> to vector<16xf32>
        %get3A_950 = arith.constant 0 : i32
        %get3A_951 = arith.constant 0 : i32
        %get3A_952 = tpu.memref_slice %arg6[%rem3A_234, %get3A_950, %get3A_951] : memref<7x128x128xf32, #tpu.memory_space<vmem>> -> memref<1x128x128xf32, #tpu.memory_space<vmem>>
        %get3A_953 = tpu.memref_squeeze %get3A_952 : memref<1x128x128xf32, #tpu.memory_space<vmem>> -> memref<128x128xf32, #tpu.memory_space<vmem>>
        %get3A_954 = arith.index_cast %scan3A_909 : i32 to index
        %get3A_955 = arith.constant 80 : index
        %get3A_956 = tpu.vector_load %get3A_953[%get3A_954, %get3A_955] {strides = array<i32>} : memref<128x128xf32, #tpu.memory_space<vmem>>, vector<1x16xf32>,
        %get3A_957 = vector.shape_cast %get3A_956 : vector<1x16xf32> to vector<16xf32>
        %get3A_958 = arith.constant 0 : i32
        %get3A_959 = arith.constant 0 : i32
        %get3A_960 = tpu.memref_slice %arg6[%rem3A_234, %get3A_958, %get3A_959] : memref<7x128x128xf32, #tpu.memory_space<vmem>> -> memref<1x128x128xf32, #tpu.memory_space<vmem>>
        %get3A_961 = tpu.memref_squeeze %get3A_960 : memref<1x128x128xf32, #tpu.memory_space<vmem>> -> memref<128x128xf32, #tpu.memory_space<vmem>>
        %get3A_962 = arith.index_cast %scan3A_909 : i32 to index
        %get3A_963 = arith.constant 96 : index
        %get3A_964 = tpu.vector_load %get3A_961[%get3A_962, %get3A_963] {strides = array<i32>} : memref<128x128xf32, #tpu.memory_space<vmem>>, vector<1x16xf32>,
        %get3A_965 = vector.shape_cast %get3A_964 : vector<1x16xf32> to vector<16xf32>
        %get3A_966 = arith.constant 0 : i32
        %get3A_967 = arith.constant 0 : i32
        %get3A_968 = tpu.memref_slice %arg6[%rem3A_234, %get3A_966, %get3A_967] : memref<7x128x128xf32, #tpu.memory_space<vmem>> -> memref<1x128x128xf32, #tpu.memory_space<vmem>>
        %get3A_969 = tpu.memref_squeeze %get3A_968 : memref<1x128x128xf32, #tpu.memory_space<vmem>> -> memref<128x128xf32, #tpu.memory_space<vmem>>
        %get3A_970 = arith.index_cast %scan3A_909 : i32 to index
        %get3A_971 = arith.constant 112 : index
        %get3A_972 = tpu.vector_load %get3A_969[%get3A_970, %get3A_971] {strides = array<i32>} : memref<128x128xf32, #tpu.memory_space<vmem>>, vector<1x16xf32>,
        %get3A_973 = vector.shape_cast %get3A_972 : vector<1x16xf32> to vector<16xf32>
        %abs3A_974 = math.absf %get3A_917 : vector<16xf32>
        %abs3A_975 = math.absf %get3A_925 : vector<16xf32>
        %abs3A_976 = math.absf %get3A_933 : vector<16xf32>
        %abs3A_977 = math.absf %get3A_941 : vector<16xf32>
        %abs3A_978 = math.absf %get3A_949 : vector<16xf32>
        %abs3A_979 = math.absf %get3A_957 : vector<16xf32>
        %abs3A_980 = math.absf %get3A_965 : vector<16xf32>
        %abs3A_981 = math.absf %get3A_973 : vector<16xf32>
        %add3A_982 = arith.addf %abs3A_974, %abs3A_975 : vector<16xf32>
        %add3A_983 = arith.addf %abs3A_976, %abs3A_977 : vector<16xf32>
        %add3A_984 = arith.addf %abs3A_978, %abs3A_979 : vector<16xf32>
        %add3A_985 = arith.addf %abs3A_980, %abs3A_981 : vector<16xf32>
        %add3A_986 = arith.addf %add3A_982, %add3A_983 : vector<16xf32>
        %add3A_987 = arith.addf %add3A_984, %add3A_985 : vector<16xf32>
        %add3A_988 = arith.addf %add3A_986, %add3A_987 : vector<16xf32>
        %lt3A_989 = arith.constant 0 : i32
        %lt3A_990 = vector.broadcast %lt3A_989 : i32 to vector<16xi32>
        %lt3A_991 = arith.cmpi slt, %xor3A_93, %lt3A_990 : vector<16xi32>
        %add3A_992 = arith.constant 16 : i32
        %add3A_993 = vector.broadcast %add3A_992 : i32 to vector<16xi32>
        %add3A_994 = arith.addi %xor3A_93, %add3A_993 : vector<16xi32>
        %select_n3A_995 = arith.select %lt3A_991, %add3A_994, %xor3A_93 : vector<16xi1>, vector<16xi32>
        %broadcast_in_dim3A_996 = vector.shape_cast %select_n3A_995 : vector<16xi32> to vector<16x1xi32>
        %gather3A_997 = vector.shape_cast %broadcast_in_dim3A_996 : vector<16x1xi32> to vector<16xi32>
        %gather3A_998 = tpu.dynamic_gather %add3A_988[%gather3A_997] in [0] : vector<16xf32>, vector<16xi32> -> vector<16xf32>
        %add3A_999 = arith.addf %add3A_988, %gather3A_998 : vector<16xf32>
        %lt3A_1000 = arith.constant 0 : i32
        %lt3A_1001 = vector.broadcast %lt3A_1000 : i32 to vector<16xi32>
        %lt3A_1002 = arith.cmpi slt, %xor3A_96, %lt3A_1001 : vector<16xi32>
        %add3A_1003 = arith.constant 16 : i32
        %add3A_1004 = vector.broadcast %add3A_1003 : i32 to vector<16xi32>
        %add3A_1005 = arith.addi %xor3A_96, %add3A_1004 : vector<16xi32>
        %select_n3A_1006 = arith.select %lt3A_1002, %add3A_1005, %xor3A_96 : vector<16xi1>, vector<16xi32>
        %broadcast_in_dim3A_1007 = vector.shape_cast %select_n3A_1006 : vector<16xi32> to vector<16x1xi32>
        %gather3A_1008 = vector.shape_cast %broadcast_in_dim3A_1007 : vector<16x1xi32> to vector<16xi32>
        %gather3A_1009 = tpu.dynamic_gather %add3A_999[%gather3A_1008] in [0] : vector<16xf32>, vector<16xi32> -> vector<16xf32>
        %add3A_1010 = arith.addf %add3A_999, %gather3A_1009 : vector<16xf32>
        %lt3A_1011 = arith.constant 0 : i32
        %lt3A_1012 = vector.broadcast %lt3A_1011 : i32 to vector<16xi32>
        %lt3A_1013 = arith.cmpi slt, %xor3A_99, %lt3A_1012 : vector<16xi32>
        %add3A_1014 = arith.constant 16 : i32
        %add3A_1015 = vector.broadcast %add3A_1014 : i32 to vector<16xi32>
        %add3A_1016 = arith.addi %xor3A_99, %add3A_1015 : vector<16xi32>
        %select_n3A_1017 = arith.select %lt3A_1013, %add3A_1016, %xor3A_99 : vector<16xi1>, vector<16xi32>
        %broadcast_in_dim3A_1018 = vector.shape_cast %select_n3A_1017 : vector<16xi32> to vector<16x1xi32>
        %gather3A_1019 = vector.shape_cast %broadcast_in_dim3A_1018 : vector<16x1xi32> to vector<16xi32>
        %gather3A_1020 = tpu.dynamic_gather %add3A_1010[%gather3A_1019] in [0] : vector<16xf32>, vector<16xi32> -> vector<16xf32>
        %add3A_1021 = arith.addf %add3A_1010, %gather3A_1020 : vector<16xf32>
        %lt3A_1022 = arith.constant 0 : i32
        %lt3A_1023 = vector.broadcast %lt3A_1022 : i32 to vector<16xi32>
        %lt3A_1024 = arith.cmpi slt, %xor3A_102, %lt3A_1023 : vector<16xi32>
        %add3A_1025 = arith.constant 16 : i32
        %add3A_1026 = vector.broadcast %add3A_1025 : i32 to vector<16xi32>
        %add3A_1027 = arith.addi %xor3A_102, %add3A_1026 : vector<16xi32>
        %select_n3A_1028 = arith.select %lt3A_1024, %add3A_1027, %xor3A_102 : vector<16xi1>, vector<16xi32>
        %broadcast_in_dim3A_1029 = vector.shape_cast %select_n3A_1028 : vector<16xi32> to vector<16x1xi32>
        %gather3A_1030 = vector.shape_cast %broadcast_in_dim3A_1029 : vector<16x1xi32> to vector<16xi32>
        %gather3A_1031 = tpu.dynamic_gather %add3A_1021[%gather3A_1030] in [0] : vector<16xf32>, vector<16xi32> -> vector<16xf32>
        %add3A_1032 = arith.addf %add3A_1021, %gather3A_1031 : vector<16xf32>
        %add3A_1033 = arith.constant 1.000000e-07 : f32
        %add3A_1034 = vector.broadcast %add3A_1033 : f32 to vector<16xf32>
        %add3A_1035 = arith.addf %add3A_1032, %add3A_1034 : vector<16xf32>
        %div3A_1036 = arith.constant 1.000000e+00 : f32
        %div3A_1037 = vector.broadcast %div3A_1036 : f32 to vector<16xf32>
        %div3A_1038 = arith.divf %div3A_1037, %add3A_1035 : vector<16xf32>
        %min3A_1039 = arith.constant 1.000000e+00 : f32
        %min3A_1040 = vector.broadcast %min3A_1039 : f32 to vector<16xf32>
        %min3A_1041 = arith.minimumf %div3A_1038, %min3A_1040 : vector<16xf32>
        %mul3A_1042 = arith.mulf %get3A_917, %min3A_1041 : vector<16xf32>
        %swap3A_1043 = arith.constant 0 : i32
        %swap3A_1044 = arith.constant 0 : i32
        %swap3A_1045 = tpu.memref_slice %arg6[%rem3A_234, %swap3A_1043, %swap3A_1044] : memref<7x128x128xf32, #tpu.memory_space<vmem>> -> memref<1x128x128xf32, #tpu.memory_space<vmem>>
        %swap3A_1046 = tpu.memref_squeeze %swap3A_1045 : memref<1x128x128xf32, #tpu.memory_space<vmem>> -> memref<128x128xf32, #tpu.memory_space<vmem>>
        %swap3A_1047 = arith.index_cast %scan3A_909 : i32 to index
        %swap3A_1048 = arith.constant 0 : index
        %swap3A_1049 = tpu.vector_load %swap3A_1046[%swap3A_1047, %swap3A_1048] {strides = array<i32>} : memref<128x128xf32, #tpu.memory_space<vmem>>, vector<1x16xf32>,
        %swap3A_1050 = vector.shape_cast %swap3A_1049 : vector<1x16xf32> to vector<16xf32>
        %swap3A_1051 = vector.shape_cast %mul3A_1042 : vector<16xf32> to vector<1x16xf32>
        tpu.vector_store %swap3A_1046[%swap3A_1047, %swap3A_1048], %swap3A_1051 {strides = array<i32>} : memref<128x128xf32, #tpu.memory_space<vmem>>, vector<1x16xf32>,
        %mul3A_1052 = arith.mulf %get3A_925, %min3A_1041 : vector<16xf32>
        %swap3A_1053 = arith.constant 0 : i32
        %swap3A_1054 = arith.constant 0 : i32
        %swap3A_1055 = tpu.memref_slice %arg6[%rem3A_234, %swap3A_1053, %swap3A_1054] : memref<7x128x128xf32, #tpu.memory_space<vmem>> -> memref<1x128x128xf32, #tpu.memory_space<vmem>>
        %swap3A_1056 = tpu.memref_squeeze %swap3A_1055 : memref<1x128x128xf32, #tpu.memory_space<vmem>> -> memref<128x128xf32, #tpu.memory_space<vmem>>
        %swap3A_1057 = arith.index_cast %scan3A_909 : i32 to index
        %swap3A_1058 = arith.constant 16 : index
        %swap3A_1059 = tpu.vector_load %swap3A_1056[%swap3A_1057, %swap3A_1058] {strides = array<i32>} : memref<128x128xf32, #tpu.memory_space<vmem>>, vector<1x16xf32>,
        %swap3A_1060 = vector.shape_cast %swap3A_1059 : vector<1x16xf32> to vector<16xf32>
        %swap3A_1061 = vector.shape_cast %mul3A_1052 : vector<16xf32> to vector<1x16xf32>
        tpu.vector_store %swap3A_1056[%swap3A_1057, %swap3A_1058], %swap3A_1061 {strides = array<i32>} : memref<128x128xf32, #tpu.memory_space<vmem>>, vector<1x16xf32>,
        %mul3A_1062 = arith.mulf %get3A_933, %min3A_1041 : vector<16xf32>
        %swap3A_1063 = arith.constant 0 : i32
        %swap3A_1064 = arith.constant 0 : i32
        %swap3A_1065 = tpu.memref_slice %arg6[%rem3A_234, %swap3A_1063, %swap3A_1064] : memref<7x128x128xf32, #tpu.memory_space<vmem>> -> memref<1x128x128xf32, #tpu.memory_space<vmem>>
        %swap3A_1066 = tpu.memref_squeeze %swap3A_1065 : memref<1x128x128xf32, #tpu.memory_space<vmem>> -> memref<128x128xf32, #tpu.memory_space<vmem>>
        %swap3A_1067 = arith.index_cast %scan3A_909 : i32 to index
        %swap3A_1068 = arith.constant 32 : index
        %swap3A_1069 = tpu.vector_load %swap3A_1066[%swap3A_1067, %swap3A_1068] {strides = array<i32>} : memref<128x128xf32, #tpu.memory_space<vmem>>, vector<1x16xf32>,
        %swap3A_1070 = vector.shape_cast %swap3A_1069 : vector<1x16xf32> to vector<16xf32>
        %swap3A_1071 = vector.shape_cast %mul3A_1062 : vector<16xf32> to vector<1x16xf32>
        tpu.vector_store %swap3A_1066[%swap3A_1067, %swap3A_1068], %swap3A_1071 {strides = array<i32>} : memref<128x128xf32, #tpu.memory_space<vmem>>, vector<1x16xf32>,
        %mul3A_1072 = arith.mulf %get3A_941, %min3A_1041 : vector<16xf32>
        %swap3A_1073 = arith.constant 0 : i32
        %swap3A_1074 = arith.constant 0 : i32
        %swap3A_1075 = tpu.memref_slice %arg6[%rem3A_234, %swap3A_1073, %swap3A_1074] : memref<7x128x128xf32, #tpu.memory_space<vmem>> -> memref<1x128x128xf32, #tpu.memory_space<vmem>>
        %swap3A_1076 = tpu.memref_squeeze %swap3A_1075 : memref<1x128x128xf32, #tpu.memory_space<vmem>> -> memref<128x128xf32, #tpu.memory_space<vmem>>
        %swap3A_1077 = arith.index_cast %scan3A_909 : i32 to index
        %swap3A_1078 = arith.constant 48 : index
        %swap3A_1079 = tpu.vector_load %swap3A_1076[%swap3A_1077, %swap3A_1078] {strides = array<i32>} : memref<128x128xf32, #tpu.memory_space<vmem>>, vector<1x16xf32>,
        %swap3A_1080 = vector.shape_cast %swap3A_1079 : vector<1x16xf32> to vector<16xf32>
        %swap3A_1081 = vector.shape_cast %mul3A_1072 : vector<16xf32> to vector<1x16xf32>
        tpu.vector_store %swap3A_1076[%swap3A_1077, %swap3A_1078], %swap3A_1081 {strides = array<i32>} : memref<128x128xf32, #tpu.memory_space<vmem>>, vector<1x16xf32>,
        %mul3A_1082 = arith.mulf %get3A_949, %min3A_1041 : vector<16xf32>
        %swap3A_1083 = arith.constant 0 : i32
        %swap3A_1084 = arith.constant 0 : i32
        %swap3A_1085 = tpu.memref_slice %arg6[%rem3A_234, %swap3A_1083, %swap3A_1084] : memref<7x128x128xf32, #tpu.memory_space<vmem>> -> memref<1x128x128xf32, #tpu.memory_space<vmem>>
        %swap3A_1086 = tpu.memref_squeeze %swap3A_1085 : memref<1x128x128xf32, #tpu.memory_space<vmem>> -> memref<128x128xf32, #tpu.memory_space<vmem>>
        %swap3A_1087 = arith.index_cast %scan3A_909 : i32 to index
        %swap3A_1088 = arith.constant 64 : index
        %swap3A_1089 = tpu.vector_load %swap3A_1086[%swap3A_1087, %swap3A_1088] {strides = array<i32>} : memref<128x128xf32, #tpu.memory_space<vmem>>, vector<1x16xf32>,
        %swap3A_1090 = vector.shape_cast %swap3A_1089 : vector<1x16xf32> to vector<16xf32>
        %swap3A_1091 = vector.shape_cast %mul3A_1082 : vector<16xf32> to vector<1x16xf32>
        tpu.vector_store %swap3A_1086[%swap3A_1087, %swap3A_1088], %swap3A_1091 {strides = array<i32>} : memref<128x128xf32, #tpu.memory_space<vmem>>, vector<1x16xf32>,
        %mul3A_1092 = arith.mulf %get3A_957, %min3A_1041 : vector<16xf32>
        %swap3A_1093 = arith.constant 0 : i32
        %swap3A_1094 = arith.constant 0 : i32
        %swap3A_1095 = tpu.memref_slice %arg6[%rem3A_234, %swap3A_1093, %swap3A_1094] : memref<7x128x128xf32, #tpu.memory_space<vmem>> -> memref<1x128x128xf32, #tpu.memory_space<vmem>>
        %swap3A_1096 = tpu.memref_squeeze %swap3A_1095 : memref<1x128x128xf32, #tpu.memory_space<vmem>> -> memref<128x128xf32, #tpu.memory_space<vmem>>
        %swap3A_1097 = arith.index_cast %scan3A_909 : i32 to index
        %swap3A_1098 = arith.constant 80 : index
        %swap3A_1099 = tpu.vector_load %swap3A_1096[%swap3A_1097, %swap3A_1098] {strides = array<i32>} : memref<128x128xf32, #tpu.memory_space<vmem>>, vector<1x16xf32>,
        %swap3A_1100 = vector.shape_cast %swap3A_1099 : vector<1x16xf32> to vector<16xf32>
        %swap3A_1101 = vector.shape_cast %mul3A_1092 : vector<16xf32> to vector<1x16xf32>
        tpu.vector_store %swap3A_1096[%swap3A_1097, %swap3A_1098], %swap3A_1101 {strides = array<i32>} : memref<128x128xf32, #tpu.memory_space<vmem>>, vector<1x16xf32>,
        %mul3A_1102 = arith.mulf %get3A_965, %min3A_1041 : vector<16xf32>
        %swap3A_1103 = arith.constant 0 : i32
        %swap3A_1104 = arith.constant 0 : i32
        %swap3A_1105 = tpu.memref_slice %arg6[%rem3A_234, %swap3A_1103, %swap3A_1104] : memref<7x128x128xf32, #tpu.memory_space<vmem>> -> memref<1x128x128xf32, #tpu.memory_space<vmem>>
        %swap3A_1106 = tpu.memref_squeeze %swap3A_1105 : memref<1x128x128xf32, #tpu.memory_space<vmem>> -> memref<128x128xf32, #tpu.memory_space<vmem>>
        %swap3A_1107 = arith.index_cast %scan3A_909 : i32 to index
        %swap3A_1108 = arith.constant 96 : index
        %swap3A_1109 = tpu.vector_load %swap3A_1106[%swap3A_1107, %swap3A_1108] {strides = array<i32>} : memref<128x128xf32, #tpu.memory_space<vmem>>, vector<1x16xf32>,
        %swap3A_1110 = vector.shape_cast %swap3A_1109 : vector<1x16xf32> to vector<16xf32>
        %swap3A_1111 = vector.shape_cast %mul3A_1102 : vector<16xf32> to vector<1x16xf32>
        tpu.vector_store %swap3A_1106[%swap3A_1107, %swap3A_1108], %swap3A_1111 {strides = array<i32>} : memref<128x128xf32, #tpu.memory_space<vmem>>, vector<1x16xf32>,
        %mul3A_1112 = arith.mulf %get3A_973, %min3A_1041 : vector<16xf32>
        %swap3A_1113 = arith.constant 0 : i32
        %swap3A_1114 = arith.constant 0 : i32
        %swap3A_1115 = tpu.memref_slice %arg6[%rem3A_234, %swap3A_1113, %swap3A_1114] : memref<7x128x128xf32, #tpu.memory_space<vmem>> -> memref<1x128x128xf32, #tpu.memory_space<vmem>>
        %swap3A_1116 = tpu.memref_squeeze %swap3A_1115 : memref<1x128x128xf32, #tpu.memory_space<vmem>> -> memref<128x128xf32, #tpu.memory_space<vmem>>
        %swap3A_1117 = arith.index_cast %scan3A_909 : i32 to index
        %swap3A_1118 = arith.constant 112 : index
        %swap3A_1119 = tpu.vector_load %swap3A_1116[%swap3A_1117, %swap3A_1118] {strides = array<i32>} : memref<128x128xf32, #tpu.memory_space<vmem>>, vector<1x16xf32>,
        %swap3A_1120 = vector.shape_cast %swap3A_1119 : vector<1x16xf32> to vector<16xf32>
        %swap3A_1121 = vector.shape_cast %mul3A_1112 : vector<16xf32> to vector<1x16xf32>
        tpu.vector_store %swap3A_1116[%swap3A_1117, %swap3A_1118], %swap3A_1121 {strides = array<i32>} : memref<128x128xf32, #tpu.memory_space<vmem>>, vector<1x16xf32>,
        %scan3A_1122 = arith.constant 4 : i32
        %scan3A_1123 = arith.addi %scan3A_275, %scan3A_1122 : i32
        %get3A_1124 = arith.constant 0 : i32
        %get3A_1125 = arith.constant 0 : i32
        %get3A_1126 = tpu.memref_slice %arg6[%rem3A_234, %get3A_1124, %get3A_1125] : memref<7x128x128xf32, #tpu.memory_space<vmem>> -> memref<1x128x128xf32, #tpu.memory_space<vmem>>
        %get3A_1127 = tpu.memref_squeeze %get3A_1126 : memref<1x128x128xf32, #tpu.memory_space<vmem>> -> memref<128x128xf32, #tpu.memory_space<vmem>>
        %get3A_1128 = arith.index_cast %scan3A_1123 : i32 to index
        %get3A_1129 = arith.constant 0 : index
        %get3A_1130 = tpu.vector_load %get3A_1127[%get3A_1128, %get3A_1129] {strides = array<i32>} : memref<128x128xf32, #tpu.memory_space<vmem>>, vector<1x16xf32>,
        %get3A_1131 = vector.shape_cast %get3A_1130 : vector<1x16xf32> to vector<16xf32>
        %get3A_1132 = arith.constant 0 : i32
        %get3A_1133 = arith.constant 0 : i32
        %get3A_1134 = tpu.memref_slice %arg6[%rem3A_234, %get3A_1132, %get3A_1133] : memref<7x128x128xf32, #tpu.memory_space<vmem>> -> memref<1x128x128xf32, #tpu.memory_space<vmem>>
        %get3A_1135 = tpu.memref_squeeze %get3A_1134 : memref<1x128x128xf32, #tpu.memory_space<vmem>> -> memref<128x128xf32, #tpu.memory_space<vmem>>
        %get3A_1136 = arith.index_cast %scan3A_1123 : i32 to index
        %get3A_1137 = arith.constant 16 : index
        %get3A_1138 = tpu.vector_load %get3A_1135[%get3A_1136, %get3A_1137] {strides = array<i32>} : memref<128x128xf32, #tpu.memory_space<vmem>>, vector<1x16xf32>,
        %get3A_1139 = vector.shape_cast %get3A_1138 : vector<1x16xf32> to vector<16xf32>
        %get3A_1140 = arith.constant 0 : i32
        %get3A_1141 = arith.constant 0 : i32
        %get3A_1142 = tpu.memref_slice %arg6[%rem3A_234, %get3A_1140, %get3A_1141] : memref<7x128x128xf32, #tpu.memory_space<vmem>> -> memref<1x128x128xf32, #tpu.memory_space<vmem>>
        %get3A_1143 = tpu.memref_squeeze %get3A_1142 : memref<1x128x128xf32, #tpu.memory_space<vmem>> -> memref<128x128xf32, #tpu.memory_space<vmem>>
        %get3A_1144 = arith.index_cast %scan3A_1123 : i32 to index
        %get3A_1145 = arith.constant 32 : index
        %get3A_1146 = tpu.vector_load %get3A_1143[%get3A_1144, %get3A_1145] {strides = array<i32>} : memref<128x128xf32, #tpu.memory_space<vmem>>, vector<1x16xf32>,
        %get3A_1147 = vector.shape_cast %get3A_1146 : vector<1x16xf32> to vector<16xf32>
        %get3A_1148 = arith.constant 0 : i32
        %get3A_1149 = arith.constant 0 : i32
        %get3A_1150 = tpu.memref_slice %arg6[%rem3A_234, %get3A_1148, %get3A_1149] : memref<7x128x128xf32, #tpu.memory_space<vmem>> -> memref<1x128x128xf32, #tpu.memory_space<vmem>>
        %get3A_1151 = tpu.memref_squeeze %get3A_1150 : memref<1x128x128xf32, #tpu.memory_space<vmem>> -> memref<128x128xf32, #tpu.memory_space<vmem>>
        %get3A_1152 = arith.index_cast %scan3A_1123 : i32 to index
        %get3A_1153 = arith.constant 48 : index
        %get3A_1154 = tpu.vector_load %get3A_1151[%get3A_1152, %get3A_1153] {strides = array<i32>} : memref<128x128xf32, #tpu.memory_space<vmem>>, vector<1x16xf32>,
        %get3A_1155 = vector.shape_cast %get3A_1154 : vector<1x16xf32> to vector<16xf32>
        %get3A_1156 = arith.constant 0 : i32
        %get3A_1157 = arith.constant 0 : i32
        %get3A_1158 = tpu.memref_slice %arg6[%rem3A_234, %get3A_1156, %get3A_1157] : memref<7x128x128xf32, #tpu.memory_space<vmem>> -> memref<1x128x128xf32, #tpu.memory_space<vmem>>
        %get3A_1159 = tpu.memref_squeeze %get3A_1158 : memref<1x128x128xf32, #tpu.memory_space<vmem>> -> memref<128x128xf32, #tpu.memory_space<vmem>>
        %get3A_1160 = arith.index_cast %scan3A_1123 : i32 to index
        %get3A_1161 = arith.constant 64 : index
        %get3A_1162 = tpu.vector_load %get3A_1159[%get3A_1160, %get3A_1161] {strides = array<i32>} : memref<128x128xf32, #tpu.memory_space<vmem>>, vector<1x16xf32>,
        %get3A_1163 = vector.shape_cast %get3A_1162 : vector<1x16xf32> to vector<16xf32>
        %get3A_1164 = arith.constant 0 : i32
        %get3A_1165 = arith.constant 0 : i32
        %get3A_1166 = tpu.memref_slice %arg6[%rem3A_234, %get3A_1164, %get3A_1165] : memref<7x128x128xf32, #tpu.memory_space<vmem>> -> memref<1x128x128xf32, #tpu.memory_space<vmem>>
        %get3A_1167 = tpu.memref_squeeze %get3A_1166 : memref<1x128x128xf32, #tpu.memory_space<vmem>> -> memref<128x128xf32, #tpu.memory_space<vmem>>
        %get3A_1168 = arith.index_cast %scan3A_1123 : i32 to index
        %get3A_1169 = arith.constant 80 : index
        %get3A_1170 = tpu.vector_load %get3A_1167[%get3A_1168, %get3A_1169] {strides = array<i32>} : memref<128x128xf32, #tpu.memory_space<vmem>>, vector<1x16xf32>,
        %get3A_1171 = vector.shape_cast %get3A_1170 : vector<1x16xf32> to vector<16xf32>
        %get3A_1172 = arith.constant 0 : i32
        %get3A_1173 = arith.constant 0 : i32
        %get3A_1174 = tpu.memref_slice %arg6[%rem3A_234, %get3A_1172, %get3A_1173] : memref<7x128x128xf32, #tpu.memory_space<vmem>> -> memref<1x128x128xf32, #tpu.memory_space<vmem>>
        %get3A_1175 = tpu.memref_squeeze %get3A_1174 : memref<1x128x128xf32, #tpu.memory_space<vmem>> -> memref<128x128xf32, #tpu.memory_space<vmem>>
        %get3A_1176 = arith.index_cast %scan3A_1123 : i32 to index
        %get3A_1177 = arith.constant 96 : index
        %get3A_1178 = tpu.vector_load %get3A_1175[%get3A_1176, %get3A_1177] {strides = array<i32>} : memref<128x128xf32, #tpu.memory_space<vmem>>, vector<1x16xf32>,
        %get3A_1179 = vector.shape_cast %get3A_1178 : vector<1x16xf32> to vector<16xf32>
        %get3A_1180 = arith.constant 0 : i32
        %get3A_1181 = arith.constant 0 : i32
        %get3A_1182 = tpu.memref_slice %arg6[%rem3A_234, %get3A_1180, %get3A_1181] : memref<7x128x128xf32, #tpu.memory_space<vmem>> -> memref<1x128x128xf32, #tpu.memory_space<vmem>>
        %get3A_1183 = tpu.memref_squeeze %get3A_1182 : memref<1x128x128xf32, #tpu.memory_space<vmem>> -> memref<128x128xf32, #tpu.memory_space<vmem>>
        %get3A_1184 = arith.index_cast %scan3A_1123 : i32 to index
        %get3A_1185 = arith.constant 112 : index
        %get3A_1186 = tpu.vector_load %get3A_1183[%get3A_1184, %get3A_1185] {strides = array<i32>} : memref<128x128xf32, #tpu.memory_space<vmem>>, vector<1x16xf32>,
        %get3A_1187 = vector.shape_cast %get3A_1186 : vector<1x16xf32> to vector<16xf32>
        %abs3A_1188 = math.absf %get3A_1131 : vector<16xf32>
        %abs3A_1189 = math.absf %get3A_1139 : vector<16xf32>
        %abs3A_1190 = math.absf %get3A_1147 : vector<16xf32>
        %abs3A_1191 = math.absf %get3A_1155 : vector<16xf32>
        %abs3A_1192 = math.absf %get3A_1163 : vector<16xf32>
        %abs3A_1193 = math.absf %get3A_1171 : vector<16xf32>
        %abs3A_1194 = math.absf %get3A_1179 : vector<16xf32>
        %abs3A_1195 = math.absf %get3A_1187 : vector<16xf32>
        %add3A_1196 = arith.addf %abs3A_1188, %abs3A_1189 : vector<16xf32>
        %add3A_1197 = arith.addf %abs3A_1190, %abs3A_1191 : vector<16xf32>
        %add3A_1198 = arith.addf %abs3A_1192, %abs3A_1193 : vector<16xf32>
        %add3A_1199 = arith.addf %abs3A_1194, %abs3A_1195 : vector<16xf32>
        %add3A_1200 = arith.addf %add3A_1196, %add3A_1197 : vector<16xf32>
        %add3A_1201 = arith.addf %add3A_1198, %add3A_1199 : vector<16xf32>
        %add3A_1202 = arith.addf %add3A_1200, %add3A_1201 : vector<16xf32>
        %lt3A_1203 = arith.constant 0 : i32
        %lt3A_1204 = vector.broadcast %lt3A_1203 : i32 to vector<16xi32>
        %lt3A_1205 = arith.cmpi slt, %xor3A_93, %lt3A_1204 : vector<16xi32>
        %add3A_1206 = arith.constant 16 : i32
        %add3A_1207 = vector.broadcast %add3A_1206 : i32 to vector<16xi32>
        %add3A_1208 = arith.addi %xor3A_93, %add3A_1207 : vector<16xi32>
        %select_n3A_1209 = arith.select %lt3A_1205, %add3A_1208, %xor3A_93 : vector<16xi1>, vector<16xi32>
        %broadcast_in_dim3A_1210 = vector.shape_cast %select_n3A_1209 : vector<16xi32> to vector<16x1xi32>
        %gather3A_1211 = vector.shape_cast %broadcast_in_dim3A_1210 : vector<16x1xi32> to vector<16xi32>
        %gather3A_1212 = tpu.dynamic_gather %add3A_1202[%gather3A_1211] in [0] : vector<16xf32>, vector<16xi32> -> vector<16xf32>
        %add3A_1213 = arith.addf %add3A_1202, %gather3A_1212 : vector<16xf32>
        %lt3A_1214 = arith.constant 0 : i32
        %lt3A_1215 = vector.broadcast %lt3A_1214 : i32 to vector<16xi32>
        %lt3A_1216 = arith.cmpi slt, %xor3A_96, %lt3A_1215 : vector<16xi32>
        %add3A_1217 = arith.constant 16 : i32
        %add3A_1218 = vector.broadcast %add3A_1217 : i32 to vector<16xi32>
        %add3A_1219 = arith.addi %xor3A_96, %add3A_1218 : vector<16xi32>
        %select_n3A_1220 = arith.select %lt3A_1216, %add3A_1219, %xor3A_96 : vector<16xi1>, vector<16xi32>
        %broadcast_in_dim3A_1221 = vector.shape_cast %select_n3A_1220 : vector<16xi32> to vector<16x1xi32>
        %gather3A_1222 = vector.shape_cast %broadcast_in_dim3A_1221 : vector<16x1xi32> to vector<16xi32>
        %gather3A_1223 = tpu.dynamic_gather %add3A_1213[%gather3A_1222] in [0] : vector<16xf32>, vector<16xi32> -> vector<16xf32>
        %add3A_1224 = arith.addf %add3A_1213, %gather3A_1223 : vector<16xf32>
        %lt3A_1225 = arith.constant 0 : i32
        %lt3A_1226 = vector.broadcast %lt3A_1225 : i32 to vector<16xi32>
        %lt3A_1227 = arith.cmpi slt, %xor3A_99, %lt3A_1226 : vector<16xi32>
        %add3A_1228 = arith.constant 16 : i32
        %add3A_1229 = vector.broadcast %add3A_1228 : i32 to vector<16xi32>
        %add3A_1230 = arith.addi %xor3A_99, %add3A_1229 : vector<16xi32>
        %select_n3A_1231 = arith.select %lt3A_1227, %add3A_1230, %xor3A_99 : vector<16xi1>, vector<16xi32>
        %broadcast_in_dim3A_1232 = vector.shape_cast %select_n3A_1231 : vector<16xi32> to vector<16x1xi32>
        %gather3A_1233 = vector.shape_cast %broadcast_in_dim3A_1232 : vector<16x1xi32> to vector<16xi32>
        %gather3A_1234 = tpu.dynamic_gather %add3A_1224[%gather3A_1233] in [0] : vector<16xf32>, vector<16xi32> -> vector<16xf32>
        %add3A_1235 = arith.addf %add3A_1224, %gather3A_1234 : vector<16xf32>
        %lt3A_1236 = arith.constant 0 : i32
        %lt3A_1237 = vector.broadcast %lt3A_1236 : i32 to vector<16xi32>
        %lt3A_1238 = arith.cmpi slt, %xor3A_102, %lt3A_1237 : vector<16xi32>
        %add3A_1239 = arith.constant 16 : i32
        %add3A_1240 = vector.broadcast %add3A_1239 : i32 to vector<16xi32>
        %add3A_1241 = arith.addi %xor3A_102, %add3A_1240 : vector<16xi32>
        %select_n3A_1242 = arith.select %lt3A_1238, %add3A_1241, %xor3A_102 : vector<16xi1>, vector<16xi32>
        %broadcast_in_dim3A_1243 = vector.shape_cast %select_n3A_1242 : vector<16xi32> to vector<16x1xi32>
        %gather3A_1244 = vector.shape_cast %broadcast_in_dim3A_1243 : vector<16x1xi32> to vector<16xi32>
        %gather3A_1245 = tpu.dynamic_gather %add3A_1235[%gather3A_1244] in [0] : vector<16xf32>, vector<16xi32> -> vector<16xf32>
        %add3A_1246 = arith.addf %add3A_1235, %gather3A_1245 : vector<16xf32>
        %add3A_1247 = arith.constant 1.000000e-07 : f32
        %add3A_1248 = vector.broadcast %add3A_1247 : f32 to vector<16xf32>
        %add3A_1249 = arith.addf %add3A_1246, %add3A_1248 : vector<16xf32>
        %div3A_1250 = arith.constant 1.000000e+00 : f32
        %div3A_1251 = vector.broadcast %div3A_1250 : f32 to vector<16xf32>
        %div3A_1252 = arith.divf %div3A_1251, %add3A_1249 : vector<16xf32>
        %min3A_1253 = arith.constant 1.000000e+00 : f32
        %min3A_1254 = vector.broadcast %min3A_1253 : f32 to vector<16xf32>
        %min3A_1255 = arith.minimumf %div3A_1252, %min3A_1254 : vector<16xf32>
        %mul3A_1256 = arith.mulf %get3A_1131, %min3A_1255 : vector<16xf32>
        %swap3A_1257 = arith.constant 0 : i32
        %swap3A_1258 = arith.constant 0 : i32
        %swap3A_1259 = tpu.memref_slice %arg6[%rem3A_234, %swap3A_1257, %swap3A_1258] : memref<7x128x128xf32, #tpu.memory_space<vmem>> -> memref<1x128x128xf32, #tpu.memory_space<vmem>>
        %swap3A_1260 = tpu.memref_squeeze %swap3A_1259 : memref<1x128x128xf32, #tpu.memory_space<vmem>> -> memref<128x128xf32, #tpu.memory_space<vmem>>
        %swap3A_1261 = arith.index_cast %scan3A_1123 : i32 to index
        %swap3A_1262 = arith.constant 0 : index
        %swap3A_1263 = tpu.vector_load %swap3A_1260[%swap3A_1261, %swap3A_1262] {strides = array<i32>} : memref<128x128xf32, #tpu.memory_space<vmem>>, vector<1x16xf32>,
        %swap3A_1264 = vector.shape_cast %swap3A_1263 : vector<1x16xf32> to vector<16xf32>
        %swap3A_1265 = vector.shape_cast %mul3A_1256 : vector<16xf32> to vector<1x16xf32>
        tpu.vector_store %swap3A_1260[%swap3A_1261, %swap3A_1262], %swap3A_1265 {strides = array<i32>} : memref<128x128xf32, #tpu.memory_space<vmem>>, vector<1x16xf32>,
        %mul3A_1266 = arith.mulf %get3A_1139, %min3A_1255 : vector<16xf32>
        %swap3A_1267 = arith.constant 0 : i32
        %swap3A_1268 = arith.constant 0 : i32
        %swap3A_1269 = tpu.memref_slice %arg6[%rem3A_234, %swap3A_1267, %swap3A_1268] : memref<7x128x128xf32, #tpu.memory_space<vmem>> -> memref<1x128x128xf32, #tpu.memory_space<vmem>>
        %swap3A_1270 = tpu.memref_squeeze %swap3A_1269 : memref<1x128x128xf32, #tpu.memory_space<vmem>> -> memref<128x128xf32, #tpu.memory_space<vmem>>
        %swap3A_1271 = arith.index_cast %scan3A_1123 : i32 to index
        %swap3A_1272 = arith.constant 16 : index
        %swap3A_1273 = tpu.vector_load %swap3A_1270[%swap3A_1271, %swap3A_1272] {strides = array<i32>} : memref<128x128xf32, #tpu.memory_space<vmem>>, vector<1x16xf32>,
        %swap3A_1274 = vector.shape_cast %swap3A_1273 : vector<1x16xf32> to vector<16xf32>
        %swap3A_1275 = vector.shape_cast %mul3A_1266 : vector<16xf32> to vector<1x16xf32>
        tpu.vector_store %swap3A_1270[%swap3A_1271, %swap3A_1272], %swap3A_1275 {strides = array<i32>} : memref<128x128xf32, #tpu.memory_space<vmem>>, vector<1x16xf32>,
        %mul3A_1276 = arith.mulf %get3A_1147, %min3A_1255 : vector<16xf32>
        %swap3A_1277 = arith.constant 0 : i32
        %swap3A_1278 = arith.constant 0 : i32
        %swap3A_1279 = tpu.memref_slice %arg6[%rem3A_234, %swap3A_1277, %swap3A_1278] : memref<7x128x128xf32, #tpu.memory_space<vmem>> -> memref<1x128x128xf32, #tpu.memory_space<vmem>>
        %swap3A_1280 = tpu.memref_squeeze %swap3A_1279 : memref<1x128x128xf32, #tpu.memory_space<vmem>> -> memref<128x128xf32, #tpu.memory_space<vmem>>
        %swap3A_1281 = arith.index_cast %scan3A_1123 : i32 to index
        %swap3A_1282 = arith.constant 32 : index
        %swap3A_1283 = tpu.vector_load %swap3A_1280[%swap3A_1281, %swap3A_1282] {strides = array<i32>} : memref<128x128xf32, #tpu.memory_space<vmem>>, vector<1x16xf32>,
        %swap3A_1284 = vector.shape_cast %swap3A_1283 : vector<1x16xf32> to vector<16xf32>
        %swap3A_1285 = vector.shape_cast %mul3A_1276 : vector<16xf32> to vector<1x16xf32>
        tpu.vector_store %swap3A_1280[%swap3A_1281, %swap3A_1282], %swap3A_1285 {strides = array<i32>} : memref<128x128xf32, #tpu.memory_space<vmem>>, vector<1x16xf32>,
        %mul3A_1286 = arith.mulf %get3A_1155, %min3A_1255 : vector<16xf32>
        %swap3A_1287 = arith.constant 0 : i32
        %swap3A_1288 = arith.constant 0 : i32
        %swap3A_1289 = tpu.memref_slice %arg6[%rem3A_234, %swap3A_1287, %swap3A_1288] : memref<7x128x128xf32, #tpu.memory_space<vmem>> -> memref<1x128x128xf32, #tpu.memory_space<vmem>>
        %swap3A_1290 = tpu.memref_squeeze %swap3A_1289 : memref<1x128x128xf32, #tpu.memory_space<vmem>> -> memref<128x128xf32, #tpu.memory_space<vmem>>
        %swap3A_1291 = arith.index_cast %scan3A_1123 : i32 to index
        %swap3A_1292 = arith.constant 48 : index
        %swap3A_1293 = tpu.vector_load %swap3A_1290[%swap3A_1291, %swap3A_1292] {strides = array<i32>} : memref<128x128xf32, #tpu.memory_space<vmem>>, vector<1x16xf32>,
        %swap3A_1294 = vector.shape_cast %swap3A_1293 : vector<1x16xf32> to vector<16xf32>
        %swap3A_1295 = vector.shape_cast %mul3A_1286 : vector<16xf32> to vector<1x16xf32>
        tpu.vector_store %swap3A_1290[%swap3A_1291, %swap3A_1292], %swap3A_1295 {strides = array<i32>} : memref<128x128xf32, #tpu.memory_space<vmem>>, vector<1x16xf32>,
        %mul3A_1296 = arith.mulf %get3A_1163, %min3A_1255 : vector<16xf32>
        %swap3A_1297 = arith.constant 0 : i32
        %swap3A_1298 = arith.constant 0 : i32
        %swap3A_1299 = tpu.memref_slice %arg6[%rem3A_234, %swap3A_1297, %swap3A_1298] : memref<7x128x128xf32, #tpu.memory_space<vmem>> -> memref<1x128x128xf32, #tpu.memory_space<vmem>>
        %swap3A_1300 = tpu.memref_squeeze %swap3A_1299 : memref<1x128x128xf32, #tpu.memory_space<vmem>> -> memref<128x128xf32, #tpu.memory_space<vmem>>
        %swap3A_1301 = arith.index_cast %scan3A_1123 : i32 to index
        %swap3A_1302 = arith.constant 64 : index
        %swap3A_1303 = tpu.vector_load %swap3A_1300[%swap3A_1301, %swap3A_1302] {strides = array<i32>} : memref<128x128xf32, #tpu.memory_space<vmem>>, vector<1x16xf32>,
        %swap3A_1304 = vector.shape_cast %swap3A_1303 : vector<1x16xf32> to vector<16xf32>
        %swap3A_1305 = vector.shape_cast %mul3A_1296 : vector<16xf32> to vector<1x16xf32>
        tpu.vector_store %swap3A_1300[%swap3A_1301, %swap3A_1302], %swap3A_1305 {strides = array<i32>} : memref<128x128xf32, #tpu.memory_space<vmem>>, vector<1x16xf32>,
        %mul3A_1306 = arith.mulf %get3A_1171, %min3A_1255 : vector<16xf32>
        %swap3A_1307 = arith.constant 0 : i32
        %swap3A_1308 = arith.constant 0 : i32
        %swap3A_1309 = tpu.memref_slice %arg6[%rem3A_234, %swap3A_1307, %swap3A_1308] : memref<7x128x128xf32, #tpu.memory_space<vmem>> -> memref<1x128x128xf32, #tpu.memory_space<vmem>>
        %swap3A_1310 = tpu.memref_squeeze %swap3A_1309 : memref<1x128x128xf32, #tpu.memory_space<vmem>> -> memref<128x128xf32, #tpu.memory_space<vmem>>
        %swap3A_1311 = arith.index_cast %scan3A_1123 : i32 to index
        %swap3A_1312 = arith.constant 80 : index
        %swap3A_1313 = tpu.vector_load %swap3A_1310[%swap3A_1311, %swap3A_1312] {strides = array<i32>} : memref<128x128xf32, #tpu.memory_space<vmem>>, vector<1x16xf32>,
        %swap3A_1314 = vector.shape_cast %swap3A_1313 : vector<1x16xf32> to vector<16xf32>
        %swap3A_1315 = vector.shape_cast %mul3A_1306 : vector<16xf32> to vector<1x16xf32>
        tpu.vector_store %swap3A_1310[%swap3A_1311, %swap3A_1312], %swap3A_1315 {strides = array<i32>} : memref<128x128xf32, #tpu.memory_space<vmem>>, vector<1x16xf32>,
        %mul3A_1316 = arith.mulf %get3A_1179, %min3A_1255 : vector<16xf32>
        %swap3A_1317 = arith.constant 0 : i32
        %swap3A_1318 = arith.constant 0 : i32
        %swap3A_1319 = tpu.memref_slice %arg6[%rem3A_234, %swap3A_1317, %swap3A_1318] : memref<7x128x128xf32, #tpu.memory_space<vmem>> -> memref<1x128x128xf32, #tpu.memory_space<vmem>>
        %swap3A_1320 = tpu.memref_squeeze %swap3A_1319 : memref<1x128x128xf32, #tpu.memory_space<vmem>> -> memref<128x128xf32, #tpu.memory_space<vmem>>
        %swap3A_1321 = arith.index_cast %scan3A_1123 : i32 to index
        %swap3A_1322 = arith.constant 96 : index
        %swap3A_1323 = tpu.vector_load %swap3A_1320[%swap3A_1321, %swap3A_1322] {strides = array<i32>} : memref<128x128xf32, #tpu.memory_space<vmem>>, vector<1x16xf32>,
        %swap3A_1324 = vector.shape_cast %swap3A_1323 : vector<1x16xf32> to vector<16xf32>
        %swap3A_1325 = vector.shape_cast %mul3A_1316 : vector<16xf32> to vector<1x16xf32>
        tpu.vector_store %swap3A_1320[%swap3A_1321, %swap3A_1322], %swap3A_1325 {strides = array<i32>} : memref<128x128xf32, #tpu.memory_space<vmem>>, vector<1x16xf32>,
        %mul3A_1326 = arith.mulf %get3A_1187, %min3A_1255 : vector<16xf32>
        %swap3A_1327 = arith.constant 0 : i32
        %swap3A_1328 = arith.constant 0 : i32
        %swap3A_1329 = tpu.memref_slice %arg6[%rem3A_234, %swap3A_1327, %swap3A_1328] : memref<7x128x128xf32, #tpu.memory_space<vmem>> -> memref<1x128x128xf32, #tpu.memory_space<vmem>>
        %swap3A_1330 = tpu.memref_squeeze %swap3A_1329 : memref<1x128x128xf32, #tpu.memory_space<vmem>> -> memref<128x128xf32, #tpu.memory_space<vmem>>
        %swap3A_1331 = arith.index_cast %scan3A_1123 : i32 to index
        %swap3A_1332 = arith.constant 112 : index
        %swap3A_1333 = tpu.vector_load %swap3A_1330[%swap3A_1331, %swap3A_1332] {strides = array<i32>} : memref<128x128xf32, #tpu.memory_space<vmem>>, vector<1x16xf32>,
        %swap3A_1334 = vector.shape_cast %swap3A_1333 : vector<1x16xf32> to vector<16xf32>
        %swap3A_1335 = vector.shape_cast %mul3A_1326 : vector<16xf32> to vector<1x16xf32>
        tpu.vector_store %swap3A_1330[%swap3A_1331, %swap3A_1332], %swap3A_1335 {strides = array<i32>} : memref<128x128xf32, #tpu.memory_space<vmem>>, vector<1x16xf32>,
        %scan3A_1336 = arith.constant 5 : i32
        %scan3A_1337 = arith.addi %scan3A_275, %scan3A_1336 : i32
        %get3A_1338 = arith.constant 0 : i32
        %get3A_1339 = arith.constant 0 : i32
        %get3A_1340 = tpu.memref_slice %arg6[%rem3A_234, %get3A_1338, %get3A_1339] : memref<7x128x128xf32, #tpu.memory_space<vmem>> -> memref<1x128x128xf32, #tpu.memory_space<vmem>>
        %get3A_1341 = tpu.memref_squeeze %get3A_1340 : memref<1x128x128xf32, #tpu.memory_space<vmem>> -> memref<128x128xf32, #tpu.memory_space<vmem>>
        %get3A_1342 = arith.index_cast %scan3A_1337 : i32 to index
        %get3A_1343 = arith.constant 0 : index
        %get3A_1344 = tpu.vector_load %get3A_1341[%get3A_1342, %get3A_1343] {strides = array<i32>} : memref<128x128xf32, #tpu.memory_space<vmem>>, vector<1x16xf32>,
        %get3A_1345 = vector.shape_cast %get3A_1344 : vector<1x16xf32> to vector<16xf32>
        %get3A_1346 = arith.constant 0 : i32
        %get3A_1347 = arith.constant 0 : i32
        %get3A_1348 = tpu.memref_slice %arg6[%rem3A_234, %get3A_1346, %get3A_1347] : memref<7x128x128xf32, #tpu.memory_space<vmem>> -> memref<1x128x128xf32, #tpu.memory_space<vmem>>
        %get3A_1349 = tpu.memref_squeeze %get3A_1348 : memref<1x128x128xf32, #tpu.memory_space<vmem>> -> memref<128x128xf32, #tpu.memory_space<vmem>>
        %get3A_1350 = arith.index_cast %scan3A_1337 : i32 to index
        %get3A_1351 = arith.constant 16 : index
        %get3A_1352 = tpu.vector_load %get3A_1349[%get3A_1350, %get3A_1351] {strides = array<i32>} : memref<128x128xf32, #tpu.memory_space<vmem>>, vector<1x16xf32>,
        %get3A_1353 = vector.shape_cast %get3A_1352 : vector<1x16xf32> to vector<16xf32>
        %get3A_1354 = arith.constant 0 : i32
        %get3A_1355 = arith.constant 0 : i32
        %get3A_1356 = tpu.memref_slice %arg6[%rem3A_234, %get3A_1354, %get3A_1355] : memref<7x128x128xf32, #tpu.memory_space<vmem>> -> memref<1x128x128xf32, #tpu.memory_space<vmem>>
        %get3A_1357 = tpu.memref_squeeze %get3A_1356 : memref<1x128x128xf32, #tpu.memory_space<vmem>> -> memref<128x128xf32, #tpu.memory_space<vmem>>
        %get3A_1358 = arith.index_cast %scan3A_1337 : i32 to index
        %get3A_1359 = arith.constant 32 : index
        %get3A_1360 = tpu.vector_load %get3A_1357[%get3A_1358, %get3A_1359] {strides = array<i32>} : memref<128x128xf32, #tpu.memory_space<vmem>>, vector<1x16xf32>,
        %get3A_1361 = vector.shape_cast %get3A_1360 : vector<1x16xf32> to vector<16xf32>
        %get3A_1362 = arith.constant 0 : i32
        %get3A_1363 = arith.constant 0 : i32
        %get3A_1364 = tpu.memref_slice %arg6[%rem3A_234, %get3A_1362, %get3A_1363] : memref<7x128x128xf32, #tpu.memory_space<vmem>> -> memref<1x128x128xf32, #tpu.memory_space<vmem>>
        %get3A_1365 = tpu.memref_squeeze %get3A_1364 : memref<1x128x128xf32, #tpu.memory_space<vmem>> -> memref<128x128xf32, #tpu.memory_space<vmem>>
        %get3A_1366 = arith.index_cast %scan3A_1337 : i32 to index
        %get3A_1367 = arith.constant 48 : index
        %get3A_1368 = tpu.vector_load %get3A_1365[%get3A_1366, %get3A_1367] {strides = array<i32>} : memref<128x128xf32, #tpu.memory_space<vmem>>, vector<1x16xf32>,
        %get3A_1369 = vector.shape_cast %get3A_1368 : vector<1x16xf32> to vector<16xf32>
        %get3A_1370 = arith.constant 0 : i32
        %get3A_1371 = arith.constant 0 : i32
        %get3A_1372 = tpu.memref_slice %arg6[%rem3A_234, %get3A_1370, %get3A_1371] : memref<7x128x128xf32, #tpu.memory_space<vmem>> -> memref<1x128x128xf32, #tpu.memory_space<vmem>>
        %get3A_1373 = tpu.memref_squeeze %get3A_1372 : memref<1x128x128xf32, #tpu.memory_space<vmem>> -> memref<128x128xf32, #tpu.memory_space<vmem>>
        %get3A_1374 = arith.index_cast %scan3A_1337 : i32 to index
        %get3A_1375 = arith.constant 64 : index
        %get3A_1376 = tpu.vector_load %get3A_1373[%get3A_1374, %get3A_1375] {strides = array<i32>} : memref<128x128xf32, #tpu.memory_space<vmem>>, vector<1x16xf32>,
        %get3A_1377 = vector.shape_cast %get3A_1376 : vector<1x16xf32> to vector<16xf32>
        %get3A_1378 = arith.constant 0 : i32
        %get3A_1379 = arith.constant 0 : i32
        %get3A_1380 = tpu.memref_slice %arg6[%rem3A_234, %get3A_1378, %get3A_1379] : memref<7x128x128xf32, #tpu.memory_space<vmem>> -> memref<1x128x128xf32, #tpu.memory_space<vmem>>
        %get3A_1381 = tpu.memref_squeeze %get3A_1380 : memref<1x128x128xf32, #tpu.memory_space<vmem>> -> memref<128x128xf32, #tpu.memory_space<vmem>>
        %get3A_1382 = arith.index_cast %scan3A_1337 : i32 to index
        %get3A_1383 = arith.constant 80 : index
        %get3A_1384 = tpu.vector_load %get3A_1381[%get3A_1382, %get3A_1383] {strides = array<i32>} : memref<128x128xf32, #tpu.memory_space<vmem>>, vector<1x16xf32>,
        %get3A_1385 = vector.shape_cast %get3A_1384 : vector<1x16xf32> to vector<16xf32>
        %get3A_1386 = arith.constant 0 : i32
        %get3A_1387 = arith.constant 0 : i32
        %get3A_1388 = tpu.memref_slice %arg6[%rem3A_234, %get3A_1386, %get3A_1387] : memref<7x128x128xf32, #tpu.memory_space<vmem>> -> memref<1x128x128xf32, #tpu.memory_space<vmem>>
        %get3A_1389 = tpu.memref_squeeze %get3A_1388 : memref<1x128x128xf32, #tpu.memory_space<vmem>> -> memref<128x128xf32, #tpu.memory_space<vmem>>
        %get3A_1390 = arith.index_cast %scan3A_1337 : i32 to index
        %get3A_1391 = arith.constant 96 : index
        %get3A_1392 = tpu.vector_load %get3A_1389[%get3A_1390, %get3A_1391] {strides = array<i32>} : memref<128x128xf32, #tpu.memory_space<vmem>>, vector<1x16xf32>,
        %get3A_1393 = vector.shape_cast %get3A_1392 : vector<1x16xf32> to vector<16xf32>
        %get3A_1394 = arith.constant 0 : i32
        %get3A_1395 = arith.constant 0 : i32
        %get3A_1396 = tpu.memref_slice %arg6[%rem3A_234, %get3A_1394, %get3A_1395] : memref<7x128x128xf32, #tpu.memory_space<vmem>> -> memref<1x128x128xf32, #tpu.memory_space<vmem>>
        %get3A_1397 = tpu.memref_squeeze %get3A_1396 : memref<1x128x128xf32, #tpu.memory_space<vmem>> -> memref<128x128xf32, #tpu.memory_space<vmem>>
        %get3A_1398 = arith.index_cast %scan3A_1337 : i32 to index
        %get3A_1399 = arith.constant 112 : index
        %get3A_1400 = tpu.vector_load %get3A_1397[%get3A_1398, %get3A_1399] {strides = array<i32>} : memref<128x128xf32, #tpu.memory_space<vmem>>, vector<1x16xf32>,
        %get3A_1401 = vector.shape_cast %get3A_1400 : vector<1x16xf32> to vector<16xf32>
        %abs3A_1402 = math.absf %get3A_1345 : vector<16xf32>
        %abs3A_1403 = math.absf %get3A_1353 : vector<16xf32>
        %abs3A_1404 = math.absf %get3A_1361 : vector<16xf32>
        %abs3A_1405 = math.absf %get3A_1369 : vector<16xf32>
        %abs3A_1406 = math.absf %get3A_1377 : vector<16xf32>
        %abs3A_1407 = math.absf %get3A_1385 : vector<16xf32>
        %abs3A_1408 = math.absf %get3A_1393 : vector<16xf32>
        %abs3A_1409 = math.absf %get3A_1401 : vector<16xf32>
        %add3A_1410 = arith.addf %abs3A_1402, %abs3A_1403 : vector<16xf32>
        %add3A_1411 = arith.addf %abs3A_1404, %abs3A_1405 : vector<16xf32>
        %add3A_1412 = arith.addf %abs3A_1406, %abs3A_1407 : vector<16xf32>
        %add3A_1413 = arith.addf %abs3A_1408, %abs3A_1409 : vector<16xf32>
        %add3A_1414 = arith.addf %add3A_1410, %add3A_1411 : vector<16xf32>
        %add3A_1415 = arith.addf %add3A_1412, %add3A_1413 : vector<16xf32>
        %add3A_1416 = arith.addf %add3A_1414, %add3A_1415 : vector<16xf32>
        %lt3A_1417 = arith.constant 0 : i32
        %lt3A_1418 = vector.broadcast %lt3A_1417 : i32 to vector<16xi32>
        %lt3A_1419 = arith.cmpi slt, %xor3A_93, %lt3A_1418 : vector<16xi32>
        %add3A_1420 = arith.constant 16 : i32
        %add3A_1421 = vector.broadcast %add3A_1420 : i32 to vector<16xi32>
        %add3A_1422 = arith.addi %xor3A_93, %add3A_1421 : vector<16xi32>
        %select_n3A_1423 = arith.select %lt3A_1419, %add3A_1422, %xor3A_93 : vector<16xi1>, vector<16xi32>
        %broadcast_in_dim3A_1424 = vector.shape_cast %select_n3A_1423 : vector<16xi32> to vector<16x1xi32>
        %gather3A_1425 = vector.shape_cast %broadcast_in_dim3A_1424 : vector<16x1xi32> to vector<16xi32>
        %gather3A_1426 = tpu.dynamic_gather %add3A_1416[%gather3A_1425] in [0] : vector<16xf32>, vector<16xi32> -> vector<16xf32>
        %add3A_1427 = arith.addf %add3A_1416, %gather3A_1426 : vector<16xf32>
        %lt3A_1428 = arith.constant 0 : i32
        %lt3A_1429 = vector.broadcast %lt3A_1428 : i32 to vector<16xi32>
        %lt3A_1430 = arith.cmpi slt, %xor3A_96, %lt3A_1429 : vector<16xi32>
        %add3A_1431 = arith.constant 16 : i32
        %add3A_1432 = vector.broadcast %add3A_1431 : i32 to vector<16xi32>
        %add3A_1433 = arith.addi %xor3A_96, %add3A_1432 : vector<16xi32>
        %select_n3A_1434 = arith.select %lt3A_1430, %add3A_1433, %xor3A_96 : vector<16xi1>, vector<16xi32>
        %broadcast_in_dim3A_1435 = vector.shape_cast %select_n3A_1434 : vector<16xi32> to vector<16x1xi32>
        %gather3A_1436 = vector.shape_cast %broadcast_in_dim3A_1435 : vector<16x1xi32> to vector<16xi32>
        %gather3A_1437 = tpu.dynamic_gather %add3A_1427[%gather3A_1436] in [0] : vector<16xf32>, vector<16xi32> -> vector<16xf32>
        %add3A_1438 = arith.addf %add3A_1427, %gather3A_1437 : vector<16xf32>
        %lt3A_1439 = arith.constant 0 : i32
        %lt3A_1440 = vector.broadcast %lt3A_1439 : i32 to vector<16xi32>
        %lt3A_1441 = arith.cmpi slt, %xor3A_99, %lt3A_1440 : vector<16xi32>
        %add3A_1442 = arith.constant 16 : i32
        %add3A_1443 = vector.broadcast %add3A_1442 : i32 to vector<16xi32>
        %add3A_1444 = arith.addi %xor3A_99, %add3A_1443 : vector<16xi32>
        %select_n3A_1445 = arith.select %lt3A_1441, %add3A_1444, %xor3A_99 : vector<16xi1>, vector<16xi32>
        %broadcast_in_dim3A_1446 = vector.shape_cast %select_n3A_1445 : vector<16xi32> to vector<16x1xi32>
        %gather3A_1447 = vector.shape_cast %broadcast_in_dim3A_1446 : vector<16x1xi32> to vector<16xi32>
        %gather3A_1448 = tpu.dynamic_gather %add3A_1438[%gather3A_1447] in [0] : vector<16xf32>, vector<16xi32> -> vector<16xf32>
        %add3A_1449 = arith.addf %add3A_1438, %gather3A_1448 : vector<16xf32>
        %lt3A_1450 = arith.constant 0 : i32
        %lt3A_1451 = vector.broadcast %lt3A_1450 : i32 to vector<16xi32>
        %lt3A_1452 = arith.cmpi slt, %xor3A_102, %lt3A_1451 : vector<16xi32>
        %add3A_1453 = arith.constant 16 : i32
        %add3A_1454 = vector.broadcast %add3A_1453 : i32 to vector<16xi32>
        %add3A_1455 = arith.addi %xor3A_102, %add3A_1454 : vector<16xi32>
        %select_n3A_1456 = arith.select %lt3A_1452, %add3A_1455, %xor3A_102 : vector<16xi1>, vector<16xi32>
        %broadcast_in_dim3A_1457 = vector.shape_cast %select_n3A_1456 : vector<16xi32> to vector<16x1xi32>
        %gather3A_1458 = vector.shape_cast %broadcast_in_dim3A_1457 : vector<16x1xi32> to vector<16xi32>
        %gather3A_1459 = tpu.dynamic_gather %add3A_1449[%gather3A_1458] in [0] : vector<16xf32>, vector<16xi32> -> vector<16xf32>
        %add3A_1460 = arith.addf %add3A_1449, %gather3A_1459 : vector<16xf32>
        %add3A_1461 = arith.constant 1.000000e-07 : f32
        %add3A_1462 = vector.broadcast %add3A_1461 : f32 to vector<16xf32>
        %add3A_1463 = arith.addf %add3A_1460, %add3A_1462 : vector<16xf32>
        %div3A_1464 = arith.constant 1.000000e+00 : f32
        %div3A_1465 = vector.broadcast %div3A_1464 : f32 to vector<16xf32>
        %div3A_1466 = arith.divf %div3A_1465, %add3A_1463 : vector<16xf32>
        %min3A_1467 = arith.constant 1.000000e+00 : f32
        %min3A_1468 = vector.broadcast %min3A_1467 : f32 to vector<16xf32>
        %min3A_1469 = arith.minimumf %div3A_1466, %min3A_1468 : vector<16xf32>
        %mul3A_1470 = arith.mulf %get3A_1345, %min3A_1469 : vector<16xf32>
        %swap3A_1471 = arith.constant 0 : i32
        %swap3A_1472 = arith.constant 0 : i32
        %swap3A_1473 = tpu.memref_slice %arg6[%rem3A_234, %swap3A_1471, %swap3A_1472] : memref<7x128x128xf32, #tpu.memory_space<vmem>> -> memref<1x128x128xf32, #tpu.memory_space<vmem>>
        %swap3A_1474 = tpu.memref_squeeze %swap3A_1473 : memref<1x128x128xf32, #tpu.memory_space<vmem>> -> memref<128x128xf32, #tpu.memory_space<vmem>>
        %swap3A_1475 = arith.index_cast %scan3A_1337 : i32 to index
        %swap3A_1476 = arith.constant 0 : index
        %swap3A_1477 = tpu.vector_load %swap3A_1474[%swap3A_1475, %swap3A_1476] {strides = array<i32>} : memref<128x128xf32, #tpu.memory_space<vmem>>, vector<1x16xf32>,
        %swap3A_1478 = vector.shape_cast %swap3A_1477 : vector<1x16xf32> to vector<16xf32>
        %swap3A_1479 = vector.shape_cast %mul3A_1470 : vector<16xf32> to vector<1x16xf32>
        tpu.vector_store %swap3A_1474[%swap3A_1475, %swap3A_1476], %swap3A_1479 {strides = array<i32>} : memref<128x128xf32, #tpu.memory_space<vmem>>, vector<1x16xf32>,
        %mul3A_1480 = arith.mulf %get3A_1353, %min3A_1469 : vector<16xf32>
        %swap3A_1481 = arith.constant 0 : i32
        %swap3A_1482 = arith.constant 0 : i32
        %swap3A_1483 = tpu.memref_slice %arg6[%rem3A_234, %swap3A_1481, %swap3A_1482] : memref<7x128x128xf32, #tpu.memory_space<vmem>> -> memref<1x128x128xf32, #tpu.memory_space<vmem>>
        %swap3A_1484 = tpu.memref_squeeze %swap3A_1483 : memref<1x128x128xf32, #tpu.memory_space<vmem>> -> memref<128x128xf32, #tpu.memory_space<vmem>>
        %swap3A_1485 = arith.index_cast %scan3A_1337 : i32 to index
        %swap3A_1486 = arith.constant 16 : index
        %swap3A_1487 = tpu.vector_load %swap3A_1484[%swap3A_1485, %swap3A_1486] {strides = array<i32>} : memref<128x128xf32, #tpu.memory_space<vmem>>, vector<1x16xf32>,
        %swap3A_1488 = vector.shape_cast %swap3A_1487 : vector<1x16xf32> to vector<16xf32>
        %swap3A_1489 = vector.shape_cast %mul3A_1480 : vector<16xf32> to vector<1x16xf32>
        tpu.vector_store %swap3A_1484[%swap3A_1485, %swap3A_1486], %swap3A_1489 {strides = array<i32>} : memref<128x128xf32, #tpu.memory_space<vmem>>, vector<1x16xf32>,
        %mul3A_1490 = arith.mulf %get3A_1361, %min3A_1469 : vector<16xf32>
        %swap3A_1491 = arith.constant 0 : i32
        %swap3A_1492 = arith.constant 0 : i32
        %swap3A_1493 = tpu.memref_slice %arg6[%rem3A_234, %swap3A_1491, %swap3A_1492] : memref<7x128x128xf32, #tpu.memory_space<vmem>> -> memref<1x128x128xf32, #tpu.memory_space<vmem>>
        %swap3A_1494 = tpu.memref_squeeze %swap3A_1493 : memref<1x128x128xf32, #tpu.memory_space<vmem>> -> memref<128x128xf32, #tpu.memory_space<vmem>>
        %swap3A_1495 = arith.index_cast %scan3A_1337 : i32 to index
        %swap3A_1496 = arith.constant 32 : index
        %swap3A_1497 = tpu.vector_load %swap3A_1494[%swap3A_1495, %swap3A_1496] {strides = array<i32>} : memref<128x128xf32, #tpu.memory_space<vmem>>, vector<1x16xf32>,
        %swap3A_1498 = vector.shape_cast %swap3A_1497 : vector<1x16xf32> to vector<16xf32>
        %swap3A_1499 = vector.shape_cast %mul3A_1490 : vector<16xf32> to vector<1x16xf32>
        tpu.vector_store %swap3A_1494[%swap3A_1495, %swap3A_1496], %swap3A_1499 {strides = array<i32>} : memref<128x128xf32, #tpu.memory_space<vmem>>, vector<1x16xf32>,
        %mul3A_1500 = arith.mulf %get3A_1369, %min3A_1469 : vector<16xf32>
        %swap3A_1501 = arith.constant 0 : i32
        %swap3A_1502 = arith.constant 0 : i32
        %swap3A_1503 = tpu.memref_slice %arg6[%rem3A_234, %swap3A_1501, %swap3A_1502] : memref<7x128x128xf32, #tpu.memory_space<vmem>> -> memref<1x128x128xf32, #tpu.memory_space<vmem>>
        %swap3A_1504 = tpu.memref_squeeze %swap3A_1503 : memref<1x128x128xf32, #tpu.memory_space<vmem>> -> memref<128x128xf32, #tpu.memory_space<vmem>>
        %swap3A_1505 = arith.index_cast %scan3A_1337 : i32 to index
        %swap3A_1506 = arith.constant 48 : index
        %swap3A_1507 = tpu.vector_load %swap3A_1504[%swap3A_1505, %swap3A_1506] {strides = array<i32>} : memref<128x128xf32, #tpu.memory_space<vmem>>, vector<1x16xf32>,
        %swap3A_1508 = vector.shape_cast %swap3A_1507 : vector<1x16xf32> to vector<16xf32>
        %swap3A_1509 = vector.shape_cast %mul3A_1500 : vector<16xf32> to vector<1x16xf32>
        tpu.vector_store %swap3A_1504[%swap3A_1505, %swap3A_1506], %swap3A_1509 {strides = array<i32>} : memref<128x128xf32, #tpu.memory_space<vmem>>, vector<1x16xf32>,
        %mul3A_1510 = arith.mulf %get3A_1377, %min3A_1469 : vector<16xf32>
        %swap3A_1511 = arith.constant 0 : i32
        %swap3A_1512 = arith.constant 0 : i32
        %swap3A_1513 = tpu.memref_slice %arg6[%rem3A_234, %swap3A_1511, %swap3A_1512] : memref<7x128x128xf32, #tpu.memory_space<vmem>> -> memref<1x128x128xf32, #tpu.memory_space<vmem>>
        %swap3A_1514 = tpu.memref_squeeze %swap3A_1513 : memref<1x128x128xf32, #tpu.memory_space<vmem>> -> memref<128x128xf32, #tpu.memory_space<vmem>>
        %swap3A_1515 = arith.index_cast %scan3A_1337 : i32 to index
        %swap3A_1516 = arith.constant 64 : index
        %swap3A_1517 = tpu.vector_load %swap3A_1514[%swap3A_1515, %swap3A_1516] {strides = array<i32>} : memref<128x128xf32, #tpu.memory_space<vmem>>, vector<1x16xf32>,
        %swap3A_1518 = vector.shape_cast %swap3A_1517 : vector<1x16xf32> to vector<16xf32>
        %swap3A_1519 = vector.shape_cast %mul3A_1510 : vector<16xf32> to vector<1x16xf32>
        tpu.vector_store %swap3A_1514[%swap3A_1515, %swap3A_1516], %swap3A_1519 {strides = array<i32>} : memref<128x128xf32, #tpu.memory_space<vmem>>, vector<1x16xf32>,
        %mul3A_1520 = arith.mulf %get3A_1385, %min3A_1469 : vector<16xf32>
        %swap3A_1521 = arith.constant 0 : i32
        %swap3A_1522 = arith.constant 0 : i32
        %swap3A_1523 = tpu.memref_slice %arg6[%rem3A_234, %swap3A_1521, %swap3A_1522] : memref<7x128x128xf32, #tpu.memory_space<vmem>> -> memref<1x128x128xf32, #tpu.memory_space<vmem>>
        %swap3A_1524 = tpu.memref_squeeze %swap3A_1523 : memref<1x128x128xf32, #tpu.memory_space<vmem>> -> memref<128x128xf32, #tpu.memory_space<vmem>>
        %swap3A_1525 = arith.index_cast %scan3A_1337 : i32 to index
        %swap3A_1526 = arith.constant 80 : index
        %swap3A_1527 = tpu.vector_load %swap3A_1524[%swap3A_1525, %swap3A_1526] {strides = array<i32>} : memref<128x128xf32, #tpu.memory_space<vmem>>, vector<1x16xf32>,
        %swap3A_1528 = vector.shape_cast %swap3A_1527 : vector<1x16xf32> to vector<16xf32>
        %swap3A_1529 = vector.shape_cast %mul3A_1520 : vector<16xf32> to vector<1x16xf32>
        tpu.vector_store %swap3A_1524[%swap3A_1525, %swap3A_1526], %swap3A_1529 {strides = array<i32>} : memref<128x128xf32, #tpu.memory_space<vmem>>, vector<1x16xf32>,
        %mul3A_1530 = arith.mulf %get3A_1393, %min3A_1469 : vector<16xf32>
        %swap3A_1531 = arith.constant 0 : i32
        %swap3A_1532 = arith.constant 0 : i32
        %swap3A_1533 = tpu.memref_slice %arg6[%rem3A_234, %swap3A_1531, %swap3A_1532] : memref<7x128x128xf32, #tpu.memory_space<vmem>> -> memref<1x128x128xf32, #tpu.memory_space<vmem>>
        %swap3A_1534 = tpu.memref_squeeze %swap3A_1533 : memref<1x128x128xf32, #tpu.memory_space<vmem>> -> memref<128x128xf32, #tpu.memory_space<vmem>>
        %swap3A_1535 = arith.index_cast %scan3A_1337 : i32 to index
        %swap3A_1536 = arith.constant 96 : index
        %swap3A_1537 = tpu.vector_load %swap3A_1534[%swap3A_1535, %swap3A_1536] {strides = array<i32>} : memref<128x128xf32, #tpu.memory_space<vmem>>, vector<1x16xf32>,
        %swap3A_1538 = vector.shape_cast %swap3A_1537 : vector<1x16xf32> to vector<16xf32>
        %swap3A_1539 = vector.shape_cast %mul3A_1530 : vector<16xf32> to vector<1x16xf32>
        tpu.vector_store %swap3A_1534[%swap3A_1535, %swap3A_1536], %swap3A_1539 {strides = array<i32>} : memref<128x128xf32, #tpu.memory_space<vmem>>, vector<1x16xf32>,
        %mul3A_1540 = arith.mulf %get3A_1401, %min3A_1469 : vector<16xf32>
        %swap3A_1541 = arith.constant 0 : i32
        %swap3A_1542 = arith.constant 0 : i32
        %swap3A_1543 = tpu.memref_slice %arg6[%rem3A_234, %swap3A_1541, %swap3A_1542] : memref<7x128x128xf32, #tpu.memory_space<vmem>> -> memref<1x128x128xf32, #tpu.memory_space<vmem>>
        %swap3A_1544 = tpu.memref_squeeze %swap3A_1543 : memref<1x128x128xf32, #tpu.memory_space<vmem>> -> memref<128x128xf32, #tpu.memory_space<vmem>>
        %swap3A_1545 = arith.index_cast %scan3A_1337 : i32 to index
        %swap3A_1546 = arith.constant 112 : index
        %swap3A_1547 = tpu.vector_load %swap3A_1544[%swap3A_1545, %swap3A_1546] {strides = array<i32>} : memref<128x128xf32, #tpu.memory_space<vmem>>, vector<1x16xf32>,
        %swap3A_1548 = vector.shape_cast %swap3A_1547 : vector<1x16xf32> to vector<16xf32>
        %swap3A_1549 = vector.shape_cast %mul3A_1540 : vector<16xf32> to vector<1x16xf32>
        tpu.vector_store %swap3A_1544[%swap3A_1545, %swap3A_1546], %swap3A_1549 {strides = array<i32>} : memref<128x128xf32, #tpu.memory_space<vmem>>, vector<1x16xf32>,
        %scan3A_1550 = arith.constant 6 : i32
        %scan3A_1551 = arith.addi %scan3A_275, %scan3A_1550 : i32
        %get3A_1552 = arith.constant 0 : i32
        %get3A_1553 = arith.constant 0 : i32
        %get3A_1554 = tpu.memref_slice %arg6[%rem3A_234, %get3A_1552, %get3A_1553] : memref<7x128x128xf32, #tpu.memory_space<vmem>> -> memref<1x128x128xf32, #tpu.memory_space<vmem>>
        %get3A_1555 = tpu.memref_squeeze %get3A_1554 : memref<1x128x128xf32, #tpu.memory_space<vmem>> -> memref<128x128xf32, #tpu.memory_space<vmem>>
        %get3A_1556 = arith.index_cast %scan3A_1551 : i32 to index
        %get3A_1557 = arith.constant 0 : index
        %get3A_1558 = tpu.vector_load %get3A_1555[%get3A_1556, %get3A_1557] {strides = array<i32>} : memref<128x128xf32, #tpu.memory_space<vmem>>, vector<1x16xf32>,
        %get3A_1559 = vector.shape_cast %get3A_1558 : vector<1x16xf32> to vector<16xf32>
        %get3A_1560 = arith.constant 0 : i32
        %get3A_1561 = arith.constant 0 : i32
        %get3A_1562 = tpu.memref_slice %arg6[%rem3A_234, %get3A_1560, %get3A_1561] : memref<7x128x128xf32, #tpu.memory_space<vmem>> -> memref<1x128x128xf32, #tpu.memory_space<vmem>>
        %get3A_1563 = tpu.memref_squeeze %get3A_1562 : memref<1x128x128xf32, #tpu.memory_space<vmem>> -> memref<128x128xf32, #tpu.memory_space<vmem>>
        %get3A_1564 = arith.index_cast %scan3A_1551 : i32 to index
        %get3A_1565 = arith.constant 16 : index
        %get3A_1566 = tpu.vector_load %get3A_1563[%get3A_1564, %get3A_1565] {strides = array<i32>} : memref<128x128xf32, #tpu.memory_space<vmem>>, vector<1x16xf32>,
        %get3A_1567 = vector.shape_cast %get3A_1566 : vector<1x16xf32> to vector<16xf32>
        %get3A_1568 = arith.constant 0 : i32
        %get3A_1569 = arith.constant 0 : i32
        %get3A_1570 = tpu.memref_slice %arg6[%rem3A_234, %get3A_1568, %get3A_1569] : memref<7x128x128xf32, #tpu.memory_space<vmem>> -> memref<1x128x128xf32, #tpu.memory_space<vmem>>
        %get3A_1571 = tpu.memref_squeeze %get3A_1570 : memref<1x128x128xf32, #tpu.memory_space<vmem>> -> memref<128x128xf32, #tpu.memory_space<vmem>>
        %get3A_1572 = arith.index_cast %scan3A_1551 : i32 to index
        %get3A_1573 = arith.constant 32 : index
        %get3A_1574 = tpu.vector_load %get3A_1571[%get3A_1572, %get3A_1573] {strides = array<i32>} : memref<128x128xf32, #tpu.memory_space<vmem>>, vector<1x16xf32>,
        %get3A_1575 = vector.shape_cast %get3A_1574 : vector<1x16xf32> to vector<16xf32>
        %get3A_1576 = arith.constant 0 : i32
        %get3A_1577 = arith.constant 0 : i32
        %get3A_1578 = tpu.memref_slice %arg6[%rem3A_234, %get3A_1576, %get3A_1577] : memref<7x128x128xf32, #tpu.memory_space<vmem>> -> memref<1x128x128xf32, #tpu.memory_space<vmem>>
        %get3A_1579 = tpu.memref_squeeze %get3A_1578 : memref<1x128x128xf32, #tpu.memory_space<vmem>> -> memref<128x128xf32, #tpu.memory_space<vmem>>
        %get3A_1580 = arith.index_cast %scan3A_1551 : i32 to index
        %get3A_1581 = arith.constant 48 : index
        %get3A_1582 = tpu.vector_load %get3A_1579[%get3A_1580, %get3A_1581] {strides = array<i32>} : memref<128x128xf32, #tpu.memory_space<vmem>>, vector<1x16xf32>,
        %get3A_1583 = vector.shape_cast %get3A_1582 : vector<1x16xf32> to vector<16xf32>
        %get3A_1584 = arith.constant 0 : i32
        %get3A_1585 = arith.constant 0 : i32
        %get3A_1586 = tpu.memref_slice %arg6[%rem3A_234, %get3A_1584, %get3A_1585] : memref<7x128x128xf32, #tpu.memory_space<vmem>> -> memref<1x128x128xf32, #tpu.memory_space<vmem>>
        %get3A_1587 = tpu.memref_squeeze %get3A_1586 : memref<1x128x128xf32, #tpu.memory_space<vmem>> -> memref<128x128xf32, #tpu.memory_space<vmem>>
        %get3A_1588 = arith.index_cast %scan3A_1551 : i32 to index
        %get3A_1589 = arith.constant 64 : index
        %get3A_1590 = tpu.vector_load %get3A_1587[%get3A_1588, %get3A_1589] {strides = array<i32>} : memref<128x128xf32, #tpu.memory_space<vmem>>, vector<1x16xf32>,
        %get3A_1591 = vector.shape_cast %get3A_1590 : vector<1x16xf32> to vector<16xf32>
        %get3A_1592 = arith.constant 0 : i32
        %get3A_1593 = arith.constant 0 : i32
        %get3A_1594 = tpu.memref_slice %arg6[%rem3A_234, %get3A_1592, %get3A_1593] : memref<7x128x128xf32, #tpu.memory_space<vmem>> -> memref<1x128x128xf32, #tpu.memory_space<vmem>>
        %get3A_1595 = tpu.memref_squeeze %get3A_1594 : memref<1x128x128xf32, #tpu.memory_space<vmem>> -> memref<128x128xf32, #tpu.memory_space<vmem>>
        %get3A_1596 = arith.index_cast %scan3A_1551 : i32 to index
        %get3A_1597 = arith.constant 80 : index
        %get3A_1598 = tpu.vector_load %get3A_1595[%get3A_1596, %get3A_1597] {strides = array<i32>} : memref<128x128xf32, #tpu.memory_space<vmem>>, vector<1x16xf32>,
        %get3A_1599 = vector.shape_cast %get3A_1598 : vector<1x16xf32> to vector<16xf32>
        %get3A_1600 = arith.constant 0 : i32
        %get3A_1601 = arith.constant 0 : i32
        %get3A_1602 = tpu.memref_slice %arg6[%rem3A_234, %get3A_1600, %get3A_1601] : memref<7x128x128xf32, #tpu.memory_space<vmem>> -> memref<1x128x128xf32, #tpu.memory_space<vmem>>
        %get3A_1603 = tpu.memref_squeeze %get3A_1602 : memref<1x128x128xf32, #tpu.memory_space<vmem>> -> memref<128x128xf32, #tpu.memory_space<vmem>>
        %get3A_1604 = arith.index_cast %scan3A_1551 : i32 to index
        %get3A_1605 = arith.constant 96 : index
        %get3A_1606 = tpu.vector_load %get3A_1603[%get3A_1604, %get3A_1605] {strides = array<i32>} : memref<128x128xf32, #tpu.memory_space<vmem>>, vector<1x16xf32>,
        %get3A_1607 = vector.shape_cast %get3A_1606 : vector<1x16xf32> to vector<16xf32>
        %get3A_1608 = arith.constant 0 : i32
        %get3A_1609 = arith.constant 0 : i32
        %get3A_1610 = tpu.memref_slice %arg6[%rem3A_234, %get3A_1608, %get3A_1609] : memref<7x128x128xf32, #tpu.memory_space<vmem>> -> memref<1x128x128xf32, #tpu.memory_space<vmem>>
        %get3A_1611 = tpu.memref_squeeze %get3A_1610 : memref<1x128x128xf32, #tpu.memory_space<vmem>> -> memref<128x128xf32, #tpu.memory_space<vmem>>
        %get3A_1612 = arith.index_cast %scan3A_1551 : i32 to index
        %get3A_1613 = arith.constant 112 : index
        %get3A_1614 = tpu.vector_load %get3A_1611[%get3A_1612, %get3A_1613] {strides = array<i32>} : memref<128x128xf32, #tpu.memory_space<vmem>>, vector<1x16xf32>,
        %get3A_1615 = vector.shape_cast %get3A_1614 : vector<1x16xf32> to vector<16xf32>
        %abs3A_1616 = math.absf %get3A_1559 : vector<16xf32>
        %abs3A_1617 = math.absf %get3A_1567 : vector<16xf32>
        %abs3A_1618 = math.absf %get3A_1575 : vector<16xf32>
        %abs3A_1619 = math.absf %get3A_1583 : vector<16xf32>
        %abs3A_1620 = math.absf %get3A_1591 : vector<16xf32>
        %abs3A_1621 = math.absf %get3A_1599 : vector<16xf32>
        %abs3A_1622 = math.absf %get3A_1607 : vector<16xf32>
        %abs3A_1623 = math.absf %get3A_1615 : vector<16xf32>
        %add3A_1624 = arith.addf %abs3A_1616, %abs3A_1617 : vector<16xf32>
        %add3A_1625 = arith.addf %abs3A_1618, %abs3A_1619 : vector<16xf32>
        %add3A_1626 = arith.addf %abs3A_1620, %abs3A_1621 : vector<16xf32>
        %add3A_1627 = arith.addf %abs3A_1622, %abs3A_1623 : vector<16xf32>
        %add3A_1628 = arith.addf %add3A_1624, %add3A_1625 : vector<16xf32>
        %add3A_1629 = arith.addf %add3A_1626, %add3A_1627 : vector<16xf32>
        %add3A_1630 = arith.addf %add3A_1628, %add3A_1629 : vector<16xf32>
        %lt3A_1631 = arith.constant 0 : i32
        %lt3A_1632 = vector.broadcast %lt3A_1631 : i32 to vector<16xi32>
        %lt3A_1633 = arith.cmpi slt, %xor3A_93, %lt3A_1632 : vector<16xi32>
        %add3A_1634 = arith.constant 16 : i32
        %add3A_1635 = vector.broadcast %add3A_1634 : i32 to vector<16xi32>
        %add3A_1636 = arith.addi %xor3A_93, %add3A_1635 : vector<16xi32>
        %select_n3A_1637 = arith.select %lt3A_1633, %add3A_1636, %xor3A_93 : vector<16xi1>, vector<16xi32>
        %broadcast_in_dim3A_1638 = vector.shape_cast %select_n3A_1637 : vector<16xi32> to vector<16x1xi32>
        %gather3A_1639 = vector.shape_cast %broadcast_in_dim3A_1638 : vector<16x1xi32> to vector<16xi32>
        %gather3A_1640 = tpu.dynamic_gather %add3A_1630[%gather3A_1639] in [0] : vector<16xf32>, vector<16xi32> -> vector<16xf32>
        %add3A_1641 = arith.addf %add3A_1630, %gather3A_1640 : vector<16xf32>
        %lt3A_1642 = arith.constant 0 : i32
        %lt3A_1643 = vector.broadcast %lt3A_1642 : i32 to vector<16xi32>
        %lt3A_1644 = arith.cmpi slt, %xor3A_96, %lt3A_1643 : vector<16xi32>
        %add3A_1645 = arith.constant 16 : i32
        %add3A_1646 = vector.broadcast %add3A_1645 : i32 to vector<16xi32>
        %add3A_1647 = arith.addi %xor3A_96, %add3A_1646 : vector<16xi32>
        %select_n3A_1648 = arith.select %lt3A_1644, %add3A_1647, %xor3A_96 : vector<16xi1>, vector<16xi32>
        %broadcast_in_dim3A_1649 = vector.shape_cast %select_n3A_1648 : vector<16xi32> to vector<16x1xi32>
        %gather3A_1650 = vector.shape_cast %broadcast_in_dim3A_1649 : vector<16x1xi32> to vector<16xi32>
        %gather3A_1651 = tpu.dynamic_gather %add3A_1641[%gather3A_1650] in [0] : vector<16xf32>, vector<16xi32> -> vector<16xf32>
        %add3A_1652 = arith.addf %add3A_1641, %gather3A_1651 : vector<16xf32>
        %lt3A_1653 = arith.constant 0 : i32
        %lt3A_1654 = vector.broadcast %lt3A_1653 : i32 to vector<16xi32>
        %lt3A_1655 = arith.cmpi slt, %xor3A_99, %lt3A_1654 : vector<16xi32>
        %add3A_1656 = arith.constant 16 : i32
        %add3A_1657 = vector.broadcast %add3A_1656 : i32 to vector<16xi32>
        %add3A_1658 = arith.addi %xor3A_99, %add3A_1657 : vector<16xi32>
        %select_n3A_1659 = arith.select %lt3A_1655, %add3A_1658, %xor3A_99 : vector<16xi1>, vector<16xi32>
        %broadcast_in_dim3A_1660 = vector.shape_cast %select_n3A_1659 : vector<16xi32> to vector<16x1xi32>
        %gather3A_1661 = vector.shape_cast %broadcast_in_dim3A_1660 : vector<16x1xi32> to vector<16xi32>
        %gather3A_1662 = tpu.dynamic_gather %add3A_1652[%gather3A_1661] in [0] : vector<16xf32>, vector<16xi32> -> vector<16xf32>
        %add3A_1663 = arith.addf %add3A_1652, %gather3A_1662 : vector<16xf32>
        %lt3A_1664 = arith.constant 0 : i32
        %lt3A_1665 = vector.broadcast %lt3A_1664 : i32 to vector<16xi32>
        %lt3A_1666 = arith.cmpi slt, %xor3A_102, %lt3A_1665 : vector<16xi32>
        %add3A_1667 = arith.constant 16 : i32
        %add3A_1668 = vector.broadcast %add3A_1667 : i32 to vector<16xi32>
        %add3A_1669 = arith.addi %xor3A_102, %add3A_1668 : vector<16xi32>
        %select_n3A_1670 = arith.select %lt3A_1666, %add3A_1669, %xor3A_102 : vector<16xi1>, vector<16xi32>
        %broadcast_in_dim3A_1671 = vector.shape_cast %select_n3A_1670 : vector<16xi32> to vector<16x1xi32>
        %gather3A_1672 = vector.shape_cast %broadcast_in_dim3A_1671 : vector<16x1xi32> to vector<16xi32>
        %gather3A_1673 = tpu.dynamic_gather %add3A_1663[%gather3A_1672] in [0] : vector<16xf32>, vector<16xi32> -> vector<16xf32>
        %add3A_1674 = arith.addf %add3A_1663, %gather3A_1673 : vector<16xf32>
        %add3A_1675 = arith.constant 1.000000e-07 : f32
        %add3A_1676 = vector.broadcast %add3A_1675 : f32 to vector<16xf32>
        %add3A_1677 = arith.addf %add3A_1674, %add3A_1676 : vector<16xf32>
        %div3A_1678 = arith.constant 1.000000e+00 : f32
        %div3A_1679 = vector.broadcast %div3A_1678 : f32 to vector<16xf32>
        %div3A_1680 = arith.divf %div3A_1679, %add3A_1677 : vector<16xf32>
        %min3A_1681 = arith.constant 1.000000e+00 : f32
        %min3A_1682 = vector.broadcast %min3A_1681 : f32 to vector<16xf32>
        %min3A_1683 = arith.minimumf %div3A_1680, %min3A_1682 : vector<16xf32>
        %mul3A_1684 = arith.mulf %get3A_1559, %min3A_1683 : vector<16xf32>
        %swap3A_1685 = arith.constant 0 : i32
        %swap3A_1686 = arith.constant 0 : i32
        %swap3A_1687 = tpu.memref_slice %arg6[%rem3A_234, %swap3A_1685, %swap3A_1686] : memref<7x128x128xf32, #tpu.memory_space<vmem>> -> memref<1x128x128xf32, #tpu.memory_space<vmem>>
        %swap3A_1688 = tpu.memref_squeeze %swap3A_1687 : memref<1x128x128xf32, #tpu.memory_space<vmem>> -> memref<128x128xf32, #tpu.memory_space<vmem>>
        %swap3A_1689 = arith.index_cast %scan3A_1551 : i32 to index
        %swap3A_1690 = arith.constant 0 : index
        %swap3A_1691 = tpu.vector_load %swap3A_1688[%swap3A_1689, %swap3A_1690] {strides = array<i32>} : memref<128x128xf32, #tpu.memory_space<vmem>>, vector<1x16xf32>,
        %swap3A_1692 = vector.shape_cast %swap3A_1691 : vector<1x16xf32> to vector<16xf32>
        %swap3A_1693 = vector.shape_cast %mul3A_1684 : vector<16xf32> to vector<1x16xf32>
        tpu.vector_store %swap3A_1688[%swap3A_1689, %swap3A_1690], %swap3A_1693 {strides = array<i32>} : memref<128x128xf32, #tpu.memory_space<vmem>>, vector<1x16xf32>,
        %mul3A_1694 = arith.mulf %get3A_1567, %min3A_1683 : vector<16xf32>
        %swap3A_1695 = arith.constant 0 : i32
        %swap3A_1696 = arith.constant 0 : i32
        %swap3A_1697 = tpu.memref_slice %arg6[%rem3A_234, %swap3A_1695, %swap3A_1696] : memref<7x128x128xf32, #tpu.memory_space<vmem>> -> memref<1x128x128xf32, #tpu.memory_space<vmem>>
        %swap3A_1698 = tpu.memref_squeeze %swap3A_1697 : memref<1x128x128xf32, #tpu.memory_space<vmem>> -> memref<128x128xf32, #tpu.memory_space<vmem>>
        %swap3A_1699 = arith.index_cast %scan3A_1551 : i32 to index
        %swap3A_1700 = arith.constant 16 : index
        %swap3A_1701 = tpu.vector_load %swap3A_1698[%swap3A_1699, %swap3A_1700] {strides = array<i32>} : memref<128x128xf32, #tpu.memory_space<vmem>>, vector<1x16xf32>,
        %swap3A_1702 = vector.shape_cast %swap3A_1701 : vector<1x16xf32> to vector<16xf32>
        %swap3A_1703 = vector.shape_cast %mul3A_1694 : vector<16xf32> to vector<1x16xf32>
        tpu.vector_store %swap3A_1698[%swap3A_1699, %swap3A_1700], %swap3A_1703 {strides = array<i32>} : memref<128x128xf32, #tpu.memory_space<vmem>>, vector<1x16xf32>,
        %mul3A_1704 = arith.mulf %get3A_1575, %min3A_1683 : vector<16xf32>
        %swap3A_1705 = arith.constant 0 : i32
        %swap3A_1706 = arith.constant 0 : i32
        %swap3A_1707 = tpu.memref_slice %arg6[%rem3A_234, %swap3A_1705, %swap3A_1706] : memref<7x128x128xf32, #tpu.memory_space<vmem>> -> memref<1x128x128xf32, #tpu.memory_space<vmem>>
        %swap3A_1708 = tpu.memref_squeeze %swap3A_1707 : memref<1x128x128xf32, #tpu.memory_space<vmem>> -> memref<128x128xf32, #tpu.memory_space<vmem>>
        %swap3A_1709 = arith.index_cast %scan3A_1551 : i32 to index
        %swap3A_1710 = arith.constant 32 : index
        %swap3A_1711 = tpu.vector_load %swap3A_1708[%swap3A_1709, %swap3A_1710] {strides = array<i32>} : memref<128x128xf32, #tpu.memory_space<vmem>>, vector<1x16xf32>,
        %swap3A_1712 = vector.shape_cast %swap3A_1711 : vector<1x16xf32> to vector<16xf32>
        %swap3A_1713 = vector.shape_cast %mul3A_1704 : vector<16xf32> to vector<1x16xf32>
        tpu.vector_store %swap3A_1708[%swap3A_1709, %swap3A_1710], %swap3A_1713 {strides = array<i32>} : memref<128x128xf32, #tpu.memory_space<vmem>>, vector<1x16xf32>,
        %mul3A_1714 = arith.mulf %get3A_1583, %min3A_1683 : vector<16xf32>
        %swap3A_1715 = arith.constant 0 : i32
        %swap3A_1716 = arith.constant 0 : i32
        %swap3A_1717 = tpu.memref_slice %arg6[%rem3A_234, %swap3A_1715, %swap3A_1716] : memref<7x128x128xf32, #tpu.memory_space<vmem>> -> memref<1x128x128xf32, #tpu.memory_space<vmem>>
        %swap3A_1718 = tpu.memref_squeeze %swap3A_1717 : memref<1x128x128xf32, #tpu.memory_space<vmem>> -> memref<128x128xf32, #tpu.memory_space<vmem>>
        %swap3A_1719 = arith.index_cast %scan3A_1551 : i32 to index
        %swap3A_1720 = arith.constant 48 : index
        %swap3A_1721 = tpu.vector_load %swap3A_1718[%swap3A_1719, %swap3A_1720] {strides = array<i32>} : memref<128x128xf32, #tpu.memory_space<vmem>>, vector<1x16xf32>,
        %swap3A_1722 = vector.shape_cast %swap3A_1721 : vector<1x16xf32> to vector<16xf32>
        %swap3A_1723 = vector.shape_cast %mul3A_1714 : vector<16xf32> to vector<1x16xf32>
        tpu.vector_store %swap3A_1718[%swap3A_1719, %swap3A_1720], %swap3A_1723 {strides = array<i32>} : memref<128x128xf32, #tpu.memory_space<vmem>>, vector<1x16xf32>,
        %mul3A_1724 = arith.mulf %get3A_1591, %min3A_1683 : vector<16xf32>
        %swap3A_1725 = arith.constant 0 : i32
        %swap3A_1726 = arith.constant 0 : i32
        %swap3A_1727 = tpu.memref_slice %arg6[%rem3A_234, %swap3A_1725, %swap3A_1726] : memref<7x128x128xf32, #tpu.memory_space<vmem>> -> memref<1x128x128xf32, #tpu.memory_space<vmem>>
        %swap3A_1728 = tpu.memref_squeeze %swap3A_1727 : memref<1x128x128xf32, #tpu.memory_space<vmem>> -> memref<128x128xf32, #tpu.memory_space<vmem>>
        %swap3A_1729 = arith.index_cast %scan3A_1551 : i32 to index
        %swap3A_1730 = arith.constant 64 : index
        %swap3A_1731 = tpu.vector_load %swap3A_1728[%swap3A_1729, %swap3A_1730] {strides = array<i32>} : memref<128x128xf32, #tpu.memory_space<vmem>>, vector<1x16xf32>,
        %swap3A_1732 = vector.shape_cast %swap3A_1731 : vector<1x16xf32> to vector<16xf32>
        %swap3A_1733 = vector.shape_cast %mul3A_1724 : vector<16xf32> to vector<1x16xf32>
        tpu.vector_store %swap3A_1728[%swap3A_1729, %swap3A_1730], %swap3A_1733 {strides = array<i32>} : memref<128x128xf32, #tpu.memory_space<vmem>>, vector<1x16xf32>,
        %mul3A_1734 = arith.mulf %get3A_1599, %min3A_1683 : vector<16xf32>
        %swap3A_1735 = arith.constant 0 : i32
        %swap3A_1736 = arith.constant 0 : i32
        %swap3A_1737 = tpu.memref_slice %arg6[%rem3A_234, %swap3A_1735, %swap3A_1736] : memref<7x128x128xf32, #tpu.memory_space<vmem>> -> memref<1x128x128xf32, #tpu.memory_space<vmem>>
        %swap3A_1738 = tpu.memref_squeeze %swap3A_1737 : memref<1x128x128xf32, #tpu.memory_space<vmem>> -> memref<128x128xf32, #tpu.memory_space<vmem>>
        %swap3A_1739 = arith.index_cast %scan3A_1551 : i32 to index
        %swap3A_1740 = arith.constant 80 : index
        %swap3A_1741 = tpu.vector_load %swap3A_1738[%swap3A_1739, %swap3A_1740] {strides = array<i32>} : memref<128x128xf32, #tpu.memory_space<vmem>>, vector<1x16xf32>,
        %swap3A_1742 = vector.shape_cast %swap3A_1741 : vector<1x16xf32> to vector<16xf32>
        %swap3A_1743 = vector.shape_cast %mul3A_1734 : vector<16xf32> to vector<1x16xf32>
        tpu.vector_store %swap3A_1738[%swap3A_1739, %swap3A_1740], %swap3A_1743 {strides = array<i32>} : memref<128x128xf32, #tpu.memory_space<vmem>>, vector<1x16xf32>,
        %mul3A_1744 = arith.mulf %get3A_1607, %min3A_1683 : vector<16xf32>
        %swap3A_1745 = arith.constant 0 : i32
        %swap3A_1746 = arith.constant 0 : i32
        %swap3A_1747 = tpu.memref_slice %arg6[%rem3A_234, %swap3A_1745, %swap3A_1746] : memref<7x128x128xf32, #tpu.memory_space<vmem>> -> memref<1x128x128xf32, #tpu.memory_space<vmem>>
        %swap3A_1748 = tpu.memref_squeeze %swap3A_1747 : memref<1x128x128xf32, #tpu.memory_space<vmem>> -> memref<128x128xf32, #tpu.memory_space<vmem>>
        %swap3A_1749 = arith.index_cast %scan3A_1551 : i32 to index
        %swap3A_1750 = arith.constant 96 : index
        %swap3A_1751 = tpu.vector_load %swap3A_1748[%swap3A_1749, %swap3A_1750] {strides = array<i32>} : memref<128x128xf32, #tpu.memory_space<vmem>>, vector<1x16xf32>,
        %swap3A_1752 = vector.shape_cast %swap3A_1751 : vector<1x16xf32> to vector<16xf32>
        %swap3A_1753 = vector.shape_cast %mul3A_1744 : vector<16xf32> to vector<1x16xf32>
        tpu.vector_store %swap3A_1748[%swap3A_1749, %swap3A_1750], %swap3A_1753 {strides = array<i32>} : memref<128x128xf32, #tpu.memory_space<vmem>>, vector<1x16xf32>,
        %mul3A_1754 = arith.mulf %get3A_1615, %min3A_1683 : vector<16xf32>
        %swap3A_1755 = arith.constant 0 : i32
        %swap3A_1756 = arith.constant 0 : i32
        %swap3A_1757 = tpu.memref_slice %arg6[%rem3A_234, %swap3A_1755, %swap3A_1756] : memref<7x128x128xf32, #tpu.memory_space<vmem>> -> memref<1x128x128xf32, #tpu.memory_space<vmem>>
        %swap3A_1758 = tpu.memref_squeeze %swap3A_1757 : memref<1x128x128xf32, #tpu.memory_space<vmem>> -> memref<128x128xf32, #tpu.memory_space<vmem>>
        %swap3A_1759 = arith.index_cast %scan3A_1551 : i32 to index
        %swap3A_1760 = arith.constant 112 : index
        %swap3A_1761 = tpu.vector_load %swap3A_1758[%swap3A_1759, %swap3A_1760] {strides = array<i32>} : memref<128x128xf32, #tpu.memory_space<vmem>>, vector<1x16xf32>,
        %swap3A_1762 = vector.shape_cast %swap3A_1761 : vector<1x16xf32> to vector<16xf32>
        %swap3A_1763 = vector.shape_cast %mul3A_1754 : vector<16xf32> to vector<1x16xf32>
        tpu.vector_store %swap3A_1758[%swap3A_1759, %swap3A_1760], %swap3A_1763 {strides = array<i32>} : memref<128x128xf32, #tpu.memory_space<vmem>>, vector<1x16xf32>,
        %scan3A_1764 = arith.constant 7 : i32
        %scan3A_1765 = arith.addi %scan3A_275, %scan3A_1764 : i32
        %get3A_1766 = arith.constant 0 : i32
        %get3A_1767 = arith.constant 0 : i32
        %get3A_1768 = tpu.memref_slice %arg6[%rem3A_234, %get3A_1766, %get3A_1767] : memref<7x128x128xf32, #tpu.memory_space<vmem>> -> memref<1x128x128xf32, #tpu.memory_space<vmem>>
        %get3A_1769 = tpu.memref_squeeze %get3A_1768 : memref<1x128x128xf32, #tpu.memory_space<vmem>> -> memref<128x128xf32, #tpu.memory_space<vmem>>
        %get3A_1770 = arith.index_cast %scan3A_1765 : i32 to index
        %get3A_1771 = arith.constant 0 : index
        %get3A_1772 = tpu.vector_load %get3A_1769[%get3A_1770, %get3A_1771] {strides = array<i32>} : memref<128x128xf32, #tpu.memory_space<vmem>>, vector<1x16xf32>,
        %get3A_1773 = vector.shape_cast %get3A_1772 : vector<1x16xf32> to vector<16xf32>
        %get3A_1774 = arith.constant 0 : i32
        %get3A_1775 = arith.constant 0 : i32
        %get3A_1776 = tpu.memref_slice %arg6[%rem3A_234, %get3A_1774, %get3A_1775] : memref<7x128x128xf32, #tpu.memory_space<vmem>> -> memref<1x128x128xf32, #tpu.memory_space<vmem>>
        %get3A_1777 = tpu.memref_squeeze %get3A_1776 : memref<1x128x128xf32, #tpu.memory_space<vmem>> -> memref<128x128xf32, #tpu.memory_space<vmem>>
        %get3A_1778 = arith.index_cast %scan3A_1765 : i32 to index
        %get3A_1779 = arith.constant 16 : index
        %get3A_1780 = tpu.vector_load %get3A_1777[%get3A_1778, %get3A_1779] {strides = array<i32>} : memref<128x128xf32, #tpu.memory_space<vmem>>, vector<1x16xf32>,
        %get3A_1781 = vector.shape_cast %get3A_1780 : vector<1x16xf32> to vector<16xf32>
        %get3A_1782 = arith.constant 0 : i32
        %get3A_1783 = arith.constant 0 : i32
        %get3A_1784 = tpu.memref_slice %arg6[%rem3A_234, %get3A_1782, %get3A_1783] : memref<7x128x128xf32, #tpu.memory_space<vmem>> -> memref<1x128x128xf32, #tpu.memory_space<vmem>>
        %get3A_1785 = tpu.memref_squeeze %get3A_1784 : memref<1x128x128xf32, #tpu.memory_space<vmem>> -> memref<128x128xf32, #tpu.memory_space<vmem>>
        %get3A_1786 = arith.index_cast %scan3A_1765 : i32 to index
        %get3A_1787 = arith.constant 32 : index
        %get3A_1788 = tpu.vector_load %get3A_1785[%get3A_1786, %get3A_1787] {strides = array<i32>} : memref<128x128xf32, #tpu.memory_space<vmem>>, vector<1x16xf32>,
        %get3A_1789 = vector.shape_cast %get3A_1788 : vector<1x16xf32> to vector<16xf32>
        %get3A_1790 = arith.constant 0 : i32
        %get3A_1791 = arith.constant 0 : i32
        %get3A_1792 = tpu.memref_slice %arg6[%rem3A_234, %get3A_1790, %get3A_1791] : memref<7x128x128xf32, #tpu.memory_space<vmem>> -> memref<1x128x128xf32, #tpu.memory_space<vmem>>
        %get3A_1793 = tpu.memref_squeeze %get3A_1792 : memref<1x128x128xf32, #tpu.memory_space<vmem>> -> memref<128x128xf32, #tpu.memory_space<vmem>>
        %get3A_1794 = arith.index_cast %scan3A_1765 : i32 to index
        %get3A_1795 = arith.constant 48 : index
        %get3A_1796 = tpu.vector_load %get3A_1793[%get3A_1794, %get3A_1795] {strides = array<i32>} : memref<128x128xf32, #tpu.memory_space<vmem>>, vector<1x16xf32>,
        %get3A_1797 = vector.shape_cast %get3A_1796 : vector<1x16xf32> to vector<16xf32>
        %get3A_1798 = arith.constant 0 : i32
        %get3A_1799 = arith.constant 0 : i32
        %get3A_1800 = tpu.memref_slice %arg6[%rem3A_234, %get3A_1798, %get3A_1799] : memref<7x128x128xf32, #tpu.memory_space<vmem>> -> memref<1x128x128xf32, #tpu.memory_space<vmem>>
        %get3A_1801 = tpu.memref_squeeze %get3A_1800 : memref<1x128x128xf32, #tpu.memory_space<vmem>> -> memref<128x128xf32, #tpu.memory_space<vmem>>
        %get3A_1802 = arith.index_cast %scan3A_1765 : i32 to index
        %get3A_1803 = arith.constant 64 : index
        %get3A_1804 = tpu.vector_load %get3A_1801[%get3A_1802, %get3A_1803] {strides = array<i32>} : memref<128x128xf32, #tpu.memory_space<vmem>>, vector<1x16xf32>,
        %get3A_1805 = vector.shape_cast %get3A_1804 : vector<1x16xf32> to vector<16xf32>
        %get3A_1806 = arith.constant 0 : i32
        %get3A_1807 = arith.constant 0 : i32
        %get3A_1808 = tpu.memref_slice %arg6[%rem3A_234, %get3A_1806, %get3A_1807] : memref<7x128x128xf32, #tpu.memory_space<vmem>> -> memref<1x128x128xf32, #tpu.memory_space<vmem>>
        %get3A_1809 = tpu.memref_squeeze %get3A_1808 : memref<1x128x128xf32, #tpu.memory_space<vmem>> -> memref<128x128xf32, #tpu.memory_space<vmem>>
        %get3A_1810 = arith.index_cast %scan3A_1765 : i32 to index
        %get3A_1811 = arith.constant 80 : index
        %get3A_1812 = tpu.vector_load %get3A_1809[%get3A_1810, %get3A_1811] {strides = array<i32>} : memref<128x128xf32, #tpu.memory_space<vmem>>, vector<1x16xf32>,
        %get3A_1813 = vector.shape_cast %get3A_1812 : vector<1x16xf32> to vector<16xf32>
        %get3A_1814 = arith.constant 0 : i32
        %get3A_1815 = arith.constant 0 : i32
        %get3A_1816 = tpu.memref_slice %arg6[%rem3A_234, %get3A_1814, %get3A_1815] : memref<7x128x128xf32, #tpu.memory_space<vmem>> -> memref<1x128x128xf32, #tpu.memory_space<vmem>>
        %get3A_1817 = tpu.memref_squeeze %get3A_1816 : memref<1x128x128xf32, #tpu.memory_space<vmem>> -> memref<128x128xf32, #tpu.memory_space<vmem>>
        %get3A_1818 = arith.index_cast %scan3A_1765 : i32 to index
        %get3A_1819 = arith.constant 96 : index
        %get3A_1820 = tpu.vector_load %get3A_1817[%get3A_1818, %get3A_1819] {strides = array<i32>} : memref<128x128xf32, #tpu.memory_space<vmem>>, vector<1x16xf32>,
        %get3A_1821 = vector.shape_cast %get3A_1820 : vector<1x16xf32> to vector<16xf32>
        %get3A_1822 = arith.constant 0 : i32
        %get3A_1823 = arith.constant 0 : i32
        %get3A_1824 = tpu.memref_slice %arg6[%rem3A_234, %get3A_1822, %get3A_1823] : memref<7x128x128xf32, #tpu.memory_space<vmem>> -> memref<1x128x128xf32, #tpu.memory_space<vmem>>
        %get3A_1825 = tpu.memref_squeeze %get3A_1824 : memref<1x128x128xf32, #tpu.memory_space<vmem>> -> memref<128x128xf32, #tpu.memory_space<vmem>>
        %get3A_1826 = arith.index_cast %scan3A_1765 : i32 to index
        %get3A_1827 = arith.constant 112 : index
        %get3A_1828 = tpu.vector_load %get3A_1825[%get3A_1826, %get3A_1827] {strides = array<i32>} : memref<128x128xf32, #tpu.memory_space<vmem>>, vector<1x16xf32>,
        %get3A_1829 = vector.shape_cast %get3A_1828 : vector<1x16xf32> to vector<16xf32>
        %abs3A_1830 = math.absf %get3A_1773 : vector<16xf32>
        %abs3A_1831 = math.absf %get3A_1781 : vector<16xf32>
        %abs3A_1832 = math.absf %get3A_1789 : vector<16xf32>
        %abs3A_1833 = math.absf %get3A_1797 : vector<16xf32>
        %abs3A_1834 = math.absf %get3A_1805 : vector<16xf32>
        %abs3A_1835 = math.absf %get3A_1813 : vector<16xf32>
        %abs3A_1836 = math.absf %get3A_1821 : vector<16xf32>
        %abs3A_1837 = math.absf %get3A_1829 : vector<16xf32>
        %add3A_1838 = arith.addf %abs3A_1830, %abs3A_1831 : vector<16xf32>
        %add3A_1839 = arith.addf %abs3A_1832, %abs3A_1833 : vector<16xf32>
        %add3A_1840 = arith.addf %abs3A_1834, %abs3A_1835 : vector<16xf32>
        %add3A_1841 = arith.addf %abs3A_1836, %abs3A_1837 : vector<16xf32>
        %add3A_1842 = arith.addf %add3A_1838, %add3A_1839 : vector<16xf32>
        %add3A_1843 = arith.addf %add3A_1840, %add3A_1841 : vector<16xf32>
        %add3A_1844 = arith.addf %add3A_1842, %add3A_1843 : vector<16xf32>
        %lt3A_1845 = arith.constant 0 : i32
        %lt3A_1846 = vector.broadcast %lt3A_1845 : i32 to vector<16xi32>
        %lt3A_1847 = arith.cmpi slt, %xor3A_93, %lt3A_1846 : vector<16xi32>
        %add3A_1848 = arith.constant 16 : i32
        %add3A_1849 = vector.broadcast %add3A_1848 : i32 to vector<16xi32>
        %add3A_1850 = arith.addi %xor3A_93, %add3A_1849 : vector<16xi32>
        %select_n3A_1851 = arith.select %lt3A_1847, %add3A_1850, %xor3A_93 : vector<16xi1>, vector<16xi32>
        %broadcast_in_dim3A_1852 = vector.shape_cast %select_n3A_1851 : vector<16xi32> to vector<16x1xi32>
        %gather3A_1853 = vector.shape_cast %broadcast_in_dim3A_1852 : vector<16x1xi32> to vector<16xi32>
        %gather3A_1854 = tpu.dynamic_gather %add3A_1844[%gather3A_1853] in [0] : vector<16xf32>, vector<16xi32> -> vector<16xf32>
        %add3A_1855 = arith.addf %add3A_1844, %gather3A_1854 : vector<16xf32>
        %lt3A_1856 = arith.constant 0 : i32
        %lt3A_1857 = vector.broadcast %lt3A_1856 : i32 to vector<16xi32>
        %lt3A_1858 = arith.cmpi slt, %xor3A_96, %lt3A_1857 : vector<16xi32>
        %add3A_1859 = arith.constant 16 : i32
        %add3A_1860 = vector.broadcast %add3A_1859 : i32 to vector<16xi32>
        %add3A_1861 = arith.addi %xor3A_96, %add3A_1860 : vector<16xi32>
        %select_n3A_1862 = arith.select %lt3A_1858, %add3A_1861, %xor3A_96 : vector<16xi1>, vector<16xi32>
        %broadcast_in_dim3A_1863 = vector.shape_cast %select_n3A_1862 : vector<16xi32> to vector<16x1xi32>
        %gather3A_1864 = vector.shape_cast %broadcast_in_dim3A_1863 : vector<16x1xi32> to vector<16xi32>
        %gather3A_1865 = tpu.dynamic_gather %add3A_1855[%gather3A_1864] in [0] : vector<16xf32>, vector<16xi32> -> vector<16xf32>
        %add3A_1866 = arith.addf %add3A_1855, %gather3A_1865 : vector<16xf32>
        %lt3A_1867 = arith.constant 0 : i32
        %lt3A_1868 = vector.broadcast %lt3A_1867 : i32 to vector<16xi32>
        %lt3A_1869 = arith.cmpi slt, %xor3A_99, %lt3A_1868 : vector<16xi32>
        %add3A_1870 = arith.constant 16 : i32
        %add3A_1871 = vector.broadcast %add3A_1870 : i32 to vector<16xi32>
        %add3A_1872 = arith.addi %xor3A_99, %add3A_1871 : vector<16xi32>
        %select_n3A_1873 = arith.select %lt3A_1869, %add3A_1872, %xor3A_99 : vector<16xi1>, vector<16xi32>
        %broadcast_in_dim3A_1874 = vector.shape_cast %select_n3A_1873 : vector<16xi32> to vector<16x1xi32>
        %gather3A_1875 = vector.shape_cast %broadcast_in_dim3A_1874 : vector<16x1xi32> to vector<16xi32>
        %gather3A_1876 = tpu.dynamic_gather %add3A_1866[%gather3A_1875] in [0] : vector<16xf32>, vector<16xi32> -> vector<16xf32>
        %add3A_1877 = arith.addf %add3A_1866, %gather3A_1876 : vector<16xf32>
        %lt3A_1878 = arith.constant 0 : i32
        %lt3A_1879 = vector.broadcast %lt3A_1878 : i32 to vector<16xi32>
        %lt3A_1880 = arith.cmpi slt, %xor3A_102, %lt3A_1879 : vector<16xi32>
        %add3A_1881 = arith.constant 16 : i32
        %add3A_1882 = vector.broadcast %add3A_1881 : i32 to vector<16xi32>
        %add3A_1883 = arith.addi %xor3A_102, %add3A_1882 : vector<16xi32>
        %select_n3A_1884 = arith.select %lt3A_1880, %add3A_1883, %xor3A_102 : vector<16xi1>, vector<16xi32>
        %broadcast_in_dim3A_1885 = vector.shape_cast %select_n3A_1884 : vector<16xi32> to vector<16x1xi32>
        %gather3A_1886 = vector.shape_cast %broadcast_in_dim3A_1885 : vector<16x1xi32> to vector<16xi32>
        %gather3A_1887 = tpu.dynamic_gather %add3A_1877[%gather3A_1886] in [0] : vector<16xf32>, vector<16xi32> -> vector<16xf32>
        %add3A_1888 = arith.addf %add3A_1877, %gather3A_1887 : vector<16xf32>
        %add3A_1889 = arith.constant 1.000000e-07 : f32
        %add3A_1890 = vector.broadcast %add3A_1889 : f32 to vector<16xf32>
        %add3A_1891 = arith.addf %add3A_1888, %add3A_1890 : vector<16xf32>
        %div3A_1892 = arith.constant 1.000000e+00 : f32
        %div3A_1893 = vector.broadcast %div3A_1892 : f32 to vector<16xf32>
        %div3A_1894 = arith.divf %div3A_1893, %add3A_1891 : vector<16xf32>
        %min3A_1895 = arith.constant 1.000000e+00 : f32
        %min3A_1896 = vector.broadcast %min3A_1895 : f32 to vector<16xf32>
        %min3A_1897 = arith.minimumf %div3A_1894, %min3A_1896 : vector<16xf32>
        %mul3A_1898 = arith.mulf %get3A_1773, %min3A_1897 : vector<16xf32>
        %swap3A_1899 = arith.constant 0 : i32
        %swap3A_1900 = arith.constant 0 : i32
        %swap3A_1901 = tpu.memref_slice %arg6[%rem3A_234, %swap3A_1899, %swap3A_1900] : memref<7x128x128xf32, #tpu.memory_space<vmem>> -> memref<1x128x128xf32, #tpu.memory_space<vmem>>
        %swap3A_1902 = tpu.memref_squeeze %swap3A_1901 : memref<1x128x128xf32, #tpu.memory_space<vmem>> -> memref<128x128xf32, #tpu.memory_space<vmem>>
        %swap3A_1903 = arith.index_cast %scan3A_1765 : i32 to index
        %swap3A_1904 = arith.constant 0 : index
        %swap3A_1905 = tpu.vector_load %swap3A_1902[%swap3A_1903, %swap3A_1904] {strides = array<i32>} : memref<128x128xf32, #tpu.memory_space<vmem>>, vector<1x16xf32>,
        %swap3A_1906 = vector.shape_cast %swap3A_1905 : vector<1x16xf32> to vector<16xf32>
        %swap3A_1907 = vector.shape_cast %mul3A_1898 : vector<16xf32> to vector<1x16xf32>
        tpu.vector_store %swap3A_1902[%swap3A_1903, %swap3A_1904], %swap3A_1907 {strides = array<i32>} : memref<128x128xf32, #tpu.memory_space<vmem>>, vector<1x16xf32>,
        %mul3A_1908 = arith.mulf %get3A_1781, %min3A_1897 : vector<16xf32>
        %swap3A_1909 = arith.constant 0 : i32
        %swap3A_1910 = arith.constant 0 : i32
        %swap3A_1911 = tpu.memref_slice %arg6[%rem3A_234, %swap3A_1909, %swap3A_1910] : memref<7x128x128xf32, #tpu.memory_space<vmem>> -> memref<1x128x128xf32, #tpu.memory_space<vmem>>
        %swap3A_1912 = tpu.memref_squeeze %swap3A_1911 : memref<1x128x128xf32, #tpu.memory_space<vmem>> -> memref<128x128xf32, #tpu.memory_space<vmem>>
        %swap3A_1913 = arith.index_cast %scan3A_1765 : i32 to index
        %swap3A_1914 = arith.constant 16 : index
        %swap3A_1915 = tpu.vector_load %swap3A_1912[%swap3A_1913, %swap3A_1914] {strides = array<i32>} : memref<128x128xf32, #tpu.memory_space<vmem>>, vector<1x16xf32>,
        %swap3A_1916 = vector.shape_cast %swap3A_1915 : vector<1x16xf32> to vector<16xf32>
        %swap3A_1917 = vector.shape_cast %mul3A_1908 : vector<16xf32> to vector<1x16xf32>
        tpu.vector_store %swap3A_1912[%swap3A_1913, %swap3A_1914], %swap3A_1917 {strides = array<i32>} : memref<128x128xf32, #tpu.memory_space<vmem>>, vector<1x16xf32>,
        %mul3A_1918 = arith.mulf %get3A_1789, %min3A_1897 : vector<16xf32>
        %swap3A_1919 = arith.constant 0 : i32
        %swap3A_1920 = arith.constant 0 : i32
        %swap3A_1921 = tpu.memref_slice %arg6[%rem3A_234, %swap3A_1919, %swap3A_1920] : memref<7x128x128xf32, #tpu.memory_space<vmem>> -> memref<1x128x128xf32, #tpu.memory_space<vmem>>
        %swap3A_1922 = tpu.memref_squeeze %swap3A_1921 : memref<1x128x128xf32, #tpu.memory_space<vmem>> -> memref<128x128xf32, #tpu.memory_space<vmem>>
        %swap3A_1923 = arith.index_cast %scan3A_1765 : i32 to index
        %swap3A_1924 = arith.constant 32 : index
        %swap3A_1925 = tpu.vector_load %swap3A_1922[%swap3A_1923, %swap3A_1924] {strides = array<i32>} : memref<128x128xf32, #tpu.memory_space<vmem>>, vector<1x16xf32>,
        %swap3A_1926 = vector.shape_cast %swap3A_1925 : vector<1x16xf32> to vector<16xf32>
        %swap3A_1927 = vector.shape_cast %mul3A_1918 : vector<16xf32> to vector<1x16xf32>
        tpu.vector_store %swap3A_1922[%swap3A_1923, %swap3A_1924], %swap3A_1927 {strides = array<i32>} : memref<128x128xf32, #tpu.memory_space<vmem>>, vector<1x16xf32>,
        %mul3A_1928 = arith.mulf %get3A_1797, %min3A_1897 : vector<16xf32>
        %swap3A_1929 = arith.constant 0 : i32
        %swap3A_1930 = arith.constant 0 : i32
        %swap3A_1931 = tpu.memref_slice %arg6[%rem3A_234, %swap3A_1929, %swap3A_1930] : memref<7x128x128xf32, #tpu.memory_space<vmem>> -> memref<1x128x128xf32, #tpu.memory_space<vmem>>
        %swap3A_1932 = tpu.memref_squeeze %swap3A_1931 : memref<1x128x128xf32, #tpu.memory_space<vmem>> -> memref<128x128xf32, #tpu.memory_space<vmem>>
        %swap3A_1933 = arith.index_cast %scan3A_1765 : i32 to index
        %swap3A_1934 = arith.constant 48 : index
        %swap3A_1935 = tpu.vector_load %swap3A_1932[%swap3A_1933, %swap3A_1934] {strides = array<i32>} : memref<128x128xf32, #tpu.memory_space<vmem>>, vector<1x16xf32>,
        %swap3A_1936 = vector.shape_cast %swap3A_1935 : vector<1x16xf32> to vector<16xf32>
        %swap3A_1937 = vector.shape_cast %mul3A_1928 : vector<16xf32> to vector<1x16xf32>
        tpu.vector_store %swap3A_1932[%swap3A_1933, %swap3A_1934], %swap3A_1937 {strides = array<i32>} : memref<128x128xf32, #tpu.memory_space<vmem>>, vector<1x16xf32>,
        %mul3A_1938 = arith.mulf %get3A_1805, %min3A_1897 : vector<16xf32>
        %swap3A_1939 = arith.constant 0 : i32
        %swap3A_1940 = arith.constant 0 : i32
        %swap3A_1941 = tpu.memref_slice %arg6[%rem3A_234, %swap3A_1939, %swap3A_1940] : memref<7x128x128xf32, #tpu.memory_space<vmem>> -> memref<1x128x128xf32, #tpu.memory_space<vmem>>
        %swap3A_1942 = tpu.memref_squeeze %swap3A_1941 : memref<1x128x128xf32, #tpu.memory_space<vmem>> -> memref<128x128xf32, #tpu.memory_space<vmem>>
        %swap3A_1943 = arith.index_cast %scan3A_1765 : i32 to index
        %swap3A_1944 = arith.constant 64 : index
        %swap3A_1945 = tpu.vector_load %swap3A_1942[%swap3A_1943, %swap3A_1944] {strides = array<i32>} : memref<128x128xf32, #tpu.memory_space<vmem>>, vector<1x16xf32>,
        %swap3A_1946 = vector.shape_cast %swap3A_1945 : vector<1x16xf32> to vector<16xf32>
        %swap3A_1947 = vector.shape_cast %mul3A_1938 : vector<16xf32> to vector<1x16xf32>
        tpu.vector_store %swap3A_1942[%swap3A_1943, %swap3A_1944], %swap3A_1947 {strides = array<i32>} : memref<128x128xf32, #tpu.memory_space<vmem>>, vector<1x16xf32>,
        %mul3A_1948 = arith.mulf %get3A_1813, %min3A_1897 : vector<16xf32>
        %swap3A_1949 = arith.constant 0 : i32
        %swap3A_1950 = arith.constant 0 : i32
        %swap3A_1951 = tpu.memref_slice %arg6[%rem3A_234, %swap3A_1949, %swap3A_1950] : memref<7x128x128xf32, #tpu.memory_space<vmem>> -> memref<1x128x128xf32, #tpu.memory_space<vmem>>
        %swap3A_1952 = tpu.memref_squeeze %swap3A_1951 : memref<1x128x128xf32, #tpu.memory_space<vmem>> -> memref<128x128xf32, #tpu.memory_space<vmem>>
        %swap3A_1953 = arith.index_cast %scan3A_1765 : i32 to index
        %swap3A_1954 = arith.constant 80 : index
        %swap3A_1955 = tpu.vector_load %swap3A_1952[%swap3A_1953, %swap3A_1954] {strides = array<i32>} : memref<128x128xf32, #tpu.memory_space<vmem>>, vector<1x16xf32>,
        %swap3A_1956 = vector.shape_cast %swap3A_1955 : vector<1x16xf32> to vector<16xf32>
        %swap3A_1957 = vector.shape_cast %mul3A_1948 : vector<16xf32> to vector<1x16xf32>
        tpu.vector_store %swap3A_1952[%swap3A_1953, %swap3A_1954], %swap3A_1957 {strides = array<i32>} : memref<128x128xf32, #tpu.memory_space<vmem>>, vector<1x16xf32>,
        %mul3A_1958 = arith.mulf %get3A_1821, %min3A_1897 : vector<16xf32>
        %swap3A_1959 = arith.constant 0 : i32
        %swap3A_1960 = arith.constant 0 : i32
        %swap3A_1961 = tpu.memref_slice %arg6[%rem3A_234, %swap3A_1959, %swap3A_1960] : memref<7x128x128xf32, #tpu.memory_space<vmem>> -> memref<1x128x128xf32, #tpu.memory_space<vmem>>
        %swap3A_1962 = tpu.memref_squeeze %swap3A_1961 : memref<1x128x128xf32, #tpu.memory_space<vmem>> -> memref<128x128xf32, #tpu.memory_space<vmem>>
        %swap3A_1963 = arith.index_cast %scan3A_1765 : i32 to index
        %swap3A_1964 = arith.constant 96 : index
        %swap3A_1965 = tpu.vector_load %swap3A_1962[%swap3A_1963, %swap3A_1964] {strides = array<i32>} : memref<128x128xf32, #tpu.memory_space<vmem>>, vector<1x16xf32>,
        %swap3A_1966 = vector.shape_cast %swap3A_1965 : vector<1x16xf32> to vector<16xf32>
        %swap3A_1967 = vector.shape_cast %mul3A_1958 : vector<16xf32> to vector<1x16xf32>
        tpu.vector_store %swap3A_1962[%swap3A_1963, %swap3A_1964], %swap3A_1967 {strides = array<i32>} : memref<128x128xf32, #tpu.memory_space<vmem>>, vector<1x16xf32>,
        %mul3A_1968 = arith.mulf %get3A_1829, %min3A_1897 : vector<16xf32>
        %swap3A_1969 = arith.constant 0 : i32
        %swap3A_1970 = arith.constant 0 : i32
        %swap3A_1971 = tpu.memref_slice %arg6[%rem3A_234, %swap3A_1969, %swap3A_1970] : memref<7x128x128xf32, #tpu.memory_space<vmem>> -> memref<1x128x128xf32, #tpu.memory_space<vmem>>
        %swap3A_1972 = tpu.memref_squeeze %swap3A_1971 : memref<1x128x128xf32, #tpu.memory_space<vmem>> -> memref<128x128xf32, #tpu.memory_space<vmem>>
        %swap3A_1973 = arith.index_cast %scan3A_1765 : i32 to index
        %swap3A_1974 = arith.constant 112 : index
        %swap3A_1975 = tpu.vector_load %swap3A_1972[%swap3A_1973, %swap3A_1974] {strides = array<i32>} : memref<128x128xf32, #tpu.memory_space<vmem>>, vector<1x16xf32>,
        %swap3A_1976 = vector.shape_cast %swap3A_1975 : vector<1x16xf32> to vector<16xf32>
        %swap3A_1977 = vector.shape_cast %mul3A_1968 : vector<16xf32> to vector<1x16xf32>
        tpu.vector_store %swap3A_1972[%swap3A_1973, %swap3A_1974], %swap3A_1977 {strides = array<i32>} : memref<128x128xf32, #tpu.memory_space<vmem>>, vector<1x16xf32>,
      }
      %scan3A_257 = arith.constant 128 : i32
      %mul3A_258 = arith.constant 128 : i32
      %mul3A_259 = arith.muli %scan3A_233, %mul3A_258 : i32
      %add3A_260 = arith.addi %mul3A_2, %mul3A_259 : i32
      %dma_start3A_261 = arith.constant 0 : i32
      %dma_start3A_262 = arith.constant 0 : i32
      %dma_start3A_263 = tpu.memref_slice %arg6[%rem3A_234, %dma_start3A_261, %dma_start3A_262] : memref<7x128x128xf32, #tpu.memory_space<vmem>> -> memref<1x128x128xf32, #tpu.memory_space<vmem>>
      %dma_start3A_264 = tpu.memref_squeeze %dma_start3A_263 : memref<1x128x128xf32, #tpu.memory_space<vmem>> -> memref<128x128xf32, #tpu.memory_space<vmem>>
      %dma_start3A_265 = arith.constant 0 : i32
      %dma_start3A_266 = tpu.memref_slice %arg4[%add3A_260, %dma_start3A_265] : memref<204800x128xf32, #tpu.memory_space<hbm>> -> memref<128x128xf32, #tpu.memory_space<hbm>>
      %dma_start3A_267 = tpu.memref_slice %arg8[%rem3A_234] : memref<7x!tpu.dma_semaphore, #tpu.memory_space<semaphore_mem>> -> memref<1x!tpu.dma_semaphore, #tpu.memory_space<semaphore_mem>>
      %dma_start3A_268 = tpu.memref_squeeze %dma_start3A_267 : memref<1x!tpu.dma_semaphore, #tpu.memory_space<semaphore_mem>> -> memref<!tpu.dma_semaphore, #tpu.memory_space<semaphore_mem>>
      %dma_start3A_269 = arith.constant 0 : i32
      %dma_start3A_270 = tpu.memref_slice %arg4[%add3A_260, %dma_start3A_269] : memref<204800x128xf32, #tpu.memory_space<hbm>> -> memref<128x128xf32, #tpu.memory_space<hbm>>
      %dma_start3A_271 = arith.constant 0 : i32
      %dma_start3A_272 = arith.constant 0 : i32
      %dma_start3A_273 = tpu.memref_slice %arg6[%rem3A_234, %dma_start3A_271, %dma_start3A_272] : memref<7x128x128xf32, #tpu.memory_space<vmem>> -> memref<1x128x128xf32, #tpu.memory_space<vmem>>
      %dma_start3A_274 = tpu.memref_squeeze %dma_start3A_273 : memref<1x128x128xf32, #tpu.memory_space<vmem>> -> memref<128x128xf32, #tpu.memory_space<vmem>>
      tpu.enqueue_dma source(%dma_start3A_274 : memref<128x128xf32, #tpu.memory_space<vmem>>) target(%dma_start3A_270 : memref<128x128xf32, #tpu.memory_space<hbm>>) target_semaphore(%dma_start3A_268 : memref<!tpu.dma_semaphore, #tpu.memory_space<semaphore_mem>>)
    }
    %scan3A_107 = arith.constant 50 : i32
    %dma_wait3A = arith.constant 1 : i32
    %dma_wait3A_108 = arith.constant 1 : i32
    %dma_wait3A_109 = arith.constant 0 : i32
    %dma_wait3A_110 = arith.constant 0 : i32
    %dma_wait3A_111 = tpu.memref_slice %arg6[%dma_wait3A, %dma_wait3A_109, %dma_wait3A_110] : memref<7x128x128xf32, #tpu.memory_space<vmem>> -> memref<1x128x128xf32, #tpu.memory_space<vmem>>
    %dma_wait3A_112 = tpu.memref_squeeze %dma_wait3A_111 : memref<1x128x128xf32, #tpu.memory_space<vmem>> -> memref<128x128xf32, #tpu.memory_space<vmem>>
    %dma_wait3A_113 = arith.constant 0 : i32
    %dma_wait3A_114 = arith.constant 0 : i32
    %dma_wait3A_115 = tpu.memref_slice %arg4[%dma_wait3A_113, %dma_wait3A_114] : memref<204800x128xf32, #tpu.memory_space<hbm>> -> memref<128x128xf32, #tpu.memory_space<hbm>>
    %dma_wait3A_116 = tpu.memref_slice %arg8[%dma_wait3A_108] : memref<7x!tpu.dma_semaphore, #tpu.memory_space<semaphore_mem>> -> memref<1x!tpu.dma_semaphore, #tpu.memory_space<semaphore_mem>>
    %dma_wait3A_117 = tpu.memref_squeeze %dma_wait3A_116 : memref<1x!tpu.dma_semaphore, #tpu.memory_space<semaphore_mem>> -> memref<!tpu.dma_semaphore, #tpu.memory_space<semaphore_mem>>
    %dma_wait3A_118 = arith.constant 0 : i32
    %dma_wait3A_119 = arith.constant 0 : i32
    %dma_wait3A_120 = tpu.memref_slice %arg4[%dma_wait3A_118, %dma_wait3A_119] : memref<204800x128xf32, #tpu.memory_space<hbm>> -> memref<128x128xf32, #tpu.memory_space<hbm>>
    %dma_wait3A_121 = arith.constant 0 : i32
    %dma_wait3A_122 = arith.constant 0 : i32
    %dma_wait3A_123 = tpu.memref_slice %arg6[%dma_wait3A, %dma_wait3A_121, %dma_wait3A_122] : memref<7x128x128xf32, #tpu.memory_space<vmem>> -> memref<1x128x128xf32, #tpu.memory_space<vmem>>
    %dma_wait3A_124 = tpu.memref_squeeze %dma_wait3A_123 : memref<1x128x128xf32, #tpu.memory_space<vmem>> -> memref<128x128xf32, #tpu.memory_space<vmem>>
    tpu.wait_dma2 semaphore(%dma_wait3A_117 : memref<!tpu.dma_semaphore, #tpu.memory_space<semaphore_mem>>) src(%dma_wait3A_124 : memref<128x128xf32, #tpu.memory_space<vmem>>) dst(%dma_wait3A_120 : memref<128x128xf32, #tpu.memory_space<hbm>>)
    %dma_wait3A_125 = arith.constant 2 : i32
    %dma_wait3A_126 = arith.constant 2 : i32
    %dma_wait3A_127 = arith.constant 0 : i32
    %dma_wait3A_128 = arith.constant 0 : i32
    %dma_wait3A_129 = tpu.memref_slice %arg6[%dma_wait3A_125, %dma_wait3A_127, %dma_wait3A_128] : memref<7x128x128xf32, #tpu.memory_space<vmem>> -> memref<1x128x128xf32, #tpu.memory_space<vmem>>
    %dma_wait3A_130 = tpu.memref_squeeze %dma_wait3A_129 : memref<1x128x128xf32, #tpu.memory_space<vmem>> -> memref<128x128xf32, #tpu.memory_space<vmem>>
    %dma_wait3A_131 = arith.constant 0 : i32
    %dma_wait3A_132 = arith.constant 0 : i32
    %dma_wait3A_133 = tpu.memref_slice %arg4[%dma_wait3A_131, %dma_wait3A_132] : memref<204800x128xf32, #tpu.memory_space<hbm>> -> memref<128x128xf32, #tpu.memory_space<hbm>>
    %dma_wait3A_134 = tpu.memref_slice %arg8[%dma_wait3A_126] : memref<7x!tpu.dma_semaphore, #tpu.memory_space<semaphore_mem>> -> memref<1x!tpu.dma_semaphore, #tpu.memory_space<semaphore_mem>>
    %dma_wait3A_135 = tpu.memref_squeeze %dma_wait3A_134 : memref<1x!tpu.dma_semaphore, #tpu.memory_space<semaphore_mem>> -> memref<!tpu.dma_semaphore, #tpu.memory_space<semaphore_mem>>
    %dma_wait3A_136 = arith.constant 0 : i32
    %dma_wait3A_137 = arith.constant 0 : i32
    %dma_wait3A_138 = tpu.memref_slice %arg4[%dma_wait3A_136, %dma_wait3A_137] : memref<204800x128xf32, #tpu.memory_space<hbm>> -> memref<128x128xf32, #tpu.memory_space<hbm>>
    %dma_wait3A_139 = arith.constant 0 : i32
    %dma_wait3A_140 = arith.constant 0 : i32
    %dma_wait3A_141 = tpu.memref_slice %arg6[%dma_wait3A_125, %dma_wait3A_139, %dma_wait3A_140] : memref<7x128x128xf32, #tpu.memory_space<vmem>> -> memref<1x128x128xf32, #tpu.memory_space<vmem>>
    %dma_wait3A_142 = tpu.memref_squeeze %dma_wait3A_141 : memref<1x128x128xf32, #tpu.memory_space<vmem>> -> memref<128x128xf32, #tpu.memory_space<vmem>>
    tpu.wait_dma2 semaphore(%dma_wait3A_135 : memref<!tpu.dma_semaphore, #tpu.memory_space<semaphore_mem>>) src(%dma_wait3A_142 : memref<128x128xf32, #tpu.memory_space<vmem>>) dst(%dma_wait3A_138 : memref<128x128xf32, #tpu.memory_space<hbm>>)
    %dma_wait3A_143 = arith.constant 3 : i32
    %dma_wait3A_144 = arith.constant 3 : i32
    %dma_wait3A_145 = arith.constant 0 : i32
    %dma_wait3A_146 = arith.constant 0 : i32
    %dma_wait3A_147 = tpu.memref_slice %arg6[%dma_wait3A_143, %dma_wait3A_145, %dma_wait3A_146] : memref<7x128x128xf32, #tpu.memory_space<vmem>> -> memref<1x128x128xf32, #tpu.memory_space<vmem>>
    %dma_wait3A_148 = tpu.memref_squeeze %dma_wait3A_147 : memref<1x128x128xf32, #tpu.memory_space<vmem>> -> memref<128x128xf32, #tpu.memory_space<vmem>>
    %dma_wait3A_149 = arith.constant 0 : i32
    %dma_wait3A_150 = arith.constant 0 : i32
    %dma_wait3A_151 = tpu.memref_slice %arg4[%dma_wait3A_149, %dma_wait3A_150] : memref<204800x128xf32, #tpu.memory_space<hbm>> -> memref<128x128xf32, #tpu.memory_space<hbm>>
    %dma_wait3A_152 = tpu.memref_slice %arg8[%dma_wait3A_144] : memref<7x!tpu.dma_semaphore, #tpu.memory_space<semaphore_mem>> -> memref<1x!tpu.dma_semaphore, #tpu.memory_space<semaphore_mem>>
    %dma_wait3A_153 = tpu.memref_squeeze %dma_wait3A_152 : memref<1x!tpu.dma_semaphore, #tpu.memory_space<semaphore_mem>> -> memref<!tpu.dma_semaphore, #tpu.memory_space<semaphore_mem>>
    %dma_wait3A_154 = arith.constant 0 : i32
    %dma_wait3A_155 = arith.constant 0 : i32
    %dma_wait3A_156 = tpu.memref_slice %arg4[%dma_wait3A_154, %dma_wait3A_155] : memref<204800x128xf32, #tpu.memory_space<hbm>> -> memref<128x128xf32, #tpu.memory_space<hbm>>
    %dma_wait3A_157 = arith.constant 0 : i32
    %dma_wait3A_158 = arith.constant 0 : i32
    %dma_wait3A_159 = tpu.memref_slice %arg6[%dma_wait3A_143, %dma_wait3A_157, %dma_wait3A_158] : memref<7x128x128xf32, #tpu.memory_space<vmem>> -> memref<1x128x128xf32, #tpu.memory_space<vmem>>
    %dma_wait3A_160 = tpu.memref_squeeze %dma_wait3A_159 : memref<1x128x128xf32, #tpu.memory_space<vmem>> -> memref<128x128xf32, #tpu.memory_space<vmem>>
    tpu.wait_dma2 semaphore(%dma_wait3A_153 : memref<!tpu.dma_semaphore, #tpu.memory_space<semaphore_mem>>) src(%dma_wait3A_160 : memref<128x128xf32, #tpu.memory_space<vmem>>) dst(%dma_wait3A_156 : memref<128x128xf32, #tpu.memory_space<hbm>>)
    %dma_wait3A_161 = arith.constant 4 : i32
    %dma_wait3A_162 = arith.constant 4 : i32
    %dma_wait3A_163 = arith.constant 0 : i32
    %dma_wait3A_164 = arith.constant 0 : i32
    %dma_wait3A_165 = tpu.memref_slice %arg6[%dma_wait3A_161, %dma_wait3A_163, %dma_wait3A_164] : memref<7x128x128xf32, #tpu.memory_space<vmem>> -> memref<1x128x128xf32, #tpu.memory_space<vmem>>
    %dma_wait3A_166 = tpu.memref_squeeze %dma_wait3A_165 : memref<1x128x128xf32, #tpu.memory_space<vmem>> -> memref<128x128xf32, #tpu.memory_space<vmem>>
    %dma_wait3A_167 = arith.constant 0 : i32
    %dma_wait3A_168 = arith.constant 0 : i32
    %dma_wait3A_169 = tpu.memref_slice %arg4[%dma_wait3A_167, %dma_wait3A_168] : memref<204800x128xf32, #tpu.memory_space<hbm>> -> memref<128x128xf32, #tpu.memory_space<hbm>>
    %dma_wait3A_170 = tpu.memref_slice %arg8[%dma_wait3A_162] : memref<7x!tpu.dma_semaphore, #tpu.memory_space<semaphore_mem>> -> memref<1x!tpu.dma_semaphore, #tpu.memory_space<semaphore_mem>>
    %dma_wait3A_171 = tpu.memref_squeeze %dma_wait3A_170 : memref<1x!tpu.dma_semaphore, #tpu.memory_space<semaphore_mem>> -> memref<!tpu.dma_semaphore, #tpu.memory_space<semaphore_mem>>
    %dma_wait3A_172 = arith.constant 0 : i32
    %dma_wait3A_173 = arith.constant 0 : i32
    %dma_wait3A_174 = tpu.memref_slice %arg4[%dma_wait3A_172, %dma_wait3A_173] : memref<204800x128xf32, #tpu.memory_space<hbm>> -> memref<128x128xf32, #tpu.memory_space<hbm>>
    %dma_wait3A_175 = arith.constant 0 : i32
    %dma_wait3A_176 = arith.constant 0 : i32
    %dma_wait3A_177 = tpu.memref_slice %arg6[%dma_wait3A_161, %dma_wait3A_175, %dma_wait3A_176] : memref<7x128x128xf32, #tpu.memory_space<vmem>> -> memref<1x128x128xf32, #tpu.memory_space<vmem>>
    %dma_wait3A_178 = tpu.memref_squeeze %dma_wait3A_177 : memref<1x128x128xf32, #tpu.memory_space<vmem>> -> memref<128x128xf32, #tpu.memory_space<vmem>>
    tpu.wait_dma2 semaphore(%dma_wait3A_171 : memref<!tpu.dma_semaphore, #tpu.memory_space<semaphore_mem>>) src(%dma_wait3A_178 : memref<128x128xf32, #tpu.memory_space<vmem>>) dst(%dma_wait3A_174 : memref<128x128xf32, #tpu.memory_space<hbm>>)
    %dma_wait3A_179 = arith.constant 5 : i32
    %dma_wait3A_180 = arith.constant 5 : i32
    %dma_wait3A_181 = arith.constant 0 : i32
    %dma_wait3A_182 = arith.constant 0 : i32
    %dma_wait3A_183 = tpu.memref_slice %arg6[%dma_wait3A_179, %dma_wait3A_181, %dma_wait3A_182] : memref<7x128x128xf32, #tpu.memory_space<vmem>> -> memref<1x128x128xf32, #tpu.memory_space<vmem>>
    %dma_wait3A_184 = tpu.memref_squeeze %dma_wait3A_183 : memref<1x128x128xf32, #tpu.memory_space<vmem>> -> memref<128x128xf32, #tpu.memory_space<vmem>>
    %dma_wait3A_185 = arith.constant 0 : i32
    %dma_wait3A_186 = arith.constant 0 : i32
    %dma_wait3A_187 = tpu.memref_slice %arg4[%dma_wait3A_185, %dma_wait3A_186] : memref<204800x128xf32, #tpu.memory_space<hbm>> -> memref<128x128xf32, #tpu.memory_space<hbm>>
    %dma_wait3A_188 = tpu.memref_slice %arg8[%dma_wait3A_180] : memref<7x!tpu.dma_semaphore, #tpu.memory_space<semaphore_mem>> -> memref<1x!tpu.dma_semaphore, #tpu.memory_space<semaphore_mem>>
    %dma_wait3A_189 = tpu.memref_squeeze %dma_wait3A_188 : memref<1x!tpu.dma_semaphore, #tpu.memory_space<semaphore_mem>> -> memref<!tpu.dma_semaphore, #tpu.memory_space<semaphore_mem>>
    %dma_wait3A_190 = arith.constant 0 : i32
    %dma_wait3A_191 = arith.constant 0 : i32
    %dma_wait3A_192 = tpu.memref_slice %arg4[%dma_wait3A_190, %dma_wait3A_191] : memref<204800x128xf32, #tpu.memory_space<hbm>> -> memref<128x128xf32, #tpu.memory_space<hbm>>
    %dma_wait3A_193 = arith.constant 0 : i32
    %dma_wait3A_194 = arith.constant 0 : i32
    %dma_wait3A_195 = tpu.memref_slice %arg6[%dma_wait3A_179, %dma_wait3A_193, %dma_wait3A_194] : memref<7x128x128xf32, #tpu.memory_space<vmem>> -> memref<1x128x128xf32, #tpu.memory_space<vmem>>
    %dma_wait3A_196 = tpu.memref_squeeze %dma_wait3A_195 : memref<1x128x128xf32, #tpu.memory_space<vmem>> -> memref<128x128xf32, #tpu.memory_space<vmem>>
    tpu.wait_dma2 semaphore(%dma_wait3A_189 : memref<!tpu.dma_semaphore, #tpu.memory_space<semaphore_mem>>) src(%dma_wait3A_196 : memref<128x128xf32, #tpu.memory_space<vmem>>) dst(%dma_wait3A_192 : memref<128x128xf32, #tpu.memory_space<hbm>>)
    %dma_wait3A_197 = arith.constant 6 : i32
    %dma_wait3A_198 = arith.constant 6 : i32
    %dma_wait3A_199 = arith.constant 0 : i32
    %dma_wait3A_200 = arith.constant 0 : i32
    %dma_wait3A_201 = tpu.memref_slice %arg6[%dma_wait3A_197, %dma_wait3A_199, %dma_wait3A_200] : memref<7x128x128xf32, #tpu.memory_space<vmem>> -> memref<1x128x128xf32, #tpu.memory_space<vmem>>
    %dma_wait3A_202 = tpu.memref_squeeze %dma_wait3A_201 : memref<1x128x128xf32, #tpu.memory_space<vmem>> -> memref<128x128xf32, #tpu.memory_space<vmem>>
    %dma_wait3A_203 = arith.constant 0 : i32
    %dma_wait3A_204 = arith.constant 0 : i32
    %dma_wait3A_205 = tpu.memref_slice %arg4[%dma_wait3A_203, %dma_wait3A_204] : memref<204800x128xf32, #tpu.memory_space<hbm>> -> memref<128x128xf32, #tpu.memory_space<hbm>>
    %dma_wait3A_206 = tpu.memref_slice %arg8[%dma_wait3A_198] : memref<7x!tpu.dma_semaphore, #tpu.memory_space<semaphore_mem>> -> memref<1x!tpu.dma_semaphore, #tpu.memory_space<semaphore_mem>>
    %dma_wait3A_207 = tpu.memref_squeeze %dma_wait3A_206 : memref<1x!tpu.dma_semaphore, #tpu.memory_space<semaphore_mem>> -> memref<!tpu.dma_semaphore, #tpu.memory_space<semaphore_mem>>
    %dma_wait3A_208 = arith.constant 0 : i32
    %dma_wait3A_209 = arith.constant 0 : i32
    %dma_wait3A_210 = tpu.memref_slice %arg4[%dma_wait3A_208, %dma_wait3A_209] : memref<204800x128xf32, #tpu.memory_space<hbm>> -> memref<128x128xf32, #tpu.memory_space<hbm>>
    %dma_wait3A_211 = arith.constant 0 : i32
    %dma_wait3A_212 = arith.constant 0 : i32
    %dma_wait3A_213 = tpu.memref_slice %arg6[%dma_wait3A_197, %dma_wait3A_211, %dma_wait3A_212] : memref<7x128x128xf32, #tpu.memory_space<vmem>> -> memref<1x128x128xf32, #tpu.memory_space<vmem>>
    %dma_wait3A_214 = tpu.memref_squeeze %dma_wait3A_213 : memref<1x128x128xf32, #tpu.memory_space<vmem>> -> memref<128x128xf32, #tpu.memory_space<vmem>>
    tpu.wait_dma2 semaphore(%dma_wait3A_207 : memref<!tpu.dma_semaphore, #tpu.memory_space<semaphore_mem>>) src(%dma_wait3A_214 : memref<128x128xf32, #tpu.memory_space<vmem>>) dst(%dma_wait3A_210 : memref<128x128xf32, #tpu.memory_space<hbm>>)
    %dma_wait3A_215 = arith.constant 0 : i32
    %dma_wait3A_216 = arith.constant 0 : i32
    %dma_wait3A_217 = arith.constant 0 : i32
    %dma_wait3A_218 = arith.constant 0 : i32
    %dma_wait3A_219 = tpu.memref_slice %arg6[%dma_wait3A_215, %dma_wait3A_217, %dma_wait3A_218] : memref<7x128x128xf32, #tpu.memory_space<vmem>> -> memref<1x128x128xf32, #tpu.memory_space<vmem>>
    %dma_wait3A_220 = tpu.memref_squeeze %dma_wait3A_219 : memref<1x128x128xf32, #tpu.memory_space<vmem>> -> memref<128x128xf32, #tpu.memory_space<vmem>>
    %dma_wait3A_221 = arith.constant 0 : i32
    %dma_wait3A_222 = arith.constant 0 : i32
    %dma_wait3A_223 = tpu.memref_slice %arg4[%dma_wait3A_221, %dma_wait3A_222] : memref<204800x128xf32, #tpu.memory_space<hbm>> -> memref<128x128xf32, #tpu.memory_space<hbm>>
    %dma_wait3A_224 = tpu.memref_slice %arg8[%dma_wait3A_216] : memref<7x!tpu.dma_semaphore, #tpu.memory_space<semaphore_mem>> -> memref<1x!tpu.dma_semaphore, #tpu.memory_space<semaphore_mem>>
    %dma_wait3A_225 = tpu.memref_squeeze %dma_wait3A_224 : memref<1x!tpu.dma_semaphore, #tpu.memory_space<semaphore_mem>> -> memref<!tpu.dma_semaphore, #tpu.memory_space<semaphore_mem>>
    %dma_wait3A_226 = arith.constant 0 : i32
    %dma_wait3A_227 = arith.constant 0 : i32
    %dma_wait3A_228 = tpu.memref_slice %arg4[%dma_wait3A_226, %dma_wait3A_227] : memref<204800x128xf32, #tpu.memory_space<hbm>> -> memref<128x128xf32, #tpu.memory_space<hbm>>
    %dma_wait3A_229 = arith.constant 0 : i32
    %dma_wait3A_230 = arith.constant 0 : i32
    %dma_wait3A_231 = tpu.memref_slice %arg6[%dma_wait3A_215, %dma_wait3A_229, %dma_wait3A_230] : memref<7x128x128xf32, #tpu.memory_space<vmem>> -> memref<1x128x128xf32, #tpu.memory_space<vmem>>
    %dma_wait3A_232 = tpu.memref_squeeze %dma_wait3A_231 : memref<1x128x128xf32, #tpu.memory_space<vmem>> -> memref<128x128xf32, #tpu.memory_space<vmem>>
    tpu.wait_dma2 semaphore(%dma_wait3A_225 : memref<!tpu.dma_semaphore, #tpu.memory_space<semaphore_mem>>) src(%dma_wait3A_232 : memref<128x128xf32, #tpu.memory_space<vmem>>) dst(%dma_wait3A_228 : memref<128x128xf32, #tpu.memory_space<hbm>>)
    return
  }
}

</mosaic_0001>

<sc_bundles>
// kernel: kernel.3.cloned.1.call-start
scs
__scs_entry_jumppad:
0x0: {  	(pc) =	sbr.rel $0x88, $3  }
0x1: {  	(tag) =	ssettag $0x0;
	lr =	simm.s32 $0x1  }
0x2: {  	[smem:$0x3F9F] =	sst lr;
	_ =	strace $0xD0000000  }
0x3: {  	_ = 	snop  }
0x4: {  	_ = 	snop  }
0x5: {  	_ = 	snop  }
0x6: {  	_ = 	snop  }
0x7: {  	_ = 	snop  }
__scs_overlays_trampoline_lowered:
0x8: {  	[smem:$0x3FAE] =	sst s0  }
0x9: {  	[smem:$0x3FAF] =	sst s1  }
0xa: {  	[smem:$0x3FB0] =	sst s2  }
0xb: {  	[smem:$0x3FB1] =	sst s3  }
0xc: {  	[smem:$0x3FB2] =	sst s4  }
0xd: {  	[smem:$0x3FB3] =	sst s5  }
0xe: {  	[smem:$0x3FB4] =	sst s6  }
0xf: {  	[smem:$0x3FB5] =	sst s7  }
0x10: {  	[smem:$0x3FB6] =	sst s8  }
0x11: {  	[smem:$0x3FB7] =	sst s9;
	s0 =	simm.s32 @!p0 $0x0  }
0x12: {  	s1 =	sld [smem:$0x3F9D];
	s0 =	simm.s32 @p0 $0x1  }
0x13: {  	[smem:$0x3FB8] =	sst s0;
	s0 =	simm.s32 @!p1 $0x0  }
0x14: {  	s2 =	sld [smem:$0x3F9C];
	s0 =	simm.s32 @p1 $0x1  }
0x15: {  	[smem:$0x3FB9] =	sst s0;
	s0 =	simm.s32 @!p2 $0x0  }
0x16: {  	s3 =	sld [smem:$0x3FDB];
	s0 =	simm.s32 @p2 $0x1  }
0x17: {  	s4 =	simm.s32 $0x1BF5;
	[smem:$0x3FBB] =	sst s0  }
0x18: {  	s0 =	sld [smem:$0x3F9E];
	_ =	swait.ge [sflag:s4], $0x0  }
0x19: {  	s7 =	sld [smem:$0x3F9F]  }
0x1a: {  	s8 =	sadd.s32 $0xFFFFE003, lr  }
0x1b: {  	s9 =	sadd.s32 $0xFFFFFEF7, lr;
	s5 =	simm.s32 $0xFFFFFFFF;
	p2 =	slt.u32 s8, $0xFFFFF086  }
0x1c: {  	p1 =	slt.u32 s9, $0xF7A;
	s5 =	simm.s32 @!p2 $0x0  }
0x1d: {  	s5 =	simm.s32 @p1 $0x1;
	p0 =	seq.s32 s7, s2  }
0x1e: {  	s7 =	smul.u32 @!p0 $0xF7A, s2;
	p2 =	seq.s32 @!p0 s5, $0x0  }
0x1f: {  	s9 =	smul.u32 $0xF7A, s1;
	s8 =	simm.s32 @!p0 $0x1BF5;
	p2 =	por !p2, p0  }
0x20: {  	[sflag:s8] =	ssyncset.s32 @!p0 $0xFFFFF086;
	s6 =	sadd.s32 @!p0 s3, s7;
	s7 =	simm.s32 @!p0 $0x108  }
0x21: {  	s3 =	sadd.s32 s3, s9;
	s6 =	sadd.s32 @!p0 $0x88, s6;
	s7 =	simm.s32 @p2 $0x1082  }
0x22: {  	[simem:s7], [sflag:s8] =	dma.local @!p0 [hbm:s6], $0xF7A  }
0x23: {  	s9 =	sor.u32 $0xD0000000, s2;
	s6 =	simm.s32 $0x108;
	_ =	swait.ge @!p0 [sflag:s8], $0x0  }
0x24: {  	s3 =	sadd.s32 $0x88, s3;
	s6 =	simm.s32 @!p1 $0x1082;
	[sflag:s4] =	ssyncset.s32 $0xFFFFF086  }
0x25: {  	[simem:s6], [sflag:s4] =	dma.local [hbm:s3], $0xF7A  }
0x26: {  	[smem:$0x3F9F] =	sst s1;
	(tag) =	ssettag s2;
	_ =	strace s9  }
0x27: {  	s1 =	sld [smem:$0x3FAF]  }
0x28: {  	s2 =	sld [smem:$0x3FB0]  }
0x29: {  	s4 =	sld [smem:$0x3FB2]  }
0x2a: {  	p0 =	seq.s32 s5, $0x0;
	s5 =	sld [smem:$0x3FB3]  }
0x2b: {  	s6 =	sld [smem:$0x3FB4]  }
0x2c: {  	s7 =	sld [smem:$0x3FB5]  }
0x2d: {  	s3 =	simm.s32 $0x108;
	s8 =	sld [smem:$0x3FB6]  }
0x2e: {  	s3 =	simm.s32 @!p0 $0x1082;
	s9 =	sld [smem:$0x3FB7]  }
0x2f: {  	lr =	sadd.s32 s0, s3;
	s0 =	sld [smem:$0x3FAE]  }
0x30: {  	s3 =	sld [smem:$0x3FB1]  }
0x31: {  	[smem:$0x3FBA] =	sst s10  }
0x32: {  	s10 =	sld [smem:$0x3FB8];
	_ =	sdelay $0x3  }
0x33: {  	p0 =	seq.s32 s10, $0x1;
	s10 =	sld [smem:$0x3FBA];
	_ =	sdelay $0x3  }
0x34: {  	[smem:$0x3FBA] =	sst s10  }
0x35: {  	s10 =	sld [smem:$0x3FB9];
	_ =	sdelay $0x3  }
0x36: {  	p1 =	seq.s32 s10, $0x1;
	s10 =	sld [smem:$0x3FBA];
	_ =	sdelay $0x3  }
0x37: {  	[smem:$0x3FBA] =	sst s10  }
0x38: {  	s10 =	sld [smem:$0x3FBB]  }
0x39: {  	_ = 	snop;
	(pc) =	sbr.ind lr, $3  }
0x3a: {  	_ = 	snop  }
0x3b: {  	_ = 	snop  }
0x3c: {  	p2 =	seq.s32 s10, $0x1;
	s10 =	sld [smem:$0x3FBA]  }
0x3d: {  	_ =	shalt  }
0x3e: {  	_ =	shalt  }
0x3f: {  	_ =	shalt  }
0x40: {  	_ =	shalt  }
0x41: {  	_ =	shalt  }
0x42: {  	_ =	shalt  }
0x43: {  	_ =	shalt  }
0x44: {  	_ =	shalt  }
0x45: {  	_ =	shalt  }
0x46: {  	_ =	shalt  }
0x47: {  	_ =	shalt  }
0x48: {  	_ =	shalt  }
0x49: {  	_ =	shalt  }
0x4a: {  	_ =	shalt  }
0x4b: {  	_ =	shalt  }
0x4c: {  	_ =	shalt  }
0x4d: {  	_ =	shalt  }
0x4e: {  	_ =	shalt  }
0x4f: {  	_ =	shalt  }
0x50: {  	_ =	shalt  }
0x51: {  	_ =	shalt  }
0x52: {  	_ =	shalt  }
0x53: {  	_ =	shalt  }
0x54: {  	_ =	shalt  }
0x55: {  	_ =	shalt  }
0x56: {  	_ =	shalt  }
0x57: {  	_ =	shalt  }
0x58: {  	_ =	shalt  }
0x59: {  	_ =	shalt  }
0x5a: {  	_ =	shalt  }
0x5b: {  	_ =	shalt  }
0x5c: {  	_ =	shalt  }
0x5d: {  	_ =	shalt  }
0x5e: {  	_ =	shalt  }
0x5f: {  	_ =	shalt  }
0x60: {  	_ =	shalt  }
0x61: {  	_ =	shalt  }
0x62: {  	_ =	shalt  }
0x63: {  	_ =	shalt  }
0x64: {  	_ =	shalt  }
0x65: {  	_ =	shalt  }
0x66: {  	_ =	shalt  }
0x67: {  	_ =	shalt  }
0x68: {  	_ =	shalt  }
0x69: {  	_ =	shalt  }
0x6a: {  	_ =	shalt  }
0x6b: {  	_ =	shalt  }
0x6c: {  	_ =	shalt  }
0x6d: {  	_ =	shalt  }
0x6e: {  	_ =	shalt  }
0x6f: {  	_ =	shalt  }
0x70: {  	_ =	shalt  }
0x71: {  	_ =	shalt  }
0x72: {  	_ =	shalt  }
0x73: {  	_ =	shalt  }
0x74: {  	_ =	shalt  }
0x75: {  	_ =	shalt  }
0x76: {  	_ =	shalt  }
0x77: {  	_ =	shalt  }
0x78: {  	_ =	shalt  }
0x79: {  	_ =	shalt  }
0x7a: {  	_ =	shalt  }
0x7b: {  	_ =	shalt  }
0x7c: {  	_ =	shalt  }
0x7d: {  	_ =	shalt  }
0x7e: {  	_ =	shalt  }
0x7f: {  	_ =	shalt  }
0x80: {  	_ =	shalt  }
0x81: {  	_ =	shalt  }
0x82: {  	_ =	shalt  }
0x83: {  	_ =	shalt  }
0x84: {  	_ =	shalt  }
0x85: {  	_ =	shalt  }
0x86: {  	_ =	shalt  }
0x87: {  	_ =	shalt  }
.Lfunc_end0:
.L_simem_size_0:
called_computation_lowered:
.L_overlay_start_0:
0x88: {  	s2 =	sld [smem:$0x3FD9]  }
0x89: {  	s3 =	sld [smem:$0x3FFE];
	_ =	sdelay $0x1  }
0x8a: {  	s1 =	srdreg.scid  }
0x8b: {  	s0 =	sand.u32 $0x1, s1  }
0x8c: {  	s17 =	sshll.u32 s0, $0xA;
	s2 =	sadd.s32 s3, s2  }
0x8d: {  	s2 =	sadd.s32 s2, s17  }
0x8e: {  	[smem:$0x3FC6] =	sst s2  }
0x8f: {  	_ = 	snop  }
0x90: {  	s2 =	sld [smem:$0x3FC8]  }
0x91: {  	s18 =	sld [smem:$0x3FD0];
	(tm) =	ssettm $0x1  }
0x92: {  	s4 =	sld [smem:$0x3FFB];
	_ =	sdelay $0x3  }
0x93: {  	_ =	strace s4  }
0x94: {  	s4 =	sld [smem:$0x3FFC];
	_ =	sdelay $0x3  }
0x95: {  	_ =	strace s4  }
0x96: {  	s4 =	sld [smem:$0x3FFD];
	_ =	sdelay $0x3  }
0x97: {  	_ =	strace s4  }
0x98: {  	_ =	strace $0x8FFFFFFF  }
0x99: {  	s19 =	sld [smem:$0x3FDB];
	_ =	sdelay $0x1  }
0x9a: {  	s5 =	simm.s32 $_scs_section_size  }
0x9b: {  	s6 =	simm.s32 $_size__tile_overlayer_lowered;
	s7 =	simm.s32 $_tile_overlayer_lowered  }
0x9c: {  	s22 =	simm.s32 $0x1BFF;
	s21 =	sshll.u32 s7, $0x1;
	s4 =	sadd.s32 s5, s19  }
0x9d: {  	s8 =	simm.s32 $0x0;
	s20 =	sshll.u32 s6, $0x1;
	s6 =	sadd.s32 s21, s4  }
0x9e: {  	[timem:s8], [sflag:s22] =	dma.local [hbm:s6], s20  }
0x9f: {  	_ =	swait.ge [sflag:s22], s20  }
0xa0: {  	s5 =	ssub.s32 $0x0, s20;
	[sflag:s22] =	ssyncset.done $0x0  }
0xa1: {  	[sflag:s22] =	ssyncadd.s32 s5;
	_ =	sdelay $0x1  }
0xa2: {  	s23 =	simm.s32 $0x1B8B  }
0xa3: {  	_ =	swait.ge [sflag:s23], $0x1  }
0xa4: {  	[sflag:s23] =	ssyncset.done $0x0  }
0xa5: {  	s25 =	simm.s32 $0x1B8E;
	s24 =	sld [smem:$0x3FFE];
	[sflag:s23] =	ssyncadd.s32 $0xFFFFFFFF  }
0xa6: {  	s26 =	simm.s32 $execute0_lowered;
	[smem:$0x3FD2] =	sst s25  }
0xa7: {  	s6 =	sshll.u32 s26, $0x1;
	_ =	strace $0x80000046;
	[dreg:$0x1] =	wrdreg $0xFFFFFFFF  }
0xa8: {  	s28 =	simm.s32 $_size_execute0_lowered;
	s4 =	sadd.s32 s4, s6;
	[dreg:$0x0] =	wrdreg $0x0  }
0xa9: {  	s6 =	sshll.u32 s28, $0x1;
	[dreg:$0x2] =	wrdreg s4  }
0xaa: {  	[dreg:$0x3] =	wrdreg s6  }
0xab: {  	[dreg:$0x4] =	wrdreg $0xC0  }
0xac: {  	_ =	task [dreg:s8], $0x5FFFF  }
0xad: {  	[dreg:$0x1] =	wrdreg $0xFFFFFFFF  }
0xae: {  	[dreg:$0x0] =	wrdreg $0x60  }
0xaf: {  	[dreg:$0x2] =	wrdreg s24  }
0xb0: {  	[dreg:$0x3] =	wrdreg s2  }
0xb1: {  	[dreg:$0x4] =	wrdreg s18  }
0xb2: {  	[dreg:$0x5] =	wrdreg $0x9  }
0xb3: {  	_ =	task.clear_ibuf [dreg:s8], $0x6FFFF;
	_ =	strace $0x90000046  }
0xb4: {  	s29 =	simm.s32 $0x9;
	_ =	strace $0x80000048  }
0xb5: {  	_ =	swait.ge [sflag:s29], $0x1  }
0xb6: {  	[sflag:s29] =	ssyncadd.s32 $0xFFFFFFFF  }
0xb7: {  	_ =	strace $0x90000048  }
0xb8: {  	_ =	sfence  }
0xb9: {  	s30 =	sld [smem:$0x0];
	_ =	sdelay $0x2  }
0xba: {  	s31 =	sshll.u32 s1, $0xD;
	s1 =	sshrl.u32 s1, $0x2  }
0xbb: {  	s3 =	sand.u32 $0x4000, s31;
	s1 =	sadd.s32 s1, s30  }
0xbc: {  	s0 =	sor.u32 s3, s0;
	s1 =	sshll.u32 s1, $0x11  }
0xbd: {  	s0 =	sor.u32 s1, s0  }
0xbe: {  	s0 =	sadd.s32 $0x8F2B, s0  }
0xbf: {  	[sflag:s0] =	ssyncadd.remote.s32 $0x1  }
0xc0: {  	_ =	sfence.sel $0xFFFF  }
0xc1: {  	[dreg:$0x0] =	wrdreg $0xFFFFFFFF;
	(pc) =	sbr.abs _section_cstart, $3  }
0xc2: {  	[dreg:$0x1] =	wrdreg $0xFFFFFFFF  }
0xc3: {  	_ =	task.clear_ibuf [dreg:s8], $0x2FFFF;
	_ =	strace $0x9FFFFFFF  }
0xc4: {  	(tm) =	ssettm $0x7FFFFFFF  }
0xc5: {  	_ =	shalt  }
tec
execute0_lowered:
.L_overlay_start_1:
0x0: {  	(tag) =	ssettag $0x1  }
0x1: {  	s0 =	rddreg [dreg:$0x0];
	s2 =	srdreg.scid;
	v0 =	vimm.s32 $0xEFCDAB89;
	v1 =	vimm.s32 $0x67452301;
	v2 =	vimm.s32 $0xDCFE98BA  }
0x2: {  	s3 =	stileid.u32;
	s1 =	rddreg [dreg:$0x1];
	v3 =	vimm.s32 $0x54761032;
	v4 =	vimm.s32 $0xBA98FEDC;
	s8 =	simm.s32 $0xF  }
0x3: {  	v5 =	vimm.s32 $0x32107654;
	v6 =	vimm.s32 $0xFEDCBA98;
	s9 =	simm.s32 $0x80;
	s13 =	simm.s32 $0x180;
	s14 =	simm.s32 $0xDC00  }
0x4: {  	v7 =	vimm.s32 $0x76543210;
	s15 =	simm.s32 $0x200;
	s16 =	simm.s32 $0x11C00;
	s17 =	simm.s32 $0x280;
	v0 =	vunpack.c.l.s4.s8 v0;
	v1 =	vunpack.c.l.s4.s8 v1  }
0x5: {  	s18 =	simm.s32 $0x15C00;
	s19 =	simm.s32 $0x9;
	s20 =	simm.s32 $0xA;
	v2 =	vunpack.c.l.s4.s8 v2;
	v3 =	vunpack.c.l.s4.s8 v3;
	v4 =	vunpack.c.l.s4.s8 v4  }
0x6: {  	s21 =	simm.s32 $0xB;
	s22 =	simm.s32 $0xC;
	s23 =	simm.s32 $0xD;
	v5 =	vunpack.c.l.s4.s8 v5;
	v6 =	vunpack.c.l.s4.s8 v6;
	v7 =	vunpack.c.l.s4.s8 v7  }
0x7: {  	s24 =	simm.s32 $0xE;
	s2 =	sand.u32 $0x1, s2;
	s4 =	sshll.u32 s3, $0x1;
	v0 =	vunpack.c.0.s8.s32 v0;
	v1 =	vunpack.c.0.s8.s32 v1;
	v2 =	vunpack.c.0.s8.s32 v2  }
0x8: {  	s25 =	simm.s32 $0x8;
	s3 =	rddreg [dreg:$0x2];
	s6 =	sor.u32 s2, s4;
	v3 =	vunpack.c.0.s8.s32 v3;
	v4 =	vunpack.c.0.s8.s32 v4;
	v5 =	vunpack.c.0.s8.s32 v5  }
0x9: {  	s4 =	simm.s32 $0x0;
	s2 =	ssub.s32 $0x2, s2;
	s5 =	smul.u32 $0x380, s6;
	v0 =	vcombine.low v1, v0;
	v1 =	vunpack.c.0.s8.s32 v6  }
0xa: {  	s26 =	simm.s32 $0x0;
	[smem:$0x7FF] =	sst s4;
	s31 =	sshrl.u32 s2, $0x1;
	v2 =	vcombine.low v3, v2;
	v3 =	vcombine.low v5, v4;
	v4 =	vunpack.c.0.s8.s32 v7  }
0xb: {  	s6 =	smul.u32 $0xC8000, s6;
	s2 =	ssub.s32 s2, s31;
	s0 =	sadd.s32 s5, s0;
	v0 =	vand.u32 $0xF, v0;
	v5 =	vand.u32 $0xF, v1  }
0xc: {  	_ =	strace $0x80000047;
	s7 =	smax.u32 s2, $0x1;
	s5 =	sadd.s32 $0x400, s0;
	v1 =	vand.u32 $0xF, v2;
	v2 =	vand.u32 $0xF, v3;
	v3 =	vcombine.low v5, v4  }
.LBB2_1:
0xd: {  	[tilespmem:s4], [sflag:$0xF] =	stream.linear.gather [hbm4b:s5+s4], $0x1900, $0x38;
	[tilespmem:$0x1DC00] =	vst v63  }
0xe: {  	_ =	swait.ge [sflag:s8], $0x1900  }
0xf: {  	[sflag:s8] =	ssyncset.done $0x0  }
0x10: {  	s11 =	simm.s32 $0x1C00;
	[sflag:s8] =	ssyncadd.s32 $0xFFFFE700  }
0x11: {  	[tilespmem:s11], [sflag:$0x1] =	stream.indirect.gather [hbm4b:s1+s9], $0x80, s4, s9, $0xb8;
	[tilespmem:$0x1DC00] =	vst v63  }
0x12: {  	s0 =	simm.s32 $0x5C00  }
0x13: {  	[tilespmem:s0], [sflag:$0x2] =	stream.indirect.gather [hbm4b:s1+s9], $0x80, s9, s9, $0xb8;
	[tilespmem:$0x1DC00] =	vst v63  }
0x14: {  	s31 =	simm.s32 $0x100;
	s2 =	simm.s32 $0x9C00  }
0x15: {  	[tilespmem:s2], [sflag:$0x3] =	stream.indirect.gather [hbm4b:s1+s9], $0x80, s31, s9, $0xb8;
	[tilespmem:$0x1DC00] =	vst v63  }
0x16: {  	_ = 	snop  }
0x17: {  	[tilespmem:s14], [sflag:$0x4] =	stream.indirect.gather [hbm4b:s1+s9], $0x80, s13, s9, $0xb8;
	[tilespmem:$0x1DC00] =	vst v63  }
0x18: {  	_ = 	snop  }
0x19: {  	[tilespmem:s16], [sflag:$0x5] =	stream.indirect.gather [hbm4b:s1+s9], $0x80, s15, s9, $0xb8;
	[tilespmem:$0x1DC00] =	vst v63  }
0x1a: {  	s29 =	simm.s32 $0x0  }
0x1b: {  	[tilespmem:s18], [sflag:$0x6] =	stream.indirect.gather [hbm4b:s1+s9], $0x80, s17, s9, $0xb8;
	[tilespmem:$0x1DC00] =	vst v63  }
.LBB2_2:
0x1c: {  	s0 =	smul.u32 $0x25, s29;
	_ =	sdelay $0x1  }
0x1d: {  	s2 =	sadd.s32 $0x6, s29;
	p0 =	sgt.u32 s29, $0x2B;
	s0 =	sshrl.u32 s0, $0x8  }
0x1e: {  	s12 =	smul.u32 @!p0 $0x25, s2;
	s10 =	ssub.s32 s29, s0  }
0x1f: {  	s10 =	sand.u32 $0xFE, s10  }
0x20: {  	s12 =	sshrl.u32 @!p0 s12, $0x8;
	s10 =	sshrl.u32 s10, $0x1  }
0x21: {  	s0 =	sadd.s32 s0, s10;
	s10 =	ssub.s32 @!p0 s2, s12  }
0x22: {  	s28 =	smulhi.u32 $0x24924925, s29;
	s0 =	sand.u32 $0xFC, s0;
	s10 =	sand.u32 @!p0 $0xFE, s10  }
0x23: {  	s0 =	sshrl.u32 s0, $0x2;
	s10 =	sshrl.u32 @!p0 s10, $0x1  }
0x24: {  	s30 =	ssub.s32 s29, s28;
	s0 =	smul.u32 $0x7, s0;
	s10 =	sadd.s32 @!p0 s12, s10  }
0x25: {  	s12 =	sshrl.u32 s30, $0x1;
	s10 =	sand.u32 @!p0 $0xFC, s10  }
0x26: {  	s12 =	sadd.s32 s28, s12;
	s0 =	ssub.s32 s29, s0;
	s10 =	sshrl.u32 @!p0 s10, $0x2  }
0x27: {  	s12 =	sshrl.u32 s12, $0x2;
	s30 =	sand.u32 $0xFF, s0;
	s0 =	smul.u32 @!p0 $0x7, s10  }
0x28: {  	p1 =	seq.s32 @!p0 s29, $0x0;
	s10 =	smul.u32 $0xFFF90000, s12;
	s12 =	sadd.s32 $0x1, s30  }
0x29: {  	p1 =	por p1, p0;
	_ =	swait.ge [sflag:s12], $0x4000;
	s0 =	ssub.s32 @!p0 s2, s0  }
0x2a: {  	s10 =	sshra.s32 s10, $0x2;
	[sflag:s12] =	ssyncset.done $0x0;
	s0 =	sand.u32 @!p0 $0xFF, s0  }
0x2b: {  	s2 =	sshll.u32 @!p0 s2, $0x7;
	v4 =	vmov s10;
	[sflag:s12] =	ssyncadd.s32 $0xFFFFC000;
	s12 =	sadd.s32 @!p1 $0x8, s0  }
0x2c: {  	s2 =	sand.u32 @!p0 $0x3FFFFF80, s2;
	_ =	swait.ge @!p1 [sflag:s12], $0x4000  }
0x2d: {  	s10 =	sshll.u32 @!p0 s0, $0xE;
	s0 =	sadd.s32 @!p0 $0x1, s0;
	[sflag:s12] =	ssyncset.done @!p1 $0x0  }
0x2e: {  	s10 =	sor.u32 @!p0 $0x1C00, s10;
	[sflag:s12] =	ssyncadd.s32 @!p1 $0xFFFFC000;
	s12 =	simm.s32 @!p0 $0x80  }
0x2f: {  	[tilespmem:s10], [sflag:s0] =	stream.indirect.gather @!p0 [hbm4b:s1+s12], $0x80, s2, s12, $0xb8;
	[tilespmem:$0x1DC00] =	vst v63  }
0x30: {  	v5 =	vld.idx.msk [tilespmem:v4+s11+$0x30 ss:$0x1], $0xffff  }
0x31: {  	v6 =	vld.idx.msk [tilespmem:v4+s11+$0x0 ss:$0x1], $0xffff  }
0x32: {  	v7 =	vld.idx.msk [tilespmem:v4+s11+$0x10 ss:$0x1], $0xffff  }
0x33: {  	v8 =	vld.idx.msk [tilespmem:v4+s11+$0x20 ss:$0x1], $0xffff  }
0x34: {  	v9 =	vld.idx.msk [tilespmem:v4+s11+$0x40 ss:$0x1], $0xffff  }
0x35: {  	v10 =	vld.idx.msk [tilespmem:v4+s11+$0x50 ss:$0x1], $0xffff  }
0x36: {  	v11 =	vld.idx.msk [tilespmem:v4+s11+$0x60 ss:$0x1], $0xffff  }
0x37: {  	v12 =	vld.idx.msk [tilespmem:v4+s11+$0x70 ss:$0x1], $0xffff;
	_ =	sdelay $0x1  }
0x38: {  	v13 =	vand.u32 $0x7FFFFFFF, v5  }
0x39: {  	v14 =	vand.u32 $0x7FFFFFFF, v8;
	v15 =	vand.u32 $0x7FFFFFFF, v6;
	v16 =	vand.u32 $0x7FFFFFFF, v10  }
0x3a: {  	v17 =	vand.u32 $0x7FFFFFFF, v11;
	v13 =	vadd.f32 v13, v14;
	v14 =	vand.u32 $0x7FFFFFFF, v9  }
0x3b: {  	v18 =	vand.u32 $0x7FFFFFFF, v12;
	v14 =	vadd.f32 v16, v14;
	v16 =	vand.u32 $0x7FFFFFFF, v7  }
0x3c: {  	v15 =	vadd.f32 v16, v15;
	v16 =	vadd.f32 v18, v17;
	_ =	sdelay $0x1  }
0x3d: {  	v13 =	vadd.f32 v13, v15;
	v14 =	vadd.f32 v16, v14;
	_ =	sdelay $0x1  }
0x3e: {  	v13 =	vadd.f32 v14, v13;
	_ =	sdelay $0x1  }
0x3f: {  	v14 =	vperm.xlane v13, v0;
	_ =	sdelay $0x1  }
0x40: {  	v13 =	vadd.f32 v13, v14;
	_ =	sdelay $0x1  }
0x41: {  	v14 =	vperm.xlane v13, v1;
	_ =	sdelay $0x1  }
0x42: {  	v13 =	vadd.f32 v13, v14;
	_ =	sdelay $0x1  }
0x43: {  	v14 =	vperm.xlane v13, v2;
	_ =	sdelay $0x1  }
0x44: {  	v13 =	vadd.f32 v13, v14;
	_ =	sdelay $0x1  }
0x45: {  	v14 =	vperm.xlane v13, v3;
	_ =	sdelay $0x1  }
0x46: {  	v13 =	vadd.f32 v13, v14;
	_ =	sdelay $0x1  }
0x47: {  	v13 =	vadd.f32 $1.000000010e-07, v13;
	_ =	sdelay $0x1  }
0x48: {  	(erf) = vrcp.f32 v13;
	_ =	sdelay $0x8  }
0x49: {  	v13 =	vpop (erf)  }
0x4a: {  	v13 =	vmin.f32 v13, $1.000000000e+00  }
0x4b: {  	v6 =	vmul.f32 v13, v6  }
0x4c: {  	v7 =	vmul.f32 v13, v7  }
0x4d: {  	[tilespmem:v4+s11+$0x0 ss:$0x1] =	vst.idx.msk $0xffff, v6;
	v6 =	vmul.f32 v13, v8  }
0x4e: {  	v5 =	vmul.f32 v13, v5;
	[tilespmem:v4+s11+$0x10 ss:$0x1] =	vst.idx.msk $0xffff, v7  }
0x4f: {  	[tilespmem:v4+s11+$0x20 ss:$0x1] =	vst.idx.msk $0xffff, v6;
	v6 =	vmul.f32 v13, v9  }
0x50: {  	v8 =	vld.idx.msk [tilespmem:v4+s11+$0xB0 ss:$0x1], $0xffff;
	[tilespmem:v4+s11+$0x30 ss:$0x1] =	vst.idx.msk $0xffff, v5;
	v5 =	vmul.f32 v13, v10  }
0x51: {  	v7 =	vld.idx.msk [tilespmem:v4+s11+$0xC0 ss:$0x1], $0xffff;
	[tilespmem:v4+s11+$0x40 ss:$0x1] =	vst.idx.msk $0xffff, v6;
	v6 =	vmul.f32 v13, v11  }
0x52: {  	v9 =	vmul.f32 v13, v12;
	v10 =	vld.idx.msk [tilespmem:v4+s11+$0xD0 ss:$0x1], $0xffff;
	[tilespmem:v4+s11+$0x50 ss:$0x1] =	vst.idx.msk $0xffff, v5  }
0x53: {  	v5 =	vld.idx.msk [tilespmem:v4+s11+$0xE0 ss:$0x1], $0xffff;
	[tilespmem:v4+s11+$0x60 ss:$0x1] =	vst.idx.msk $0xffff, v6  }
0x54: {  	v6 =	vld.idx.msk [tilespmem:v4+s11+$0xF0 ss:$0x1], $0xffff;
	[tilespmem:v4+s11+$0x70 ss:$0x1] =	vst.idx.msk $0xffff, v9  }
0x55: {  	v9 =	vld.idx.msk [tilespmem:v4+s11+$0xA0 ss:$0x1], $0xffff  }
0x56: {  	v11 =	vld.idx.msk [tilespmem:v4+s11+$0x90 ss:$0x1], $0xffff  }
0x57: {  	v12 =	vld.idx.msk [tilespmem:v4+s11+$0x80 ss:$0x1], $0xffff;
	_ =	sdelay $0x1  }
0x58: {  	v16 =	vand.u32 $0x7FFFFFFF, v8  }
0x59: {  	v18 =	vand.u32 $0x7FFFFFFF, v7;
	v13 =	vand.u32 $0x7FFFFFFF, v5;
	v14 =	vand.u32 $0x7FFFFFFF, v6  }
0x5a: {  	v15 =	vand.u32 $0x7FFFFFFF, v10;
	v13 =	vadd.f32 v14, v13;
	v14 =	vand.u32 $0x7FFFFFFF, v9  }
0x5b: {  	v17 =	vand.u32 $0x7FFFFFFF, v11;
	v14 =	vadd.f32 v16, v14;
	v16 =	vand.u32 $0x7FFFFFFF, v12  }
0x5c: {  	v15 =	vadd.f32 v15, v18;
	v16 =	vadd.f32 v17, v16;
	_ =	sdelay $0x1  }
0x5d: {  	v13 =	vadd.f32 v13, v15;
	v14 =	vadd.f32 v14, v16;
	_ =	sdelay $0x1  }
0x5e: {  	v13 =	vadd.f32 v13, v14;
	_ =	sdelay $0x1  }
0x5f: {  	v14 =	vperm.xlane v13, v0;
	_ =	sdelay $0x1  }
0x60: {  	v13 =	vadd.f32 v13, v14;
	_ =	sdelay $0x1  }
0x61: {  	v14 =	vperm.xlane v13, v1;
	_ =	sdelay $0x1  }
0x62: {  	v13 =	vadd.f32 v13, v14;
	_ =	sdelay $0x1  }
0x63: {  	v14 =	vperm.xlane v13, v2;
	_ =	sdelay $0x1  }
0x64: {  	v13 =	vadd.f32 v13, v14;
	_ =	sdelay $0x1  }
0x65: {  	v14 =	vperm.xlane v13, v3;
	_ =	sdelay $0x1  }
0x66: {  	v13 =	vadd.f32 v13, v14;
	_ =	sdelay $0x1  }
0x67: {  	v13 =	vadd.f32 $1.000000010e-07, v13;
	_ =	sdelay $0x1  }
0x68: {  	(erf) = vrcp.f32 v13;
	_ =	sdelay $0x8  }
0x69: {  	v13 =	vpop (erf)  }
0x6a: {  	v13 =	vmin.f32 v13, $1.000000000e+00  }
0x6b: {  	v12 =	vmul.f32 v13, v12  }
0x6c: {  	v11 =	vmul.f32 v13, v11  }
0x6d: {  	v9 =	vmul.f32 v13, v9;
	[tilespmem:v4+s11+$0x80 ss:$0x1] =	vst.idx.msk $0xffff, v12  }
0x6e: {  	v8 =	vmul.f32 v13, v8;
	[tilespmem:v4+s11+$0x90 ss:$0x1] =	vst.idx.msk $0xffff, v11  }
0x6f: {  	v7 =	vmul.f32 v13, v7;
	[tilespmem:v4+s11+$0xA0 ss:$0x1] =	vst.idx.msk $0xffff, v9  }
0x70: {  	v9 =	vld.idx.msk [tilespmem:v4+s11+$0x140 ss:$0x1], $0xffff;
	[tilespmem:v4+s11+$0xB0 ss:$0x1] =	vst.idx.msk $0xffff, v8;
	v8 =	vmul.f32 v13, v10  }
0x71: {  	v5 =	vmul.f32 v13, v5;
	[tilespmem:v4+s11+$0xC0 ss:$0x1] =	vst.idx.msk $0xffff, v7;
	v7 =	vld.idx.msk [tilespmem:v4+s11+$0x130 ss:$0x1], $0xffff  }
0x72: {  	v6 =	vmul.f32 v13, v6;
	[tilespmem:v4+s11+$0xD0 ss:$0x1] =	vst.idx.msk $0xffff, v8;
	v8 =	vld.idx.msk [tilespmem:v4+s11+$0x150 ss:$0x1], $0xffff  }
0x73: {  	[tilespmem:v4+s11+$0xE0 ss:$0x1] =	vst.idx.msk $0xffff, v5;
	v5 =	vld.idx.msk [tilespmem:v4+s11+$0x160 ss:$0x1], $0xffff  }
0x74: {  	[tilespmem:v4+s11+$0xF0 ss:$0x1] =	vst.idx.msk $0xffff, v6;
	v6 =	vld.idx.msk [tilespmem:v4+s11+$0x170 ss:$0x1], $0xffff  }
0x75: {  	v10 =	vld.idx.msk [tilespmem:v4+s11+$0x100 ss:$0x1], $0xffff  }
0x76: {  	v11 =	vld.idx.msk [tilespmem:v4+s11+$0x120 ss:$0x1], $0xffff  }
0x77: {  	v12 =	vld.idx.msk [tilespmem:v4+s11+$0x110 ss:$0x1], $0xffff;
	_ =	sdelay $0x1  }
0x78: {  	v14 =	vand.u32 $0x7FFFFFFF, v9  }
0x79: {  	v15 =	vand.u32 $0x7FFFFFFF, v7;
	v13 =	vand.u32 $0x7FFFFFFF, v8;
	v17 =	vand.u32 $0x7FFFFFFF, v5  }
0x7a: {  	v13 =	vadd.f32 v13, v14;
	v16 =	vand.u32 $0x7FFFFFFF, v6;
	v18 =	vand.u32 $0x7FFFFFFF, v10  }
0x7b: {  	v19 =	vand.u32 $0x7FFFFFFF, v11;
	v16 =	vadd.f32 v16, v17;
	v17 =	vand.u32 $0x7FFFFFFF, v12  }
0x7c: {  	v15 =	vadd.f32 v15, v19;
	v17 =	vadd.f32 v17, v18;
	_ =	sdelay $0x1  }
0x7d: {  	v13 =	vadd.f32 v16, v13;
	v14 =	vadd.f32 v15, v17;
	_ =	sdelay $0x1  }
0x7e: {  	v13 =	vadd.f32 v13, v14;
	_ =	sdelay $0x1  }
0x7f: {  	v14 =	vperm.xlane v13, v0;
	_ =	sdelay $0x1  }
0x80: {  	v13 =	vadd.f32 v13, v14  }
0x81: {  	s31 =	sadd.s32 $0x400, s11  }
0x82: {  	v20 =	vld.idx.msk [tilespmem:v4+s31+$0x50 ss:$0x1], $0xffff;
	v15 =	vperm.xlane v13, v1  }
0x83: {  	v21 =	vld.idx.msk [tilespmem:v4+s31+$0x60 ss:$0x1], $0xffff  }
0x84: {  	v18 =	vld.idx.msk [tilespmem:v4+s31+$0x40 ss:$0x1], $0xffff;
	v13 =	vadd.f32 v13, v15  }
0x85: {  	v16 =	vld.idx.msk [tilespmem:v4+s31+$0x0 ss:$0x1], $0xffff  }
0x86: {  	v14 =	vld.idx.msk [tilespmem:v4+s31+$0x30 ss:$0x1], $0xffff;
	v19 =	vperm.xlane v13, v2  }
0x87: {  	v15 =	vld.idx.msk [tilespmem:v4+s31+$0x20 ss:$0x1], $0xffff  }
0x88: {  	v17 =	vld.idx.msk [tilespmem:v4+s31+$0x10 ss:$0x1], $0xffff;
	v13 =	vadd.f32 v13, v19  }
0x89: {  	v19 =	vld.idx.msk [tilespmem:v4+s31+$0x70 ss:$0x1], $0xffff  }
0x8a: {  	v22 =	vperm.xlane v13, v3  }
0x8b: {  	v26 =	vand.u32 $0x7FFFFFFF, v20;
	v24 =	vand.u32 $0x7FFFFFFF, v16;
	v23 =	vand.u32 $0x7FFFFFFF, v14  }
0x8c: {  	v25 =	vand.u32 $0x7FFFFFFF, v15;
	v13 =	vadd.f32 v13, v22;
	v22 =	vand.u32 $0x7FFFFFFF, v18  }
0x8d: {  	v23 =	vadd.f32 v23, v25;
	v25 =	vand.u32 $0x7FFFFFFF, v21;
	v22 =	vadd.f32 v26, v22  }
0x8e: {  	v26 =	vand.u32 $0x7FFFFFFF, v17;
	v27 =	vand.u32 $0x7FFFFFFF, v19;
	v13 =	vadd.f32 $1.000000010e-07, v13  }
0x8f: {  	v24 =	vadd.f32 v26, v24;
	v25 =	vadd.f32 v27, v25  }
0x90: {  	(erf) = vrcp.f32 v13  }
0x91: {  	v13 =	vadd.f32 v23, v24;
	v22 =	vadd.f32 v25, v22;
	_ =	sdelay $0x1  }
0x92: {  	v13 =	vadd.f32 v22, v13;
	_ =	sdelay $0x1  }
0x93: {  	v22 =	vperm.xlane v13, v0;
	_ =	sdelay $0x2  }
0x94: {  	v13 =	vadd.f32 v13, v22  }
0x95: {  	v22 =	vpop (erf)  }
0x96: {  	v23 =	vperm.xlane v13, v1;
	v22 =	vmin.f32 v22, $1.000000000e+00  }
0x97: {  	v10 =	vmul.f32 v22, v10  }
0x98: {  	v13 =	vadd.f32 v13, v23;
	v12 =	vmul.f32 v22, v12  }
0x99: {  	v11 =	vmul.f32 v22, v11;
	[tilespmem:v4+s11+$0x100 ss:$0x1] =	vst.idx.msk $0xffff, v10  }
0x9a: {  	v7 =	vmul.f32 v22, v7;
	v10 =	vperm.xlane v13, v2;
	[tilespmem:v4+s11+$0x110 ss:$0x1] =	vst.idx.msk $0xffff, v12  }
0x9b: {  	v9 =	vmul.f32 v22, v9;
	[tilespmem:v4+s11+$0x120 ss:$0x1] =	vst.idx.msk $0xffff, v11  }
0x9c: {  	v10 =	vadd.f32 v13, v10;
	[tilespmem:v4+s11+$0x130 ss:$0x1] =	vst.idx.msk $0xffff, v7;
	v7 =	vmul.f32 v22, v8;
	v8 =	vld.idx.msk [tilespmem:v4+s11+$0x1B0 ss:$0x1], $0xffff  }
0x9d: {  	v5 =	vmul.f32 v22, v5;
	[tilespmem:v4+s11+$0x140 ss:$0x1] =	vst.idx.msk $0xffff, v9;
	v9 =	vld.idx.msk [tilespmem:v4+s11+$0x1C0 ss:$0x1], $0xffff  }
0x9e: {  	v6 =	vmul.f32 v22, v6;
	v11 =	vperm.xlane v10, v3;
	[tilespmem:v4+s11+$0x150 ss:$0x1] =	vst.idx.msk $0xffff, v7;
	v7 =	vld.idx.msk [tilespmem:v4+s11+$0x1D0 ss:$0x1], $0xffff  }
0x9f: {  	[tilespmem:v4+s11+$0x160 ss:$0x1] =	vst.idx.msk $0xffff, v5;
	v5 =	vld.idx.msk [tilespmem:v4+s11+$0x1E0 ss:$0x1], $0xffff  }
0xa0: {  	v10 =	vadd.f32 v10, v11;
	[tilespmem:v4+s11+$0x170 ss:$0x1] =	vst.idx.msk $0xffff, v6;
	v6 =	vld.idx.msk [tilespmem:v4+s11+$0x1F0 ss:$0x1], $0xffff  }
0xa1: {  	v11 =	vld.idx.msk [tilespmem:v4+s11+$0x1A0 ss:$0x1], $0xffff  }
0xa2: {  	v10 =	vadd.f32 $1.000000010e-07, v10;
	v12 =	vld.idx.msk [tilespmem:v4+s11+$0x180 ss:$0x1], $0xffff  }
0xa3: {  	v13 =	vld.idx.msk [tilespmem:v4+s11+$0x190 ss:$0x1], $0xffff  }
0xa4: {  	(erf) = vrcp.f32 v10  }
0xa5: {  	v22 =	vand.u32 $0x7FFFFFFF, v8  }
0xa6: {  	v27 =	vand.u32 $0x7FFFFFFF, v9;
	v10 =	vand.u32 $0x7FFFFFFF, v7;
	v23 =	vand.u32 $0x7FFFFFFF, v5  }
0xa7: {  	v10 =	vadd.f32 v10, v27;
	v24 =	vand.u32 $0x7FFFFFFF, v6;
	v25 =	vand.u32 $0x7FFFFFFF, v11  }
0xa8: {  	v26 =	vand.u32 $0x7FFFFFFF, v12;
	v23 =	vadd.f32 v24, v23;
	v24 =	vand.u32 $0x7FFFFFFF, v13  }
0xa9: {  	v24 =	vadd.f32 v24, v26;
	v22 =	vadd.f32 v22, v25;
	_ =	sdelay $0x1  }
0xaa: {  	v10 =	vadd.f32 v23, v10;
	v22 =	vadd.f32 v22, v24;
	_ =	sdelay $0x1  }
0xab: {  	v10 =	vadd.f32 v10, v22;
	v23 =	vpop (erf)  }
0xac: {  	v23 =	vmin.f32 v23, $1.000000000e+00  }
0xad: {  	v22 =	vperm.xlane v10, v0;
	v16 =	vmul.f32 v23, v16  }
0xae: {  	v17 =	vmul.f32 v23, v17  }
0xaf: {  	v15 =	vmul.f32 v23, v15;
	v10 =	vadd.f32 v10, v22;
	[tilespmem:v4+s31+$0x0 ss:$0x1] =	vst.idx.msk $0xffff, v16  }
0xb0: {  	v14 =	vmul.f32 v23, v14;
	[tilespmem:v4+s31+$0x10 ss:$0x1] =	vst.idx.msk $0xffff, v17  }
0xb1: {  	v17 =	vperm.xlane v10, v1;
	[tilespmem:v4+s31+$0x20 ss:$0x1] =	vst.idx.msk $0xffff, v15;
	v15 =	vmul.f32 v23, v18  }
0xb2: {  	v16 =	vld.idx.msk [tilespmem:v4+s31+$0xC0 ss:$0x1], $0xffff;
	[tilespmem:v4+s31+$0x30 ss:$0x1] =	vst.idx.msk $0xffff, v14;
	v14 =	vmul.f32 v23, v20  }
0xb3: {  	v18 =	vld.idx.msk [tilespmem:v4+s31+$0xB0 ss:$0x1], $0xffff;
	v10 =	vadd.f32 v10, v17;
	[tilespmem:v4+s31+$0x40 ss:$0x1] =	vst.idx.msk $0xffff, v15;
	v15 =	vmul.f32 v23, v21  }
0xb4: {  	v19 =	vmul.f32 v23, v19;
	v20 =	vld.idx.msk [tilespmem:v4+s31+$0xD0 ss:$0x1], $0xffff;
	[tilespmem:v4+s31+$0x50 ss:$0x1] =	vst.idx.msk $0xffff, v14  }
0xb5: {  	v14 =	vld.idx.msk [tilespmem:v4+s31+$0xE0 ss:$0x1], $0xffff;
	v17 =	vperm.xlane v10, v2;
	[tilespmem:v4+s31+$0x60 ss:$0x1] =	vst.idx.msk $0xffff, v15  }
0xb6: {  	v15 =	vld.idx.msk [tilespmem:v4+s31+$0xF0 ss:$0x1], $0xffff;
	[tilespmem:v4+s31+$0x70 ss:$0x1] =	vst.idx.msk $0xffff, v19  }
0xb7: {  	v10 =	vadd.f32 v10, v17;
	v19 =	vld.idx.msk [tilespmem:v4+s31+$0xA0 ss:$0x1], $0xffff  }
0xb8: {  	v21 =	vld.idx.msk [tilespmem:v4+s31+$0x90 ss:$0x1], $0xffff  }
0xb9: {  	v17 =	vld.idx.msk [tilespmem:v4+s31+$0x80 ss:$0x1], $0xffff;
	v22 =	vperm.xlane v10, v3;
	_ =	sdelay $0x1  }
0xba: {  	v24 =	vand.u32 $0x7FFFFFFF, v14;
	v25 =	vand.u32 $0x7FFFFFFF, v15;
	v10 =	vadd.f32 v10, v22  }
0xbb: {  	v27 =	vand.u32 $0x7FFFFFFF, v18;
	v23 =	vand.u32 $0x7FFFFFFF, v20;
	v22 =	vadd.f32 v25, v24  }
0xbc: {  	v26 =	vand.u32 $0x7FFFFFFF, v19;
	v24 =	vand.u32 $0x7FFFFFFF, v21;
	v10 =	vadd.f32 $1.000000010e-07, v10  }
0xbd: {  	v25 =	vadd.f32 v27, v26;
	v26 =	vand.u32 $0x7FFFFFFF, v17;
	v27 =	vand.u32 $0x7FFFFFFF, v16  }
0xbe: {  	v24 =	vadd.f32 v24, v26;
	v23 =	vadd.f32 v23, v27  }
0xbf: {  	(erf) = vrcp.f32 v10  }
0xc0: {  	v10 =	vadd.f32 v25, v24;
	v22 =	vadd.f32 v22, v23;
	_ =	sdelay $0x1  }
0xc1: {  	v10 =	vadd.f32 v22, v10;
	_ =	sdelay $0x1  }
0xc2: {  	v22 =	vperm.xlane v10, v0;
	_ =	sdelay $0x1  }
0xc3: {  	v10 =	vadd.f32 v10, v22;
	_ =	sdelay $0x1  }
0xc4: {  	v23 =	vpop (erf);
	v22 =	vperm.xlane v10, v1  }
0xc5: {  	v23 =	vmin.f32 v23, $1.000000000e+00  }
0xc6: {  	v12 =	vmul.f32 v23, v12;
	v10 =	vadd.f32 v10, v22  }
0xc7: {  	v13 =	vmul.f32 v23, v13  }
0xc8: {  	v11 =	vmul.f32 v23, v11;
	[tilespmem:v4+s11+$0x180 ss:$0x1] =	vst.idx.msk $0xffff, v12;
	v22 =	vperm.xlane v10, v2  }
0xc9: {  	v8 =	vmul.f32 v23, v8;
	[tilespmem:v4+s11+$0x190 ss:$0x1] =	vst.idx.msk $0xffff, v13  }
0xca: {  	v9 =	vmul.f32 v23, v9;
	[tilespmem:v4+s11+$0x1A0 ss:$0x1] =	vst.idx.msk $0xffff, v11;
	v10 =	vadd.f32 v10, v22  }
0xcb: {  	v7 =	vmul.f32 v23, v7;
	v12 =	vld.idx.msk [tilespmem:v4+s11+$0x240 ss:$0x1], $0xffff;
	[tilespmem:v4+s11+$0x1B0 ss:$0x1] =	vst.idx.msk $0xffff, v8  }
0xcc: {  	v5 =	vmul.f32 v23, v5;
	v13 =	vld.idx.msk [tilespmem:v4+s11+$0x250 ss:$0x1], $0xffff;
	[tilespmem:v4+s11+$0x1C0 ss:$0x1] =	vst.idx.msk $0xffff, v9;
	v8 =	vperm.xlane v10, v3  }
0xcd: {  	v6 =	vmul.f32 v23, v6;
	v11 =	vld.idx.msk [tilespmem:v4+s11+$0x230 ss:$0x1], $0xffff;
	[tilespmem:v4+s11+$0x1D0 ss:$0x1] =	vst.idx.msk $0xffff, v7  }
0xce: {  	v22 =	vld.idx.msk [tilespmem:v4+s11+$0x270 ss:$0x1], $0xffff;
	[tilespmem:v4+s11+$0x1E0 ss:$0x1] =	vst.idx.msk $0xffff, v5;
	v7 =	vadd.f32 v10, v8  }
0xcf: {  	v10 =	vld.idx.msk [tilespmem:v4+s11+$0x260 ss:$0x1], $0xffff;
	[tilespmem:v4+s11+$0x1F0 ss:$0x1] =	vst.idx.msk $0xffff, v6  }
0xd0: {  	v6 =	vld.idx.msk [tilespmem:v4+s11+$0x210 ss:$0x1], $0xffff;
	v5 =	vadd.f32 $1.000000010e-07, v7  }
0xd1: {  	v23 =	vld.idx.msk [tilespmem:v4+s11+$0x200 ss:$0x1], $0xffff  }
0xd2: {  	v24 =	vld.idx.msk [tilespmem:v4+s11+$0x220 ss:$0x1], $0xffff;
	(erf) = vrcp.f32 v5;
	_ =	sdelay $0x1  }
0xd3: {  	v25 =	vand.u32 $0x7FFFFFFF, v12  }
0xd4: {  	v9 =	vand.u32 $0x7FFFFFFF, v11;
	v8 =	vand.u32 $0x7FFFFFFF, v22;
	v5 =	vand.u32 $0x7FFFFFFF, v13  }
0xd5: {  	v7 =	vand.u32 $0x7FFFFFFF, v10;
	v5 =	vadd.f32 v5, v25;
	v26 =	vand.u32 $0x7FFFFFFF, v23  }
0xd6: {  	v27 =	vand.u32 $0x7FFFFFFF, v6;
	v7 =	vadd.f32 v8, v7;
	v8 =	vand.u32 $0x7FFFFFFF, v24  }
0xd7: {  	v26 =	vadd.f32 v27, v26;
	v8 =	vadd.f32 v9, v8;
	_ =	sdelay $0x1  }
0xd8: {  	v5 =	vadd.f32 v7, v5;
	v8 =	vadd.f32 v8, v26  }
0xd9: {  	v7 =	vpop (erf)  }
0xda: {  	v5 =	vadd.f32 v5, v8;
	v7 =	vmin.f32 v7, $1.000000000e+00  }
0xdb: {  	v8 =	vmul.f32 v7, v17  }
0xdc: {  	v9 =	vmul.f32 v7, v21;
	v17 =	vperm.xlane v5, v0  }
0xdd: {  	v19 =	vmul.f32 v7, v19;
	[tilespmem:v4+s31+$0x80 ss:$0x1] =	vst.idx.msk $0xffff, v8  }
0xde: {  	v8 =	vmul.f32 v7, v18;
	v5 =	vadd.f32 v5, v17;
	[tilespmem:v4+s31+$0x90 ss:$0x1] =	vst.idx.msk $0xffff, v9  }
0xdf: {  	v9 =	vmul.f32 v7, v16;
	[tilespmem:v4+s31+$0xA0 ss:$0x1] =	vst.idx.msk $0xffff, v19  }
0xe0: {  	v28 =	vld.idx.msk [tilespmem:v4+s31+$0x170 ss:$0x1], $0xffff;
	v16 =	vperm.xlane v5, v1;
	[tilespmem:v4+s31+$0xB0 ss:$0x1] =	vst.idx.msk $0xffff, v8;
	v8 =	vmul.f32 v7, v20  }
0xe1: {  	v25 =	vld.idx.msk [tilespmem:v4+s31+$0x140 ss:$0x1], $0xffff;
	[tilespmem:v4+s31+$0xC0 ss:$0x1] =	vst.idx.msk $0xffff, v9;
	v9 =	vmul.f32 v7, v14  }
0xe2: {  	v27 =	vld.idx.msk [tilespmem:v4+s31+$0x160 ss:$0x1], $0xffff;
	v7 =	vmul.f32 v7, v15;
	v5 =	vadd.f32 v5, v16;
	[tilespmem:v4+s31+$0xD0 ss:$0x1] =	vst.idx.msk $0xffff, v8  }
0xe3: {  	v26 =	vld.idx.msk [tilespmem:v4+s31+$0x130 ss:$0x1], $0xffff;
	[tilespmem:v4+s31+$0xE0 ss:$0x1] =	vst.idx.msk $0xffff, v9  }
0xe4: {  	v15 =	vld.idx.msk [tilespmem:v4+s31+$0x150 ss:$0x1], $0xffff;
	[tilespmem:v4+s31+$0xF0 ss:$0x1] =	vst.idx.msk $0xffff, v7;
	v7 =	vperm.xlane v5, v2  }
0xe5: {  	v29 =	vld.idx.msk [tilespmem:v4+s31+$0x100 ss:$0x1], $0xffff  }
0xe6: {  	v30 =	vld.idx.msk [tilespmem:v4+s31+$0x120 ss:$0x1], $0xffff;
	v5 =	vadd.f32 v5, v7  }
0xe7: {  	v31 =	vld.idx.msk [tilespmem:v4+s31+$0x110 ss:$0x1], $0xffff  }
0xe8: {  	v7 =	vperm.xlane v5, v3  }
0xe9: {  	v17 =	vand.u32 $0x7FFFFFFF, v27;
	v14 =	vand.u32 $0x7FFFFFFF, v26;
	v16 =	vand.u32 $0x7FFFFFFF, v28  }
0xea: {  	v9 =	vand.u32 $0x7FFFFFFF, v25;
	v8 =	vand.u32 $0x7FFFFFFF, v15;
	v5 =	vadd.f32 v5, v7  }
0xeb: {  	v16 =	vadd.f32 v16, v17;
	v8 =	vadd.f32 v8, v9;
	v7 =	vand.u32 $0x7FFFFFFF, v29  }
0xec: {  	v18 =	vand.u32 $0x7FFFFFFF, v30;
	v17 =	vand.u32 $0x7FFFFFFF, v31;
	v5 =	vadd.f32 $1.000000010e-07, v5  }
0xed: {  	v14 =	vadd.f32 v14, v18;
	v7 =	vadd.f32 v17, v7  }
0xee: {  	(erf) = vrcp.f32 v5  }
0xef: {  	v5 =	vadd.f32 v14, v7;
	v7 =	vadd.f32 v16, v8;
	_ =	sdelay $0x1  }
0xf0: {  	v5 =	vadd.f32 v7, v5;
	_ =	sdelay $0x1  }
0xf1: {  	v8 =	vperm.xlane v5, v0;
	_ =	sdelay $0x1  }
0xf2: {  	s2 =	sadd.s32 $0x400, s31;
	v16 =	vadd.f32 v5, v8  }
0xf3: {  	v21 =	vld.idx.msk [tilespmem:v4+s2+$0x50 ss:$0x1], $0xffff  }
0xf4: {  	v20 =	vld.idx.msk [tilespmem:v4+s2+$0x40 ss:$0x1], $0xffff;
	v17 =	vperm.xlane v16, v1;
	v5 =	vpop (erf)  }
0xf5: {  	v9 =	vld.idx.msk [tilespmem:v4+s2+$0x10 ss:$0x1], $0xffff;
	v18 =	vmin.f32 v5, $1.000000000e+00  }
0xf6: {  	v14 =	vld.idx.msk [tilespmem:v4+s2+$0x20 ss:$0x1], $0xffff;
	v16 =	vadd.f32 v16, v17;
	v17 =	vmul.f32 v18, v23  }
0xf7: {  	v7 =	vld.idx.msk [tilespmem:v4+s2+$0x30 ss:$0x1], $0xffff;
	v19 =	vmul.f32 v18, v6  }
0xf8: {  	v8 =	vld.idx.msk [tilespmem:v4+s2+$0x0 ss:$0x1], $0xffff;
	v23 =	vmul.f32 v18, v24;
	v24 =	vperm.xlane v16, v2;
	[tilespmem:v4+s11+$0x200 ss:$0x1] =	vst.idx.msk $0xffff, v17  }
0xf9: {  	v5 =	vld.idx.msk [tilespmem:v4+s11+$0x2C0 ss:$0x1], $0xffff;
	v11 =	vmul.f32 v18, v11;
	[tilespmem:v4+s11+$0x210 ss:$0x1] =	vst.idx.msk $0xffff, v19  }
0xfa: {  	v12 =	vmul.f32 v18, v12;
	v16 =	vadd.f32 v16, v24;
	v24 =	vld.idx.msk [tilespmem:v4+s2+$0x70 ss:$0x1], $0xffff;
	[tilespmem:v4+s11+$0x220 ss:$0x1] =	vst.idx.msk $0xffff, v23  }
0xfb: {  	v10 =	vmul.f32 v18, v10;
	v17 =	vld.idx.msk [tilespmem:v4+s2+$0x60 ss:$0x1], $0xffff;
	[tilespmem:v4+s11+$0x230 ss:$0x1] =	vst.idx.msk $0xffff, v11;
	v11 =	vmul.f32 v18, v13  }
0xfc: {  	v6 =	vld.idx.msk [tilespmem:v4+s11+$0x2B0 ss:$0x1], $0xffff;
	v23 =	vand.u32 $0x7FFFFFFF, v7;
	v13 =	vand.u32 $0x7FFFFFFF, v14;
	v32 =	vperm.xlane v16, v3;
	[tilespmem:v4+s11+$0x240 ss:$0x1] =	vst.idx.msk $0xffff, v12  }
0xfd: {  	v19 =	vld.idx.msk [tilespmem:v4+s11+$0x2D0 ss:$0x1], $0xffff;
	v12 =	vadd.f32 v23, v13;
	[tilespmem:v4+s11+$0x250 ss:$0x1] =	vst.idx.msk $0xffff, v11;
	v11 =	vmul.f32 v18, v22  }
0xfe: {  	v40 =	vand.u32 $0x7FFFFFFF, v9;
	v23 =	vand.u32 $0x7FFFFFFF, v8;
	v13 =	vadd.f32 v16, v32;
	v18 =	vld.idx.msk [tilespmem:v4+s11+$0x2E0 ss:$0x1], $0xffff;
	[tilespmem:v4+s11+$0x260 ss:$0x1] =	vst.idx.msk $0xffff, v10  }
0xff: {  	v22 =	vand.u32 $0x7FFFFFFF, v21;
	v16 =	vld.idx.msk [tilespmem:v4+s11+$0x2F0 ss:$0x1], $0xffff;
	v10 =	vand.u32 $0x7FFFFFFF, v20;
	v33 =	vand.u32 $0x7FFFFFFF, v24;
	[tilespmem:v4+s11+$0x270 ss:$0x1] =	vst.idx.msk $0xffff, v11  }
0x100: {  	v11 =	vand.u32 $0x7FFFFFFF, v17;
	v10 =	vadd.f32 v22, v10;
	v13 =	vadd.f32 $1.000000010e-07, v13;
	v22 =	vld.idx.msk [tilespmem:v4+s11+$0x2A0 ss:$0x1], $0xffff  }
0x101: {  	v23 =	vadd.f32 v40, v23;
	v34 =	vld.idx.msk [tilespmem:v4+s11+$0x280 ss:$0x1], $0xffff;
	v11 =	vadd.f32 v33, v11  }
0x102: {  	v41 =	vld.idx.msk [tilespmem:v4+s11+$0x290 ss:$0x1], $0xffff;
	(erf) = vrcp.f32 v13  }
0x103: {  	v12 =	vadd.f32 v12, v23;
	v10 =	vadd.f32 v11, v10  }
0x104: {  	v23 =	vand.u32 $0x7FFFFFFF, v5;
	v13 =	vand.u32 $0x7FFFFFFF, v19;
	v11 =	vand.u32 $0x7FFFFFFF, v6  }
0x105: {  	v42 =	vand.u32 $0x7FFFFFFF, v18;
	v35 =	vand.u32 $0x7FFFFFFF, v16;
	v10 =	vadd.f32 v10, v12  }
0x106: {  	v13 =	vadd.f32 v13, v23;
	v33 =	vadd.f32 v35, v42;
	v12 =	vand.u32 $0x7FFFFFFF, v22  }
0x107: {  	v43 =	vand.u32 $0x7FFFFFFF, v34;
	v36 =	vand.u32 $0x7FFFFFFF, v41;
	v23 =	vperm.xlane v10, v0  }
0x108: {  	v11 =	vadd.f32 v11, v12;
	v12 =	vadd.f32 v36, v43  }
0x109: {  	v10 =	vadd.f32 v10, v23  }
0x10a: {  	v11 =	vadd.f32 v11, v12;
	v12 =	vadd.f32 v33, v13  }
0x10b: {  	v13 =	vpop (erf);
	v23 =	vperm.xlane v10, v1  }
0x10c: {  	v11 =	vadd.f32 v12, v11;
	v13 =	vmin.f32 v13, $1.000000000e+00  }
0x10d: {  	v12 =	vmul.f32 v13, v29;
	v10 =	vadd.f32 v10, v23  }
0x10e: {  	v23 =	vmul.f32 v13, v31;
	v29 =	vperm.xlane v11, v0  }
0x10f: {  	v30 =	vmul.f32 v13, v30;
	[tilespmem:v4+s31+$0x100 ss:$0x1] =	vst.idx.msk $0xffff, v12;
	v12 =	vperm.xlane v10, v2  }
0x110: {  	[tilespmem:v4+s31+$0x110 ss:$0x1] =	vst.idx.msk $0xffff, v23;
	v23 =	vmul.f32 v13, v26;
	v26 =	vadd.f32 v11, v29  }
0x111: {  	v11 =	vmul.f32 v13, v25;
	[tilespmem:v4+s31+$0x120 ss:$0x1] =	vst.idx.msk $0xffff, v30;
	v25 =	vadd.f32 v10, v12  }
0x112: {  	v27 =	vmul.f32 v13, v27;
	v12 =	vmul.f32 v13, v15;
	v10 =	vld.idx.msk [tilespmem:v4+s31+$0x1B0 ss:$0x1], $0xffff;
	[tilespmem:v4+s31+$0x130 ss:$0x1] =	vst.idx.msk $0xffff, v23  }
0x113: {  	v15 =	vld.idx.msk [tilespmem:v4+s31+$0x1D0 ss:$0x1], $0xffff;
	v23 =	vperm.xlane v26, v1;
	[tilespmem:v4+s31+$0x140 ss:$0x1] =	vst.idx.msk $0xffff, v11;
	v29 =	vperm.xlane v25, v3  }
0x114: {  	v13 =	vmul.f32 v13, v28;
	v11 =	vld.idx.msk [tilespmem:v4+s31+$0x1C0 ss:$0x1], $0xffff;
	[tilespmem:v4+s31+$0x150 ss:$0x1] =	vst.idx.msk $0xffff, v12  }
0x115: {  	v23 =	vadd.f32 v26, v23;
	v12 =	vld.idx.msk [tilespmem:v4+s31+$0x1E0 ss:$0x1], $0xffff;
	[tilespmem:v4+s31+$0x160 ss:$0x1] =	vst.idx.msk $0xffff, v27;
	v25 =	vadd.f32 v25, v29  }
0x116: {  	[tilespmem:v4+s31+$0x170 ss:$0x1] =	vst.idx.msk $0xffff, v13;
	v13 =	vld.idx.msk [tilespmem:v4+s31+$0x1F0 ss:$0x1], $0xffff  }
0x117: {  	v26 =	vperm.xlane v23, v2;
	v25 =	vadd.f32 $1.000000010e-07, v25;
	v28 =	vld.idx.msk [tilespmem:v4+s31+$0x180 ss:$0x1], $0xffff  }
0x118: {  	v29 =	vld.idx.msk [tilespmem:v4+s31+$0x190 ss:$0x1], $0xffff  }
0x119: {  	v27 =	vld.idx.msk [tilespmem:v4+s31+$0x1A0 ss:$0x1], $0xffff;
	v23 =	vadd.f32 v23, v26;
	(erf) = vrcp.f32 v25  }
0x11a: {  	v30 =	vand.u32 $0x7FFFFFFF, v10  }
0x11b: {  	v26 =	vand.u32 $0x7FFFFFFF, v15;
	v46 =	vand.u32 $0x7FFFFFFF, v11;
	v25 =	vperm.xlane v23, v3  }
0x11c: {  	v31 =	vand.u32 $0x7FFFFFFF, v12;
	v26 =	vadd.f32 v26, v46;
	v44 =	vand.u32 $0x7FFFFFFF, v13  }
0x11d: {  	v23 =	vadd.f32 v23, v25;
	v25 =	vand.u32 $0x7FFFFFFF, v28;
	v47 =	vand.u32 $0x7FFFFFFF, v29  }
0x11e: {  	v45 =	vand.u32 $0x7FFFFFFF, v27;
	v31 =	vadd.f32 v44, v31;
	v25 =	vadd.f32 v47, v25  }
0x11f: {  	v30 =	vadd.f32 v30, v45;
	v23 =	vadd.f32 $1.000000010e-07, v23;
	_ =	sdelay $0x1  }
0x120: {  	(erf) = vrcp.f32 v23;
	v23 =	vadd.f32 v30, v25;
	v25 =	vadd.f32 v31, v26  }
0x121: {  	v26 =	vpop (erf)  }
0x122: {  	v23 =	vadd.f32 v25, v23;
	v26 =	vmin.f32 v26, $1.000000000e+00  }
0x123: {  	v8 =	vmul.f32 v26, v8  }
0x124: {  	v9 =	vmul.f32 v26, v9;
	v25 =	vperm.xlane v23, v0  }
0x125: {  	[tilespmem:v4+s2+$0x0 ss:$0x1] =	vst.idx.msk $0xffff, v8;
	v8 =	vmul.f32 v26, v14  }
0x126: {  	v14 =	vmul.f32 v26, v7;
	[tilespmem:v4+s2+$0x10 ss:$0x1] =	vst.idx.msk $0xffff, v9;
	v9 =	vadd.f32 v23, v25  }
0x127: {  	[tilespmem:v4+s2+$0x20 ss:$0x1] =	vst.idx.msk $0xffff, v8;
	v8 =	vmul.f32 v26, v20  }
0x128: {  	v7 =	vld.idx.msk [tilespmem:v4+s2+$0xC0 ss:$0x1], $0xffff;
	v20 =	vmul.f32 v26, v21;
	[tilespmem:v4+s2+$0x30 ss:$0x1] =	vst.idx.msk $0xffff, v14;
	v21 =	vperm.xlane v9, v1  }
0x129: {  	v17 =	vmul.f32 v26, v17;
	v23 =	vmul.f32 v26, v24;
	v14 =	vld.idx.msk [tilespmem:v4+s2+$0xB0 ss:$0x1], $0xffff;
	v24 =	vpop (erf);
	[tilespmem:v4+s2+$0x40 ss:$0x1] =	vst.idx.msk $0xffff, v8  }
0x12a: {  	v24 =	vmin.f32 v24, $1.000000000e+00;
	v8 =	vld.idx.msk [tilespmem:v4+s2+$0xE0 ss:$0x1], $0xffff;
	[tilespmem:v4+s2+$0x50 ss:$0x1] =	vst.idx.msk $0xffff, v20;
	v20 =	vadd.f32 v9, v21  }
0x12b: {  	v21 =	vmul.f32 v24, v34;
	v9 =	vld.idx.msk [tilespmem:v4+s2+$0xF0 ss:$0x1], $0xffff;
	[tilespmem:v4+s2+$0x60 ss:$0x1] =	vst.idx.msk $0xffff, v17  }
0x12c: {  	v25 =	vmul.f32 v24, v41;
	v17 =	vld.idx.msk [tilespmem:v4+s2+$0xD0 ss:$0x1], $0xffff;
	[tilespmem:v4+s2+$0x70 ss:$0x1] =	vst.idx.msk $0xffff, v23;
	v23 =	vperm.xlane v20, v2  }
0x12d: {  	v19 =	vmul.f32 v24, v19;
	v22 =	vmul.f32 v24, v22;
	[tilespmem:v4+s11+$0x280 ss:$0x1] =	vst.idx.msk $0xffff, v21;
	v31 =	vld.idx.msk [tilespmem:v4+s2+$0xA0 ss:$0x1], $0xffff  }
0x12e: {  	v6 =	vmul.f32 v24, v6;
	v48 =	vld.idx.msk [tilespmem:v4+s2+$0x90 ss:$0x1], $0xffff;
	[tilespmem:v4+s11+$0x290 ss:$0x1] =	vst.idx.msk $0xffff, v25;
	v20 =	vadd.f32 v20, v23  }
0x12f: {  	v18 =	vmul.f32 v24, v18;
	v5 =	vmul.f32 v24, v5;
	v49 =	vld.idx.msk [tilespmem:v4+s2+$0x80 ss:$0x1], $0xffff;
	[tilespmem:v4+s11+$0x2A0 ss:$0x1] =	vst.idx.msk $0xffff, v22  }
0x130: {  	v21 =	vand.u32 $0x7FFFFFFF, v8;
	[tilespmem:v4+s11+$0x2B0 ss:$0x1] =	vst.idx.msk $0xffff, v6;
	v22 =	vand.u32 $0x7FFFFFFF, v9;
	v23 =	vperm.xlane v20, v3  }
0x131: {  	v16 =	vmul.f32 v24, v16;
	v24 =	vld.idx.msk [tilespmem:v4+s11+$0x330 ss:$0x1], $0xffff;
	[tilespmem:v4+s11+$0x2C0 ss:$0x1] =	vst.idx.msk $0xffff, v5;
	v5 =	vadd.f32 v22, v21  }
0x132: {  	v25 =	vld.idx.msk [tilespmem:v4+s11+$0x350 ss:$0x1], $0xffff;
	v21 =	vand.u32 $0x7FFFFFFF, v14;
	[tilespmem:v4+s11+$0x2D0 ss:$0x1] =	vst.idx.msk $0xffff, v19;
	v19 =	vand.u32 $0x7FFFFFFF, v31;
	v20 =	vadd.f32 v20, v23  }
0x133: {  	v6 =	vld.idx.msk [tilespmem:v4+s11+$0x340 ss:$0x1], $0xffff;
	v22 =	vand.u32 $0x7FFFFFFF, v17;
	[tilespmem:v4+s11+$0x2E0 ss:$0x1] =	vst.idx.msk $0xffff, v18;
	v18 =	vand.u32 $0x7FFFFFFF, v48;
	v19 =	vadd.f32 v21, v19  }
0x134: {  	v23 =	vld.idx.msk [tilespmem:v4+s11+$0x360 ss:$0x1], $0xffff;
	[tilespmem:v4+s11+$0x2F0 ss:$0x1] =	vst.idx.msk $0xffff, v16;
	v16 =	vand.u32 $0x7FFFFFFF, v49;
	v21 =	vand.u32 $0x7FFFFFFF, v7;
	v20 =	vadd.f32 $1.000000010e-07, v20  }
0x135: {  	v50 =	vld.idx.msk [tilespmem:v4+s11+$0x320 ss:$0x1], $0xffff;
	v16 =	vadd.f32 v18, v16;
	v18 =	vadd.f32 v22, v21  }
0x136: {  	v51 =	vld.idx.msk [tilespmem:v4+s11+$0x300 ss:$0x1], $0xffff;
	(erf) = vrcp.f32 v20  }
0x137: {  	v52 =	vld.idx.msk [tilespmem:v4+s11+$0x310 ss:$0x1], $0xffff;
	v16 =	vadd.f32 v19, v16;
	v5 =	vadd.f32 v5, v18  }
0x138: {  	v26 =	vld.idx.msk [tilespmem:v4+s11+$0x370 ss:$0x1], $0xffff  }
0x139: {  	v5 =	vadd.f32 v5, v16  }
0x13a: {  	v22 =	vand.u32 $0x7FFFFFFF, v24;
	v19 =	vand.u32 $0x7FFFFFFF, v6;
	v37 =	vand.u32 $0x7FFFFFFF, v23  }
0x13b: {  	v16 =	vand.u32 $0x7FFFFFFF, v25;
	v18 =	vand.u32 $0x7FFFFFFF, v50;
	v20 =	vperm.xlane v5, v0  }
0x13c: {  	v21 =	vand.u32 $0x7FFFFFFF, v51;
	v30 =	vand.u32 $0x7FFFFFFF, v52;
	v16 =	vadd.f32 v16, v19  }
0x13d: {  	v18 =	vadd.f32 v22, v18;
	v5 =	vadd.f32 v5, v20;
	v20 =	vand.u32 $0x7FFFFFFF, v26  }
0x13e: {  	v21 =	vadd.f32 v30, v21;
	v19 =	vadd.f32 v20, v37  }
0x13f: {  	v20 =	vperm.xlane v5, v1;
	v22 =	vpop (erf)  }
0x140: {  	v18 =	vadd.f32 v18, v21;
	v16 =	vadd.f32 v19, v16;
	v21 =	vmin.f32 v22, $1.000000000e+00  }
0x141: {  	v5 =	vadd.f32 v5, v20;
	v19 =	vmul.f32 v21, v28  }
0x142: {  	v20 =	vmul.f32 v21, v29;
	v16 =	vadd.f32 v16, v18  }
0x143: {  	v18 =	vmul.f32 v21, v27;
	v22 =	vperm.xlane v5, v2;
	[tilespmem:v4+s31+$0x180 ss:$0x1] =	vst.idx.msk $0xffff, v19  }
0x144: {  	v10 =	vmul.f32 v21, v10;
	v11 =	vmul.f32 v21, v11;
	[tilespmem:v4+s31+$0x190 ss:$0x1] =	vst.idx.msk $0xffff, v20  }
0x145: {  	v19 =	vperm.xlane v16, v0;
	v5 =	vadd.f32 v5, v22;
	[tilespmem:v4+s31+$0x1A0 ss:$0x1] =	vst.idx.msk $0xffff, v18  }
0x146: {  	[tilespmem:v4+s31+$0x1B0 ss:$0x1] =	vst.idx.msk $0xffff, v10;
	v10 =	vmul.f32 v21, v15  }
0x147: {  	v30 =	vld.idx.msk [tilespmem:v4+s31+$0x250 ss:$0x1], $0xffff;
	v15 =	vadd.f32 v16, v19;
	v16 =	vperm.xlane v5, v3;
	[tilespmem:v4+s31+$0x1C0 ss:$0x1] =	vst.idx.msk $0xffff, v11  }
0x148: {  	v27 =	vld.idx.msk [tilespmem:v4+s31+$0x230 ss:$0x1], $0xffff;
	v11 =	vmul.f32 v21, v12;
	[tilespmem:v4+s31+$0x1D0 ss:$0x1] =	vst.idx.msk $0xffff, v10  }
0x149: {  	v22 =	vld.idx.msk [tilespmem:v4+s31+$0x240 ss:$0x1], $0xffff;
	v10 =	vmul.f32 v21, v13;
	v12 =	vperm.xlane v15, v1;
	v5 =	vadd.f32 v5, v16  }
0x14a: {  	v19 =	vld.idx.msk [tilespmem:v4+s31+$0x270 ss:$0x1], $0xffff;
	[tilespmem:v4+s31+$0x1E0 ss:$0x1] =	vst.idx.msk $0xffff, v11  }
0x14b: {  	v21 =	vld.idx.msk [tilespmem:v4+s31+$0x260 ss:$0x1], $0xffff;
	[tilespmem:v4+s31+$0x1F0 ss:$0x1] =	vst.idx.msk $0xffff, v10;
	v10 =	vadd.f32 v15, v12;
	v5 =	vadd.f32 $1.000000010e-07, v5  }
0x14c: {  	v13 =	vld.idx.msk [tilespmem:v4+s31+$0x210 ss:$0x1], $0xffff  }
0x14d: {  	v28 =	vld.idx.msk [tilespmem:v4+s31+$0x200 ss:$0x1], $0xffff;
	v11 =	vperm.xlane v10, v2;
	(erf) = vrcp.f32 v5  }
0x14e: {  	v29 =	vld.idx.msk [tilespmem:v4+s31+$0x220 ss:$0x1], $0xffff  }
0x14f: {  	v5 =	vadd.f32 v10, v11  }
0x150: {  	v16 =	vand.u32 $0x7FFFFFFF, v27;
	v18 =	vand.u32 $0x7FFFFFFF, v22;
	v12 =	vand.u32 $0x7FFFFFFF, v19  }
0x151: {  	v10 =	vand.u32 $0x7FFFFFFF, v30;
	v11 =	vand.u32 $0x7FFFFFFF, v21;
	v15 =	vperm.xlane v5, v3  }
0x152: {  	v11 =	vadd.f32 v12, v11;
	v10 =	vadd.f32 v10, v18;
	v12 =	vand.u32 $0x7FFFFFFF, v28  }
0x153: {  	v20 =	vand.u32 $0x7FFFFFFF, v13;
	v5 =	vadd.f32 v5, v15;
	v15 =	vand.u32 $0x7FFFFFFF, v29  }
0x154: {  	v12 =	vadd.f32 v20, v12;
	v15 =	vadd.f32 v16, v15  }
0x155: {  	v5 =	vadd.f32 $1.000000010e-07, v5  }
0x156: {  	v10 =	vadd.f32 v11, v10;
	v16 =	vpop (erf);
	v12 =	vadd.f32 v15, v12  }
0x157: {  	(erf) = vrcp.f32 v5;
	v11 =	vmin.f32 v16, $1.000000000e+00  }
0x158: {  	v5 =	vmul.f32 v11, v49;
	v10 =	vadd.f32 v10, v12  }
0x159: {  	v12 =	vmul.f32 v11, v48  }
0x15a: {  	v15 =	vmul.f32 v11, v31;
	[tilespmem:v4+s2+$0x80 ss:$0x1] =	vst.idx.msk $0xffff, v5;
	v16 =	vperm.xlane v10, v0  }
0x15b: {  	[tilespmem:v4+s2+$0x90 ss:$0x1] =	vst.idx.msk $0xffff, v12;
	v12 =	vmul.f32 v11, v14  }
0x15c: {  	v7 =	vmul.f32 v11, v7;
	[tilespmem:v4+s2+$0xA0 ss:$0x1] =	vst.idx.msk $0xffff, v15;
	v10 =	vadd.f32 v10, v16  }
0x15d: {  	v18 =	vld.idx.msk [tilespmem:v4+s2+$0x150 ss:$0x1], $0xffff;
	[tilespmem:v4+s2+$0xB0 ss:$0x1] =	vst.idx.msk $0xffff, v12;
	v12 =	vmul.f32 v11, v17  }
0x15e: {  	v20 =	vld.idx.msk [tilespmem:v4+s2+$0x130 ss:$0x1], $0xffff;
	[tilespmem:v4+s2+$0xC0 ss:$0x1] =	vst.idx.msk $0xffff, v7;
	v7 =	vmul.f32 v11, v8;
	v8 =	vperm.xlane v10, v1  }
0x15f: {  	v9 =	vmul.f32 v11, v9;
	v15 =	vld.idx.msk [tilespmem:v4+s2+$0x140 ss:$0x1], $0xffff;
	[tilespmem:v4+s2+$0xD0 ss:$0x1] =	vst.idx.msk $0xffff, v12  }
0x160: {  	v17 =	vld.idx.msk [tilespmem:v4+s2+$0x160 ss:$0x1], $0xffff;
	v11 =	vpop (erf);
	[tilespmem:v4+s2+$0xE0 ss:$0x1] =	vst.idx.msk $0xffff, v7;
	v7 =	vadd.f32 v10, v8  }
0x161: {  	v16 =	vld.idx.msk [tilespmem:v4+s2+$0x170 ss:$0x1], $0xffff;
	v8 =	vmin.f32 v11, $1.000000000e+00;
	[tilespmem:v4+s2+$0xF0 ss:$0x1] =	vst.idx.msk $0xffff, v9  }
0x162: {  	v9 =	vmul.f32 v8, v51;
	v35 =	vld.idx.msk [tilespmem:v4+s2+$0x100 ss:$0x1], $0xffff;
	v10 =	vperm.xlane v7, v2  }
0x163: {  	v11 =	vmul.f32 v8, v52;
	v32 =	vld.idx.msk [tilespmem:v4+s2+$0x120 ss:$0x1], $0xffff;
	v12 =	vmul.f32 v8, v50  }
0x164: {  	v36 =	vld.idx.msk [tilespmem:v4+s2+$0x110 ss:$0x1], $0xffff;
	v6 =	vmul.f32 v8, v6;
	[tilespmem:v4+s11+$0x300 ss:$0x1] =	vst.idx.msk $0xffff, v9;
	v9 =	vadd.f32 v7, v10  }
0x165: {  	v23 =	vmul.f32 v8, v23;
	v31 =	vand.u32 $0x7FFFFFFF, v17;
	v10 =	vmul.f32 v8, v24;
	[tilespmem:v4+s11+$0x310 ss:$0x1] =	vst.idx.msk $0xffff, v11  }
0x166: {  	v24 =	vmul.f32 v8, v25;
	v25 =	vand.u32 $0x7FFFFFFF, v16;
	[tilespmem:v4+s11+$0x320 ss:$0x1] =	vst.idx.msk $0xffff, v12;
	v14 =	vperm.xlane v9, v3  }
0x167: {  	v5 =	vld.idx.msk [tilespmem:v4+s11+$0x3E0 ss:$0x1], $0xffff;
	v11 =	vand.u32 $0x7FFFFFFF, v18;
	v25 =	vadd.f32 v25, v31;
	v12 =	vand.u32 $0x7FFFFFFF, v15;
	[tilespmem:v4+s11+$0x330 ss:$0x1] =	vst.idx.msk $0xffff, v10  }
0x168: {  	v7 =	vld.idx.msk [tilespmem:v4+s11+$0x3C0 ss:$0x1], $0xffff;
	v11 =	vadd.f32 v11, v12;
	[tilespmem:v4+s11+$0x340 ss:$0x1] =	vst.idx.msk $0xffff, v6;
	v9 =	vadd.f32 v9, v14  }
0x169: {  	v10 =	vand.u32 $0x7FFFFFFF, v20;
	v14 =	vmul.f32 v8, v26;
	v6 =	vld.idx.msk [tilespmem:v4+s11+$0x3F0 ss:$0x1], $0xffff;
	v26 =	vand.u32 $0x7FFFFFFF, v32;
	[tilespmem:v4+s11+$0x350 ss:$0x1] =	vst.idx.msk $0xffff, v24  }
0x16a: {  	v8 =	vld.idx.msk [tilespmem:v4+s11+$0x3D0 ss:$0x1], $0xffff;
	v24 =	vand.u32 $0x7FFFFFFF, v35;
	[tilespmem:v4+s11+$0x360 ss:$0x1] =	vst.idx.msk $0xffff, v23;
	v23 =	vand.u32 $0x7FFFFFFF, v36;
	v9 =	vadd.f32 $1.000000010e-07, v9  }
0x16b: {  	v26 =	vadd.f32 v10, v26;
	v10 =	vld.idx.msk [tilespmem:v4+s11+$0x3B0 ss:$0x1], $0xffff;
	[tilespmem:v4+s11+$0x370 ss:$0x1] =	vst.idx.msk $0xffff, v14;
	v23 =	vadd.f32 v23, v24  }
0x16c: {  	v12 =	vld.idx.msk [tilespmem:v4+s11+$0x3A0 ss:$0x1], $0xffff;
	(erf) = vrcp.f32 v9  }
0x16d: {  	v11 =	vadd.f32 v25, v11;
	v14 =	vld.idx.msk [tilespmem:v4+s11+$0x390 ss:$0x1], $0xffff;
	v9 =	vadd.f32 v26, v23  }
0x16e: {  	v23 =	vld.idx.msk [tilespmem:v4+s11+$0x380 ss:$0x1], $0xffff  }
0x16f: {  	v9 =	vadd.f32 v11, v9  }
0x170: {  	v24 =	vand.u32 $0x7FFFFFFF, v5;
	v25 =	vand.u32 $0x7FFFFFFF, v6;
	v54 =	vand.u32 $0x7FFFFFFF, v8  }
0x171: {  	v26 =	vadd.f32 v25, v24;
	v11 =	vand.u32 $0x7FFFFFFF, v7;
	v24 =	vperm.xlane v9, v0  }
0x172: {  	v53 =	vand.u32 $0x7FFFFFFF, v10;
	v11 =	vadd.f32 v54, v11;
	v25 =	vand.u32 $0x7FFFFFFF, v12  }
0x173: {  	s0 =	sadd.s32 $0x400, s2;
	v31 =	vand.u32 $0x7FFFFFFF, v14;
	v55 =	vadd.f32 v9, v24;
	v24 =	vand.u32 $0x7FFFFFFF, v23  }
0x174: {  	v33 =	vadd.f32 v53, v25;
	v25 =	vld.idx.msk [tilespmem:v4+s0+$0x10 ss:$0x1], $0xffff;
	v31 =	vadd.f32 v31, v24  }
0x175: {  	v57 =	vadd.f32 v26, v11;
	v11 =	vld.idx.msk [tilespmem:v4+s31+$0x2C0 ss:$0x1], $0xffff;
	v56 =	vperm.xlane v55, v1;
	v38 =	vpop (erf)  }
0x176: {  	v26 =	vld.idx.msk [tilespmem:v4+s0+$0x20 ss:$0x1], $0xffff;
	v38 =	vmin.f32 v38, $1.000000000e+00;
	v31 =	vadd.f32 v33, v31  }
0x177: {  	v9 =	vld.idx.msk [tilespmem:v4+s0+$0x30 ss:$0x1], $0xffff;
	v34 =	vadd.f32 v55, v56;
	v28 =	vmul.f32 v38, v28  }
0x178: {  	v24 =	vld.idx.msk [tilespmem:v4+s0+$0x0 ss:$0x1], $0xffff;
	v58 =	vmul.f32 v38, v13;
	v59 =	vmul.f32 v38, v29;
	v31 =	vadd.f32 v57, v31  }
0x179: {  	v40 =	vmul.f32 v38, v27;
	v29 =	vld.idx.msk [tilespmem:v4+s0+$0x40 ss:$0x1], $0xffff;
	v39 =	vperm.xlane v34, v2;
	[tilespmem:v4+s31+$0x200 ss:$0x1] =	vst.idx.msk $0xffff, v28  }
0x17a: {  	v27 =	vld.idx.msk [tilespmem:v4+s0+$0x50 ss:$0x1], $0xffff;
	v22 =	vmul.f32 v38, v22;
	[tilespmem:v4+s31+$0x210 ss:$0x1] =	vst.idx.msk $0xffff, v58;
	v60 =	vperm.xlane v31, v0  }
0x17b: {  	v30 =	vmul.f32 v38, v30;
	v41 =	vand.u32 $0x7FFFFFFF, v26;
	v34 =	vadd.f32 v34, v39;
	[tilespmem:v4+s31+$0x220 ss:$0x1] =	vst.idx.msk $0xffff, v59  }
0x17c: {  	v21 =	vmul.f32 v38, v21;
	v28 =	vld.idx.msk [tilespmem:v4+s0+$0x60 ss:$0x1], $0xffff;
	[tilespmem:v4+s31+$0x230 ss:$0x1] =	vst.idx.msk $0xffff, v40;
	v61 =	vadd.f32 v31, v60  }
0x17d: {  	v38 =	vmul.f32 v38, v19;
	v31 =	vld.idx.msk [tilespmem:v4+s0+$0x70 ss:$0x1], $0xffff;
	v48 =	vperm.xlane v34, v3;
	[tilespmem:v4+s31+$0x240 ss:$0x1] =	vst.idx.msk $0xffff, v22  }
0x17e: {  	v13 =	vld.idx.msk [tilespmem:v4+s31+$0x2B0 ss:$0x1], $0xffff;
	v52 =	vand.u32 $0x7FFFFFFF, v25;
	v62 =	vand.u32 $0x7FFFFFFF, v9;
	[tilespmem:v4+s31+$0x250 ss:$0x1] =	vst.idx.msk $0xffff, v30;
	v30 =	vperm.xlane v61, v1  }
0x17f: {  	v19 =	vld.idx.msk [tilespmem:v4+s31+$0x2E0 ss:$0x1], $0xffff;
	v63 =	vand.u32 $0x7FFFFFFF, v24;
	v37 =	vadd.f32 v62, v41;
	v34 =	vadd.f32 v34, v48  }
0x180: {  	v39 =	vadd.f32 v52, v63;
	v22 =	vld.idx.msk [tilespmem:v4+s31+$0x2D0 ss:$0x1], $0xffff;
	[tilespmem:v4+s31+$0x260 ss:$0x1] =	vst.idx.msk $0xffff, v21;
	v42 =	vadd.f32 v61, v30  }
0x181: {  	v49 =	vand.u32 $0x7FFFFFFF, v29;
	v50 =	vand.u32 $0x7FFFFFFF, v27;
	v21 =	vld.idx.msk [tilespmem:v4+s31+$0x2F0 ss:$0x1], $0xffff;
	[tilespmem:v4+s31+$0x270 ss:$0x1] =	vst.idx.msk $0xffff, v38;
	v34 =	vadd.f32 $1.000000010e-07, v34  }
0x182: {  	v51 =	vand.u32 $0x7FFFFFFF, v28;
	v30 =	vld.idx.msk [tilespmem:v4+s31+$0x2A0 ss:$0x1], $0xffff;
	v43 =	vand.u32 $0x7FFFFFFF, v31;
	v44 =	vperm.xlane v42, v2  }
0x183: {  	v40 =	vadd.f32 v50, v49;
	v33 =	vld.idx.msk [tilespmem:v4+s31+$0x280 ss:$0x1], $0xffff;
	v38 =	vadd.f32 v43, v51;
	(erf) = vrcp.f32 v34  }
0x184: {  	v55 =	vand.u32 $0x7FFFFFFF, v11;
	v56 =	vand.u32 $0x7FFFFFFF, v19;
	v34 =	vld.idx.msk [tilespmem:v4+s31+$0x290 ss:$0x1], $0xffff;
	v42 =	vadd.f32 v42, v44  }
0x185: {  	v37 =	vadd.f32 v37, v39;
	v54 =	vand.u32 $0x7FFFFFFF, v22;
	v38 =	vadd.f32 v38, v40  }
0x186: {  	v39 =	vadd.f32 v54, v55;
	v57 =	vand.u32 $0x7FFFFFFF, v21;
	v45 =	vperm.xlane v42, v3  }
0x187: {  	v53 =	vand.u32 $0x7FFFFFFF, v13;
	v40 =	vadd.f32 v57, v56;
	v37 =	vadd.f32 v38, v37  }
0x188: {  	v58 =	vand.u32 $0x7FFFFFFF, v30;
	v59 =	vand.u32 $0x7FFFFFFF, v33;
	v42 =	vadd.f32 v42, v45  }
0x189: {  	v41 =	vadd.f32 v53, v58;
	v60 =	vperm.xlane v37, v0;
	v61 =	vand.u32 $0x7FFFFFFF, v34  }
0x18a: {  	v44 =	vadd.f32 v61, v59;
	v42 =	vadd.f32 $1.000000010e-07, v42  }
0x18b: {  	v38 =	vadd.f32 v37, v60  }
0x18c: {  	v63 =	vadd.f32 v40, v39;
	v41 =	vadd.f32 v41, v44;
	v62 =	vpop (erf);
	(erf) = vrcp.f32 v42  }
0x18d: {  	s12 =	sshll.u32 s30, $0xE;
	v39 =	vperm.xlane v38, v1;
	v37 =	vmin.f32 v62, $1.000000000e+00  }
0x18e: {  	s28 =	smov.u32 s11;
	s10 =	sor.u32 $0x1C00, s12;
	s12 =	simm.s32 $0x18;
	v40 =	vmul.f32 v37, v35;
	v36 =	vmul.f32 v37, v36;
	v35 =	vadd.f32 v63, v41  }
.LBB2_3:
0x18f: {  	s12 =	sadd.s32 $0x8, s12;
	v38 =	vadd.f32 v38, v39;
	v32 =	vmul.f32 v37, v32  }
0x190: {  	p0 =	slt.u32 s12, $0x78;
	[tilespmem:v4+s2+$0x100 ss:$0x1] =	vst.idx.msk $0xffff, v40;
	v39 =	vperm.xlane v35, v0  }
0x191: {  	v20 =	vmul.f32 v37, v20;
	v40 =	vperm.xlane v38, v2;
	[tilespmem:v4+s2+$0x110 ss:$0x1] =	vst.idx.msk $0xffff, v36  }
0x192: {  	v15 =	vmul.f32 v37, v15;
	[tilespmem:v4+s2+$0x120 ss:$0x1] =	vst.idx.msk $0xffff, v32;
	v32 =	vadd.f32 v35, v39  }
0x193: {  	v35 =	vadd.f32 v38, v40;
	[tilespmem:v4+s2+$0x130 ss:$0x1] =	vst.idx.msk $0xffff, v20;
	v20 =	vmul.f32 v37, v18;
	v18 =	vld.idx.msk [tilespmem:v4+s2+$0x1B0 ss:$0x1], $0xffff  }
0x194: {  	v36 =	vmul.f32 v37, v17;
	[tilespmem:v4+s2+$0x140 ss:$0x1] =	vst.idx.msk $0xffff, v15;
	v15 =	vld.idx.msk [tilespmem:v4+s2+$0x1C0 ss:$0x1], $0xffff;
	v38 =	vperm.xlane v32, v1  }
0x195: {  	v39 =	vperm.xlane v35, v3;
	[tilespmem:v4+s2+$0x150 ss:$0x1] =	vst.idx.msk $0xffff, v20;
	v20 =	vmul.f32 v37, v16;
	v17 =	vld.idx.msk [tilespmem:v4+s2+$0x1D0 ss:$0x1], $0xffff;
	v37 =	vpop (erf)  }
0x196: {  	[tilespmem:v4+s2+$0x160 ss:$0x1] =	vst.idx.msk $0xffff, v36;
	v16 =	vld.idx.msk [tilespmem:v4+s2+$0x1E0 ss:$0x1], $0xffff;
	v38 =	vadd.f32 v32, v38;
	v37 =	vmin.f32 v37, $1.000000000e+00  }
0x197: {  	v35 =	vadd.f32 v35, v39;
	[tilespmem:v4+s2+$0x170 ss:$0x1] =	vst.idx.msk $0xffff, v20;
	v20 =	vld.idx.msk [tilespmem:v4+s2+$0x1F0 ss:$0x1], $0xffff;
	v23 =	vmul.f32 v37, v23  }
0x198: {  	v14 =	vmul.f32 v37, v14;
	v32 =	vld.idx.msk [tilespmem:v4+s2+$0x1A0 ss:$0x1], $0xffff;
	v39 =	vperm.xlane v38, v2  }
0x199: {  	v12 =	vmul.f32 v37, v12;
	v40 =	vadd.f32 $1.000000010e-07, v35;
	v35 =	vld.idx.msk [tilespmem:v4+s2+$0x180 ss:$0x1], $0xffff;
	[tilespmem:v4+s28+$0x380 ss:$0x1] =	vst.idx.msk $0xffff, v23  }
0x19a: {  	v10 =	vmul.f32 v37, v10;
	v36 =	vld.idx.msk [tilespmem:v4+s2+$0x190 ss:$0x1], $0xffff;
	v23 =	vadd.f32 v38, v39;
	[tilespmem:v4+s28+$0x390 ss:$0x1] =	vst.idx.msk $0xffff, v14  }
0x19b: {  	v7 =	vmul.f32 v37, v7;
	v14 =	vand.u32 $0x7FFFFFFF, v17;
	(erf) = vrcp.f32 v40;
	[tilespmem:v4+s28+$0x3A0 ss:$0x1] =	vst.idx.msk $0xffff, v12  }
0x19c: {  	v8 =	vmul.f32 v37, v8;
	v12 =	vand.u32 $0x7FFFFFFF, v18;
	v38 =	vperm.xlane v23, v3;
	[tilespmem:v4+s28+$0x3B0 ss:$0x1] =	vst.idx.msk $0xffff, v10  }
0x19d: {  	v5 =	vmul.f32 v37, v5;
	v10 =	vand.u32 $0x7FFFFFFF, v16;
	v39 =	vand.u32 $0x7FFFFFFF, v20;
	[tilespmem:v4+s28+$0x3C0 ss:$0x1] =	vst.idx.msk $0xffff, v7  }
0x19e: {  	v6 =	vmul.f32 v37, v6;
	v7 =	vand.u32 $0x7FFFFFFF, v32;
	v23 =	vadd.f32 v23, v38;
	[tilespmem:v4+s28+$0x3D0 ss:$0x1] =	vst.idx.msk $0xffff, v8  }
0x19f: {  	v37 =	vand.u32 $0x7FFFFFFF, v15;
	v10 =	vadd.f32 v39, v10;
	v8 =	vand.u32 $0x7FFFFFFF, v35;
	[tilespmem:v4+s28+$0x3E0 ss:$0x1] =	vst.idx.msk $0xffff, v5  }
0x1a0: {  	v14 =	vadd.f32 v14, v37;
	v5 =	vand.u32 $0x7FFFFFFF, v36;
	v23 =	vadd.f32 $1.000000010e-07, v23;
	[tilespmem:v4+s28+$0x3F0 ss:$0x1] =	vst.idx.msk $0xffff, v6;
	s28 =	smov.u32 s31;
	s31 =	smov.u32 s2;
	s2 =	smov.u32 s0  }
0x1a1: {  	v6 =	vadd.f32 v5, v8;
	v8 =	vadd.f32 v12, v7;
	v5 =	vld.idx.msk [tilespmem:v4+s28+$0x3E0 ss:$0x1], $0xffff  }
0x1a2: {  	v7 =	vld.idx.msk [tilespmem:v4+s28+$0x3C0 ss:$0x1], $0xffff;
	(erf) = vrcp.f32 v23  }
0x1a3: {  	v10 =	vadd.f32 v10, v14;
	v12 =	vadd.f32 v8, v6;
	v6 =	vld.idx.msk [tilespmem:v4+s28+$0x3F0 ss:$0x1], $0xffff  }
0x1a4: {  	v14 =	vpop (erf);
	v8 =	vld.idx.msk [tilespmem:v4+s28+$0x3D0 ss:$0x1], $0xffff  }
0x1a5: {  	v23 =	vmin.f32 v14, $1.000000000e+00;
	v14 =	vadd.f32 v10, v12  }
0x1a6: {  	v10 =	vmul.f32 v23, v24  }
0x1a7: {  	v12 =	vmul.f32 v23, v25;
	v9 =	vmul.f32 v23, v9  }
0x1a8: {  	v24 =	vmul.f32 v23, v26;
	v26 =	vperm.xlane v14, v0;
	[tilespmem:v4+s0+$0x0 ss:$0x1] =	vst.idx.msk $0xffff, v10;
	v10 =	vld.idx.msk [tilespmem:v4+s0+$0xC0 ss:$0x1], $0xffff  }
0x1a9: {  	v37 =	vand.u32 $0x7FFFFFFF, v5;
	v25 =	vand.u32 $0x7FFFFFFF, v7;
	[tilespmem:v4+s0+$0x10 ss:$0x1] =	vst.idx.msk $0xffff, v12;
	v12 =	vld.idx.msk [tilespmem:v4+s0+$0xB0 ss:$0x1], $0xffff  }
0x1aa: {  	v26 =	vadd.f32 v14, v26;
	[tilespmem:v4+s0+$0x20 ss:$0x1] =	vst.idx.msk $0xffff, v24;
	v24 =	vmul.f32 v23, v29;
	v29 =	vand.u32 $0x7FFFFFFF, v6  }
0x1ab: {  	[tilespmem:v4+s0+$0x30 ss:$0x1] =	vst.idx.msk $0xffff, v9;
	v9 =	vmul.f32 v23, v27;
	v27 =	vmul.f32 v23, v31;
	v14 =	vld.idx.msk [tilespmem:v4+s0+$0xD0 ss:$0x1], $0xffff;
	v31 =	vpop (erf)  }
0x1ac: {  	[tilespmem:v4+s0+$0x40 ss:$0x1] =	vst.idx.msk $0xffff, v24;
	v24 =	vmul.f32 v23, v28;
	v28 =	vperm.xlane v26, v1;
	v31 =	vmin.f32 v31, $1.000000000e+00  }
0x1ad: {  	[tilespmem:v4+s0+$0x50 ss:$0x1] =	vst.idx.msk $0xffff, v9;
	v23 =	vld.idx.msk [tilespmem:v4+s0+$0xE0 ss:$0x1], $0xffff;
	v33 =	vmul.f32 v31, v33;
	v38 =	vmul.f32 v31, v22  }
0x1ae: {  	s0 =	sadd.s32 $0x400, s0;
	[tilespmem:v4+s2+$0x60 ss:$0x1] =	vst.idx.msk $0xffff, v24;
	v22 =	vld.idx.msk [tilespmem:v4+s2+$0xF0 ss:$0x1], $0xffff;
	v24 =	vadd.f32 v26, v28;
	v26 =	vmul.f32 v31, v34  }
0x1af: {  	v13 =	vmul.f32 v31, v13;
	v9 =	vld.idx.msk [tilespmem:v4+s0+$0x30 ss:$0x1], $0xffff;
	[tilespmem:v4+s2+$0x70 ss:$0x1] =	vst.idx.msk $0xffff, v27;
	v27 =	vmul.f32 v31, v30  }
0x1b0: {  	v30 =	vmul.f32 v31, v19;
	v34 =	vld.idx.msk [tilespmem:v4+s2+$0xA0 ss:$0x1], $0xffff;
	v28 =	vperm.xlane v24, v2;
	[tilespmem:v4+s28+$0x280 ss:$0x1] =	vst.idx.msk $0xffff, v33  }
0x1b1: {  	v11 =	vmul.f32 v31, v11;
	v21 =	vmul.f32 v31, v21;
	v39 =	vld.idx.msk [tilespmem:v4+s2+$0x90 ss:$0x1], $0xffff;
	[tilespmem:v4+s28+$0x290 ss:$0x1] =	vst.idx.msk $0xffff, v26  }
0x1b2: {  	v31 =	vand.u32 $0x7FFFFFFF, v14;
	v42 =	vld.idx.msk [tilespmem:v4+s2+$0x80 ss:$0x1], $0xffff;
	v24 =	vadd.f32 v24, v28;
	[tilespmem:v4+s28+$0x2A0 ss:$0x1] =	vst.idx.msk $0xffff, v27  }
0x1b3: {  	[tilespmem:v4+s28+$0x2B0 ss:$0x1] =	vst.idx.msk $0xffff, v13;
	v13 =	vadd.f32 v29, v37  }
0x1b4: {  	v26 =	vand.u32 $0x7FFFFFFF, v23;
	v27 =	vand.u32 $0x7FFFFFFF, v22;
	v28 =	vperm.xlane v24, v3;
	[tilespmem:v4+s28+$0x2C0 ss:$0x1] =	vst.idx.msk $0xffff, v11;
	v11 =	vld.idx.msk [tilespmem:v4+s28+$0x340 ss:$0x1], $0xffff  }
0x1b5: {  	v19 =	vand.u32 $0x7FFFFFFF, v9;
	v29 =	vadd.f32 v27, v26;
	[tilespmem:v4+s28+$0x2D0 ss:$0x1] =	vst.idx.msk $0xffff, v38;
	v27 =	vld.idx.msk [tilespmem:v4+s28+$0x330 ss:$0x1], $0xffff  }
0x1b6: {  	v33 =	vand.u32 $0x7FFFFFFF, v12;
	v26 =	vand.u32 $0x7FFFFFFF, v34;
	v28 =	vadd.f32 v24, v28;
	[tilespmem:v4+s28+$0x2E0 ss:$0x1] =	vst.idx.msk $0xffff, v30;
	v24 =	vld.idx.msk [tilespmem:v4+s28+$0x350 ss:$0x1], $0xffff  }
0x1b7: {  	v30 =	vand.u32 $0x7FFFFFFF, v39;
	v33 =	vadd.f32 v33, v26;
	[tilespmem:v4+s28+$0x2F0 ss:$0x1] =	vst.idx.msk $0xffff, v21;
	v26 =	vld.idx.msk [tilespmem:v4+s28+$0x360 ss:$0x1], $0xffff  }
0x1b8: {  	v37 =	vand.u32 $0x7FFFFFFF, v10;
	v21 =	vand.u32 $0x7FFFFFFF, v42;
	v28 =	vadd.f32 $1.000000010e-07, v28;
	v38 =	vld.idx.msk [tilespmem:v4+s28+$0x320 ss:$0x1], $0xffff  }
0x1b9: {  	v21 =	vadd.f32 v30, v21;
	v30 =	vadd.f32 v31, v37;
	v43 =	vld.idx.msk [tilespmem:v4+s28+$0x300 ss:$0x1], $0xffff  }
0x1ba: {  	(erf) = vrcp.f32 v28;
	v44 =	vld.idx.msk [tilespmem:v4+s28+$0x310 ss:$0x1], $0xffff  }
0x1bb: {  	v21 =	vadd.f32 v33, v21;
	v28 =	vadd.f32 v29, v30;
	v29 =	vld.idx.msk [tilespmem:v4+s28+$0x370 ss:$0x1], $0xffff  }
0x1bc: {  	v30 =	vand.u32 $0x7FFFFFFF, v24  }
0x1bd: {  	v21 =	vadd.f32 v28, v21  }
0x1be: {  	v31 =	vand.u32 $0x7FFFFFFF, v11;
	v28 =	vand.u32 $0x7FFFFFFF, v38  }
0x1bf: {  	v40 =	vand.u32 $0x7FFFFFFF, v27;
	v33 =	vperm.xlane v21, v0;
	v37 =	vand.u32 $0x7FFFFFFF, v43  }
0x1c0: {  	v45 =	vand.u32 $0x7FFFFFFF, v26;
	v28 =	vadd.f32 v40, v28;
	v41 =	vand.u32 $0x7FFFFFFF, v44  }
0x1c1: {  	v21 =	vadd.f32 v21, v33;
	v33 =	vand.u32 $0x7FFFFFFF, v29;
	v37 =	vadd.f32 v41, v37  }
0x1c2: {  	v30 =	vadd.f32 v30, v31;
	v31 =	vadd.f32 v33, v45  }
0x1c3: {  	v33 =	vperm.xlane v21, v1;
	v28 =	vadd.f32 v28, v37;
	v40 =	vpop (erf)  }
0x1c4: {  	v30 =	vadd.f32 v31, v30;
	v37 =	vmin.f32 v40, $1.000000000e+00  }
0x1c5: {  	v21 =	vadd.f32 v21, v33;
	v31 =	vmul.f32 v37, v35;
	v33 =	vmul.f32 v37, v36  }
0x1c6: {  	v32 =	vmul.f32 v37, v32;
	v30 =	vadd.f32 v30, v28  }
0x1c7: {  	v28 =	vperm.xlane v21, v2;
	[tilespmem:v4+s31+$0x180 ss:$0x1] =	vst.idx.msk $0xffff, v31  }
0x1c8: {  	v18 =	vmul.f32 v37, v18;
	v31 =	vperm.xlane v30, v0;
	[tilespmem:v4+s31+$0x190 ss:$0x1] =	vst.idx.msk $0xffff, v33  }
0x1c9: {  	v15 =	vmul.f32 v37, v15;
	v21 =	vadd.f32 v21, v28;
	[tilespmem:v4+s31+$0x1A0 ss:$0x1] =	vst.idx.msk $0xffff, v32  }
0x1ca: {  	v17 =	vmul.f32 v37, v17;
	[tilespmem:v4+s31+$0x1B0 ss:$0x1] =	vst.idx.msk $0xffff, v18;
	v28 =	vld.idx.msk [tilespmem:v4+s31+$0x230 ss:$0x1], $0xffff;
	v18 =	vadd.f32 v30, v31  }
0x1cb: {  	v30 =	vperm.xlane v21, v3;
	[tilespmem:v4+s31+$0x1C0 ss:$0x1] =	vst.idx.msk $0xffff, v15;
	v15 =	vmul.f32 v37, v16;
	v31 =	vld.idx.msk [tilespmem:v4+s31+$0x240 ss:$0x1], $0xffff  }
0x1cc: {  	v16 =	vmul.f32 v37, v20;
	[tilespmem:v4+s31+$0x1D0 ss:$0x1] =	vst.idx.msk $0xffff, v17;
	v33 =	vld.idx.msk [tilespmem:v4+s31+$0x250 ss:$0x1], $0xffff;
	v17 =	vperm.xlane v18, v1  }
0x1cd: {  	v20 =	vadd.f32 v21, v30;
	[tilespmem:v4+s31+$0x1E0 ss:$0x1] =	vst.idx.msk $0xffff, v15;
	v21 =	vld.idx.msk [tilespmem:v4+s31+$0x260 ss:$0x1], $0xffff  }
0x1ce: {  	[tilespmem:v4+s31+$0x1F0 ss:$0x1] =	vst.idx.msk $0xffff, v16;
	v30 =	vld.idx.msk [tilespmem:v4+s31+$0x270 ss:$0x1], $0xffff;
	v15 =	vadd.f32 v18, v17  }
0x1cf: {  	v16 =	vadd.f32 $1.000000010e-07, v20;
	v37 =	vld.idx.msk [tilespmem:v4+s31+$0x210 ss:$0x1], $0xffff  }
0x1d0: {  	v40 =	vld.idx.msk [tilespmem:v4+s31+$0x200 ss:$0x1], $0xffff;
	v17 =	vperm.xlane v15, v2  }
0x1d1: {  	(erf) = vrcp.f32 v16;
	v41 =	vld.idx.msk [tilespmem:v4+s31+$0x220 ss:$0x1], $0xffff  }
0x1d2: {  	v16 =	vand.u32 $0x7FFFFFFF, v33;
	v15 =	vadd.f32 v15, v17;
	_ =	sdelay $0x1  }
0x1d3: {  	v17 =	vand.u32 $0x7FFFFFFF, v21;
	v18 =	vand.u32 $0x7FFFFFFF, v30;
	v20 =	vperm.xlane v15, v3  }
0x1d4: {  	v32 =	vand.u32 $0x7FFFFFFF, v28;
	v35 =	vand.u32 $0x7FFFFFFF, v31;
	v17 =	vadd.f32 v18, v17  }
0x1d5: {  	v36 =	vand.u32 $0x7FFFFFFF, v37;
	v18 =	vand.u32 $0x7FFFFFFF, v40;
	v15 =	vadd.f32 v15, v20  }
0x1d6: {  	v16 =	vadd.f32 v16, v35;
	v20 =	vand.u32 $0x7FFFFFFF, v41;
	v18 =	vadd.f32 v36, v18  }
0x1d7: {  	v20 =	vadd.f32 v32, v20;
	v15 =	vadd.f32 $1.000000010e-07, v15;
	_ =	sdelay $0x1  }
0x1d8: {  	v16 =	vadd.f32 v17, v16;
	v18 =	vadd.f32 v20, v18;
	v32 =	vpop (erf);
	(erf) = vrcp.f32 v15  }
0x1d9: {  	v17 =	vmin.f32 v32, $1.000000000e+00  }
0x1da: {  	v16 =	vadd.f32 v16, v18;
	v15 =	vmul.f32 v17, v42;
	v20 =	vmul.f32 v17, v39  }
0x1db: {  	v18 =	vmul.f32 v17, v34  }
0x1dc: {  	[tilespmem:v4+s2+$0x80 ss:$0x1] =	vst.idx.msk $0xffff, v15;
	v15 =	vperm.xlane v16, v0  }
0x1dd: {  	v12 =	vmul.f32 v17, v12;
	[tilespmem:v4+s2+$0x90 ss:$0x1] =	vst.idx.msk $0xffff, v20  }
0x1de: {  	v10 =	vmul.f32 v17, v10;
	[tilespmem:v4+s2+$0xA0 ss:$0x1] =	vst.idx.msk $0xffff, v18;
	v16 =	vadd.f32 v16, v15  }
0x1df: {  	[tilespmem:v4+s2+$0xB0 ss:$0x1] =	vst.idx.msk $0xffff, v12;
	v12 =	vmul.f32 v17, v14;
	v15 =	vld.idx.msk [tilespmem:v4+s2+$0x140 ss:$0x1], $0xffff  }
0x1e0: {  	[tilespmem:v4+s2+$0xC0 ss:$0x1] =	vst.idx.msk $0xffff, v10;
	v10 =	vmul.f32 v17, v23;
	v20 =	vld.idx.msk [tilespmem:v4+s2+$0x130 ss:$0x1], $0xffff;
	v14 =	vperm.xlane v16, v1  }
0x1e1: {  	[tilespmem:v4+s2+$0xD0 ss:$0x1] =	vst.idx.msk $0xffff, v12;
	v12 =	vmul.f32 v17, v22;
	v18 =	vld.idx.msk [tilespmem:v4+s2+$0x150 ss:$0x1], $0xffff;
	v22 =	vpop (erf)  }
0x1e2: {  	[tilespmem:v4+s2+$0xE0 ss:$0x1] =	vst.idx.msk $0xffff, v10;
	v17 =	vld.idx.msk [tilespmem:v4+s2+$0x160 ss:$0x1], $0xffff;
	v10 =	vadd.f32 v16, v14;
	v14 =	vmin.f32 v22, $1.000000000e+00  }
0x1e3: {  	[tilespmem:v4+s2+$0xF0 ss:$0x1] =	vst.idx.msk $0xffff, v12;
	v16 =	vld.idx.msk [tilespmem:v4+s2+$0x170 ss:$0x1], $0xffff;
	v12 =	vmul.f32 v14, v43;
	v22 =	vmul.f32 v14, v44  }
0x1e4: {  	v34 =	vmul.f32 v14, v38;
	v35 =	vld.idx.msk [tilespmem:v4+s2+$0x100 ss:$0x1], $0xffff;
	v23 =	vperm.xlane v10, v2  }
0x1e5: {  	v32 =	vld.idx.msk [tilespmem:v4+s2+$0x120 ss:$0x1], $0xffff;
	[tilespmem:v4+s28+$0x300 ss:$0x1] =	vst.idx.msk $0xffff, v12  }
0x1e6: {  	v12 =	vmul.f32 v14, v27;
	v36 =	vld.idx.msk [tilespmem:v4+s2+$0x110 ss:$0x1], $0xffff;
	v10 =	vadd.f32 v10, v23;
	[tilespmem:v4+s28+$0x310 ss:$0x1] =	vst.idx.msk $0xffff, v22  }
0x1e7: {  	v11 =	vmul.f32 v14, v11;
	v22 =	vand.u32 $0x7FFFFFFF, v18;
	[tilespmem:v4+s28+$0x320 ss:$0x1] =	vst.idx.msk $0xffff, v34  }
0x1e8: {  	v23 =	vand.u32 $0x7FFFFFFF, v15;
	v27 =	vperm.xlane v10, v3;
	[tilespmem:v4+s28+$0x330 ss:$0x1] =	vst.idx.msk $0xffff, v12;
	v12 =	vmul.f32 v14, v24  }
0x1e9: {  	v24 =	vand.u32 $0x7FFFFFFF, v20;
	v34 =	vand.u32 $0x7FFFFFFF, v16;
	[tilespmem:v4+s28+$0x340 ss:$0x1] =	vst.idx.msk $0xffff, v11;
	v11 =	vmul.f32 v14, v26  }
0x1ea: {  	v26 =	vand.u32 $0x7FFFFFFF, v17;
	v10 =	vadd.f32 v10, v27;
	[tilespmem:v4+s28+$0x350 ss:$0x1] =	vst.idx.msk $0xffff, v12;
	v12 =	vmul.f32 v14, v29  }
0x1eb: {  	v14 =	vand.u32 $0x7FFFFFFF, v35;
	v27 =	vand.u32 $0x7FFFFFFF, v32;
	v26 =	vadd.f32 v34, v26;
	[tilespmem:v4+s28+$0x360 ss:$0x1] =	vst.idx.msk $0xffff, v11  }
0x1ec: {  	v11 =	vand.u32 $0x7FFFFFFF, v36;
	v24 =	vadd.f32 v24, v27;
	v27 =	vadd.f32 $1.000000010e-07, v10;
	[tilespmem:v4+s28+$0x370 ss:$0x1] =	vst.idx.msk $0xffff, v12;
	v10 =	vld.idx.msk [tilespmem:v4+s28+$0x3B0 ss:$0x1], $0xffff  }
0x1ed: {  	v22 =	vadd.f32 v22, v23;
	v11 =	vadd.f32 v11, v14;
	v12 =	vld.idx.msk [tilespmem:v4+s28+$0x3A0 ss:$0x1], $0xffff  }
0x1ee: {  	(erf) = vrcp.f32 v27;
	v14 =	vld.idx.msk [tilespmem:v4+s28+$0x390 ss:$0x1], $0xffff  }
0x1ef: {  	v22 =	vadd.f32 v26, v22;
	v11 =	vadd.f32 v24, v11;
	v23 =	vld.idx.msk [tilespmem:v4+s28+$0x380 ss:$0x1], $0xffff;
	_ =	sdelay $0x1  }
0x1f0: {  	v11 =	vadd.f32 v22, v11;
	_ =	sdelay $0x1  }
0x1f1: {  	v22 =	vperm.xlane v11, v0;
	v24 =	vand.u32 $0x7FFFFFFF, v12  }
0x1f2: {  	v29 =	vand.u32 $0x7FFFFFFF, v8;
	v27 =	vand.u32 $0x7FFFFFFF, v10;
	v26 =	vand.u32 $0x7FFFFFFF, v14  }
0x1f3: {  	v27 =	vadd.f32 v27, v24;
	v22 =	vadd.f32 v11, v22;
	v38 =	vand.u32 $0x7FFFFFFF, v23  }
0x1f4: {  	v29 =	vadd.f32 v29, v25;
	v26 =	vadd.f32 v26, v38;
	v24 =	vld.idx.msk [tilespmem:v4+s0+$0x0 ss:$0x1], $0xffff  }
0x1f5: {  	v34 =	vperm.xlane v22, v1;
	v25 =	vld.idx.msk [tilespmem:v4+s0+$0x10 ss:$0x1], $0xffff;
	v11 =	vpop (erf)  }
0x1f6: {  	v29 =	vadd.f32 v13, v29;
	v27 =	vadd.f32 v27, v26;
	v38 =	vmin.f32 v11, $1.000000000e+00;
	v11 =	vld.idx.msk [tilespmem:v4+s31+$0x2C0 ss:$0x1], $0xffff  }
0x1f7: {  	v22 =	vadd.f32 v22, v34;
	v26 =	vld.idx.msk [tilespmem:v4+s0+$0x20 ss:$0x1], $0xffff;
	v34 =	vmul.f32 v38, v40;
	v39 =	vmul.f32 v38, v28  }
0x1f8: {  	v28 =	vmul.f32 v38, v37;
	v37 =	vmul.f32 v38, v41;
	v40 =	vadd.f32 v29, v27;
	v13 =	vld.idx.msk [tilespmem:v4+s31+$0x2B0 ss:$0x1], $0xffff  }
0x1f9: {  	v41 =	vperm.xlane v22, v2;
	v29 =	vld.idx.msk [tilespmem:v4+s0+$0x40 ss:$0x1], $0xffff;
	[tilespmem:v4+s31+$0x200 ss:$0x1] =	vst.idx.msk $0xffff, v34  }
0x1fa: {  	v34 =	vand.u32 $0x7FFFFFFF, v24;
	v42 =	vperm.xlane v40, v0;
	v27 =	vld.idx.msk [tilespmem:v4+s0+$0x50 ss:$0x1], $0xffff;
	[tilespmem:v4+s31+$0x210 ss:$0x1] =	vst.idx.msk $0xffff, v28  }
0x1fb: {  	v41 =	vadd.f32 v22, v41;
	v22 =	vmul.f32 v38, v31;
	v28 =	vld.idx.msk [tilespmem:v4+s0+$0x60 ss:$0x1], $0xffff;
	[tilespmem:v4+s31+$0x220 ss:$0x1] =	vst.idx.msk $0xffff, v37  }
0x1fc: {  	v33 =	vmul.f32 v38, v33;
	v37 =	vadd.f32 v40, v42;
	v31 =	vld.idx.msk [tilespmem:v4+s0+$0x70 ss:$0x1], $0xffff;
	[tilespmem:v4+s31+$0x230 ss:$0x1] =	vst.idx.msk $0xffff, v39  }
0x1fd: {  	v21 =	vmul.f32 v38, v21;
	v39 =	vand.u32 $0x7FFFFFFF, v26;
	v40 =	vperm.xlane v41, v3;
	[tilespmem:v4+s31+$0x240 ss:$0x1] =	vst.idx.msk $0xffff, v22  }
0x1fe: {  	v30 =	vmul.f32 v38, v30;
	[tilespmem:v4+s31+$0x250 ss:$0x1] =	vst.idx.msk $0xffff, v33;
	v22 =	vld.idx.msk [tilespmem:v4+s31+$0x2D0 ss:$0x1], $0xffff;
	v33 =	vperm.xlane v37, v1  }
0x1ff: {  	v38 =	vadd.f32 v19, v39;
	v39 =	vadd.f32 v41, v40;
	[tilespmem:v4+s31+$0x260 ss:$0x1] =	vst.idx.msk $0xffff, v21;
	v19 =	vld.idx.msk [tilespmem:v4+s31+$0x2E0 ss:$0x1], $0xffff  }
0x200: {  	v40 =	vand.u32 $0x7FFFFFFF, v29;
	v41 =	vand.u32 $0x7FFFFFFF, v27;
	[tilespmem:v4+s31+$0x270 ss:$0x1] =	vst.idx.msk $0xffff, v30;
	v21 =	vld.idx.msk [tilespmem:v4+s31+$0x2F0 ss:$0x1], $0xffff;
	v37 =	vadd.f32 v37, v33  }
0x201: {  	v42 =	vand.u32 $0x7FFFFFFF, v28;
	v40 =	vadd.f32 v41, v40;
	v39 =	vadd.f32 $1.000000010e-07, v39;
	v30 =	vld.idx.msk [tilespmem:v4+s31+$0x2A0 ss:$0x1], $0xffff  }
0x202: {  	v41 =	vand.u32 $0x7FFFFFFF, v25;
	v43 =	vand.u32 $0x7FFFFFFF, v31;
	v33 =	vld.idx.msk [tilespmem:v4+s31+$0x280 ss:$0x1], $0xffff;
	v44 =	vperm.xlane v37, v2  }
0x203: {  	v41 =	vadd.f32 v41, v34;
	v42 =	vadd.f32 v43, v42;
	(erf) = vrcp.f32 v39;
	v34 =	vld.idx.msk [tilespmem:v4+s31+$0x290 ss:$0x1], $0xffff  }
0x204: {  	v39 =	vand.u32 $0x7FFFFFFF, v13;
	v43 =	vand.u32 $0x7FFFFFFF, v22;
	v37 =	vadd.f32 v37, v44  }
0x205: {  	v38 =	vadd.f32 v38, v41;
	v41 =	vand.u32 $0x7FFFFFFF, v11;
	v40 =	vadd.f32 v42, v40  }
0x206: {  	v42 =	vand.u32 $0x7FFFFFFF, v19;
	v44 =	vand.u32 $0x7FFFFFFF, v21;
	v45 =	vperm.xlane v37, v3  }
0x207: {  	v38 =	vadd.f32 v40, v38;
	v40 =	vand.u32 $0x7FFFFFFF, v30;
	v42 =	vadd.f32 v44, v42  }
0x208: {  	v41 =	vadd.f32 v43, v41;
	v44 =	vand.u32 $0x7FFFFFFF, v33;
	v37 =	vadd.f32 v37, v45  }
0x209: {  	v39 =	vadd.f32 v39, v40;
	v46 =	vperm.xlane v38, v0;
	v45 =	vand.u32 $0x7FFFFFFF, v34  }
.Ltmp0:
0x20a: {  	v40 =	vadd.f32 v45, v44;
	v37 =	vadd.f32 $1.000000010e-07, v37;
	(pc) =	sbr.rel @p0 .LBB2_3-.Ltmp0, $4  }
0x20b: {  	v38 =	vadd.f32 v38, v46  }
0x20c: {  	v41 =	vadd.f32 v42, v41;
	v44 =	vadd.f32 v39, v40;
	v43 =	vpop (erf);
	(erf) = vrcp.f32 v37  }
0x20d: {  	v39 =	vperm.xlane v38, v1;
	v37 =	vmin.f32 v43, $1.000000000e+00  }
0x20e: {  	v40 =	vmul.f32 v37, v35;
	v36 =	vmul.f32 v37, v36;
	v35 =	vadd.f32 v41, v44  }
0x20f: {  	_ =	sdelay $0x2  }
0x210: {  	v38 =	vadd.f32 v38, v39;
	v32 =	vmul.f32 v37, v32  }
0x211: {  	v20 =	vmul.f32 v37, v20;
	v15 =	vmul.f32 v37, v15;
	[tilespmem:v4+s2+$0x100 ss:$0x1] =	vst.idx.msk $0xffff, v40  }
0x212: {  	v18 =	vmul.f32 v37, v18;
	v39 =	vperm.xlane v38, v2;
	[tilespmem:v4+s2+$0x110 ss:$0x1] =	vst.idx.msk $0xffff, v36  }
0x213: {  	v51 =	vmul.f32 v37, v17;
	v16 =	vmul.f32 v37, v16;
	[tilespmem:v4+s2+$0x120 ss:$0x1] =	vst.idx.msk $0xffff, v32  }
0x214: {  	v37 =	vld.idx.msk [tilespmem:v4+s2+$0x1D0 ss:$0x1], $0xffff;
	v48 =	vperm.xlane v35, v0;
	v38 =	vadd.f32 v38, v39;
	[tilespmem:v4+s2+$0x130 ss:$0x1] =	vst.idx.msk $0xffff, v20  }
0x215: {  	v36 =	vld.idx.msk [tilespmem:v4+s2+$0x1C0 ss:$0x1], $0xffff;
	[tilespmem:v4+s2+$0x140 ss:$0x1] =	vst.idx.msk $0xffff, v15  }
0x216: {  	v49 =	vadd.f32 v35, v48;
	v35 =	vld.idx.msk [tilespmem:v4+s2+$0x1B0 ss:$0x1], $0xffff;
	v50 =	vperm.xlane v38, v3;
	[tilespmem:v4+s2+$0x150 ss:$0x1] =	vst.idx.msk $0xffff, v18  }
0x217: {  	v32 =	vld.idx.msk [tilespmem:v4+s2+$0x1F0 ss:$0x1], $0xffff;
	[tilespmem:v4+s2+$0x160 ss:$0x1] =	vst.idx.msk $0xffff, v51  }
0x218: {  	v53 =	vadd.f32 v38, v50;
	v38 =	vld.idx.msk [tilespmem:v4+s2+$0x1E0 ss:$0x1], $0xffff;
	[tilespmem:v4+s2+$0x170 ss:$0x1] =	vst.idx.msk $0xffff, v16  }
0x219: {  	v52 =	vperm.xlane v49, v1;
	v39 =	vld.idx.msk [tilespmem:v4+s2+$0x1A0 ss:$0x1], $0xffff  }
0x21a: {  	v40 =	vld.idx.msk [tilespmem:v4+s2+$0x180 ss:$0x1], $0xffff;
	v55 =	vadd.f32 $1.000000010e-07, v53  }
0x21b: {  	v54 =	vadd.f32 v49, v52;
	v41 =	vld.idx.msk [tilespmem:v4+s2+$0x190 ss:$0x1], $0xffff  }
0x21c: {  	(erf) = vrcp.f32 v55  }
0x21d: {  	v56 =	vand.u32 $0x7FFFFFFF, v37;
	v44 =	vand.u32 $0x7FFFFFFF, v36;
	v17 =	vperm.xlane v54, v2  }
0x21e: {  	v57 =	vand.u32 $0x7FFFFFFF, v35;
	v42 =	vand.u32 $0x7FFFFFFF, v32;
	v16 =	vadd.f32 v56, v44  }
0x21f: {  	v15 =	vadd.f32 v54, v17;
	v59 =	vand.u32 $0x7FFFFFFF, v38;
	v43 =	vand.u32 $0x7FFFFFFF, v39  }
0x220: {  	v20 =	vadd.f32 v42, v59;
	v60 =	vand.u32 $0x7FFFFFFF, v40;
	v61 =	vand.u32 $0x7FFFFFFF, v41  }
0x221: {  	v42 =	vadd.f32 v61, v60;
	v17 =	vadd.f32 v57, v43;
	_ =	sdelay $0x1  }
0x222: {  	v16 =	vadd.f32 v20, v16;
	v17 =	vadd.f32 v17, v42  }
0x223: {  	v62 =	vpop (erf)  }
0x224: {  	v16 =	vadd.f32 v16, v17;
	v63 =	vpop (erf)  }
0x225: {  	v58 =	vperm.xlane v15, v3;
	v18 =	vmin.f32 v63, $1.000000000e+00  }
0x226: {  	v46 =	vperm.xlane v16, v0;
	v42 =	vmul.f32 v18, v24  }
0x227: {  	v15 =	vadd.f32 v15, v58;
	v44 =	vmul.f32 v18, v25  }
0x228: {  	v45 =	vmul.f32 v18, v26;
	v16 =	vadd.f32 v16, v46;
	[tilespmem:v4+s0+$0x0 ss:$0x1] =	vst.idx.msk $0xffff, v42  }
0x229: {  	v15 =	vadd.f32 $1.000000010e-07, v15;
	v9 =	vmul.f32 v18, v9;
	[tilespmem:v4+s0+$0x10 ss:$0x1] =	vst.idx.msk $0xffff, v44  }
0x22a: {  	v47 =	vmul.f32 v18, v29;
	v50 =	vperm.xlane v16, v1;
	[tilespmem:v4+s0+$0x20 ss:$0x1] =	vst.idx.msk $0xffff, v45  }
0x22b: {  	v20 =	vld.idx.msk [tilespmem:v4+s0+$0xE0 ss:$0x1], $0xffff;
	(erf) = vrcp.f32 v15;
	v48 =	vmul.f32 v18, v27;
	[tilespmem:v4+s0+$0x30 ss:$0x1] =	vst.idx.msk $0xffff, v9  }
0x22c: {  	v15 =	vld.idx.msk [tilespmem:v4+s0+$0xC0 ss:$0x1], $0xffff;
	v49 =	vmul.f32 v18, v28;
	v16 =	vadd.f32 v16, v50;
	[tilespmem:v4+s0+$0x40 ss:$0x1] =	vst.idx.msk $0xffff, v47  }
0x22d: {  	v25 =	vld.idx.msk [tilespmem:v4+s0+$0xB0 ss:$0x1], $0xffff;
	v51 =	vmul.f32 v18, v31;
	[tilespmem:v4+s0+$0x50 ss:$0x1] =	vst.idx.msk $0xffff, v48  }
0x22e: {  	v24 =	vld.idx.msk [tilespmem:v4+s0+$0xD0 ss:$0x1], $0xffff;
	v52 =	vperm.xlane v16, v2;
	[tilespmem:v4+s0+$0x60 ss:$0x1] =	vst.idx.msk $0xffff, v49  }
0x22f: {  	v18 =	vld.idx.msk [tilespmem:v4+s0+$0xF0 ss:$0x1], $0xffff;
	[tilespmem:v4+s0+$0x70 ss:$0x1] =	vst.idx.msk $0xffff, v51  }
0x230: {  	v16 =	vadd.f32 v16, v52;
	v31 =	vld.idx.msk [tilespmem:v4+s0+$0xA0 ss:$0x1], $0xffff  }
0x231: {  	v42 =	vld.idx.msk [tilespmem:v4+s0+$0x90 ss:$0x1], $0xffff  }
0x232: {  	v43 =	vld.idx.msk [tilespmem:v4+s0+$0x80 ss:$0x1], $0xffff;
	v58 =	vperm.xlane v16, v3  }
0x233: {  	v56 =	vand.u32 $0x7FFFFFFF, v20;
	v45 =	vand.u32 $0x7FFFFFFF, v15  }
0x234: {  	v9 =	vmin.f32 v62, $1.000000000e+00;
	v57 =	vand.u32 $0x7FFFFFFF, v18;
	v16 =	vadd.f32 v16, v58  }
0x235: {  	v59 =	vand.u32 $0x7FFFFFFF, v24;
	v61 =	vand.u32 $0x7FFFFFFF, v25;
	v28 =	vadd.f32 v57, v56  }
0x236: {  	v23 =	vmul.f32 v9, v23;
	v29 =	vadd.f32 v59, v45;
	v16 =	vadd.f32 $1.000000010e-07, v16  }
0x237: {  	v60 =	vand.u32 $0x7FFFFFFF, v31;
	v62 =	vand.u32 $0x7FFFFFFF, v42;
	v44 =	vand.u32 $0x7FFFFFFF, v43  }
0x238: {  	v53 =	vpop (erf);
	[tilespmem:v4+s28+$0x380 ss:$0x1] =	vst.idx.msk $0xffff, v23;
	v63 =	vadd.f32 v61, v60;
	v23 =	vadd.f32 v62, v44  }
0x239: {  	v14 =	vmul.f32 v9, v14;
	v12 =	vmul.f32 v9, v12;
	v26 =	vmin.f32 v53, $1.000000000e+00  }
0x23a: {  	v46 =	vadd.f32 v28, v29;
	(erf) = vrcp.f32 v16;
	v17 =	vadd.f32 v63, v23  }
0x23b: {  	v54 =	vmul.f32 v26, v33;
	[tilespmem:v4+s28+$0x390 ss:$0x1] =	vst.idx.msk $0xffff, v14  }
0x23c: {  	v55 =	vmul.f32 v26, v34;
	[tilespmem:v4+s28+$0x3A0 ss:$0x1] =	vst.idx.msk $0xffff, v12;
	v48 =	vadd.f32 v46, v17  }
0x23d: {  	v30 =	vmul.f32 v26, v30;
	v49 =	vmul.f32 v26, v21;
	v21 =	vld.idx.msk [tilespmem:v4+s2+$0x240 ss:$0x1], $0xffff;
	[tilespmem:v4+s31+$0x280 ss:$0x1] =	vst.idx.msk $0xffff, v54  }
0x23e: {  	v13 =	vmul.f32 v26, v13;
	v14 =	vld.idx.msk [tilespmem:v4+s31+$0x360 ss:$0x1], $0xffff;
	[tilespmem:v4+s31+$0x290 ss:$0x1] =	vst.idx.msk $0xffff, v55;
	v50 =	vperm.xlane v48, v0  }
0x23f: {  	v11 =	vmul.f32 v26, v11;
	v22 =	vmul.f32 v26, v22;
	v12 =	vld.idx.msk [tilespmem:v4+s31+$0x370 ss:$0x1], $0xffff;
	[tilespmem:v4+s31+$0x2A0 ss:$0x1] =	vst.idx.msk $0xffff, v30  }
0x240: {  	v47 =	vmul.f32 v26, v19;
	v26 =	vld.idx.msk [tilespmem:v4+s2+$0x250 ss:$0x1], $0xffff;
	[tilespmem:v4+s31+$0x2B0 ss:$0x1] =	vst.idx.msk $0xffff, v13;
	v19 =	vadd.f32 v48, v50  }
0x241: {  	v27 =	vld.idx.msk [tilespmem:v4+s2+$0x260 ss:$0x1], $0xffff;
	[tilespmem:v4+s31+$0x2C0 ss:$0x1] =	vst.idx.msk $0xffff, v11  }
0x242: {  	v13 =	vld.idx.msk [tilespmem:v4+s31+$0x340 ss:$0x1], $0xffff;
	[tilespmem:v4+s31+$0x2D0 ss:$0x1] =	vst.idx.msk $0xffff, v22;
	v51 =	vperm.xlane v19, v1  }
0x243: {  	v11 =	vld.idx.msk [tilespmem:v4+s31+$0x350 ss:$0x1], $0xffff;
	[tilespmem:v4+s31+$0x2E0 ss:$0x1] =	vst.idx.msk $0xffff, v47;
	v52 =	vpop (erf)  }
0x244: {  	v16 =	vld.idx.msk [tilespmem:v4+s31+$0x330 ss:$0x1], $0xffff;
	[tilespmem:v4+s31+$0x2F0 ss:$0x1] =	vst.idx.msk $0xffff, v49;
	v22 =	vmin.f32 v52, $1.000000000e+00;
	v19 =	vadd.f32 v19, v51  }
0x245: {  	v29 =	vld.idx.msk [tilespmem:v4+s31+$0x300 ss:$0x1], $0xffff;
	v56 =	vmul.f32 v22, v40  }
0x246: {  	v62 =	vand.u32 $0x7FFFFFFF, v14;
	v30 =	vld.idx.msk [tilespmem:v4+s31+$0x310 ss:$0x1], $0xffff;
	v60 =	vmul.f32 v22, v41;
	v57 =	vperm.xlane v19, v2  }
0x247: {  	v44 =	vand.u32 $0x7FFFFFFF, v12;
	v55 =	vand.u32 $0x7FFFFFFF, v13;
	v17 =	vld.idx.msk [tilespmem:v4+s31+$0x320 ss:$0x1], $0xffff;
	v39 =	vmul.f32 v22, v39;
	[tilespmem:v4+s2+$0x180 ss:$0x1] =	vst.idx.msk $0xffff, v56  }
0x248: {  	v53 =	vand.u32 $0x7FFFFFFF, v11;
	v63 =	vmul.f32 v22, v35;
	[tilespmem:v4+s2+$0x190 ss:$0x1] =	vst.idx.msk $0xffff, v60;
	v19 =	vadd.f32 v19, v57  }
0x249: {  	v59 =	vand.u32 $0x7FFFFFFF, v16;
	v47 =	vadd.f32 v53, v55;
	v36 =	vmul.f32 v22, v36;
	[tilespmem:v4+s2+$0x1A0 ss:$0x1] =	vst.idx.msk $0xffff, v39  }
0x24a: {  	v58 =	vand.u32 $0x7FFFFFFF, v29;
	v37 =	vmul.f32 v22, v37;
	[tilespmem:v4+s2+$0x1B0 ss:$0x1] =	vst.idx.msk $0xffff, v63;
	v45 =	vperm.xlane v19, v3  }
0x24b: {  	v61 =	vand.u32 $0x7FFFFFFF, v30;
	v48 =	vadd.f32 v44, v62;
	v46 =	vmul.f32 v22, v38;
	[tilespmem:v4+s2+$0x1C0 ss:$0x1] =	vst.idx.msk $0xffff, v36  }
0x24c: {  	v54 =	vand.u32 $0x7FFFFFFF, v17;
	v22 =	vmul.f32 v22, v32;
	[tilespmem:v4+s2+$0x1D0 ss:$0x1] =	vst.idx.msk $0xffff, v37;
	v19 =	vadd.f32 v19, v45  }
0x24d: {  	v28 =	vld.idx.msk [tilespmem:v4+s2+$0x270 ss:$0x1], $0xffff;
	v33 =	vadd.f32 v61, v58;
	v34 =	vadd.f32 v59, v54;
	[tilespmem:v4+s2+$0x1E0 ss:$0x1] =	vst.idx.msk $0xffff, v46  }
0x24e: {  	v23 =	vld.idx.msk [tilespmem:v4+s2+$0x230 ss:$0x1], $0xffff;
	[tilespmem:v4+s2+$0x1F0 ss:$0x1] =	vst.idx.msk $0xffff, v22;
	v19 =	vadd.f32 $1.000000010e-07, v19  }
0x24f: {  	v32 =	vadd.f32 v48, v47;
	v49 =	vadd.f32 v34, v33;
	v33 =	vld.idx.msk [tilespmem:v4+s2+$0x210 ss:$0x1], $0xffff  }
0x250: {  	v34 =	vld.idx.msk [tilespmem:v4+s2+$0x200 ss:$0x1], $0xffff;
	(erf) = vrcp.f32 v19  }
0x251: {  	v50 =	vadd.f32 v32, v49;
	v32 =	vld.idx.msk [tilespmem:v4+s2+$0x220 ss:$0x1], $0xffff;
	_ =	sdelay $0x1  }
0x252: {  	v53 =	vand.u32 $0x7FFFFFFF, v28;
	v55 =	vand.u32 $0x7FFFFFFF, v21  }
0x253: {  	v52 =	vand.u32 $0x7FFFFFFF, v27;
	v54 =	vand.u32 $0x7FFFFFFF, v23;
	v51 =	vand.u32 $0x7FFFFFFF, v26  }
0x254: {  	v35 =	vadd.f32 v51, v55;
	v36 =	vadd.f32 v53, v52;
	v22 =	vperm.xlane v50, v0  }
0x255: {  	v56 =	vand.u32 $0x7FFFFFFF, v34;
	v57 =	vand.u32 $0x7FFFFFFF, v33;
	v58 =	vand.u32 $0x7FFFFFFF, v32  }
0x256: {  	v40 =	vadd.f32 v57, v56;
	v37 =	vadd.f32 v54, v58  }
0x257: {  	v19 =	vadd.f32 v50, v22  }
0x258: {  	v35 =	vadd.f32 v36, v35;
	v37 =	vadd.f32 v37, v40;
	v59 =	vpop (erf)  }
0x259: {  	v61 =	vperm.xlane v19, v1;
	v60 =	vmin.f32 v59, $1.000000000e+00  }
0x25a: {  	v35 =	vadd.f32 v35, v37;
	v62 =	vmul.f32 v60, v43  }
0x25b: {  	v19 =	vadd.f32 v19, v61;
	v63 =	vmul.f32 v60, v42  }
0x25c: {  	v41 =	vperm.xlane v35, v0;
	v40 =	vmul.f32 v60, v31;
	[tilespmem:v4+s0+$0x80 ss:$0x1] =	vst.idx.msk $0xffff, v62  }
0x25d: {  	v25 =	vmul.f32 v60, v25;
	v42 =	vperm.xlane v19, v2;
	[tilespmem:v4+s0+$0x90 ss:$0x1] =	vst.idx.msk $0xffff, v63  }
0x25e: {  	v43 =	vmul.f32 v60, v15;
	v31 =	vadd.f32 v35, v41;
	[tilespmem:v4+s0+$0xA0 ss:$0x1] =	vst.idx.msk $0xffff, v40  }
0x25f: {  	v22 =	vld.idx.msk [tilespmem:v4+s0+$0x130 ss:$0x1], $0xffff;
	v24 =	vmul.f32 v60, v24;
	v45 =	vmul.f32 v60, v20;
	[tilespmem:v4+s0+$0xB0 ss:$0x1] =	vst.idx.msk $0xffff, v25  }
0x260: {  	v15 =	vld.idx.msk [tilespmem:v4+s0+$0x140 ss:$0x1], $0xffff;
	v44 =	vadd.f32 v19, v42;
	v35 =	vperm.xlane v31, v1;
	[tilespmem:v4+s0+$0xC0 ss:$0x1] =	vst.idx.msk $0xffff, v43  }
0x261: {  	v46 =	vmul.f32 v60, v18;
	v20 =	vld.idx.msk [tilespmem:v4+s0+$0x150 ss:$0x1], $0xffff;
	[tilespmem:v4+s0+$0xD0 ss:$0x1] =	vst.idx.msk $0xffff, v24  }
0x262: {  	v18 =	vld.idx.msk [tilespmem:v4+s0+$0x160 ss:$0x1], $0xffff;
	v47 =	vperm.xlane v44, v3;
	v31 =	vadd.f32 v31, v35;
	[tilespmem:v4+s0+$0xE0 ss:$0x1] =	vst.idx.msk $0xffff, v45  }
0x263: {  	v19 =	vld.idx.msk [tilespmem:v4+s0+$0x170 ss:$0x1], $0xffff;
	[tilespmem:v4+s0+$0xF0 ss:$0x1] =	vst.idx.msk $0xffff, v46  }
0x264: {  	v25 =	vadd.f32 v44, v47;
	v48 =	vperm.xlane v31, v2;
	v35 =	vld.idx.msk [tilespmem:v4+s0+$0x100 ss:$0x1], $0xffff  }
0x265: {  	v24 =	vld.idx.msk [tilespmem:v4+s0+$0x120 ss:$0x1], $0xffff  }
0x266: {  	v25 =	vadd.f32 $1.000000010e-07, v25;
	v31 =	vadd.f32 v31, v48;
	v37 =	vld.idx.msk [tilespmem:v4+s0+$0x110 ss:$0x1], $0xffff  }
0x267: {  	v54 =	vand.u32 $0x7FFFFFFF, v18  }
0x268: {  	v53 =	vand.u32 $0x7FFFFFFF, v19;
	(erf) = vrcp.f32 v25;
	v51 =	vperm.xlane v31, v3  }
0x269: {  	v49 =	vand.u32 $0x7FFFFFFF, v20;
	v50 =	vand.u32 $0x7FFFFFFF, v15;
	v40 =	vadd.f32 v53, v54  }
0x26a: {  	v52 =	vand.u32 $0x7FFFFFFF, v22;
	v25 =	vadd.f32 v49, v50;
	v31 =	vadd.f32 v31, v51  }
0x26b: {  	v55 =	vand.u32 $0x7FFFFFFF, v35;
	v56 =	vand.u32 $0x7FFFFFFF, v24;
	v57 =	vand.u32 $0x7FFFFFFF, v37  }
0x26c: {  	v39 =	vadd.f32 v52, v56;
	v41 =	vadd.f32 v57, v55  }
0x26d: {  	v31 =	vadd.f32 $1.000000010e-07, v31  }
0x26e: {  	v10 =	vmul.f32 v9, v10;
	v25 =	vadd.f32 v40, v25;
	v58 =	vadd.f32 v39, v41  }
0x26f: {  	v7 =	vmul.f32 v9, v7;
	(erf) = vrcp.f32 v31  }
0x270: {  	v8 =	vmul.f32 v9, v8;
	[tilespmem:v4+s28+$0x3B0 ss:$0x1] =	vst.idx.msk $0xffff, v10;
	v25 =	vadd.f32 v25, v58  }
0x271: {  	v5 =	vmul.f32 v9, v5;
	[tilespmem:v4+s28+$0x3C0 ss:$0x1] =	vst.idx.msk $0xffff, v7;
	v59 =	vpop (erf)  }
0x272: {  	v6 =	vmul.f32 v9, v6;
	[tilespmem:v4+s28+$0x3D0 ss:$0x1] =	vst.idx.msk $0xffff, v8;
	v61 =	vmin.f32 v59, $1.000000000e+00;
	v60 =	vperm.xlane v25, v0  }
0x273: {  	[tilespmem:v4+s28+$0x3E0 ss:$0x1] =	vst.idx.msk $0xffff, v5;
	v5 =	vmul.f32 v61, v29  }
0x274: {  	[tilespmem:v4+s28+$0x3F0 ss:$0x1] =	vst.idx.msk $0xffff, v6;
	v63 =	vmul.f32 v61, v30;
	v62 =	vadd.f32 v25, v60  }
0x275: {  	v17 =	vmul.f32 v61, v17;
	[tilespmem:v4+s31+$0x300 ss:$0x1] =	vst.idx.msk $0xffff, v5  }
0x276: {  	[tilespmem:v4+s31+$0x310 ss:$0x1] =	vst.idx.msk $0xffff, v63;
	v25 =	vmul.f32 v61, v16;
	v5 =	vperm.xlane v62, v1  }
0x277: {  	v29 =	vmul.f32 v61, v13;
	[tilespmem:v4+s31+$0x320 ss:$0x1] =	vst.idx.msk $0xffff, v17  }
0x278: {  	v9 =	vld.idx.msk [tilespmem:v4+s31+$0x3B0 ss:$0x1], $0xffff;
	v11 =	vmul.f32 v61, v11;
	v31 =	vpop (erf);
	[tilespmem:v4+s31+$0x330 ss:$0x1] =	vst.idx.msk $0xffff, v25;
	v10 =	vadd.f32 v62, v5  }
0x279: {  	v7 =	vld.idx.msk [tilespmem:v4+s31+$0x3C0 ss:$0x1], $0xffff;
	v30 =	vmul.f32 v61, v14;
	v13 =	vmin.f32 v31, $1.000000000e+00;
	[tilespmem:v4+s31+$0x340 ss:$0x1] =	vst.idx.msk $0xffff, v29  }
0x27a: {  	v6 =	vld.idx.msk [tilespmem:v4+s31+$0x3F0 ss:$0x1], $0xffff;
	v39 =	vmul.f32 v13, v34;
	[tilespmem:v4+s31+$0x350 ss:$0x1] =	vst.idx.msk $0xffff, v11;
	v36 =	vperm.xlane v10, v2  }
0x27b: {  	v8 =	vld.idx.msk [tilespmem:v4+s31+$0x3D0 ss:$0x1], $0xffff;
	v38 =	vmul.f32 v61, v12;
	[tilespmem:v4+s31+$0x360 ss:$0x1] =	vst.idx.msk $0xffff, v30  }
0x27c: {  	v12 =	vld.idx.msk [tilespmem:v4+s2+$0x2C0 ss:$0x1], $0xffff;
	v40 =	vmul.f32 v13, v33;
	[tilespmem:v4+s2+$0x200 ss:$0x1] =	vst.idx.msk $0xffff, v39;
	v14 =	vadd.f32 v10, v36  }
0x27d: {  	v17 =	vld.idx.msk [tilespmem:v4+s2+$0x2E0 ss:$0x1], $0xffff;
	v41 =	vmul.f32 v13, v32;
	v23 =	vmul.f32 v13, v23;
	[tilespmem:v4+s31+$0x370 ss:$0x1] =	vst.idx.msk $0xffff, v38  }
0x27e: {  	v43 =	vmul.f32 v13, v21;
	v21 =	vld.idx.msk [tilespmem:v4+s2+$0x2D0 ss:$0x1], $0xffff;
	[tilespmem:v4+s2+$0x210 ss:$0x1] =	vst.idx.msk $0xffff, v40;
	v42 =	vperm.xlane v14, v3  }
0x27f: {  	v5 =	vld.idx.msk [tilespmem:v4+s31+$0x3E0 ss:$0x1], $0xffff;
	[tilespmem:v4+s2+$0x220 ss:$0x1] =	vst.idx.msk $0xffff, v41  }
0x280: {  	v44 =	vmul.f32 v13, v26;
	v11 =	vld.idx.msk [tilespmem:v4+s31+$0x390 ss:$0x1], $0xffff;
	[tilespmem:v4+s2+$0x230 ss:$0x1] =	vst.idx.msk $0xffff, v23;
	v14 =	vadd.f32 v14, v42  }
0x281: {  	v45 =	vmul.f32 v13, v27;
	v16 =	vld.idx.msk [tilespmem:v4+s31+$0x380 ss:$0x1], $0xffff;
	[tilespmem:v4+s2+$0x240 ss:$0x1] =	vst.idx.msk $0xffff, v43  }
0x282: {  	v13 =	vmul.f32 v13, v28;
	v10 =	vld.idx.msk [tilespmem:v4+s31+$0x3A0 ss:$0x1], $0xffff;
	[tilespmem:v4+s2+$0x250 ss:$0x1] =	vst.idx.msk $0xffff, v44;
	v14 =	vadd.f32 $1.000000010e-07, v14  }
0x283: {  	v23 =	vld.idx.msk [tilespmem:v4+s2+$0x2B0 ss:$0x1], $0xffff;
	[tilespmem:v4+s2+$0x260 ss:$0x1] =	vst.idx.msk $0xffff, v45  }
0x284: {  	[tilespmem:v4+s2+$0x270 ss:$0x1] =	vst.idx.msk $0xffff, v13;
	v13 =	vld.idx.msk [tilespmem:v4+s2+$0x2F0 ss:$0x1], $0xffff;
	(erf) = vrcp.f32 v14  }
0x285: {  	v48 =	vand.u32 $0x7FFFFFFF, v6;
	v53 =	vand.u32 $0x7FFFFFFF, v8;
	v46 =	vand.u32 $0x7FFFFFFF, v7;
	v28 =	vld.idx.msk [tilespmem:v4+s2+$0x2A0 ss:$0x1], $0xffff  }
0x286: {  	v51 =	vand.u32 $0x7FFFFFFF, v9;
	v57 =	vand.u32 $0x7FFFFFFF, v12;
	v58 =	vand.u32 $0x7FFFFFFF, v17;
	v32 =	vld.idx.msk [tilespmem:v4+s2+$0x280 ss:$0x1], $0xffff  }
0x287: {  	v50 =	vand.u32 $0x7FFFFFFF, v11;
	v52 =	vand.u32 $0x7FFFFFFF, v16;
	v49 =	vand.u32 $0x7FFFFFFF, v10;
	v30 =	vld.idx.msk [tilespmem:v4+s2+$0x290 ss:$0x1], $0xffff  }
0x288: {  	v47 =	vand.u32 $0x7FFFFFFF, v5;
	v29 =	vadd.f32 v50, v52;
	v27 =	vadd.f32 v51, v49  }
0x289: {  	v56 =	vand.u32 $0x7FFFFFFF, v21;
	v25 =	vadd.f32 v48, v47;
	v14 =	vadd.f32 v53, v46  }
0x28a: {  	v55 =	vand.u32 $0x7FFFFFFF, v23;
	v54 =	vadd.f32 v27, v29;
	v27 =	vadd.f32 v56, v57  }
0x28b: {  	v59 =	vand.u32 $0x7FFFFFFF, v13;
	v14 =	vadd.f32 v25, v14;
	v60 =	vand.u32 $0x7FFFFFFF, v28  }
0x28c: {  	v61 =	vand.u32 $0x7FFFFFFF, v32;
	v62 =	vand.u32 $0x7FFFFFFF, v30;
	v31 =	vadd.f32 v59, v58  }
0x28d: {  	v25 =	vadd.f32 v55, v60;
	v42 =	vadd.f32 v62, v61;
	v63 =	vpop (erf)  }
0x28e: {  	v43 =	vmin.f32 v63, $1.000000000e+00  }
0x28f: {  	v27 =	vadd.f32 v31, v27;
	v25 =	vadd.f32 v25, v42;
	v44 =	vmul.f32 v43, v35  }
0x290: {  	v14 =	vadd.f32 v14, v54;
	v45 =	vmul.f32 v43, v37  }
0x291: {  	v25 =	vadd.f32 v27, v25;
	v24 =	vmul.f32 v43, v24;
	[tilespmem:v4+s0+$0x100 ss:$0x1] =	vst.idx.msk $0xffff, v44  }
0x292: {  	v46 =	vperm.xlane v14, v0;
	v22 =	vmul.f32 v43, v22;
	[tilespmem:v4+s0+$0x110 ss:$0x1] =	vst.idx.msk $0xffff, v45  }
0x293: {  	v47 =	vperm.xlane v25, v0;
	v15 =	vmul.f32 v43, v15;
	[tilespmem:v4+s0+$0x120 ss:$0x1] =	vst.idx.msk $0xffff, v24  }
0x294: {  	v20 =	vmul.f32 v43, v20;
	v48 =	vmul.f32 v43, v18;
	v18 =	vld.idx.msk [tilespmem:v4+s0+$0x1C0 ss:$0x1], $0xffff;
	[tilespmem:v4+s0+$0x130 ss:$0x1] =	vst.idx.msk $0xffff, v22  }
0x295: {  	v14 =	vadd.f32 v14, v46;
	v22 =	vld.idx.msk [tilespmem:v4+s0+$0x1B0 ss:$0x1], $0xffff;
	[tilespmem:v4+s0+$0x140 ss:$0x1] =	vst.idx.msk $0xffff, v15  }
0x296: {  	v19 =	vmul.f32 v43, v19;
	v24 =	vadd.f32 v25, v47;
	v15 =	vld.idx.msk [tilespmem:v4+s0+$0x1E0 ss:$0x1], $0xffff;
	[tilespmem:v4+s0+$0x150 ss:$0x1] =	vst.idx.msk $0xffff, v20  }
0x297: {  	v49 =	vperm.xlane v14, v1;
	v20 =	vld.idx.msk [tilespmem:v4+s0+$0x1D0 ss:$0x1], $0xffff;
	[tilespmem:v4+s0+$0x160 ss:$0x1] =	vst.idx.msk $0xffff, v48  }
0x298: {  	v25 =	vperm.xlane v24, v1;
	[tilespmem:v4+s0+$0x170 ss:$0x1] =	vst.idx.msk $0xffff, v19;
	v19 =	vld.idx.msk [tilespmem:v4+s0+$0x1F0 ss:$0x1], $0xffff  }
0x299: {  	v14 =	vadd.f32 v14, v49;
	v26 =	vld.idx.msk [tilespmem:v4+s0+$0x1A0 ss:$0x1], $0xffff  }
0x29a: {  	v24 =	vadd.f32 v24, v25;
	v50 =	vld.idx.msk [tilespmem:v4+s0+$0x180 ss:$0x1], $0xffff  }
0x29b: {  	v51 =	vperm.xlane v14, v2;
	v52 =	vld.idx.msk [tilespmem:v4+s0+$0x190 ss:$0x1], $0xffff  }
0x29c: {  	v53 =	vperm.xlane v24, v2  }
0x29d: {  	v14 =	vadd.f32 v14, v51;
	v60 =	vand.u32 $0x7FFFFFFF, v18;
	v55 =	vand.u32 $0x7FFFFFFF, v22  }
0x29e: {  	v56 =	vand.u32 $0x7FFFFFFF, v15;
	v54 =	vand.u32 $0x7FFFFFFF, v20;
	v24 =	vadd.f32 v24, v53  }
0x29f: {  	v31 =	vadd.f32 v54, v60;
	v57 =	vand.u32 $0x7FFFFFFF, v19;
	v58 =	vand.u32 $0x7FFFFFFF, v26  }
0x2a0: {  	v59 =	vand.u32 $0x7FFFFFFF, v50;
	v34 =	vadd.f32 v57, v56;
	v61 =	vand.u32 $0x7FFFFFFF, v52  }
0x2a1: {  	v35 =	vadd.f32 v61, v59;
	v33 =	vadd.f32 v55, v58  }
0x2a2: {  	v62 =	vperm.xlane v14, v3  }
0x2a3: {  	v63 =	vperm.xlane v24, v3;
	v31 =	vadd.f32 v34, v31;
	v33 =	vadd.f32 v33, v35  }
0x2a4: {  	v14 =	vadd.f32 v14, v62  }
0x2a5: {  	v24 =	vadd.f32 v24, v63;
	v33 =	vadd.f32 v31, v33  }
0x2a6: {  	v14 =	vadd.f32 $1.000000010e-07, v14  }
0x2a7: {  	v24 =	vadd.f32 $1.000000010e-07, v24;
	v31 =	vperm.xlane v33, v0  }
0x2a8: {  	(erf) = vrcp.f32 v14  }
0x2a9: {  	(erf) = vrcp.f32 v24;
	v35 =	vadd.f32 v33, v31;
	_ =	sdelay $0x1  }
0x2aa: {  	v36 =	vperm.xlane v35, v1;
	_ =	sdelay $0x1  }
0x2ab: {  	v14 =	vadd.f32 v35, v36;
	_ =	sdelay $0x1  }
0x2ac: {  	v24 =	vperm.xlane v14, v2;
	_ =	sdelay $0x1  }
0x2ad: {  	v37 =	vpop (erf);
	v14 =	vadd.f32 v14, v24  }
0x2ae: {  	v38 =	vpop (erf)  }
0x2af: {  	v29 =	vmin.f32 v38, $1.000000000e+00;
	v39 =	vperm.xlane v14, v3  }
0x2b0: {  	v32 =	vmul.f32 v29, v32  }
0x2b1: {  	v40 =	vmul.f32 v29, v30;
	v24 =	vmin.f32 v37, $1.000000000e+00;
	v14 =	vadd.f32 v14, v39  }
0x2b2: {  	v16 =	vmul.f32 v24, v16;
	[tilespmem:v4+s2+$0x280 ss:$0x1] =	vst.idx.msk $0xffff, v32  }
0x2b3: {  	v28 =	vmul.f32 v29, v28;
	[tilespmem:v4+s2+$0x290 ss:$0x1] =	vst.idx.msk $0xffff, v40;
	v14 =	vadd.f32 $1.000000010e-07, v14  }
0x2b4: {  	v23 =	vmul.f32 v29, v23;
	[tilespmem:v4+s31+$0x380 ss:$0x1] =	vst.idx.msk $0xffff, v16  }
0x2b5: {  	v11 =	vmul.f32 v24, v11;
	[tilespmem:v4+s2+$0x2A0 ss:$0x1] =	vst.idx.msk $0xffff, v28;
	(erf) = vrcp.f32 v14  }
0x2b6: {  	v12 =	vmul.f32 v29, v12;
	[tilespmem:v4+s2+$0x2B0 ss:$0x1] =	vst.idx.msk $0xffff, v23  }
0x2b7: {  	v10 =	vmul.f32 v24, v10;
	[tilespmem:v4+s31+$0x390 ss:$0x1] =	vst.idx.msk $0xffff, v11  }
0x2b8: {  	v41 =	vmul.f32 v29, v21;
	v43 =	vmul.f32 v29, v13;
	v13 =	vld.idx.msk [tilespmem:v4+s2+$0x340 ss:$0x1], $0xffff;
	[tilespmem:v4+s2+$0x2C0 ss:$0x1] =	vst.idx.msk $0xffff, v12  }
0x2b9: {  	v42 =	vmul.f32 v29, v17;
	v16 =	vld.idx.msk [tilespmem:v4+s2+$0x350 ss:$0x1], $0xffff;
	[tilespmem:v4+s31+$0x3A0 ss:$0x1] =	vst.idx.msk $0xffff, v10  }
0x2ba: {  	v10 =	vld.idx.msk [tilespmem:v4+s2+$0x360 ss:$0x1], $0xffff;
	[tilespmem:v4+s2+$0x2D0 ss:$0x1] =	vst.idx.msk $0xffff, v41  }
0x2bb: {  	v23 =	vld.idx.msk [tilespmem:v4+s2+$0x370 ss:$0x1], $0xffff;
	[tilespmem:v4+s2+$0x2E0 ss:$0x1] =	vst.idx.msk $0xffff, v42  }
0x2bc: {  	v14 =	vld.idx.msk [tilespmem:v4+s2+$0x330 ss:$0x1], $0xffff;
	[tilespmem:v4+s2+$0x2F0 ss:$0x1] =	vst.idx.msk $0xffff, v43  }
0x2bd: {  	v12 =	vld.idx.msk [tilespmem:v4+s2+$0x320 ss:$0x1], $0xffff  }
0x2be: {  	v17 =	vld.idx.msk [tilespmem:v4+s2+$0x300 ss:$0x1], $0xffff;
	v44 =	vpop (erf)  }
0x2bf: {  	v11 =	vld.idx.msk [tilespmem:v4+s2+$0x310 ss:$0x1], $0xffff;
	v21 =	vmin.f32 v44, $1.000000000e+00  }
0x2c0: {  	v47 =	vand.u32 $0x7FFFFFFF, v13;
	v45 =	vand.u32 $0x7FFFFFFF, v16;
	v27 =	vmul.f32 v21, v50  }
0x2c1: {  	v51 =	vand.u32 $0x7FFFFFFF, v10;
	v53 =	vadd.f32 v45, v47;
	v25 =	vmul.f32 v21, v52  }
0x2c2: {  	v49 =	vand.u32 $0x7FFFFFFF, v14;
	v46 =	vand.u32 $0x7FFFFFFF, v12;
	v26 =	vmul.f32 v21, v26;
	[tilespmem:v4+s0+$0x180 ss:$0x1] =	vst.idx.msk $0xffff, v27  }
0x2c3: {  	v48 =	vand.u32 $0x7FFFFFFF, v17;
	v29 =	vadd.f32 v49, v46;
	v22 =	vmul.f32 v21, v22;
	[tilespmem:v4+s0+$0x190 ss:$0x1] =	vst.idx.msk $0xffff, v25  }
0x2c4: {  	v50 =	vand.u32 $0x7FFFFFFF, v11;
	v52 =	vand.u32 $0x7FFFFFFF, v23;
	v18 =	vmul.f32 v21, v18;
	[tilespmem:v4+s0+$0x1A0 ss:$0x1] =	vst.idx.msk $0xffff, v26  }
0x2c5: {  	v20 =	vmul.f32 v21, v20;
	v15 =	vmul.f32 v21, v15;
	[tilespmem:v4+s0+$0x1B0 ss:$0x1] =	vst.idx.msk $0xffff, v22;
	v22 =	vld.idx.msk [tilespmem:v4+s0+$0x230 ss:$0x1], $0xffff  }
0x2c6: {  	v31 =	vadd.f32 v50, v48;
	v25 =	vadd.f32 v52, v51;
	[tilespmem:v4+s0+$0x1C0 ss:$0x1] =	vst.idx.msk $0xffff, v18;
	v18 =	vld.idx.msk [tilespmem:v4+s0+$0x240 ss:$0x1], $0xffff  }
0x2c7: {  	v19 =	vmul.f32 v21, v19;
	[tilespmem:v4+s0+$0x1D0 ss:$0x1] =	vst.idx.msk $0xffff, v20;
	v20 =	vld.idx.msk [tilespmem:v4+s0+$0x250 ss:$0x1], $0xffff  }
0x2c8: {  	v54 =	vadd.f32 v29, v31;
	v25 =	vadd.f32 v25, v53;
	[tilespmem:v4+s0+$0x1E0 ss:$0x1] =	vst.idx.msk $0xffff, v15;
	v15 =	vld.idx.msk [tilespmem:v4+s0+$0x260 ss:$0x1], $0xffff  }
0x2c9: {  	[tilespmem:v4+s0+$0x1F0 ss:$0x1] =	vst.idx.msk $0xffff, v19;
	v19 =	vld.idx.msk [tilespmem:v4+s0+$0x270 ss:$0x1], $0xffff  }
0x2ca: {  	v21 =	vadd.f32 v25, v54;
	v55 =	vld.idx.msk [tilespmem:v4+s0+$0x210 ss:$0x1], $0xffff  }
0x2cb: {  	v56 =	vld.idx.msk [tilespmem:v4+s0+$0x200 ss:$0x1], $0xffff  }
0x2cc: {  	v57 =	vperm.xlane v21, v0;
	v58 =	vld.idx.msk [tilespmem:v4+s0+$0x220 ss:$0x1], $0xffff;
	_ =	sdelay $0x1  }
0x2cd: {  	v62 =	vand.u32 $0x7FFFFFFF, v22;
	v21 =	vadd.f32 v21, v57  }
0x2ce: {  	v63 =	vand.u32 $0x7FFFFFFF, v18;
	v59 =	vand.u32 $0x7FFFFFFF, v20;
	v60 =	vand.u32 $0x7FFFFFFF, v15  }
0x2cf: {  	v27 =	vadd.f32 v59, v63;
	v61 =	vand.u32 $0x7FFFFFFF, v19;
	v36 =	vand.u32 $0x7FFFFFFF, v56  }
0x2d0: {  	v37 =	vand.u32 $0x7FFFFFFF, v55;
	v29 =	vadd.f32 v61, v60;
	v38 =	vand.u32 $0x7FFFFFFF, v58  }
0x2d1: {  	v33 =	vadd.f32 v37, v36;
	v30 =	vadd.f32 v62, v38;
	_ =	sdelay $0x1  }
0x2d2: {  	v39 =	vperm.xlane v21, v1;
	v27 =	vadd.f32 v29, v27;
	v30 =	vadd.f32 v30, v33;
	_ =	sdelay $0x1  }
0x2d3: {  	v21 =	vadd.f32 v21, v39;
	v27 =	vadd.f32 v27, v30;
	_ =	sdelay $0x1  }
0x2d4: {  	v40 =	vperm.xlane v21, v2;
	v30 =	vperm.xlane v27, v0;
	_ =	sdelay $0x1  }
0x2d5: {  	v21 =	vadd.f32 v21, v40;
	v27 =	vadd.f32 v27, v30;
	_ =	sdelay $0x1  }
0x2d6: {  	v29 =	vperm.xlane v21, v3;
	v30 =	vperm.xlane v27, v1;
	_ =	sdelay $0x1  }
0x2d7: {  	v21 =	vadd.f32 v21, v29;
	v27 =	vadd.f32 v27, v30;
	_ =	sdelay $0x1  }
0x2d8: {  	v21 =	vadd.f32 $1.000000010e-07, v21;
	v41 =	vperm.xlane v27, v2;
	_ =	sdelay $0x1  }
0x2d9: {  	(erf) = vrcp.f32 v21;
	v42 =	vadd.f32 v27, v41;
	_ =	sdelay $0x1  }
0x2da: {  	v27 =	vperm.xlane v42, v3;
	_ =	sdelay $0x1  }
0x2db: {  	v21 =	vadd.f32 v42, v27;
	_ =	sdelay $0x1  }
0x2dc: {  	v9 =	vmul.f32 v24, v9;
	v21 =	vadd.f32 $1.000000010e-07, v21  }
0x2dd: {  	v7 =	vmul.f32 v24, v7  }
0x2de: {  	v8 =	vmul.f32 v24, v8;
	[tilespmem:v4+s31+$0x3B0 ss:$0x1] =	vst.idx.msk $0xffff, v9;
	(erf) = vrcp.f32 v21  }
0x2df: {  	v5 =	vmul.f32 v24, v5;
	[tilespmem:v4+s31+$0x3C0 ss:$0x1] =	vst.idx.msk $0xffff, v7;
	v43 =	vpop (erf)  }
0x2e0: {  	v6 =	vmul.f32 v24, v6;
	[tilespmem:v4+s31+$0x3D0 ss:$0x1] =	vst.idx.msk $0xffff, v8;
	v44 =	vmin.f32 v43, $1.000000000e+00  }
0x2e1: {  	[tilespmem:v4+s31+$0x3E0 ss:$0x1] =	vst.idx.msk $0xffff, v5;
	v5 =	vmul.f32 v44, v17  }
0x2e2: {  	[tilespmem:v4+s31+$0x3F0 ss:$0x1] =	vst.idx.msk $0xffff, v6;
	v45 =	vmul.f32 v44, v11  }
0x2e3: {  	v7 =	vmul.f32 v44, v12;
	[tilespmem:v4+s2+$0x300 ss:$0x1] =	vst.idx.msk $0xffff, v5  }
0x2e4: {  	v46 =	vmul.f32 v44, v14;
	[tilespmem:v4+s2+$0x310 ss:$0x1] =	vst.idx.msk $0xffff, v45  }
0x2e5: {  	v47 =	vmul.f32 v44, v13;
	[tilespmem:v4+s2+$0x320 ss:$0x1] =	vst.idx.msk $0xffff, v7  }
0x2e6: {  	v9 =	vld.idx.msk [tilespmem:v4+s2+$0x3B0 ss:$0x1], $0xffff;
	v48 =	vmul.f32 v44, v16;
	[tilespmem:v4+s2+$0x330 ss:$0x1] =	vst.idx.msk $0xffff, v46  }
0x2e7: {  	v6 =	vld.idx.msk [tilespmem:v4+s2+$0x3F0 ss:$0x1], $0xffff;
	v49 =	vmul.f32 v44, v10;
	[tilespmem:v4+s2+$0x340 ss:$0x1] =	vst.idx.msk $0xffff, v47;
	v50 =	vpop (erf)  }
0x2e8: {  	v8 =	vld.idx.msk [tilespmem:v4+s2+$0x3D0 ss:$0x1], $0xffff;
	v51 =	vmul.f32 v44, v23;
	[tilespmem:v4+s2+$0x350 ss:$0x1] =	vst.idx.msk $0xffff, v48;
	v10 =	vmin.f32 v50, $1.000000000e+00  }
0x2e9: {  	v59 =	vld.idx.msk [tilespmem:v4+s0+$0x2B0 ss:$0x1], $0xffff;
	[tilespmem:v4+s2+$0x360 ss:$0x1] =	vst.idx.msk $0xffff, v49;
	v52 =	vmul.f32 v10, v56  }
0x2ea: {  	v17 =	vld.idx.msk [tilespmem:v4+s0+$0x2C0 ss:$0x1], $0xffff;
	[tilespmem:v4+s2+$0x370 ss:$0x1] =	vst.idx.msk $0xffff, v51;
	v53 =	vmul.f32 v10, v55  }
0x2eb: {  	v5 =	vld.idx.msk [tilespmem:v4+s2+$0x3E0 ss:$0x1], $0xffff;
	v54 =	vmul.f32 v10, v58;
	[tilespmem:v4+s0+$0x200 ss:$0x1] =	vst.idx.msk $0xffff, v52  }
0x2ec: {  	v7 =	vld.idx.msk [tilespmem:v4+s2+$0x3C0 ss:$0x1], $0xffff;
	v55 =	vmul.f32 v10, v22;
	[tilespmem:v4+s0+$0x210 ss:$0x1] =	vst.idx.msk $0xffff, v53  }
0x2ed: {  	v63 =	vld.idx.msk [tilespmem:v4+s0+$0x2E0 ss:$0x1], $0xffff;
	v57 =	vmul.f32 v10, v18;
	[tilespmem:v4+s0+$0x220 ss:$0x1] =	vst.idx.msk $0xffff, v54  }
0x2ee: {  	v33 =	vld.idx.msk [tilespmem:v4+s0+$0x2F0 ss:$0x1], $0xffff;
	v58 =	vmul.f32 v10, v20;
	[tilespmem:v4+s0+$0x230 ss:$0x1] =	vst.idx.msk $0xffff, v55  }
0x2ef: {  	v13 =	vld.idx.msk [tilespmem:v4+s2+$0x3A0 ss:$0x1], $0xffff;
	v60 =	vmul.f32 v10, v15;
	[tilespmem:v4+s0+$0x240 ss:$0x1] =	vst.idx.msk $0xffff, v57  }
0x2f0: {  	v12 =	vld.idx.msk [tilespmem:v4+s2+$0x390 ss:$0x1], $0xffff;
	v10 =	vmul.f32 v10, v19;
	[tilespmem:v4+s0+$0x250 ss:$0x1] =	vst.idx.msk $0xffff, v58  }
0x2f1: {  	v56 =	vld.idx.msk [tilespmem:v4+s2+$0x380 ss:$0x1], $0xffff;
	[tilespmem:v4+s0+$0x260 ss:$0x1] =	vst.idx.msk $0xffff, v60  }
0x2f2: {  	v15 =	vld.idx.msk [tilespmem:v4+s0+$0x2D0 ss:$0x1], $0xffff;
	[tilespmem:v4+s0+$0x270 ss:$0x1] =	vst.idx.msk $0xffff, v10  }
0x2f3: {  	v62 =	vand.u32 $0x7FFFFFFF, v6;
	v36 =	vand.u32 $0x7FFFFFFF, v9;
	v38 =	vand.u32 $0x7FFFFFFF, v8;
	v37 =	vld.idx.msk [tilespmem:v4+s0+$0x2A0 ss:$0x1], $0xffff  }
0x2f4: {  	v46 =	vand.u32 $0x7FFFFFFF, v17;
	v61 =	vand.u32 $0x7FFFFFFF, v5;
	v32 =	vand.u32 $0x7FFFFFFF, v7;
	v40 =	vld.idx.msk [tilespmem:v4+s0+$0x280 ss:$0x1], $0xffff  }
0x2f5: {  	v16 =	vadd.f32 v62, v61;
	v44 =	vand.u32 $0x7FFFFFFF, v63;
	v20 =	vadd.f32 v38, v32;
	v41 =	vld.idx.msk [tilespmem:v4+s0+$0x290 ss:$0x1], $0xffff  }
0x2f6: {  	v34 =	vand.u32 $0x7FFFFFFF, v13;
	v35 =	vand.u32 $0x7FFFFFFF, v12;
	v39 =	vand.u32 $0x7FFFFFFF, v56  }
0x2f7: {  	v45 =	vand.u32 $0x7FFFFFFF, v33;
	v19 =	vadd.f32 v36, v34;
	v21 =	vadd.f32 v35, v39  }
0x2f8: {  	v25 =	vadd.f32 v45, v44;
	v16 =	vadd.f32 v16, v20;
	v43 =	vand.u32 $0x7FFFFFFF, v15  }
0x2f9: {  	v42 =	vand.u32 $0x7FFFFFFF, v59;
	v19 =	vadd.f32 v19, v21;
	v21 =	vadd.f32 v43, v46  }
0x2fa: {  	v47 =	vand.u32 $0x7FFFFFFF, v37;
	v48 =	vand.u32 $0x7FFFFFFF, v40;
	v49 =	vand.u32 $0x7FFFFFFF, v41  }
0x2fb: {  	v20 =	vadd.f32 v42, v47;
	v26 =	vadd.f32 v49, v48  }
0x2fc: {  	v16 =	vadd.f32 v16, v19  }
0x2fd: {  	v51 =	vadd.f32 v25, v21;
	v50 =	vadd.f32 v20, v26  }
0x2fe: {  	v52 =	vperm.xlane v16, v0  }
0x2ff: {  	v19 =	vadd.f32 v51, v50  }
0x300: {  	v16 =	vadd.f32 v16, v52  }
0x301: {  	v20 =	vperm.xlane v19, v0  }
0x302: {  	v21 =	vperm.xlane v16, v1  }
0x303: {  	v19 =	vadd.f32 v19, v20  }
0x304: {  	v16 =	vadd.f32 v16, v21  }
0x305: {  	v20 =	vperm.xlane v19, v1  }
0x306: {  	v21 =	vperm.xlane v16, v2  }
0x307: {  	v19 =	vadd.f32 v19, v20  }
0x308: {  	v16 =	vadd.f32 v16, v21  }
0x309: {  	v20 =	vperm.xlane v19, v2  }
0x30a: {  	v21 =	vperm.xlane v16, v3  }
0x30b: {  	v19 =	vadd.f32 v19, v20  }
0x30c: {  	v16 =	vadd.f32 v16, v21  }
0x30d: {  	v20 =	vperm.xlane v19, v3  }
0x30e: {  	v16 =	vadd.f32 $1.000000010e-07, v16  }
0x30f: {  	v19 =	vadd.f32 v19, v20  }
0x310: {  	(erf) = vrcp.f32 v16  }
0x311: {  	v53 =	vadd.f32 $1.000000010e-07, v19;
	_ =	sdelay $0x1  }
0x312: {  	(erf) = vrcp.f32 v53;
	_ =	sdelay $0x5  }
0x313: {  	v54 =	vpop (erf)  }
0x314: {  	v16 =	vmin.f32 v54, $1.000000000e+00  }
0x315: {  	v11 =	vmul.f32 v16, v56  }
0x316: {  	v12 =	vmul.f32 v16, v12;
	v55 =	vpop (erf)  }
0x317: {  	v13 =	vmul.f32 v16, v13;
	[tilespmem:v4+s2+$0x380 ss:$0x1] =	vst.idx.msk $0xffff, v11;
	v19 =	vmin.f32 v55, $1.000000000e+00  }
0x318: {  	[tilespmem:v4+s2+$0x390 ss:$0x1] =	vst.idx.msk $0xffff, v12;
	v56 =	vmul.f32 v19, v40  }
0x319: {  	[tilespmem:v4+s2+$0x3A0 ss:$0x1] =	vst.idx.msk $0xffff, v13;
	v57 =	vmul.f32 v19, v41  }
0x31a: {  	v58 =	vmul.f32 v19, v37;
	[tilespmem:v4+s0+$0x280 ss:$0x1] =	vst.idx.msk $0xffff, v56  }
0x31b: {  	v59 =	vmul.f32 v19, v59;
	[tilespmem:v4+s0+$0x290 ss:$0x1] =	vst.idx.msk $0xffff, v57  }
0x31c: {  	v60 =	vmul.f32 v19, v17;
	[tilespmem:v4+s0+$0x2A0 ss:$0x1] =	vst.idx.msk $0xffff, v58  }
0x31d: {  	v62 =	vld.idx.msk [tilespmem:v4+s0+$0x340 ss:$0x1], $0xffff;
	v15 =	vmul.f32 v19, v15;
	[tilespmem:v4+s0+$0x2B0 ss:$0x1] =	vst.idx.msk $0xffff, v59  }
0x31e: {  	v28 =	vld.idx.msk [tilespmem:v4+s0+$0x350 ss:$0x1], $0xffff;
	v61 =	vmul.f32 v19, v63;
	[tilespmem:v4+s0+$0x2C0 ss:$0x1] =	vst.idx.msk $0xffff, v60  }
0x31f: {  	v29 =	vld.idx.msk [tilespmem:v4+s0+$0x360 ss:$0x1], $0xffff;
	v10 =	vmul.f32 v19, v33;
	[tilespmem:v4+s0+$0x2D0 ss:$0x1] =	vst.idx.msk $0xffff, v15  }
0x320: {  	v63 =	vld.idx.msk [tilespmem:v4+s0+$0x330 ss:$0x1], $0xffff;
	[tilespmem:v4+s0+$0x2E0 ss:$0x1] =	vst.idx.msk $0xffff, v61  }
0x321: {  	v33 =	vld.idx.msk [tilespmem:v4+s0+$0x370 ss:$0x1], $0xffff;
	[tilespmem:v4+s0+$0x2F0 ss:$0x1] =	vst.idx.msk $0xffff, v10  }
0x322: {  	v30 =	vld.idx.msk [tilespmem:v4+s0+$0x320 ss:$0x1], $0xffff  }
0x323: {  	v31 =	vld.idx.msk [tilespmem:v4+s0+$0x300 ss:$0x1], $0xffff  }
0x324: {  	v32 =	vld.idx.msk [tilespmem:v4+s0+$0x310 ss:$0x1], $0xffff;
	_ =	sdelay $0x1  }
0x325: {  	v36 =	vand.u32 $0x7FFFFFFF, v62  }
0x326: {  	v34 =	vand.u32 $0x7FFFFFFF, v28;
	v40 =	vand.u32 $0x7FFFFFFF, v29;
	v41 =	vand.u32 $0x7FFFFFFF, v33  }
0x327: {  	v19 =	vadd.f32 v34, v36;
	v38 =	vand.u32 $0x7FFFFFFF, v63;
	v42 =	vadd.f32 v41, v40  }
0x328: {  	v35 =	vand.u32 $0x7FFFFFFF, v30;
	v37 =	vand.u32 $0x7FFFFFFF, v31;
	v39 =	vand.u32 $0x7FFFFFFF, v32  }
0x329: {  	v20 =	vadd.f32 v38, v35;
	v22 =	vadd.f32 v39, v37;
	_ =	sdelay $0x1  }
0x32a: {  	v19 =	vadd.f32 v42, v19;
	v20 =	vadd.f32 v20, v22;
	_ =	sdelay $0x1  }
0x32b: {  	v19 =	vadd.f32 v19, v20;
	_ =	sdelay $0x1  }
0x32c: {  	v20 =	vperm.xlane v19, v0;
	_ =	sdelay $0x1  }
0x32d: {  	v19 =	vadd.f32 v19, v20;
	_ =	sdelay $0x1  }
0x32e: {  	v20 =	vperm.xlane v19, v1;
	_ =	sdelay $0x1  }
0x32f: {  	v19 =	vadd.f32 v19, v20;
	_ =	sdelay $0x1  }
0x330: {  	v20 =	vperm.xlane v19, v2;
	_ =	sdelay $0x1  }
0x331: {  	v19 =	vadd.f32 v19, v20;
	_ =	sdelay $0x1  }
0x332: {  	v20 =	vperm.xlane v19, v3;
	_ =	sdelay $0x1  }
0x333: {  	v19 =	vadd.f32 v19, v20;
	_ =	sdelay $0x1  }
0x334: {  	v19 =	vadd.f32 $1.000000010e-07, v19;
	_ =	sdelay $0x1  }
0x335: {  	(erf) = vrcp.f32 v19;
	_ =	sdelay $0x5  }
0x336: {  	v9 =	vmul.f32 v16, v9  }
0x337: {  	v7 =	vmul.f32 v16, v7  }
0x338: {  	v8 =	vmul.f32 v16, v8;
	[tilespmem:v4+s2+$0x3B0 ss:$0x1] =	vst.idx.msk $0xffff, v9  }
0x339: {  	v5 =	vmul.f32 v16, v5;
	[tilespmem:v4+s2+$0x3C0 ss:$0x1] =	vst.idx.msk $0xffff, v7;
	v43 =	vpop (erf)  }
0x33a: {  	v6 =	vmul.f32 v16, v6;
	[tilespmem:v4+s2+$0x3D0 ss:$0x1] =	vst.idx.msk $0xffff, v8;
	v7 =	vmin.f32 v43, $1.000000000e+00  }
0x33b: {  	[tilespmem:v4+s2+$0x3E0 ss:$0x1] =	vst.idx.msk $0xffff, v5;
	v5 =	vmul.f32 v7, v31  }
0x33c: {  	[tilespmem:v4+s2+$0x3F0 ss:$0x1] =	vst.idx.msk $0xffff, v6;
	v44 =	vmul.f32 v7, v32  }
0x33d: {  	v45 =	vmul.f32 v7, v30;
	[tilespmem:v4+s0+$0x300 ss:$0x1] =	vst.idx.msk $0xffff, v5  }
0x33e: {  	v5 =	vmul.f32 v7, v63;
	[tilespmem:v4+s0+$0x310 ss:$0x1] =	vst.idx.msk $0xffff, v44  }
0x33f: {  	v46 =	vmul.f32 v7, v62;
	[tilespmem:v4+s0+$0x320 ss:$0x1] =	vst.idx.msk $0xffff, v45  }
0x340: {  	v47 =	vld.idx.msk [tilespmem:v4+s0+$0x3E0 ss:$0x1], $0xffff;
	[tilespmem:v4+s0+$0x330 ss:$0x1] =	vst.idx.msk $0xffff, v5;
	v5 =	vmul.f32 v7, v28  }
0x341: {  	v9 =	vld.idx.msk [tilespmem:v4+s0+$0x3C0 ss:$0x1], $0xffff;
	v48 =	vmul.f32 v7, v29;
	[tilespmem:v4+s0+$0x340 ss:$0x1] =	vst.idx.msk $0xffff, v46  }
0x342: {  	v49 =	vld.idx.msk [tilespmem:v4+s0+$0x3F0 ss:$0x1], $0xffff;
	[tilespmem:v4+s0+$0x350 ss:$0x1] =	vst.idx.msk $0xffff, v5;
	v5 =	vmul.f32 v7, v33  }
0x343: {  	v50 =	vld.idx.msk [tilespmem:v4+s0+$0x3D0 ss:$0x1], $0xffff;
	[tilespmem:v4+s0+$0x360 ss:$0x1] =	vst.idx.msk $0xffff, v48  }
0x344: {  	[tilespmem:v4+s0+$0x370 ss:$0x1] =	vst.idx.msk $0xffff, v5;
	v5 =	vld.idx.msk [tilespmem:v4+s0+$0x3B0 ss:$0x1], $0xffff  }
0x345: {  	v51 =	vld.idx.msk [tilespmem:v4+s0+$0x3A0 ss:$0x1], $0xffff  }
0x346: {  	v52 =	vld.idx.msk [tilespmem:v4+s0+$0x390 ss:$0x1], $0xffff  }
0x347: {  	v53 =	vld.idx.msk [tilespmem:v4+s0+$0x380 ss:$0x1], $0xffff;
	_ =	sdelay $0x1  }
0x348: {  	v54 =	vand.u32 $0x7FFFFFFF, v47  }
0x349: {  	v55 =	vand.u32 $0x7FFFFFFF, v49;
	v56 =	vand.u32 $0x7FFFFFFF, v9;
	v60 =	vand.u32 $0x7FFFFFFF, v50  }
0x34a: {  	v13 =	vadd.f32 v55, v54;
	v15 =	vadd.f32 v60, v56;
	v59 =	vand.u32 $0x7FFFFFFF, v5  }
0x34b: {  	v57 =	vand.u32 $0x7FFFFFFF, v51;
	v58 =	vand.u32 $0x7FFFFFFF, v52;
	v61 =	vand.u32 $0x7FFFFFFF, v53  }
0x34c: {  	v14 =	vadd.f32 v59, v57;
	v16 =	vadd.f32 v58, v61;
	_ =	sdelay $0x1  }
0x34d: {  	v13 =	vadd.f32 v13, v15;
	v14 =	vadd.f32 v14, v16;
	_ =	sdelay $0x1  }
0x34e: {  	v13 =	vadd.f32 v13, v14;
	_ =	sdelay $0x1  }
0x34f: {  	v14 =	vperm.xlane v13, v0;
	_ =	sdelay $0x1  }
0x350: {  	v13 =	vadd.f32 v13, v14;
	_ =	sdelay $0x1  }
0x351: {  	v14 =	vperm.xlane v13, v1;
	_ =	sdelay $0x1  }
0x352: {  	v13 =	vadd.f32 v13, v14;
	_ =	sdelay $0x1  }
0x353: {  	v14 =	vperm.xlane v13, v2;
	_ =	sdelay $0x1  }
0x354: {  	v13 =	vadd.f32 v13, v14;
	_ =	sdelay $0x1  }
0x355: {  	v14 =	vperm.xlane v13, v3;
	_ =	sdelay $0x1  }
0x356: {  	v13 =	vadd.f32 v13, v14;
	_ =	sdelay $0x1  }
0x357: {  	v13 =	vadd.f32 $1.000000010e-07, v13;
	_ =	sdelay $0x1  }
0x358: {  	(erf) = vrcp.f32 v13;
	_ =	sdelay $0x8  }
0x359: {  	v13 =	vpop (erf)  }
0x35a: {  	v13 =	vmin.f32 v13, $1.000000000e+00  }
0x35b: {  	v12 =	vmul.f32 v13, v53  }
0x35c: {  	v11 =	vmul.f32 v13, v52  }
0x35d: {  	v6 =	vmul.f32 v13, v51;
	[tilespmem:v4+s0+$0x380 ss:$0x1] =	vst.idx.msk $0xffff, v12  }
0x35e: {  	v5 =	vmul.f32 v13, v5;
	[tilespmem:v4+s0+$0x390 ss:$0x1] =	vst.idx.msk $0xffff, v11  }
0x35f: {  	s28 =	sshll.u32 s29, $0xE;
	s29 =	sadd.s32 $0x1, s29;
	v62 =	vmul.f32 v13, v9;
	[tilespmem:v4+s0+$0x3A0 ss:$0x1] =	vst.idx.msk $0xffff, v6  }
0x360: {  	p0 =	sne.s32 s29, $0x32;
	[tilespmem:v4+s0+$0x3B0 ss:$0x1] =	vst.idx.msk $0xffff, v5;
	v5 =	vmul.f32 v13, v50  }
.Ltmp1:
0x361: {  	v63 =	vmul.f32 v13, v47;
	[tilespmem:v4+s0+$0x3C0 ss:$0x1] =	vst.idx.msk $0xffff, v62;
	(pc) =	sbr.rel @p0 .LBB2_2-.Ltmp1, $4  }
0x362: {  	s2 =	sadd.s32 s6, s28;
	[tilespmem:v4+s0+$0x3D0 ss:$0x1] =	vst.idx.msk $0xffff, v5;
	v5 =	vmul.f32 v13, v49  }
0x363: {  	s2 =	sshrl.u32 s2, $0x3;
	[tilespmem:v4+s0+$0x3E0 ss:$0x1] =	vst.idx.msk $0xffff, v63  }
0x364: {  	s11 =	sadd.s32 $0x4000, s11;
	s31 =	sadd.s32 $0x8, s30;
	s2 =	sadd.s32 s3, s2;
	[tilespmem:v4+s0+$0x3F0 ss:$0x1] =	vst.idx.msk $0xffff, v5  }
0x365: {  	[hbm4b:s2+s4] =	stream.linear.scatter [tilespmem:s10], [sflag:s31], $0x4000, $0x38;
	[tilespmem:$0x1DC00] =	vst v63  }
0x366: {  	_ =	swait.ge [sflag:s19], $0x4000  }
0x367: {  	[sflag:s19] =	ssyncset.done $0x0  }
0x368: {  	[sflag:s19] =	ssyncadd.s32 $0xFFFFC000  }
0x369: {  	_ =	swait.ge [sflag:s20], $0x4000  }
0x36a: {  	[sflag:s20] =	ssyncset.done $0x0  }
0x36b: {  	[sflag:s20] =	ssyncadd.s32 $0xFFFFC000  }
0x36c: {  	_ =	swait.ge [sflag:s21], $0x4000  }
0x36d: {  	[sflag:s21] =	ssyncset.done $0x0  }
0x36e: {  	[sflag:s21] =	ssyncadd.s32 $0xFFFFC000  }
0x36f: {  	_ =	swait.ge [sflag:s22], $0x4000  }
0x370: {  	[sflag:s22] =	ssyncset.done $0x0  }
0x371: {  	[sflag:s22] =	ssyncadd.s32 $0xFFFFC000  }
0x372: {  	_ =	swait.ge [sflag:s23], $0x4000  }
0x373: {  	[sflag:s23] =	ssyncset.done $0x0  }
0x374: {  	s26 =	sadd.s32 $0x1, s26;
	[sflag:s23] =	ssyncadd.s32 $0xFFFFC000  }
0x375: {  	p0 =	sne.s32 s26, s7;
	_ =	swait.ge [sflag:s24], $0x4000  }
.Ltmp2:
0x376: {  	[sflag:s24] =	ssyncset.done $0x0;
	(pc) =	sbr.rel @p0 .LBB2_1-.Ltmp2, $4  }
0x377: {  	[sflag:s24] =	ssyncadd.s32 $0xFFFFC000  }
0x378: {  	_ =	swait.ge [sflag:s25], $0x4000  }
0x379: {  	[sflag:s25] =	ssyncset.done $0x0  }
0x37a: {  	[sflag:s25] =	ssyncadd.s32 $0xFFFFC000  }
0x37b: {  	_ =	sfence.sel $0x180000  }
0x37c: {  	[bflag:$0x0] =	sbarrier.arrive $0xFFFF  }
0x37d: {  	_ =	strace $0x90000047  }
0x37e: {  	s0 =	stileid.u32;
	[bflag:$0x2] =	sbarrier.arrive $0xFFFF  }
0x37f: {  	p0 =	sne.s32 s0, $0x0;
	s0 =	rddreg [dreg:$0x3]  }
0x380: {  	s0 =	sadd.s32 @!p0 $0x100000, s0  }
0x381: {  	[sflag:s0] =	ssyncadd.tile.s32 @!p0 $0x1;
	_ =	shalt  }
.Lfunc_end2:
_tile_overlayer_lowered:
.L_overlay_start_2:
0x382: {  	(tag) =	ssettag $0x2  }
0x383: {  	s0 =	rddreg [dreg:$0x0];
	s2 =	stileid.u32  }
0x384: {  	s1 =	rddreg [dreg:$0x1];
	p0 =	sne.s32 s2, $0x0  }
0x385: {  	s3 =	rddreg [dreg:$0x2];
	[bflag:$0x3] =	sbarrier.arrive $0xFFFF;
	s2 =	simm.s32 @!p0 $0x1C0F  }
0x386: {  	[timem:s3], [sflag:s2] =	dma.local @!p0 [hbm:s0], s1  }
0x387: {  	s0 =	simm.s32 @!p0 $0xF  }
0x388: {  	_ =	swait.ge @!p0 [sflag:s0], s1  }
0x389: {  	s1 =	ssub.s32 @!p0 $0x0, s1;
	[sflag:s0] =	ssyncset.done @!p0 $0x0  }
0x38a: {  	[sflag:s0] =	ssyncadd.s32 @!p0 s1  }
0x38b: {  	[bflag:$0x3] =	sbarrier.arrive $0xFFFF  }
0x38c: {  	_ =	shalt  }

</sc_bundles>
